<compile_context>
chip_gen: v7x
topology: tpu7x:2x2x1
jax: 0.10.2.dev20260603
libtpu: 0.0.44.dev20260713+nightly
codegen_flags: <defaults>
</compile_context>

<pallas_src>
import functools

import jax
import jax.numpy as jnp
import numpy as np
from jax import lax
from jax.experimental import pallas as pl
from jax.experimental.pallas import tpu as pltpu
from jax.experimental.pallas import tpu_sc as plsc

NN = 10000
EE = 320000
D = 128
DH = D // 2
L = 16

NC = 2
NS = 16
NW = NC * NS
EPW = EE // NW
K = 40
NCHUNK = EPW // K
RCH = 40
NRC = NN // RCH
ZITER = (NRC + NS - 1) // NS


def _sc_edge_body(a_hbm, b_hbm, c_hbm, src_hbm, dst_hbm, out_hbm,
                  si0, si1, di0, di1, sd0, sd1,
                  av0, av1, bv0, bv1, cv0, cv1, mf0, mf1, accum,
                  ssi0, ssi1, sdi0, sdi1, ssd0, ssd1,
                  sa0, sa1, sb0, sb1, sc0, sc1, sst0, sst1):
    sis = (si0, si1)
    dis = (di0, di1)
    sds = (sd0, sd1)
    avs = (av0, av1)
    bvs = (bv0, bv1)
    cvs = (cv0, cv1)
    mfs = (mf0, mf1)
    ssis = (ssi0, ssi1)
    sdis = (sdi0, sdi1)
    ssds = (ssd0, ssd1)
    sas = (sa0, sa1)
    sbs = (sb0, sb1)
    scs = (sc0, sc1)
    ssts = (sst0, sst1)

    c = lax.axis_index("c")
    s = lax.axis_index("s")
    wid = s * NC + c
    ebase = wid * EPW

    zvec = jnp.zeros((L,), jnp.float32)

    def zrow(r, carry):
        for g in range(D // L):
            mf0[r, pl.ds(g * L, L)] = zvec
        return carry
    lax.fori_loop(0, RCH, zrow, 0)

    def zchunk(j, carry):
        ch = s + j * NS

        @pl.when(ch < NRC)
        def _():
            pltpu.sync_copy(mf0, accum.at[pl.ds(ch * RCH, RCH)])
        return carry
    lax.fori_loop(0, ZITER, zchunk, 0)

    plsc.subcore_barrier()

    def start_idx(ch, b):
        pltpu.async_copy(src_hbm.at[wid, ch], sis[b], ssis[b])
        pltpu.async_copy(dst_hbm.at[wid, ch], dis[b], sdis[b])

    def wait_idx(b):
        pltpu.make_async_copy(src_hbm.at[0, 0], sis[b], ssis[b]).wait()
        pltpu.make_async_copy(dst_hbm.at[0, 0], dis[b], sdis[b]).wait()

    def start_sd(ch, b):
        pltpu.async_copy(dst_hbm.at[wid, ch], sds[b], ssds[b])

    def wait_sd(b):
        pltpu.make_async_copy(dst_hbm.at[0, 0], sds[b], ssds[b]).wait()

    def start_rows(ch, b):
        pltpu.async_copy(a_hbm.at[sis[b]], avs[b], sas[b])
        pltpu.async_copy(b_hbm.at[dis[b]], bvs[b], sbs[b])
        pltpu.async_copy(c_hbm.at[wid * NCHUNK + ch], cvs[b], scs[b])

    def wait_rows(b):
        pltpu.make_async_copy(a_hbm.at[pl.ds(0, K)], avs[b], sas[b]).wait()
        pltpu.make_async_copy(b_hbm.at[pl.ds(0, K)], bvs[b], sbs[b]).wait()
        pltpu.make_async_copy(c_hbm.at[0], cvs[b], scs[b]).wait()

    start_idx(0, 0)
    start_idx(1, 1)
    start_sd(0, 0)
    wait_idx(0)
    start_rows(0, 0)

    def epair(t2, carry):
        t = t2 * 2
        for b in range(2):
            ch = t + b
            wait_rows(b)

            @pl.when(ch > 0)
            def _():
                pltpu.make_async_copy(mfs[1 - b], accum.at[pl.ds(0, K)],
                                      ssts[1 - b]).wait()

            @pl.when(ch + 2 < NCHUNK)
            def _():
                start_idx(ch + 2, b)

            @pl.when(ch + 1 < NCHUNK)
            def _():
                start_sd(ch + 1, 1 - b)
                wait_idx(1 - b)
                start_rows(ch + 1, 1 - b)

            av, bv, cv, mf = avs[b], bvs[b], cvs[b], mfs[b]

            def crow(r2, inner):
                msk = jnp.int32(-65536)
                r1 = r2 + K // 2
                for g in range(D // L):
                    sl = pl.ds(g * L, L)
                    wc = cv[r2, sl]
                    lc = jax.lax.bitcast_convert_type(wc << 16, jnp.float32)
                    hc = jax.lax.bitcast_convert_type(wc & msk, jnp.float32)
                    mf[r2, sl] = jnp.maximum(av[r2, sl] + bv[r2, sl] + lc, 0.0)
                    mf[r1, sl] = jnp.maximum(av[r1, sl] + bv[r1, sl] + hc, 0.0)
                return inner
            lax.fori_loop(0, K // 2, crow, 0)

            wait_sd(b)
            pltpu.async_copy(mfs[b], accum.at[sds[b]], ssts[b], add=True)
        return carry
    lax.fori_loop(0, NCHUNK // 2, epair, 0)

    pltpu.make_async_copy(mfs[1], accum.at[pl.ds(0, K)], ssts[1]).wait()

    plsc.subcore_barrier()

    def wchunk(j, carry):
        ch = s + j * NS

        @pl.when(ch < NRC)
        def _():
            pltpu.sync_copy(accum.at[pl.ds(ch * RCH, RCH)],
                            out_hbm.at[c, pl.ds(ch * RCH, RCH)])
        return carry
    lax.fori_loop(0, ZITER, wchunk, 0)


@functools.cache
def _get_sc_edge():
    return functools.partial(
        pl.kernel,
        mesh=plsc.VectorSubcoreMesh(core_axis_name="c", subcore_axis_name="s",
                                    num_cores=NC, num_subcores=NS),
        out_type=jax.ShapeDtypeStruct((NC, NN, D), jnp.float32),
        scratch_types=(
            [pltpu.VMEM((K,), jnp.int32)] * 6
            + [pltpu.VMEM((K, D), jnp.float32)] * 4
            + [pltpu.VMEM((K // 2, D), jnp.int32)] * 2
            + [pltpu.VMEM((K, D), jnp.float32)] * 2
            + [pltpu.VMEM_SHARED((NN, D), jnp.float32)]
            + [pltpu.SemaphoreType.DMA] * 14
        ),
    )(_sc_edge_body)



BN = 1000
BEDG = 4000


def _dot(a, b):
    return jnp.dot(a, b, preferred_element_type=jnp.float32)


def _rne(w):
    one = jax.lax.shift_right_logical(w, 16) & jnp.int32(1)
    return (w + jnp.int32(0x7FFF) + one) & jnp.int32(-65536)


def _packhalves(xlo, xhi):
    lo = jax.lax.shift_right_logical(
        _rne(jax.lax.bitcast_convert_type(xlo, jnp.int32)), 16)
    hi = _rne(jax.lax.bitcast_convert_type(xhi, jnp.int32))
    return (lo | hi).reshape(-1, K // 2, D)


def _proj_body(h_ref, ws_ref, wd_ref, bm_ref, a_ref, b_ref):
    h = h_ref[...]
    a_ref[...] = _dot(h, ws_ref[...])
    b_ref[...] = _dot(h, wd_ref[...]) + bm_ref[...]


_proj = pl.pallas_call(
    _proj_body,
    grid=(NN // BN,),
    in_specs=[
        pl.BlockSpec((BN, D), lambda i: (i, 0)),
        pl.BlockSpec((D, D), lambda i: (0, 0)),
        pl.BlockSpec((D, D), lambda i: (0, 0)),
        pl.BlockSpec((1, D), lambda i: (0, 0)),
    ],
    out_specs=[pl.BlockSpec((BN, D), lambda i: (i, 0)),
               pl.BlockSpec((BN, D), lambda i: (i, 0))],
    out_shape=[jax.ShapeDtypeStruct((NN, D), jnp.float32),
               jax.ShapeDtypeStruct((NN, D), jnp.float32)],
)


def _edgeproj_body(ealo_ref, eahi_ref, w0_ref, w1_ref, c0_ref, c1_ref):
    ealo = ealo_ref[...]
    eahi = eahi_ref[...]
    c0_ref[...] = _packhalves(_dot(ealo, w0_ref[...]), _dot(eahi, w0_ref[...]))
    c1_ref[...] = _packhalves(_dot(ealo, w1_ref[...]), _dot(eahi, w1_ref[...]))


_edgeproj = pl.pallas_call(
    _edgeproj_body,
    grid=(EE // 2 // BEDG,),
    in_specs=[
        pl.BlockSpec((BEDG, 16), lambda i: (i, 0)),
        pl.BlockSpec((BEDG, 16), lambda i: (i + EE // 2 // BEDG, 0)),
        pl.BlockSpec((16, D), lambda i: (0, 0)),
        pl.BlockSpec((16, D), lambda i: (0, 0)),
    ],
    out_specs=[
        pl.BlockSpec((BEDG // (K // 2), K // 2, D), lambda i: (i, 0, 0)),
        pl.BlockSpec((BEDG // (K // 2), K // 2, D), lambda i: (i, 0, 0))],
    out_shape=[
        jax.ShapeDtypeStruct((EE // K, K // 2, D), jnp.int32),
        jax.ShapeDtypeStruct((EE // K, K // 2, D), jnp.int32)],
)


def _upd_body(h_ref, p_ref, wuh_ref, wua_ref, bu_ref, ws_ref, wd_ref, bm_ref,
              h1_ref, a1_ref, b1_ref):
    agg = p_ref[0] + p_ref[1]
    h1 = jnp.maximum(
        _dot(h_ref[...], wuh_ref[...]) + _dot(agg, wua_ref[...]) + bu_ref[...],
        0.0)
    h1_ref[...] = h1
    a1_ref[...] = _dot(h1, ws_ref[...])
    b1_ref[...] = _dot(h1, wd_ref[...]) + bm_ref[...]


_upd = pl.pallas_call(
    _upd_body,
    grid=(NN // BN,),
    in_specs=[
        pl.BlockSpec((BN, D), lambda i: (i, 0)),
        pl.BlockSpec((NC, BN, D), lambda i: (0, i, 0)),
        pl.BlockSpec((D, D), lambda i: (0, 0)),
        pl.BlockSpec((D, D), lambda i: (0, 0)),
        pl.BlockSpec((1, D), lambda i: (0, 0)),
        pl.BlockSpec((D, D), lambda i: (0, 0)),
        pl.BlockSpec((D, D), lambda i: (0, 0)),
        pl.BlockSpec((1, D), lambda i: (0, 0)),
    ],
    out_specs=[pl.BlockSpec((BN, D), lambda i: (i, 0)),
               pl.BlockSpec((BN, D), lambda i: (i, 0)),
               pl.BlockSpec((BN, D), lambda i: (i, 0))],
    out_shape=[jax.ShapeDtypeStruct((NN, D), jnp.float32),
               jax.ShapeDtypeStruct((NN, D), jnp.float32),
               jax.ShapeDtypeStruct((NN, D), jnp.float32)],
)


def _fin_body(h_ref, p_ref, wuh_ref, wua_ref, bu_ref, o_ref):
    agg = p_ref[0] + p_ref[1]
    o_ref[...] = (_dot(h_ref[...], wuh_ref[...]) + _dot(agg, wua_ref[...])
                  + bu_ref[...])


_fin = pl.pallas_call(
    _fin_body,
    grid=(NN // BN,),
    in_specs=[
        pl.BlockSpec((BN, D), lambda i: (i, 0)),
        pl.BlockSpec((NC, BN, D), lambda i: (0, i, 0)),
        pl.BlockSpec((D, D), lambda i: (0, 0)),
        pl.BlockSpec((D, D), lambda i: (0, 0)),
        pl.BlockSpec((1, D), lambda i: (0, 0)),
    ],
    out_specs=pl.BlockSpec((BN, D), lambda i: (i, 0)),
    out_shape=jax.ShapeDtypeStruct((NN, D), jnp.float32),
)


def kernel(x, edge_index, edge_attr, Wm0, bm0, Wu0, bu0, Wm1, bm1, Wu1, bu1):
    h0 = x[:, :, 0]

    def _pairs(v):
        lo = v[:EE // 2].reshape(NW, NCHUNK, K // 2)
        hi = v[EE // 2:].reshape(NW, NCHUNK, K // 2)
        return jnp.concatenate([lo, hi], axis=2)

    src = _pairs(edge_index[0])
    dst = _pairs(edge_index[1])

    bm0r = bm0.reshape(1, D)
    bm1r = bm1.reshape(1, D)
    bu0r = bu0.reshape(1, D)
    bu1r = bu1.reshape(1, D)

    _sc_edge = _get_sc_edge()
    A0, B0 = _proj(h0, Wm0[:D], Wm0[D:2 * D], bm0r)
    C0, C1 = _edgeproj(edge_attr, edge_attr, Wm0[2 * D:], Wm1[2 * D:])
    prt0 = _sc_edge(A0, B0, C0, src, dst)
    h1, A1, B1 = _upd(h0, prt0, Wu0[:D], Wu0[D:], bu0r,
                      Wm1[:D], Wm1[D:2 * D], bm1r)
    prt1 = _sc_edge(A1, B1, C1, src, dst)
    out = _fin(h1, prt1, Wu1[:D], Wu1[D:], bu1r)
    return out[:, :, None]

# --- scband reference (transcript-rebuilt; emitter-appended) ---
"""Pipeline reference for scband-mpnn-8899172238004 (READ-ONLY COPY).

The authoritative reference and input builder live on the scoring server;
editing this copy changes nothing except your own understanding.
"""

import jax, jax.numpy as jnp
import numpy as np

N = 10000
E = 320000
D = 128
DE = 16

def setup_inputs(seed: int = 0):
    key = jax.random.key(seed)
    ks = jax.random.split(key, 8)
    x = jax.random.normal(ks[0], (N, D, 1), dtype=jnp.float32)
    edge_index = jax.random.randint(ks[1], (2, E), 0, N, dtype=jnp.int32)
    edge_attr = jax.random.normal(ks[2], (E, DE), dtype=jnp.float32)
    def lin(k, fi, fo):
        kw, kb = jax.random.split(k)
        W = jax.random.normal(kw, (fi, fo), dtype=jnp.float32) / np.sqrt(fi)
        b = jax.random.normal(kb, (fo,), dtype=jnp.float32) * 0.01
        return W, b
    Wm0, bm0 = lin(ks[3], 2 * D + DE, 128)
    Wu0, bu0 = lin(ks[4], D + 128, 128)
    Wm1, bm1 = lin(ks[5], 2 * 128 + DE, 128)
    Wu1, bu1 = lin(ks[6], 128 + 128, 128)
    return {"x": x, "edge_index": edge_index, "edge_attr": edge_attr,
            "Wm0": Wm0, "bm0": bm0, "Wu0": Wu0, "bu0": bu0,
            "Wm1": Wm1, "bm1": bm1, "Wu1": Wu1, "bu1": bu1}

def reference(x, edge_index, edge_attr, Wm0, bm0, Wu0, bu0, Wm1, bm1, Wu1, bu1):
    # MPNN forward: x is [N, D, 1]; squeeze last dim, run 2 MPNNLayer blocks, re-expand.
    h = jnp.squeeze(x, -1)
    src = edge_index[0]
    dst = edge_index[1]
    # block 0: message MLP on [h_src, h_dst, edge_attr], scatter-add to dst, update MLP on [h, agg]; final_activation=True
    msg_in = jnp.concatenate([h[src], h[dst], edge_attr], axis=-1)
    m = jax.nn.relu(msg_in @ Wm0 + bm0)
    agg = jax.ops.segment_sum(m, dst, num_segments=N)
    h = jax.nn.relu(jnp.concatenate([h, agg], axis=-1) @ Wu0 + bu0)
    # block 1 (last): final_activation=False
    msg_in = jnp.concatenate([h[src], h[dst], edge_attr], axis=-1)
    m = jax.nn.relu(msg_in @ Wm1 + bm1)
    agg = jax.ops.segment_sum(m, dst, num_segments=N)
    h = jnp.concatenate([h, agg], axis=-1) @ Wu1 + bu1
    return h[:, :, None]

if __name__ == "__main__":
    import jax
    _d = setup_inputs()
    print(jax.jit(kernel)(*tuple(_d.values())))

</pallas_src>

<mosaic_0001>
#map = affine_map<(d0, d1) -> (0, 0)>
#map1 = affine_map<(d0, d1) -> (0, 0, 0)>
module attributes {stable_mosaic.version = 14 : i64} {
  func.func @_sc_edge_body(%arg0: i32, %arg1: i32, %arg2: memref<10000x128xf32, #tpu.memory_space<hbm>>, %arg3: memref<10000x128xf32, #tpu.memory_space<hbm>>, %arg4: memref<8000x20x128xi32, #tpu.memory_space<hbm>>, %arg5: memref<32x250x40xi32, #tpu.memory_space<hbm>>, %arg6: memref<32x250x40xi32, #tpu.memory_space<hbm>>, %arg7: memref<2x10000x128xf32, #tpu.memory_space<hbm>>, %arg8: memref<40xi32, #tpu.memory_space<vmem>>, %arg9: memref<40xi32, #tpu.memory_space<vmem>>, %arg10: memref<40xi32, #tpu.memory_space<vmem>>, %arg11: memref<40xi32, #tpu.memory_space<vmem>>, %arg12: memref<40xi32, #tpu.memory_space<vmem>>, %arg13: memref<40xi32, #tpu.memory_space<vmem>>, %arg14: memref<40x128xf32, #tpu.memory_space<vmem>>, %arg15: memref<40x128xf32, #tpu.memory_space<vmem>>, %arg16: memref<40x128xf32, #tpu.memory_space<vmem>>, %arg17: memref<40x128xf32, #tpu.memory_space<vmem>>, %arg18: memref<20x128xi32, #tpu.memory_space<vmem>>, %arg19: memref<20x128xi32, #tpu.memory_space<vmem>>, %arg20: memref<40x128xf32, #tpu.memory_space<vmem>>, %arg21: memref<40x128xf32, #tpu.memory_space<vmem>>, %arg22: memref<10000x128xf32, #tpu.memory_space<vmem_shared>>, %arg23: memref<!tpu.dma_semaphore, #tpu.memory_space<semaphore_mem>>, %arg24: memref<!tpu.dma_semaphore, #tpu.memory_space<semaphore_mem>>, %arg25: memref<!tpu.dma_semaphore, #tpu.memory_space<semaphore_mem>>, %arg26: memref<!tpu.dma_semaphore, #tpu.memory_space<semaphore_mem>>, %arg27: memref<!tpu.dma_semaphore, #tpu.memory_space<semaphore_mem>>, %arg28: memref<!tpu.dma_semaphore, #tpu.memory_space<semaphore_mem>>, %arg29: memref<!tpu.dma_semaphore, #tpu.memory_space<semaphore_mem>>, %arg30: memref<!tpu.dma_semaphore, #tpu.memory_space<semaphore_mem>>, %arg31: memref<!tpu.dma_semaphore, #tpu.memory_space<semaphore_mem>>, %arg32: memref<!tpu.dma_semaphore, #tpu.memory_space<semaphore_mem>>, %arg33: memref<!tpu.dma_semaphore, #tpu.memory_space<semaphore_mem>>, %arg34: memref<!tpu.dma_semaphore, #tpu.memory_space<semaphore_mem>>, %arg35: memref<!tpu.dma_semaphore, #tpu.memory_space<semaphore_mem>>, %arg36: memref<!tpu.dma_semaphore, #tpu.memory_space<semaphore_mem>>) attributes {dimension_semantics = [#tpu.dimension_semantics<core_parallel>, #tpu.dimension_semantics<subcore_parallel>], iteration_bounds = array<i64: 2, 16>, scalar_prefetch = 0 : i64, scratch_operands = 29 : i64, tpu.core_type = #tpu.core_type<sc_vector_subcore>, window_params = [{transform_indices = #map}, {transform_indices = #map}, {transform_indices = #map1}, {transform_indices = #map1}, {transform_indices = #map1}, {transform_indices = #map1}]} {
    %mul3A = arith.constant 2 : i32
    %mul3A_0 = arith.muli %arg1, %mul3A : i32
    %add3A = arith.addi %mul3A_0, %arg0 : i32
    %mul3A_1 = arith.constant 10000 : i32
    %mul3A_2 = arith.muli %add3A, %mul3A_1 : i32
    %broadcast_in_dim3A = arith.constant 0.000000e+00 : f32
    %broadcast_in_dim3A_3 = vector.broadcast %broadcast_in_dim3A : f32 to vector<16xf32>
    %scan3A = arith.constant 0 : i32
    %scan3A_4 = arith.constant 0 : i32
    %scan3A_5 = arith.constant 40 : i32
    %scan3A_6 = arith.addi %scan3A_4, %scan3A_5 : i32
    %scan3A_7 = arith.constant 1 : i32
    scf.for %scan3A_101 = %scan3A_4 to %scan3A_6 step %scan3A_7  : i32 {
      %swap3A = arith.index_cast %scan3A_101 : i32 to index
      %swap3A_102 = arith.constant 0 : index
      %swap3A_103 = tpu.vector_load %arg20[%swap3A, %swap3A_102] {strides = array<i32>} : memref<40x128xf32, #tpu.memory_space<vmem>>, vector<1x16xf32>,
      %swap3A_104 = vector.shape_cast %swap3A_103 : vector<1x16xf32> to vector<16xf32>
      %swap3A_105 = vector.shape_cast %broadcast_in_dim3A_3 : vector<16xf32> to vector<1x16xf32>
      tpu.vector_store %arg20[%swap3A, %swap3A_102], %swap3A_105 {strides = array<i32>} : memref<40x128xf32, #tpu.memory_space<vmem>>, vector<1x16xf32>,
      %swap3A_106 = arith.index_cast %scan3A_101 : i32 to index
      %swap3A_107 = arith.constant 16 : index
      %swap3A_108 = tpu.vector_load %arg20[%swap3A_106, %swap3A_107] {strides = array<i32>} : memref<40x128xf32, #tpu.memory_space<vmem>>, vector<1x16xf32>,
      %swap3A_109 = vector.shape_cast %swap3A_108 : vector<1x16xf32> to vector<16xf32>
      %swap3A_110 = vector.shape_cast %broadcast_in_dim3A_3 : vector<16xf32> to vector<1x16xf32>
      tpu.vector_store %arg20[%swap3A_106, %swap3A_107], %swap3A_110 {strides = array<i32>} : memref<40x128xf32, #tpu.memory_space<vmem>>, vector<1x16xf32>,
      %swap3A_111 = arith.index_cast %scan3A_101 : i32 to index
      %swap3A_112 = arith.constant 32 : index
      %swap3A_113 = tpu.vector_load %arg20[%swap3A_111, %swap3A_112] {strides = array<i32>} : memref<40x128xf32, #tpu.memory_space<vmem>>, vector<1x16xf32>,
      %swap3A_114 = vector.shape_cast %swap3A_113 : vector<1x16xf32> to vector<16xf32>
      %swap3A_115 = vector.shape_cast %broadcast_in_dim3A_3 : vector<16xf32> to vector<1x16xf32>
      tpu.vector_store %arg20[%swap3A_111, %swap3A_112], %swap3A_115 {strides = array<i32>} : memref<40x128xf32, #tpu.memory_space<vmem>>, vector<1x16xf32>,
      %swap3A_116 = arith.index_cast %scan3A_101 : i32 to index
      %swap3A_117 = arith.constant 48 : index
      %swap3A_118 = tpu.vector_load %arg20[%swap3A_116, %swap3A_117] {strides = array<i32>} : memref<40x128xf32, #tpu.memory_space<vmem>>, vector<1x16xf32>,
      %swap3A_119 = vector.shape_cast %swap3A_118 : vector<1x16xf32> to vector<16xf32>
      %swap3A_120 = vector.shape_cast %broadcast_in_dim3A_3 : vector<16xf32> to vector<1x16xf32>
      tpu.vector_store %arg20[%swap3A_116, %swap3A_117], %swap3A_120 {strides = array<i32>} : memref<40x128xf32, #tpu.memory_space<vmem>>, vector<1x16xf32>,
      %swap3A_121 = arith.index_cast %scan3A_101 : i32 to index
      %swap3A_122 = arith.constant 64 : index
      %swap3A_123 = tpu.vector_load %arg20[%swap3A_121, %swap3A_122] {strides = array<i32>} : memref<40x128xf32, #tpu.memory_space<vmem>>, vector<1x16xf32>,
      %swap3A_124 = vector.shape_cast %swap3A_123 : vector<1x16xf32> to vector<16xf32>
      %swap3A_125 = vector.shape_cast %broadcast_in_dim3A_3 : vector<16xf32> to vector<1x16xf32>
      tpu.vector_store %arg20[%swap3A_121, %swap3A_122], %swap3A_125 {strides = array<i32>} : memref<40x128xf32, #tpu.memory_space<vmem>>, vector<1x16xf32>,
      %swap3A_126 = arith.index_cast %scan3A_101 : i32 to index
      %swap3A_127 = arith.constant 80 : index
      %swap3A_128 = tpu.vector_load %arg20[%swap3A_126, %swap3A_127] {strides = array<i32>} : memref<40x128xf32, #tpu.memory_space<vmem>>, vector<1x16xf32>,
      %swap3A_129 = vector.shape_cast %swap3A_128 : vector<1x16xf32> to vector<16xf32>
      %swap3A_130 = vector.shape_cast %broadcast_in_dim3A_3 : vector<16xf32> to vector<1x16xf32>
      tpu.vector_store %arg20[%swap3A_126, %swap3A_127], %swap3A_130 {strides = array<i32>} : memref<40x128xf32, #tpu.memory_space<vmem>>, vector<1x16xf32>,
      %swap3A_131 = arith.index_cast %scan3A_101 : i32 to index
      %swap3A_132 = arith.constant 96 : index
      %swap3A_133 = tpu.vector_load %arg20[%swap3A_131, %swap3A_132] {strides = array<i32>} : memref<40x128xf32, #tpu.memory_space<vmem>>, vector<1x16xf32>,
      %swap3A_134 = vector.shape_cast %swap3A_133 : vector<1x16xf32> to vector<16xf32>
      %swap3A_135 = vector.shape_cast %broadcast_in_dim3A_3 : vector<16xf32> to vector<1x16xf32>
      tpu.vector_store %arg20[%swap3A_131, %swap3A_132], %swap3A_135 {strides = array<i32>} : memref<40x128xf32, #tpu.memory_space<vmem>>, vector<1x16xf32>,
      %swap3A_136 = arith.index_cast %scan3A_101 : i32 to index
      %swap3A_137 = arith.constant 112 : index
      %swap3A_138 = tpu.vector_load %arg20[%swap3A_136, %swap3A_137] {strides = array<i32>} : memref<40x128xf32, #tpu.memory_space<vmem>>, vector<1x16xf32>,
      %swap3A_139 = vector.shape_cast %swap3A_138 : vector<1x16xf32> to vector<16xf32>
      %swap3A_140 = vector.shape_cast %broadcast_in_dim3A_3 : vector<16xf32> to vector<1x16xf32>
      tpu.vector_store %arg20[%swap3A_136, %swap3A_137], %swap3A_140 {strides = array<i32>} : memref<40x128xf32, #tpu.memory_space<vmem>>, vector<1x16xf32>,
    }
    %scan3A_8 = arith.constant 40 : i32
    %scan3A_9 = arith.constant 0 : i32
    %scan3A_10 = arith.constant 0 : i32
    %scan3A_11 = arith.constant 16 : i32
    %scan3A_12 = arith.addi %scan3A_10, %scan3A_11 : i32
    %scan3A_13 = arith.constant 1 : i32
    scf.for %scan3A_101 = %scan3A_10 to %scan3A_12 step %scan3A_13  : i32 {
      %mul3A_102 = arith.constant 16 : i32
      %mul3A_103 = arith.muli %scan3A_101, %mul3A_102 : i32
      %add3A_104 = arith.addi %arg1, %mul3A_103 : i32
      %lt3A = arith.constant 250 : i32
      %lt3A_105 = arith.cmpi slt, %add3A_104, %lt3A : i32
      %convert_element_type3A = arith.extui %lt3A_105 : i1 to i32
      %cond3A = arith.constant 0 : i32
      %cond3A_106 = arith.cmpi ne, %convert_element_type3A, %cond3A : i32
      scf.if %cond3A_106 {
        %mul3A_107 = arith.constant 40 : i32
        %mul3A_108 = arith.muli %add3A_104, %mul3A_107 : i32
        "tpu.region"() ({
          %run_scoped3A = tpu.sem_alloc : memref<!tpu.dma_semaphore, #tpu.memory_space<semaphore_mem>>
          %dma_start3A_109 = arith.constant 0 : i32
          %dma_start3A_110 = tpu.memref_slice %arg22[%mul3A_108, %dma_start3A_109] : memref<10000x128xf32, #tpu.memory_space<vmem_shared>> -> memref<40x128xf32, #tpu.memory_space<vmem_shared>>
          %dma_start3A_111 = arith.constant 0 : i32
          %dma_start3A_112 = tpu.memref_slice %arg22[%mul3A_108, %dma_start3A_111] : memref<10000x128xf32, #tpu.memory_space<vmem_shared>> -> memref<40x128xf32, #tpu.memory_space<vmem_shared>>
          tpu.enqueue_dma source(%arg20 : memref<40x128xf32, #tpu.memory_space<vmem>>) target(%dma_start3A_112 : memref<40x128xf32, #tpu.memory_space<vmem_shared>>) target_semaphore(%run_scoped3A : memref<!tpu.dma_semaphore, #tpu.memory_space<semaphore_mem>>)
          %dma_wait3A_113 = arith.constant 0 : i32
          %dma_wait3A_114 = tpu.memref_slice %arg22[%mul3A_108, %dma_wait3A_113] : memref<10000x128xf32, #tpu.memory_space<vmem_shared>> -> memref<40x128xf32, #tpu.memory_space<vmem_shared>>
          %dma_wait3A_115 = arith.constant 0 : i32
          %dma_wait3A_116 = tpu.memref_slice %arg22[%mul3A_108, %dma_wait3A_115] : memref<10000x128xf32, #tpu.memory_space<vmem_shared>> -> memref<40x128xf32, #tpu.memory_space<vmem_shared>>
          tpu.wait_dma2 semaphore(%run_scoped3A : memref<!tpu.dma_semaphore, #tpu.memory_space<semaphore_mem>>) src(%arg20 : memref<40x128xf32, #tpu.memory_space<vmem>>) dst(%dma_wait3A_116 : memref<40x128xf32, #tpu.memory_space<vmem_shared>>)
          tpu.yield
        }) : () -> ()
      } else {
      }
    }
    %scan3A_14 = arith.constant 16 : i32
    %barrier3A = arith.constant 0 : index
    tpu.barrier barrier_id(%barrier3A)
    %dma_start3A = arith.constant 0 : i32
    %dma_start3A_15 = arith.constant 0 : i32
    %dma_start3A_16 = tpu.memref_slice %arg5[%add3A, %dma_start3A, %dma_start3A_15] : memref<32x250x40xi32, #tpu.memory_space<hbm>> -> memref<1x1x40xi32, #tpu.memory_space<hbm>>
    %dma_start3A_17 = tpu.memref_squeeze %dma_start3A_16 : memref<1x1x40xi32, #tpu.memory_space<hbm>> -> memref<40xi32, #tpu.memory_space<hbm>>
    %dma_start3A_18 = arith.constant 0 : i32
    %dma_start3A_19 = tpu.memref_slice %arg5[%add3A, %dma_start3A, %dma_start3A_18] : memref<32x250x40xi32, #tpu.memory_space<hbm>> -> memref<1x1x40xi32, #tpu.memory_space<hbm>>
    %dma_start3A_20 = tpu.memref_squeeze %dma_start3A_19 : memref<1x1x40xi32, #tpu.memory_space<hbm>> -> memref<40xi32, #tpu.memory_space<hbm>>
    tpu.enqueue_dma source(%dma_start3A_20 : memref<40xi32, #tpu.memory_space<hbm>>) target(%arg8 : memref<40xi32, #tpu.memory_space<vmem>>) target_semaphore(%arg23 : memref<!tpu.dma_semaphore, #tpu.memory_space<semaphore_mem>>)
    %dma_start3A_21 = arith.constant 0 : i32
    %dma_start3A_22 = arith.constant 0 : i32
    %dma_start3A_23 = tpu.memref_slice %arg6[%add3A, %dma_start3A_21, %dma_start3A_22] : memref<32x250x40xi32, #tpu.memory_space<hbm>> -> memref<1x1x40xi32, #tpu.memory_space<hbm>>
    %dma_start3A_24 = tpu.memref_squeeze %dma_start3A_23 : memref<1x1x40xi32, #tpu.memory_space<hbm>> -> memref<40xi32, #tpu.memory_space<hbm>>
    %dma_start3A_25 = arith.constant 0 : i32
    %dma_start3A_26 = tpu.memref_slice %arg6[%add3A, %dma_start3A_21, %dma_start3A_25] : memref<32x250x40xi32, #tpu.memory_space<hbm>> -> memref<1x1x40xi32, #tpu.memory_space<hbm>>
    %dma_start3A_27 = tpu.memref_squeeze %dma_start3A_26 : memref<1x1x40xi32, #tpu.memory_space<hbm>> -> memref<40xi32, #tpu.memory_space<hbm>>
    tpu.enqueue_dma source(%dma_start3A_27 : memref<40xi32, #tpu.memory_space<hbm>>) target(%arg10 : memref<40xi32, #tpu.memory_space<vmem>>) target_semaphore(%arg25 : memref<!tpu.dma_semaphore, #tpu.memory_space<semaphore_mem>>)
    %dma_start3A_28 = arith.constant 1 : i32
    %dma_start3A_29 = arith.constant 0 : i32
    %dma_start3A_30 = tpu.memref_slice %arg5[%add3A, %dma_start3A_28, %dma_start3A_29] : memref<32x250x40xi32, #tpu.memory_space<hbm>> -> memref<1x1x40xi32, #tpu.memory_space<hbm>>
    %dma_start3A_31 = tpu.memref_squeeze %dma_start3A_30 : memref<1x1x40xi32, #tpu.memory_space<hbm>> -> memref<40xi32, #tpu.memory_space<hbm>>
    %dma_start3A_32 = arith.constant 0 : i32
    %dma_start3A_33 = tpu.memref_slice %arg5[%add3A, %dma_start3A_28, %dma_start3A_32] : memref<32x250x40xi32, #tpu.memory_space<hbm>> -> memref<1x1x40xi32, #tpu.memory_space<hbm>>
    %dma_start3A_34 = tpu.memref_squeeze %dma_start3A_33 : memref<1x1x40xi32, #tpu.memory_space<hbm>> -> memref<40xi32, #tpu.memory_space<hbm>>
    tpu.enqueue_dma source(%dma_start3A_34 : memref<40xi32, #tpu.memory_space<hbm>>) target(%arg9 : memref<40xi32, #tpu.memory_space<vmem>>) target_semaphore(%arg24 : memref<!tpu.dma_semaphore, #tpu.memory_space<semaphore_mem>>)
    %dma_start3A_35 = arith.constant 1 : i32
    %dma_start3A_36 = arith.constant 0 : i32
    %dma_start3A_37 = tpu.memref_slice %arg6[%add3A, %dma_start3A_35, %dma_start3A_36] : memref<32x250x40xi32, #tpu.memory_space<hbm>> -> memref<1x1x40xi32, #tpu.memory_space<hbm>>
    %dma_start3A_38 = tpu.memref_squeeze %dma_start3A_37 : memref<1x1x40xi32, #tpu.memory_space<hbm>> -> memref<40xi32, #tpu.memory_space<hbm>>
    %dma_start3A_39 = arith.constant 0 : i32
    %dma_start3A_40 = tpu.memref_slice %arg6[%add3A, %dma_start3A_35, %dma_start3A_39] : memref<32x250x40xi32, #tpu.memory_space<hbm>> -> memref<1x1x40xi32, #tpu.memory_space<hbm>>
    %dma_start3A_41 = tpu.memref_squeeze %dma_start3A_40 : memref<1x1x40xi32, #tpu.memory_space<hbm>> -> memref<40xi32, #tpu.memory_space<hbm>>
    tpu.enqueue_dma source(%dma_start3A_41 : memref<40xi32, #tpu.memory_space<hbm>>) target(%arg11 : memref<40xi32, #tpu.memory_space<vmem>>) target_semaphore(%arg26 : memref<!tpu.dma_semaphore, #tpu.memory_space<semaphore_mem>>)
    %dma_start3A_42 = arith.constant 0 : i32
    %dma_start3A_43 = arith.constant 0 : i32
    %dma_start3A_44 = tpu.memref_slice %arg6[%add3A, %dma_start3A_42, %dma_start3A_43] : memref<32x250x40xi32, #tpu.memory_space<hbm>> -> memref<1x1x40xi32, #tpu.memory_space<hbm>>
    %dma_start3A_45 = tpu.memref_squeeze %dma_start3A_44 : memref<1x1x40xi32, #tpu.memory_space<hbm>> -> memref<40xi32, #tpu.memory_space<hbm>>
    %dma_start3A_46 = arith.constant 0 : i32
    %dma_start3A_47 = tpu.memref_slice %arg6[%add3A, %dma_start3A_42, %dma_start3A_46] : memref<32x250x40xi32, #tpu.memory_space<hbm>> -> memref<1x1x40xi32, #tpu.memory_space<hbm>>
    %dma_start3A_48 = tpu.memref_squeeze %dma_start3A_47 : memref<1x1x40xi32, #tpu.memory_space<hbm>> -> memref<40xi32, #tpu.memory_space<hbm>>
    tpu.enqueue_dma source(%dma_start3A_48 : memref<40xi32, #tpu.memory_space<hbm>>) target(%arg12 : memref<40xi32, #tpu.memory_space<vmem>>) target_semaphore(%arg27 : memref<!tpu.dma_semaphore, #tpu.memory_space<semaphore_mem>>)
    %dma_wait3A = arith.constant 0 : i32
    %dma_wait3A_49 = arith.constant 0 : i32
    %dma_wait3A_50 = arith.constant 0 : i32
    %dma_wait3A_51 = tpu.memref_slice %arg5[%dma_wait3A, %dma_wait3A_49, %dma_wait3A_50] : memref<32x250x40xi32, #tpu.memory_space<hbm>> -> memref<1x1x40xi32, #tpu.memory_space<hbm>>
    %dma_wait3A_52 = tpu.memref_squeeze %dma_wait3A_51 : memref<1x1x40xi32, #tpu.memory_space<hbm>> -> memref<40xi32, #tpu.memory_space<hbm>>
    %dma_wait3A_53 = arith.constant 0 : i32
    %dma_wait3A_54 = tpu.memref_slice %arg5[%dma_wait3A, %dma_wait3A_49, %dma_wait3A_53] : memref<32x250x40xi32, #tpu.memory_space<hbm>> -> memref<1x1x40xi32, #tpu.memory_space<hbm>>
    %dma_wait3A_55 = tpu.memref_squeeze %dma_wait3A_54 : memref<1x1x40xi32, #tpu.memory_space<hbm>> -> memref<40xi32, #tpu.memory_space<hbm>>
    tpu.wait_dma2 semaphore(%arg23 : memref<!tpu.dma_semaphore, #tpu.memory_space<semaphore_mem>>) src(%dma_wait3A_55 : memref<40xi32, #tpu.memory_space<hbm>>) dst(%arg8 : memref<40xi32, #tpu.memory_space<vmem>>)
    %dma_wait3A_56 = arith.constant 0 : i32
    %dma_wait3A_57 = arith.constant 0 : i32
    %dma_wait3A_58 = arith.constant 0 : i32
    %dma_wait3A_59 = tpu.memref_slice %arg6[%dma_wait3A_56, %dma_wait3A_57, %dma_wait3A_58] : memref<32x250x40xi32, #tpu.memory_space<hbm>> -> memref<1x1x40xi32, #tpu.memory_space<hbm>>
    %dma_wait3A_60 = tpu.memref_squeeze %dma_wait3A_59 : memref<1x1x40xi32, #tpu.memory_space<hbm>> -> memref<40xi32, #tpu.memory_space<hbm>>
    %dma_wait3A_61 = arith.constant 0 : i32
    %dma_wait3A_62 = tpu.memref_slice %arg6[%dma_wait3A_56, %dma_wait3A_57, %dma_wait3A_61] : memref<32x250x40xi32, #tpu.memory_space<hbm>> -> memref<1x1x40xi32, #tpu.memory_space<hbm>>
    %dma_wait3A_63 = tpu.memref_squeeze %dma_wait3A_62 : memref<1x1x40xi32, #tpu.memory_space<hbm>> -> memref<40xi32, #tpu.memory_space<hbm>>
    tpu.wait_dma2 semaphore(%arg25 : memref<!tpu.dma_semaphore, #tpu.memory_space<semaphore_mem>>) src(%dma_wait3A_63 : memref<40xi32, #tpu.memory_space<hbm>>) dst(%arg10 : memref<40xi32, #tpu.memory_space<vmem>>)
    %dma_start3A_64 = arith.constant 0 : i32
    %dma_start3A_65 = arith.constant 0 : i32
    %dma_start3A_66 = tpu.memref_slice %arg2[%dma_start3A_64, %dma_start3A_65] : memref<10000x128xf32, #tpu.memory_space<hbm>> -> memref<10000x128xf32, #tpu.memory_space<hbm>>
    tpu.enqueue_indirect_dma source(%dma_start3A_66 : memref<10000x128xf32, #tpu.memory_space<hbm>>) target(%arg14 : memref<40x128xf32, #tpu.memory_space<vmem>>) offsets(%arg8 : memref<40xi32, #tpu.memory_space<vmem>>) semaphore(%arg29 : memref<!tpu.dma_semaphore, #tpu.memory_space<semaphore_mem>>)
    %dma_start3A_67 = arith.constant 0 : i32
    %dma_start3A_68 = arith.constant 0 : i32
    %dma_start3A_69 = tpu.memref_slice %arg3[%dma_start3A_67, %dma_start3A_68] : memref<10000x128xf32, #tpu.memory_space<hbm>> -> memref<10000x128xf32, #tpu.memory_space<hbm>>
    tpu.enqueue_indirect_dma source(%dma_start3A_69 : memref<10000x128xf32, #tpu.memory_space<hbm>>) target(%arg16 : memref<40x128xf32, #tpu.memory_space<vmem>>) offsets(%arg10 : memref<40xi32, #tpu.memory_space<vmem>>) semaphore(%arg31 : memref<!tpu.dma_semaphore, #tpu.memory_space<semaphore_mem>>)
    %mul3A_70 = arith.constant 250 : i32
    %mul3A_71 = arith.muli %add3A, %mul3A_70 : i32
    %add3A_72 = arith.constant 0 : i32
    %add3A_73 = arith.addi %mul3A_71, %add3A_72 : i32
    %dma_start3A_74 = arith.constant 0 : i32
    %dma_start3A_75 = arith.constant 0 : i32
    %dma_start3A_76 = tpu.memref_slice %arg4[%add3A_73, %dma_start3A_74, %dma_start3A_75] : memref<8000x20x128xi32, #tpu.memory_space<hbm>> -> memref<1x20x128xi32, #tpu.memory_space<hbm>>
    %dma_start3A_77 = tpu.memref_squeeze %dma_start3A_76 : memref<1x20x128xi32, #tpu.memory_space<hbm>> -> memref<20x128xi32, #tpu.memory_space<hbm>>
    %dma_start3A_78 = arith.constant 0 : i32
    %dma_start3A_79 = arith.constant 0 : i32
    %dma_start3A_80 = tpu.memref_slice %arg4[%add3A_73, %dma_start3A_78, %dma_start3A_79] : memref<8000x20x128xi32, #tpu.memory_space<hbm>> -> memref<1x20x128xi32, #tpu.memory_space<hbm>>
    %dma_start3A_81 = tpu.memref_squeeze %dma_start3A_80 : memref<1x20x128xi32, #tpu.memory_space<hbm>> -> memref<20x128xi32, #tpu.memory_space<hbm>>
    tpu.enqueue_dma source(%dma_start3A_81 : memref<20x128xi32, #tpu.memory_space<hbm>>) target(%arg18 : memref<20x128xi32, #tpu.memory_space<vmem>>) target_semaphore(%arg33 : memref<!tpu.dma_semaphore, #tpu.memory_space<semaphore_mem>>)
    %scan3A_82 = arith.constant 0 : i32
    %scan3A_83 = arith.constant 0 : i32
    %scan3A_84 = arith.constant 125 : i32
    %scan3A_85 = arith.addi %scan3A_83, %scan3A_84 : i32
    %scan3A_86 = arith.constant 1 : i32
    scf.for %scan3A_101 = %scan3A_83 to %scan3A_85 step %scan3A_86  : i32 {
      %mul3A_102 = arith.constant 2 : i32
      %mul3A_103 = arith.muli %scan3A_101, %mul3A_102 : i32
      %add3A_104 = arith.constant 0 : i32
      %add3A_105 = arith.addi %mul3A_103, %add3A_104 : i32
      %dma_wait3A_106 = arith.constant 0 : i32
      %dma_wait3A_107 = arith.constant 0 : i32
      %dma_wait3A_108 = tpu.memref_slice %arg2[%dma_wait3A_106, %dma_wait3A_107] : memref<10000x128xf32, #tpu.memory_space<hbm>> -> memref<40x128xf32, #tpu.memory_space<hbm>>
      %dma_wait3A_109 = arith.constant 0 : i32
      %dma_wait3A_110 = arith.constant 0 : i32
      %dma_wait3A_111 = tpu.memref_slice %arg2[%dma_wait3A_109, %dma_wait3A_110] : memref<10000x128xf32, #tpu.memory_space<hbm>> -> memref<40x128xf32, #tpu.memory_space<hbm>>
      tpu.wait_dma2 semaphore(%arg29 : memref<!tpu.dma_semaphore, #tpu.memory_space<semaphore_mem>>) src(%dma_wait3A_111 : memref<40x128xf32, #tpu.memory_space<hbm>>) dst(%arg14 : memref<40x128xf32, #tpu.memory_space<vmem>>)
      %dma_wait3A_112 = arith.constant 0 : i32
      %dma_wait3A_113 = arith.constant 0 : i32
      %dma_wait3A_114 = tpu.memref_slice %arg3[%dma_wait3A_112, %dma_wait3A_113] : memref<10000x128xf32, #tpu.memory_space<hbm>> -> memref<40x128xf32, #tpu.memory_space<hbm>>
      %dma_wait3A_115 = arith.constant 0 : i32
      %dma_wait3A_116 = arith.constant 0 : i32
      %dma_wait3A_117 = tpu.memref_slice %arg3[%dma_wait3A_115, %dma_wait3A_116] : memref<10000x128xf32, #tpu.memory_space<hbm>> -> memref<40x128xf32, #tpu.memory_space<hbm>>
      tpu.wait_dma2 semaphore(%arg31 : memref<!tpu.dma_semaphore, #tpu.memory_space<semaphore_mem>>) src(%dma_wait3A_117 : memref<40x128xf32, #tpu.memory_space<hbm>>) dst(%arg16 : memref<40x128xf32, #tpu.memory_space<vmem>>)
      %dma_wait3A_118 = arith.constant 0 : i32
      %dma_wait3A_119 = arith.constant 0 : i32
      %dma_wait3A_120 = arith.constant 0 : i32
      %dma_wait3A_121 = tpu.memref_slice %arg4[%dma_wait3A_118, %dma_wait3A_119, %dma_wait3A_120] : memref<8000x20x128xi32, #tpu.memory_space<hbm>> -> memref<1x20x128xi32, #tpu.memory_space<hbm>>
      %dma_wait3A_122 = tpu.memref_squeeze %dma_wait3A_121 : memref<1x20x128xi32, #tpu.memory_space<hbm>> -> memref<20x128xi32, #tpu.memory_space<hbm>>
      %dma_wait3A_123 = arith.constant 0 : i32
      %dma_wait3A_124 = arith.constant 0 : i32
      %dma_wait3A_125 = tpu.memref_slice %arg4[%dma_wait3A_118, %dma_wait3A_123, %dma_wait3A_124] : memref<8000x20x128xi32, #tpu.memory_space<hbm>> -> memref<1x20x128xi32, #tpu.memory_space<hbm>>
      %dma_wait3A_126 = tpu.memref_squeeze %dma_wait3A_125 : memref<1x20x128xi32, #tpu.memory_space<hbm>> -> memref<20x128xi32, #tpu.memory_space<hbm>>
      tpu.wait_dma2 semaphore(%arg33 : memref<!tpu.dma_semaphore, #tpu.memory_space<semaphore_mem>>) src(%dma_wait3A_126 : memref<20x128xi32, #tpu.memory_space<hbm>>) dst(%arg18 : memref<20x128xi32, #tpu.memory_space<vmem>>)
      %gt3A = arith.constant 0 : i32
      %gt3A_127 = arith.cmpi sgt, %add3A_105, %gt3A : i32
      %convert_element_type3A = arith.extui %gt3A_127 : i1 to i32
      %cond3A = arith.constant 0 : i32
      %cond3A_128 = arith.cmpi ne, %convert_element_type3A, %cond3A : i32
      scf.if %cond3A_128 {
        %dma_wait3A_218 = arith.constant 0 : i32
        %dma_wait3A_219 = arith.constant 0 : i32
        %dma_wait3A_220 = tpu.memref_slice %arg22[%dma_wait3A_218, %dma_wait3A_219] : memref<10000x128xf32, #tpu.memory_space<vmem_shared>> -> memref<40x128xf32, #tpu.memory_space<vmem_shared>>
        %dma_wait3A_221 = arith.constant 0 : i32
        %dma_wait3A_222 = arith.constant 0 : i32
        %dma_wait3A_223 = tpu.memref_slice %arg22[%dma_wait3A_221, %dma_wait3A_222] : memref<10000x128xf32, #tpu.memory_space<vmem_shared>> -> memref<40x128xf32, #tpu.memory_space<vmem_shared>>
        tpu.wait_dma2 semaphore(%arg36 : memref<!tpu.dma_semaphore, #tpu.memory_space<semaphore_mem>>) src(%arg21 : memref<40x128xf32, #tpu.memory_space<vmem>>) dst(%dma_wait3A_223 : memref<40x128xf32, #tpu.memory_space<vmem_shared>>)
      } else {
      }
      %add3A_129 = arith.constant 2 : i32
      %add3A_130 = arith.addi %add3A_105, %add3A_129 : i32
      %lt3A = arith.constant 250 : i32
      %lt3A_131 = arith.cmpi slt, %add3A_130, %lt3A : i32
      %convert_element_type3A_132 = arith.extui %lt3A_131 : i1 to i32
      %cond3A_133 = arith.constant 0 : i32
      %cond3A_134 = arith.cmpi ne, %convert_element_type3A_132, %cond3A_133 : i32
      scf.if %cond3A_134 {
        %add3A_218 = arith.constant 2 : i32
        %add3A_219 = arith.addi %add3A_105, %add3A_218 : i32
        %dma_start3A_220 = arith.constant 0 : i32
        %dma_start3A_221 = tpu.memref_slice %arg5[%add3A, %add3A_219, %dma_start3A_220] : memref<32x250x40xi32, #tpu.memory_space<hbm>> -> memref<1x1x40xi32, #tpu.memory_space<hbm>>
        %dma_start3A_222 = tpu.memref_squeeze %dma_start3A_221 : memref<1x1x40xi32, #tpu.memory_space<hbm>> -> memref<40xi32, #tpu.memory_space<hbm>>
        %dma_start3A_223 = arith.constant 0 : i32
        %dma_start3A_224 = tpu.memref_slice %arg5[%add3A, %add3A_219, %dma_start3A_223] : memref<32x250x40xi32, #tpu.memory_space<hbm>> -> memref<1x1x40xi32, #tpu.memory_space<hbm>>
        %dma_start3A_225 = tpu.memref_squeeze %dma_start3A_224 : memref<1x1x40xi32, #tpu.memory_space<hbm>> -> memref<40xi32, #tpu.memory_space<hbm>>
        tpu.enqueue_dma source(%dma_start3A_225 : memref<40xi32, #tpu.memory_space<hbm>>) target(%arg8 : memref<40xi32, #tpu.memory_space<vmem>>) target_semaphore(%arg23 : memref<!tpu.dma_semaphore, #tpu.memory_space<semaphore_mem>>)
        %dma_start3A_226 = arith.constant 0 : i32
        %dma_start3A_227 = tpu.memref_slice %arg6[%add3A, %add3A_219, %dma_start3A_226] : memref<32x250x40xi32, #tpu.memory_space<hbm>> -> memref<1x1x40xi32, #tpu.memory_space<hbm>>
        %dma_start3A_228 = tpu.memref_squeeze %dma_start3A_227 : memref<1x1x40xi32, #tpu.memory_space<hbm>> -> memref<40xi32, #tpu.memory_space<hbm>>
        %dma_start3A_229 = arith.constant 0 : i32
        %dma_start3A_230 = tpu.memref_slice %arg6[%add3A, %add3A_219, %dma_start3A_229] : memref<32x250x40xi32, #tpu.memory_space<hbm>> -> memref<1x1x40xi32, #tpu.memory_space<hbm>>
        %dma_start3A_231 = tpu.memref_squeeze %dma_start3A_230 : memref<1x1x40xi32, #tpu.memory_space<hbm>> -> memref<40xi32, #tpu.memory_space<hbm>>
        tpu.enqueue_dma source(%dma_start3A_231 : memref<40xi32, #tpu.memory_space<hbm>>) target(%arg10 : memref<40xi32, #tpu.memory_space<vmem>>) target_semaphore(%arg25 : memref<!tpu.dma_semaphore, #tpu.memory_space<semaphore_mem>>)
      } else {
      }
      %add3A_135 = arith.constant 1 : i32
      %add3A_136 = arith.addi %add3A_105, %add3A_135 : i32
      %lt3A_137 = arith.constant 250 : i32
      %lt3A_138 = arith.cmpi slt, %add3A_136, %lt3A_137 : i32
      %convert_element_type3A_139 = arith.extui %lt3A_138 : i1 to i32
      %cond3A_140 = arith.constant 0 : i32
      %cond3A_141 = arith.cmpi ne, %convert_element_type3A_139, %cond3A_140 : i32
      scf.if %cond3A_141 {
        %add3A_218 = arith.constant 1 : i32
        %add3A_219 = arith.addi %add3A_105, %add3A_218 : i32
        %dma_start3A_220 = arith.constant 0 : i32
        %dma_start3A_221 = tpu.memref_slice %arg6[%add3A, %add3A_219, %dma_start3A_220] : memref<32x250x40xi32, #tpu.memory_space<hbm>> -> memref<1x1x40xi32, #tpu.memory_space<hbm>>
        %dma_start3A_222 = tpu.memref_squeeze %dma_start3A_221 : memref<1x1x40xi32, #tpu.memory_space<hbm>> -> memref<40xi32, #tpu.memory_space<hbm>>
        %dma_start3A_223 = arith.constant 0 : i32
        %dma_start3A_224 = tpu.memref_slice %arg6[%add3A, %add3A_219, %dma_start3A_223] : memref<32x250x40xi32, #tpu.memory_space<hbm>> -> memref<1x1x40xi32, #tpu.memory_space<hbm>>
        %dma_start3A_225 = tpu.memref_squeeze %dma_start3A_224 : memref<1x1x40xi32, #tpu.memory_space<hbm>> -> memref<40xi32, #tpu.memory_space<hbm>>
        tpu.enqueue_dma source(%dma_start3A_225 : memref<40xi32, #tpu.memory_space<hbm>>) target(%arg13 : memref<40xi32, #tpu.memory_space<vmem>>) target_semaphore(%arg28 : memref<!tpu.dma_semaphore, #tpu.memory_space<semaphore_mem>>)
        %dma_wait3A_226 = arith.constant 0 : i32
        %dma_wait3A_227 = arith.constant 0 : i32
        %dma_wait3A_228 = arith.constant 0 : i32
        %dma_wait3A_229 = tpu.memref_slice %arg5[%dma_wait3A_226, %dma_wait3A_227, %dma_wait3A_228] : memref<32x250x40xi32, #tpu.memory_space<hbm>> -> memref<1x1x40xi32, #tpu.memory_space<hbm>>
        %dma_wait3A_230 = tpu.memref_squeeze %dma_wait3A_229 : memref<1x1x40xi32, #tpu.memory_space<hbm>> -> memref<40xi32, #tpu.memory_space<hbm>>
        %dma_wait3A_231 = arith.constant 0 : i32
        %dma_wait3A_232 = tpu.memref_slice %arg5[%dma_wait3A_226, %dma_wait3A_227, %dma_wait3A_231] : memref<32x250x40xi32, #tpu.memory_space<hbm>> -> memref<1x1x40xi32, #tpu.memory_space<hbm>>
        %dma_wait3A_233 = tpu.memref_squeeze %dma_wait3A_232 : memref<1x1x40xi32, #tpu.memory_space<hbm>> -> memref<40xi32, #tpu.memory_space<hbm>>
        tpu.wait_dma2 semaphore(%arg24 : memref<!tpu.dma_semaphore, #tpu.memory_space<semaphore_mem>>) src(%dma_wait3A_233 : memref<40xi32, #tpu.memory_space<hbm>>) dst(%arg9 : memref<40xi32, #tpu.memory_space<vmem>>)
        %dma_wait3A_234 = arith.constant 0 : i32
        %dma_wait3A_235 = arith.constant 0 : i32
        %dma_wait3A_236 = arith.constant 0 : i32
        %dma_wait3A_237 = tpu.memref_slice %arg6[%dma_wait3A_234, %dma_wait3A_235, %dma_wait3A_236] : memref<32x250x40xi32, #tpu.memory_space<hbm>> -> memref<1x1x40xi32, #tpu.memory_space<hbm>>
        %dma_wait3A_238 = tpu.memref_squeeze %dma_wait3A_237 : memref<1x1x40xi32, #tpu.memory_space<hbm>> -> memref<40xi32, #tpu.memory_space<hbm>>
        %dma_wait3A_239 = arith.constant 0 : i32
        %dma_wait3A_240 = tpu.memref_slice %arg6[%dma_wait3A_234, %dma_wait3A_235, %dma_wait3A_239] : memref<32x250x40xi32, #tpu.memory_space<hbm>> -> memref<1x1x40xi32, #tpu.memory_space<hbm>>
        %dma_wait3A_241 = tpu.memref_squeeze %dma_wait3A_240 : memref<1x1x40xi32, #tpu.memory_space<hbm>> -> memref<40xi32, #tpu.memory_space<hbm>>
        tpu.wait_dma2 semaphore(%arg26 : memref<!tpu.dma_semaphore, #tpu.memory_space<semaphore_mem>>) src(%dma_wait3A_241 : memref<40xi32, #tpu.memory_space<hbm>>) dst(%arg11 : memref<40xi32, #tpu.memory_space<vmem>>)
        %add3A_242 = arith.constant 1 : i32
        %add3A_243 = arith.addi %add3A_105, %add3A_242 : i32
        %dma_start3A_244 = arith.constant 0 : i32
        %dma_start3A_245 = arith.constant 0 : i32
        %dma_start3A_246 = tpu.memref_slice %arg2[%dma_start3A_244, %dma_start3A_245] : memref<10000x128xf32, #tpu.memory_space<hbm>> -> memref<10000x128xf32, #tpu.memory_space<hbm>>
        tpu.enqueue_indirect_dma source(%dma_start3A_246 : memref<10000x128xf32, #tpu.memory_space<hbm>>) target(%arg15 : memref<40x128xf32, #tpu.memory_space<vmem>>) offsets(%arg9 : memref<40xi32, #tpu.memory_space<vmem>>) semaphore(%arg30 : memref<!tpu.dma_semaphore, #tpu.memory_space<semaphore_mem>>)
        %dma_start3A_247 = arith.constant 0 : i32
        %dma_start3A_248 = arith.constant 0 : i32
        %dma_start3A_249 = tpu.memref_slice %arg3[%dma_start3A_247, %dma_start3A_248] : memref<10000x128xf32, #tpu.memory_space<hbm>> -> memref<10000x128xf32, #tpu.memory_space<hbm>>
        tpu.enqueue_indirect_dma source(%dma_start3A_249 : memref<10000x128xf32, #tpu.memory_space<hbm>>) target(%arg17 : memref<40x128xf32, #tpu.memory_space<vmem>>) offsets(%arg11 : memref<40xi32, #tpu.memory_space<vmem>>) semaphore(%arg32 : memref<!tpu.dma_semaphore, #tpu.memory_space<semaphore_mem>>)
        %mul3A_250 = arith.constant 250 : i32
        %mul3A_251 = arith.muli %add3A, %mul3A_250 : i32
        %add3A_252 = arith.addi %mul3A_251, %add3A_243 : i32
        %dma_start3A_253 = arith.constant 0 : i32
        %dma_start3A_254 = arith.constant 0 : i32
        %dma_start3A_255 = tpu.memref_slice %arg4[%add3A_252, %dma_start3A_253, %dma_start3A_254] : memref<8000x20x128xi32, #tpu.memory_space<hbm>> -> memref<1x20x128xi32, #tpu.memory_space<hbm>>
        %dma_start3A_256 = tpu.memref_squeeze %dma_start3A_255 : memref<1x20x128xi32, #tpu.memory_space<hbm>> -> memref<20x128xi32, #tpu.memory_space<hbm>>
        %dma_start3A_257 = arith.constant 0 : i32
        %dma_start3A_258 = arith.constant 0 : i32
        %dma_start3A_259 = tpu.memref_slice %arg4[%add3A_252, %dma_start3A_257, %dma_start3A_258] : memref<8000x20x128xi32, #tpu.memory_space<hbm>> -> memref<1x20x128xi32, #tpu.memory_space<hbm>>
        %dma_start3A_260 = tpu.memref_squeeze %dma_start3A_259 : memref<1x20x128xi32, #tpu.memory_space<hbm>> -> memref<20x128xi32, #tpu.memory_space<hbm>>
        tpu.enqueue_dma source(%dma_start3A_260 : memref<20x128xi32, #tpu.memory_space<hbm>>) target(%arg19 : memref<20x128xi32, #tpu.memory_space<vmem>>) target_semaphore(%arg34 : memref<!tpu.dma_semaphore, #tpu.memory_space<semaphore_mem>>)
      } else {
      }
      %scan3A_142 = arith.constant 0 : i32
      %scan3A_143 = arith.constant 0 : i32
      %scan3A_144 = arith.constant 20 : i32
      %scan3A_145 = arith.addi %scan3A_143, %scan3A_144 : i32
      %scan3A_146 = arith.constant 1 : i32
      scf.for %scan3A_218 = %scan3A_143 to %scan3A_145 step %scan3A_146  : i32 {
        %add3A_219 = arith.constant 20 : i32
        %add3A_220 = arith.addi %scan3A_218, %add3A_219 : i32
        %get3A = arith.index_cast %scan3A_218 : i32 to index
        %get3A_221 = arith.constant 0 : index
        %get3A_222 = tpu.vector_load %arg18[%get3A, %get3A_221] {strides = array<i32>} : memref<20x128xi32, #tpu.memory_space<vmem>>, vector<1x16xi32>,
        %get3A_223 = vector.shape_cast %get3A_222 : vector<1x16xi32> to vector<16xi32>
        %shift_left3A = arith.constant 16 : i32
        %shift_left3A_224 = vector.broadcast %shift_left3A : i32 to vector<16xi32>
        %shift_left3A_225 = arith.shli %get3A_223, %shift_left3A_224 : vector<16xi32>
        %bitcast_convert_type3A = tpu.bitcast %shift_left3A_225 : vector<16xi32> -> vector<16xf32>
        %and3A = arith.constant -65536 : i32
        %and3A_226 = vector.broadcast %and3A : i32 to vector<16xi32>
        %and3A_227 = arith.andi %get3A_223, %and3A_226 : vector<16xi32>
        %bitcast_convert_type3A_228 = tpu.bitcast %and3A_227 : vector<16xi32> -> vector<16xf32>
        %get3A_229 = arith.index_cast %scan3A_218 : i32 to index
        %get3A_230 = arith.constant 0 : index
        %get3A_231 = tpu.vector_load %arg14[%get3A_229, %get3A_230] {strides = array<i32>} : memref<40x128xf32, #tpu.memory_space<vmem>>, vector<1x16xf32>,
        %get3A_232 = vector.shape_cast %get3A_231 : vector<1x16xf32> to vector<16xf32>
        %get3A_233 = arith.index_cast %scan3A_218 : i32 to index
        %get3A_234 = arith.constant 0 : index
        %get3A_235 = tpu.vector_load %arg16[%get3A_233, %get3A_234] {strides = array<i32>} : memref<40x128xf32, #tpu.memory_space<vmem>>, vector<1x16xf32>,
        %get3A_236 = vector.shape_cast %get3A_235 : vector<1x16xf32> to vector<16xf32>
        %add3A_237 = arith.addf %get3A_232, %get3A_236 : vector<16xf32>
        %add3A_238 = arith.addf %add3A_237, %bitcast_convert_type3A : vector<16xf32>
        %max3A = arith.constant 0.000000e+00 : f32
        %max3A_239 = vector.broadcast %max3A : f32 to vector<16xf32>
        %max3A_240 = arith.maximumf %add3A_238, %max3A_239 : vector<16xf32>
        %swap3A = arith.index_cast %scan3A_218 : i32 to index
        %swap3A_241 = arith.constant 0 : index
        %swap3A_242 = tpu.vector_load %arg20[%swap3A, %swap3A_241] {strides = array<i32>} : memref<40x128xf32, #tpu.memory_space<vmem>>, vector<1x16xf32>,
        %swap3A_243 = vector.shape_cast %swap3A_242 : vector<1x16xf32> to vector<16xf32>
        %swap3A_244 = vector.shape_cast %max3A_240 : vector<16xf32> to vector<1x16xf32>
        tpu.vector_store %arg20[%swap3A, %swap3A_241], %swap3A_244 {strides = array<i32>} : memref<40x128xf32, #tpu.memory_space<vmem>>, vector<1x16xf32>,
        %get3A_245 = arith.index_cast %add3A_220 : i32 to index
        %get3A_246 = arith.constant 0 : index
        %get3A_247 = tpu.vector_load %arg14[%get3A_245, %get3A_246] {strides = array<i32>} : memref<40x128xf32, #tpu.memory_space<vmem>>, vector<1x16xf32>,
        %get3A_248 = vector.shape_cast %get3A_247 : vector<1x16xf32> to vector<16xf32>
        %get3A_249 = arith.index_cast %add3A_220 : i32 to index
        %get3A_250 = arith.constant 0 : index
        %get3A_251 = tpu.vector_load %arg16[%get3A_249, %get3A_250] {strides = array<i32>} : memref<40x128xf32, #tpu.memory_space<vmem>>, vector<1x16xf32>,
        %get3A_252 = vector.shape_cast %get3A_251 : vector<1x16xf32> to vector<16xf32>
        %add3A_253 = arith.addf %get3A_248, %get3A_252 : vector<16xf32>
        %add3A_254 = arith.addf %add3A_253, %bitcast_convert_type3A_228 : vector<16xf32>
        %max3A_255 = arith.constant 0.000000e+00 : f32
        %max3A_256 = vector.broadcast %max3A_255 : f32 to vector<16xf32>
        %max3A_257 = arith.maximumf %add3A_254, %max3A_256 : vector<16xf32>
        %swap3A_258 = arith.index_cast %add3A_220 : i32 to index
        %swap3A_259 = arith.constant 0 : index
        %swap3A_260 = tpu.vector_load %arg20[%swap3A_258, %swap3A_259] {strides = array<i32>} : memref<40x128xf32, #tpu.memory_space<vmem>>, vector<1x16xf32>,
        %swap3A_261 = vector.shape_cast %swap3A_260 : vector<1x16xf32> to vector<16xf32>
        %swap3A_262 = vector.shape_cast %max3A_257 : vector<16xf32> to vector<1x16xf32>
        tpu.vector_store %arg20[%swap3A_258, %swap3A_259], %swap3A_262 {strides = array<i32>} : memref<40x128xf32, #tpu.memory_space<vmem>>, vector<1x16xf32>,
        %get3A_263 = arith.index_cast %scan3A_218 : i32 to index
        %get3A_264 = arith.constant 16 : index
        %get3A_265 = tpu.vector_load %arg18[%get3A_263, %get3A_264] {strides = array<i32>} : memref<20x128xi32, #tpu.memory_space<vmem>>, vector<1x16xi32>,
        %get3A_266 = vector.shape_cast %get3A_265 : vector<1x16xi32> to vector<16xi32>
        %shift_left3A_267 = arith.constant 16 : i32
        %shift_left3A_268 = vector.broadcast %shift_left3A_267 : i32 to vector<16xi32>
        %shift_left3A_269 = arith.shli %get3A_266, %shift_left3A_268 : vector<16xi32>
        %bitcast_convert_type3A_270 = tpu.bitcast %shift_left3A_269 : vector<16xi32> -> vector<16xf32>
        %and3A_271 = arith.constant -65536 : i32
        %and3A_272 = vector.broadcast %and3A_271 : i32 to vector<16xi32>
        %and3A_273 = arith.andi %get3A_266, %and3A_272 : vector<16xi32>
        %bitcast_convert_type3A_274 = tpu.bitcast %and3A_273 : vector<16xi32> -> vector<16xf32>
        %get3A_275 = arith.index_cast %scan3A_218 : i32 to index
        %get3A_276 = arith.constant 16 : index
        %get3A_277 = tpu.vector_load %arg14[%get3A_275, %get3A_276] {strides = array<i32>} : memref<40x128xf32, #tpu.memory_space<vmem>>, vector<1x16xf32>,
        %get3A_278 = vector.shape_cast %get3A_277 : vector<1x16xf32> to vector<16xf32>
        %get3A_279 = arith.index_cast %scan3A_218 : i32 to index
        %get3A_280 = arith.constant 16 : index
        %get3A_281 = tpu.vector_load %arg16[%get3A_279, %get3A_280] {strides = array<i32>} : memref<40x128xf32, #tpu.memory_space<vmem>>, vector<1x16xf32>,
        %get3A_282 = vector.shape_cast %get3A_281 : vector<1x16xf32> to vector<16xf32>
        %add3A_283 = arith.addf %get3A_278, %get3A_282 : vector<16xf32>
        %add3A_284 = arith.addf %add3A_283, %bitcast_convert_type3A_270 : vector<16xf32>
        %max3A_285 = arith.constant 0.000000e+00 : f32
        %max3A_286 = vector.broadcast %max3A_285 : f32 to vector<16xf32>
        %max3A_287 = arith.maximumf %add3A_284, %max3A_286 : vector<16xf32>
        %swap3A_288 = arith.index_cast %scan3A_218 : i32 to index
        %swap3A_289 = arith.constant 16 : index
        %swap3A_290 = tpu.vector_load %arg20[%swap3A_288, %swap3A_289] {strides = array<i32>} : memref<40x128xf32, #tpu.memory_space<vmem>>, vector<1x16xf32>,
        %swap3A_291 = vector.shape_cast %swap3A_290 : vector<1x16xf32> to vector<16xf32>
        %swap3A_292 = vector.shape_cast %max3A_287 : vector<16xf32> to vector<1x16xf32>
        tpu.vector_store %arg20[%swap3A_288, %swap3A_289], %swap3A_292 {strides = array<i32>} : memref<40x128xf32, #tpu.memory_space<vmem>>, vector<1x16xf32>,
        %get3A_293 = arith.index_cast %add3A_220 : i32 to index
        %get3A_294 = arith.constant 16 : index
        %get3A_295 = tpu.vector_load %arg14[%get3A_293, %get3A_294] {strides = array<i32>} : memref<40x128xf32, #tpu.memory_space<vmem>>, vector<1x16xf32>,
        %get3A_296 = vector.shape_cast %get3A_295 : vector<1x16xf32> to vector<16xf32>
        %get3A_297 = arith.index_cast %add3A_220 : i32 to index
        %get3A_298 = arith.constant 16 : index
        %get3A_299 = tpu.vector_load %arg16[%get3A_297, %get3A_298] {strides = array<i32>} : memref<40x128xf32, #tpu.memory_space<vmem>>, vector<1x16xf32>,
        %get3A_300 = vector.shape_cast %get3A_299 : vector<1x16xf32> to vector<16xf32>
        %add3A_301 = arith.addf %get3A_296, %get3A_300 : vector<16xf32>
        %add3A_302 = arith.addf %add3A_301, %bitcast_convert_type3A_274 : vector<16xf32>
        %max3A_303 = arith.constant 0.000000e+00 : f32
        %max3A_304 = vector.broadcast %max3A_303 : f32 to vector<16xf32>
        %max3A_305 = arith.maximumf %add3A_302, %max3A_304 : vector<16xf32>
        %swap3A_306 = arith.index_cast %add3A_220 : i32 to index
        %swap3A_307 = arith.constant 16 : index
        %swap3A_308 = tpu.vector_load %arg20[%swap3A_306, %swap3A_307] {strides = array<i32>} : memref<40x128xf32, #tpu.memory_space<vmem>>, vector<1x16xf32>,
        %swap3A_309 = vector.shape_cast %swap3A_308 : vector<1x16xf32> to vector<16xf32>
        %swap3A_310 = vector.shape_cast %max3A_305 : vector<16xf32> to vector<1x16xf32>
        tpu.vector_store %arg20[%swap3A_306, %swap3A_307], %swap3A_310 {strides = array<i32>} : memref<40x128xf32, #tpu.memory_space<vmem>>, vector<1x16xf32>,
        %get3A_311 = arith.index_cast %scan3A_218 : i32 to index
        %get3A_312 = arith.constant 32 : index
        %get3A_313 = tpu.vector_load %arg18[%get3A_311, %get3A_312] {strides = array<i32>} : memref<20x128xi32, #tpu.memory_space<vmem>>, vector<1x16xi32>,
        %get3A_314 = vector.shape_cast %get3A_313 : vector<1x16xi32> to vector<16xi32>
        %shift_left3A_315 = arith.constant 16 : i32
        %shift_left3A_316 = vector.broadcast %shift_left3A_315 : i32 to vector<16xi32>
        %shift_left3A_317 = arith.shli %get3A_314, %shift_left3A_316 : vector<16xi32>
        %bitcast_convert_type3A_318 = tpu.bitcast %shift_left3A_317 : vector<16xi32> -> vector<16xf32>
        %and3A_319 = arith.constant -65536 : i32
        %and3A_320 = vector.broadcast %and3A_319 : i32 to vector<16xi32>
        %and3A_321 = arith.andi %get3A_314, %and3A_320 : vector<16xi32>
        %bitcast_convert_type3A_322 = tpu.bitcast %and3A_321 : vector<16xi32> -> vector<16xf32>
        %get3A_323 = arith.index_cast %scan3A_218 : i32 to index
        %get3A_324 = arith.constant 32 : index
        %get3A_325 = tpu.vector_load %arg14[%get3A_323, %get3A_324] {strides = array<i32>} : memref<40x128xf32, #tpu.memory_space<vmem>>, vector<1x16xf32>,
        %get3A_326 = vector.shape_cast %get3A_325 : vector<1x16xf32> to vector<16xf32>
        %get3A_327 = arith.index_cast %scan3A_218 : i32 to index
        %get3A_328 = arith.constant 32 : index
        %get3A_329 = tpu.vector_load %arg16[%get3A_327, %get3A_328] {strides = array<i32>} : memref<40x128xf32, #tpu.memory_space<vmem>>, vector<1x16xf32>,
        %get3A_330 = vector.shape_cast %get3A_329 : vector<1x16xf32> to vector<16xf32>
        %add3A_331 = arith.addf %get3A_326, %get3A_330 : vector<16xf32>
        %add3A_332 = arith.addf %add3A_331, %bitcast_convert_type3A_318 : vector<16xf32>
        %max3A_333 = arith.constant 0.000000e+00 : f32
        %max3A_334 = vector.broadcast %max3A_333 : f32 to vector<16xf32>
        %max3A_335 = arith.maximumf %add3A_332, %max3A_334 : vector<16xf32>
        %swap3A_336 = arith.index_cast %scan3A_218 : i32 to index
        %swap3A_337 = arith.constant 32 : index
        %swap3A_338 = tpu.vector_load %arg20[%swap3A_336, %swap3A_337] {strides = array<i32>} : memref<40x128xf32, #tpu.memory_space<vmem>>, vector<1x16xf32>,
        %swap3A_339 = vector.shape_cast %swap3A_338 : vector<1x16xf32> to vector<16xf32>
        %swap3A_340 = vector.shape_cast %max3A_335 : vector<16xf32> to vector<1x16xf32>
        tpu.vector_store %arg20[%swap3A_336, %swap3A_337], %swap3A_340 {strides = array<i32>} : memref<40x128xf32, #tpu.memory_space<vmem>>, vector<1x16xf32>,
        %get3A_341 = arith.index_cast %add3A_220 : i32 to index
        %get3A_342 = arith.constant 32 : index
        %get3A_343 = tpu.vector_load %arg14[%get3A_341, %get3A_342] {strides = array<i32>} : memref<40x128xf32, #tpu.memory_space<vmem>>, vector<1x16xf32>,
        %get3A_344 = vector.shape_cast %get3A_343 : vector<1x16xf32> to vector<16xf32>
        %get3A_345 = arith.index_cast %add3A_220 : i32 to index
        %get3A_346 = arith.constant 32 : index
        %get3A_347 = tpu.vector_load %arg16[%get3A_345, %get3A_346] {strides = array<i32>} : memref<40x128xf32, #tpu.memory_space<vmem>>, vector<1x16xf32>,
        %get3A_348 = vector.shape_cast %get3A_347 : vector<1x16xf32> to vector<16xf32>
        %add3A_349 = arith.addf %get3A_344, %get3A_348 : vector<16xf32>
        %add3A_350 = arith.addf %add3A_349, %bitcast_convert_type3A_322 : vector<16xf32>
        %max3A_351 = arith.constant 0.000000e+00 : f32
        %max3A_352 = vector.broadcast %max3A_351 : f32 to vector<16xf32>
        %max3A_353 = arith.maximumf %add3A_350, %max3A_352 : vector<16xf32>
        %swap3A_354 = arith.index_cast %add3A_220 : i32 to index
        %swap3A_355 = arith.constant 32 : index
        %swap3A_356 = tpu.vector_load %arg20[%swap3A_354, %swap3A_355] {strides = array<i32>} : memref<40x128xf32, #tpu.memory_space<vmem>>, vector<1x16xf32>,
        %swap3A_357 = vector.shape_cast %swap3A_356 : vector<1x16xf32> to vector<16xf32>
        %swap3A_358 = vector.shape_cast %max3A_353 : vector<16xf32> to vector<1x16xf32>
        tpu.vector_store %arg20[%swap3A_354, %swap3A_355], %swap3A_358 {strides = array<i32>} : memref<40x128xf32, #tpu.memory_space<vmem>>, vector<1x16xf32>,
        %get3A_359 = arith.index_cast %scan3A_218 : i32 to index
        %get3A_360 = arith.constant 48 : index
        %get3A_361 = tpu.vector_load %arg18[%get3A_359, %get3A_360] {strides = array<i32>} : memref<20x128xi32, #tpu.memory_space<vmem>>, vector<1x16xi32>,
        %get3A_362 = vector.shape_cast %get3A_361 : vector<1x16xi32> to vector<16xi32>
        %shift_left3A_363 = arith.constant 16 : i32
        %shift_left3A_364 = vector.broadcast %shift_left3A_363 : i32 to vector<16xi32>
        %shift_left3A_365 = arith.shli %get3A_362, %shift_left3A_364 : vector<16xi32>
        %bitcast_convert_type3A_366 = tpu.bitcast %shift_left3A_365 : vector<16xi32> -> vector<16xf32>
        %and3A_367 = arith.constant -65536 : i32
        %and3A_368 = vector.broadcast %and3A_367 : i32 to vector<16xi32>
        %and3A_369 = arith.andi %get3A_362, %and3A_368 : vector<16xi32>
        %bitcast_convert_type3A_370 = tpu.bitcast %and3A_369 : vector<16xi32> -> vector<16xf32>
        %get3A_371 = arith.index_cast %scan3A_218 : i32 to index
        %get3A_372 = arith.constant 48 : index
        %get3A_373 = tpu.vector_load %arg14[%get3A_371, %get3A_372] {strides = array<i32>} : memref<40x128xf32, #tpu.memory_space<vmem>>, vector<1x16xf32>,
        %get3A_374 = vector.shape_cast %get3A_373 : vector<1x16xf32> to vector<16xf32>
        %get3A_375 = arith.index_cast %scan3A_218 : i32 to index
        %get3A_376 = arith.constant 48 : index
        %get3A_377 = tpu.vector_load %arg16[%get3A_375, %get3A_376] {strides = array<i32>} : memref<40x128xf32, #tpu.memory_space<vmem>>, vector<1x16xf32>,
        %get3A_378 = vector.shape_cast %get3A_377 : vector<1x16xf32> to vector<16xf32>
        %add3A_379 = arith.addf %get3A_374, %get3A_378 : vector<16xf32>
        %add3A_380 = arith.addf %add3A_379, %bitcast_convert_type3A_366 : vector<16xf32>
        %max3A_381 = arith.constant 0.000000e+00 : f32
        %max3A_382 = vector.broadcast %max3A_381 : f32 to vector<16xf32>
        %max3A_383 = arith.maximumf %add3A_380, %max3A_382 : vector<16xf32>
        %swap3A_384 = arith.index_cast %scan3A_218 : i32 to index
        %swap3A_385 = arith.constant 48 : index
        %swap3A_386 = tpu.vector_load %arg20[%swap3A_384, %swap3A_385] {strides = array<i32>} : memref<40x128xf32, #tpu.memory_space<vmem>>, vector<1x16xf32>,
        %swap3A_387 = vector.shape_cast %swap3A_386 : vector<1x16xf32> to vector<16xf32>
        %swap3A_388 = vector.shape_cast %max3A_383 : vector<16xf32> to vector<1x16xf32>
        tpu.vector_store %arg20[%swap3A_384, %swap3A_385], %swap3A_388 {strides = array<i32>} : memref<40x128xf32, #tpu.memory_space<vmem>>, vector<1x16xf32>,
        %get3A_389 = arith.index_cast %add3A_220 : i32 to index
        %get3A_390 = arith.constant 48 : index
        %get3A_391 = tpu.vector_load %arg14[%get3A_389, %get3A_390] {strides = array<i32>} : memref<40x128xf32, #tpu.memory_space<vmem>>, vector<1x16xf32>,
        %get3A_392 = vector.shape_cast %get3A_391 : vector<1x16xf32> to vector<16xf32>
        %get3A_393 = arith.index_cast %add3A_220 : i32 to index
        %get3A_394 = arith.constant 48 : index
        %get3A_395 = tpu.vector_load %arg16[%get3A_393, %get3A_394] {strides = array<i32>} : memref<40x128xf32, #tpu.memory_space<vmem>>, vector<1x16xf32>,
        %get3A_396 = vector.shape_cast %get3A_395 : vector<1x16xf32> to vector<16xf32>
        %add3A_397 = arith.addf %get3A_392, %get3A_396 : vector<16xf32>
        %add3A_398 = arith.addf %add3A_397, %bitcast_convert_type3A_370 : vector<16xf32>
        %max3A_399 = arith.constant 0.000000e+00 : f32
        %max3A_400 = vector.broadcast %max3A_399 : f32 to vector<16xf32>
        %max3A_401 = arith.maximumf %add3A_398, %max3A_400 : vector<16xf32>
        %swap3A_402 = arith.index_cast %add3A_220 : i32 to index
        %swap3A_403 = arith.constant 48 : index
        %swap3A_404 = tpu.vector_load %arg20[%swap3A_402, %swap3A_403] {strides = array<i32>} : memref<40x128xf32, #tpu.memory_space<vmem>>, vector<1x16xf32>,
        %swap3A_405 = vector.shape_cast %swap3A_404 : vector<1x16xf32> to vector<16xf32>
        %swap3A_406 = vector.shape_cast %max3A_401 : vector<16xf32> to vector<1x16xf32>
        tpu.vector_store %arg20[%swap3A_402, %swap3A_403], %swap3A_406 {strides = array<i32>} : memref<40x128xf32, #tpu.memory_space<vmem>>, vector<1x16xf32>,
        %get3A_407 = arith.index_cast %scan3A_218 : i32 to index
        %get3A_408 = arith.constant 64 : index
        %get3A_409 = tpu.vector_load %arg18[%get3A_407, %get3A_408] {strides = array<i32>} : memref<20x128xi32, #tpu.memory_space<vmem>>, vector<1x16xi32>,
        %get3A_410 = vector.shape_cast %get3A_409 : vector<1x16xi32> to vector<16xi32>
        %shift_left3A_411 = arith.constant 16 : i32
        %shift_left3A_412 = vector.broadcast %shift_left3A_411 : i32 to vector<16xi32>
        %shift_left3A_413 = arith.shli %get3A_410, %shift_left3A_412 : vector<16xi32>
        %bitcast_convert_type3A_414 = tpu.bitcast %shift_left3A_413 : vector<16xi32> -> vector<16xf32>
        %and3A_415 = arith.constant -65536 : i32
        %and3A_416 = vector.broadcast %and3A_415 : i32 to vector<16xi32>
        %and3A_417 = arith.andi %get3A_410, %and3A_416 : vector<16xi32>
        %bitcast_convert_type3A_418 = tpu.bitcast %and3A_417 : vector<16xi32> -> vector<16xf32>
        %get3A_419 = arith.index_cast %scan3A_218 : i32 to index
        %get3A_420 = arith.constant 64 : index
        %get3A_421 = tpu.vector_load %arg14[%get3A_419, %get3A_420] {strides = array<i32>} : memref<40x128xf32, #tpu.memory_space<vmem>>, vector<1x16xf32>,
        %get3A_422 = vector.shape_cast %get3A_421 : vector<1x16xf32> to vector<16xf32>
        %get3A_423 = arith.index_cast %scan3A_218 : i32 to index
        %get3A_424 = arith.constant 64 : index
        %get3A_425 = tpu.vector_load %arg16[%get3A_423, %get3A_424] {strides = array<i32>} : memref<40x128xf32, #tpu.memory_space<vmem>>, vector<1x16xf32>,
        %get3A_426 = vector.shape_cast %get3A_425 : vector<1x16xf32> to vector<16xf32>
        %add3A_427 = arith.addf %get3A_422, %get3A_426 : vector<16xf32>
        %add3A_428 = arith.addf %add3A_427, %bitcast_convert_type3A_414 : vector<16xf32>
        %max3A_429 = arith.constant 0.000000e+00 : f32
        %max3A_430 = vector.broadcast %max3A_429 : f32 to vector<16xf32>
        %max3A_431 = arith.maximumf %add3A_428, %max3A_430 : vector<16xf32>
        %swap3A_432 = arith.index_cast %scan3A_218 : i32 to index
        %swap3A_433 = arith.constant 64 : index
        %swap3A_434 = tpu.vector_load %arg20[%swap3A_432, %swap3A_433] {strides = array<i32>} : memref<40x128xf32, #tpu.memory_space<vmem>>, vector<1x16xf32>,
        %swap3A_435 = vector.shape_cast %swap3A_434 : vector<1x16xf32> to vector<16xf32>
        %swap3A_436 = vector.shape_cast %max3A_431 : vector<16xf32> to vector<1x16xf32>
        tpu.vector_store %arg20[%swap3A_432, %swap3A_433], %swap3A_436 {strides = array<i32>} : memref<40x128xf32, #tpu.memory_space<vmem>>, vector<1x16xf32>,
        %get3A_437 = arith.index_cast %add3A_220 : i32 to index
        %get3A_438 = arith.constant 64 : index
        %get3A_439 = tpu.vector_load %arg14[%get3A_437, %get3A_438] {strides = array<i32>} : memref<40x128xf32, #tpu.memory_space<vmem>>, vector<1x16xf32>,
        %get3A_440 = vector.shape_cast %get3A_439 : vector<1x16xf32> to vector<16xf32>
        %get3A_441 = arith.index_cast %add3A_220 : i32 to index
        %get3A_442 = arith.constant 64 : index
        %get3A_443 = tpu.vector_load %arg16[%get3A_441, %get3A_442] {strides = array<i32>} : memref<40x128xf32, #tpu.memory_space<vmem>>, vector<1x16xf32>,
        %get3A_444 = vector.shape_cast %get3A_443 : vector<1x16xf32> to vector<16xf32>
        %add3A_445 = arith.addf %get3A_440, %get3A_444 : vector<16xf32>
        %add3A_446 = arith.addf %add3A_445, %bitcast_convert_type3A_418 : vector<16xf32>
        %max3A_447 = arith.constant 0.000000e+00 : f32
        %max3A_448 = vector.broadcast %max3A_447 : f32 to vector<16xf32>
        %max3A_449 = arith.maximumf %add3A_446, %max3A_448 : vector<16xf32>
        %swap3A_450 = arith.index_cast %add3A_220 : i32 to index
        %swap3A_451 = arith.constant 64 : index
        %swap3A_452 = tpu.vector_load %arg20[%swap3A_450, %swap3A_451] {strides = array<i32>} : memref<40x128xf32, #tpu.memory_space<vmem>>, vector<1x16xf32>,
        %swap3A_453 = vector.shape_cast %swap3A_452 : vector<1x16xf32> to vector<16xf32>
        %swap3A_454 = vector.shape_cast %max3A_449 : vector<16xf32> to vector<1x16xf32>
        tpu.vector_store %arg20[%swap3A_450, %swap3A_451], %swap3A_454 {strides = array<i32>} : memref<40x128xf32, #tpu.memory_space<vmem>>, vector<1x16xf32>,
        %get3A_455 = arith.index_cast %scan3A_218 : i32 to index
        %get3A_456 = arith.constant 80 : index
        %get3A_457 = tpu.vector_load %arg18[%get3A_455, %get3A_456] {strides = array<i32>} : memref<20x128xi32, #tpu.memory_space<vmem>>, vector<1x16xi32>,
        %get3A_458 = vector.shape_cast %get3A_457 : vector<1x16xi32> to vector<16xi32>
        %shift_left3A_459 = arith.constant 16 : i32
        %shift_left3A_460 = vector.broadcast %shift_left3A_459 : i32 to vector<16xi32>
        %shift_left3A_461 = arith.shli %get3A_458, %shift_left3A_460 : vector<16xi32>
        %bitcast_convert_type3A_462 = tpu.bitcast %shift_left3A_461 : vector<16xi32> -> vector<16xf32>
        %and3A_463 = arith.constant -65536 : i32
        %and3A_464 = vector.broadcast %and3A_463 : i32 to vector<16xi32>
        %and3A_465 = arith.andi %get3A_458, %and3A_464 : vector<16xi32>
        %bitcast_convert_type3A_466 = tpu.bitcast %and3A_465 : vector<16xi32> -> vector<16xf32>
        %get3A_467 = arith.index_cast %scan3A_218 : i32 to index
        %get3A_468 = arith.constant 80 : index
        %get3A_469 = tpu.vector_load %arg14[%get3A_467, %get3A_468] {strides = array<i32>} : memref<40x128xf32, #tpu.memory_space<vmem>>, vector<1x16xf32>,
        %get3A_470 = vector.shape_cast %get3A_469 : vector<1x16xf32> to vector<16xf32>
        %get3A_471 = arith.index_cast %scan3A_218 : i32 to index
        %get3A_472 = arith.constant 80 : index
        %get3A_473 = tpu.vector_load %arg16[%get3A_471, %get3A_472] {strides = array<i32>} : memref<40x128xf32, #tpu.memory_space<vmem>>, vector<1x16xf32>,
        %get3A_474 = vector.shape_cast %get3A_473 : vector<1x16xf32> to vector<16xf32>
        %add3A_475 = arith.addf %get3A_470, %get3A_474 : vector<16xf32>
        %add3A_476 = arith.addf %add3A_475, %bitcast_convert_type3A_462 : vector<16xf32>
        %max3A_477 = arith.constant 0.000000e+00 : f32
        %max3A_478 = vector.broadcast %max3A_477 : f32 to vector<16xf32>
        %max3A_479 = arith.maximumf %add3A_476, %max3A_478 : vector<16xf32>
        %swap3A_480 = arith.index_cast %scan3A_218 : i32 to index
        %swap3A_481 = arith.constant 80 : index
        %swap3A_482 = tpu.vector_load %arg20[%swap3A_480, %swap3A_481] {strides = array<i32>} : memref<40x128xf32, #tpu.memory_space<vmem>>, vector<1x16xf32>,
        %swap3A_483 = vector.shape_cast %swap3A_482 : vector<1x16xf32> to vector<16xf32>
        %swap3A_484 = vector.shape_cast %max3A_479 : vector<16xf32> to vector<1x16xf32>
        tpu.vector_store %arg20[%swap3A_480, %swap3A_481], %swap3A_484 {strides = array<i32>} : memref<40x128xf32, #tpu.memory_space<vmem>>, vector<1x16xf32>,
        %get3A_485 = arith.index_cast %add3A_220 : i32 to index
        %get3A_486 = arith.constant 80 : index
        %get3A_487 = tpu.vector_load %arg14[%get3A_485, %get3A_486] {strides = array<i32>} : memref<40x128xf32, #tpu.memory_space<vmem>>, vector<1x16xf32>,
        %get3A_488 = vector.shape_cast %get3A_487 : vector<1x16xf32> to vector<16xf32>
        %get3A_489 = arith.index_cast %add3A_220 : i32 to index
        %get3A_490 = arith.constant 80 : index
        %get3A_491 = tpu.vector_load %arg16[%get3A_489, %get3A_490] {strides = array<i32>} : memref<40x128xf32, #tpu.memory_space<vmem>>, vector<1x16xf32>,
        %get3A_492 = vector.shape_cast %get3A_491 : vector<1x16xf32> to vector<16xf32>
        %add3A_493 = arith.addf %get3A_488, %get3A_492 : vector<16xf32>
        %add3A_494 = arith.addf %add3A_493, %bitcast_convert_type3A_466 : vector<16xf32>
        %max3A_495 = arith.constant 0.000000e+00 : f32
        %max3A_496 = vector.broadcast %max3A_495 : f32 to vector<16xf32>
        %max3A_497 = arith.maximumf %add3A_494, %max3A_496 : vector<16xf32>
        %swap3A_498 = arith.index_cast %add3A_220 : i32 to index
        %swap3A_499 = arith.constant 80 : index
        %swap3A_500 = tpu.vector_load %arg20[%swap3A_498, %swap3A_499] {strides = array<i32>} : memref<40x128xf32, #tpu.memory_space<vmem>>, vector<1x16xf32>,
        %swap3A_501 = vector.shape_cast %swap3A_500 : vector<1x16xf32> to vector<16xf32>
        %swap3A_502 = vector.shape_cast %max3A_497 : vector<16xf32> to vector<1x16xf32>
        tpu.vector_store %arg20[%swap3A_498, %swap3A_499], %swap3A_502 {strides = array<i32>} : memref<40x128xf32, #tpu.memory_space<vmem>>, vector<1x16xf32>,
        %get3A_503 = arith.index_cast %scan3A_218 : i32 to index
        %get3A_504 = arith.constant 96 : index
        %get3A_505 = tpu.vector_load %arg18[%get3A_503, %get3A_504] {strides = array<i32>} : memref<20x128xi32, #tpu.memory_space<vmem>>, vector<1x16xi32>,
        %get3A_506 = vector.shape_cast %get3A_505 : vector<1x16xi32> to vector<16xi32>
        %shift_left3A_507 = arith.constant 16 : i32
        %shift_left3A_508 = vector.broadcast %shift_left3A_507 : i32 to vector<16xi32>
        %shift_left3A_509 = arith.shli %get3A_506, %shift_left3A_508 : vector<16xi32>
        %bitcast_convert_type3A_510 = tpu.bitcast %shift_left3A_509 : vector<16xi32> -> vector<16xf32>
        %and3A_511 = arith.constant -65536 : i32
        %and3A_512 = vector.broadcast %and3A_511 : i32 to vector<16xi32>
        %and3A_513 = arith.andi %get3A_506, %and3A_512 : vector<16xi32>
        %bitcast_convert_type3A_514 = tpu.bitcast %and3A_513 : vector<16xi32> -> vector<16xf32>
        %get3A_515 = arith.index_cast %scan3A_218 : i32 to index
        %get3A_516 = arith.constant 96 : index
        %get3A_517 = tpu.vector_load %arg14[%get3A_515, %get3A_516] {strides = array<i32>} : memref<40x128xf32, #tpu.memory_space<vmem>>, vector<1x16xf32>,
        %get3A_518 = vector.shape_cast %get3A_517 : vector<1x16xf32> to vector<16xf32>
        %get3A_519 = arith.index_cast %scan3A_218 : i32 to index
        %get3A_520 = arith.constant 96 : index
        %get3A_521 = tpu.vector_load %arg16[%get3A_519, %get3A_520] {strides = array<i32>} : memref<40x128xf32, #tpu.memory_space<vmem>>, vector<1x16xf32>,
        %get3A_522 = vector.shape_cast %get3A_521 : vector<1x16xf32> to vector<16xf32>
        %add3A_523 = arith.addf %get3A_518, %get3A_522 : vector<16xf32>
        %add3A_524 = arith.addf %add3A_523, %bitcast_convert_type3A_510 : vector<16xf32>
        %max3A_525 = arith.constant 0.000000e+00 : f32
        %max3A_526 = vector.broadcast %max3A_525 : f32 to vector<16xf32>
        %max3A_527 = arith.maximumf %add3A_524, %max3A_526 : vector<16xf32>
        %swap3A_528 = arith.index_cast %scan3A_218 : i32 to index
        %swap3A_529 = arith.constant 96 : index
        %swap3A_530 = tpu.vector_load %arg20[%swap3A_528, %swap3A_529] {strides = array<i32>} : memref<40x128xf32, #tpu.memory_space<vmem>>, vector<1x16xf32>,
        %swap3A_531 = vector.shape_cast %swap3A_530 : vector<1x16xf32> to vector<16xf32>
        %swap3A_532 = vector.shape_cast %max3A_527 : vector<16xf32> to vector<1x16xf32>
        tpu.vector_store %arg20[%swap3A_528, %swap3A_529], %swap3A_532 {strides = array<i32>} : memref<40x128xf32, #tpu.memory_space<vmem>>, vector<1x16xf32>,
        %get3A_533 = arith.index_cast %add3A_220 : i32 to index
        %get3A_534 = arith.constant 96 : index
        %get3A_535 = tpu.vector_load %arg14[%get3A_533, %get3A_534] {strides = array<i32>} : memref<40x128xf32, #tpu.memory_space<vmem>>, vector<1x16xf32>,
        %get3A_536 = vector.shape_cast %get3A_535 : vector<1x16xf32> to vector<16xf32>
        %get3A_537 = arith.index_cast %add3A_220 : i32 to index
        %get3A_538 = arith.constant 96 : index
        %get3A_539 = tpu.vector_load %arg16[%get3A_537, %get3A_538] {strides = array<i32>} : memref<40x128xf32, #tpu.memory_space<vmem>>, vector<1x16xf32>,
        %get3A_540 = vector.shape_cast %get3A_539 : vector<1x16xf32> to vector<16xf32>
        %add3A_541 = arith.addf %get3A_536, %get3A_540 : vector<16xf32>
        %add3A_542 = arith.addf %add3A_541, %bitcast_convert_type3A_514 : vector<16xf32>
        %max3A_543 = arith.constant 0.000000e+00 : f32
        %max3A_544 = vector.broadcast %max3A_543 : f32 to vector<16xf32>
        %max3A_545 = arith.maximumf %add3A_542, %max3A_544 : vector<16xf32>
        %swap3A_546 = arith.index_cast %add3A_220 : i32 to index
        %swap3A_547 = arith.constant 96 : index
        %swap3A_548 = tpu.vector_load %arg20[%swap3A_546, %swap3A_547] {strides = array<i32>} : memref<40x128xf32, #tpu.memory_space<vmem>>, vector<1x16xf32>,
        %swap3A_549 = vector.shape_cast %swap3A_548 : vector<1x16xf32> to vector<16xf32>
        %swap3A_550 = vector.shape_cast %max3A_545 : vector<16xf32> to vector<1x16xf32>
        tpu.vector_store %arg20[%swap3A_546, %swap3A_547], %swap3A_550 {strides = array<i32>} : memref<40x128xf32, #tpu.memory_space<vmem>>, vector<1x16xf32>,
        %get3A_551 = arith.index_cast %scan3A_218 : i32 to index
        %get3A_552 = arith.constant 112 : index
        %get3A_553 = tpu.vector_load %arg18[%get3A_551, %get3A_552] {strides = array<i32>} : memref<20x128xi32, #tpu.memory_space<vmem>>, vector<1x16xi32>,
        %get3A_554 = vector.shape_cast %get3A_553 : vector<1x16xi32> to vector<16xi32>
        %shift_left3A_555 = arith.constant 16 : i32
        %shift_left3A_556 = vector.broadcast %shift_left3A_555 : i32 to vector<16xi32>
        %shift_left3A_557 = arith.shli %get3A_554, %shift_left3A_556 : vector<16xi32>
        %bitcast_convert_type3A_558 = tpu.bitcast %shift_left3A_557 : vector<16xi32> -> vector<16xf32>
        %and3A_559 = arith.constant -65536 : i32
        %and3A_560 = vector.broadcast %and3A_559 : i32 to vector<16xi32>
        %and3A_561 = arith.andi %get3A_554, %and3A_560 : vector<16xi32>
        %bitcast_convert_type3A_562 = tpu.bitcast %and3A_561 : vector<16xi32> -> vector<16xf32>
        %get3A_563 = arith.index_cast %scan3A_218 : i32 to index
        %get3A_564 = arith.constant 112 : index
        %get3A_565 = tpu.vector_load %arg14[%get3A_563, %get3A_564] {strides = array<i32>} : memref<40x128xf32, #tpu.memory_space<vmem>>, vector<1x16xf32>,
        %get3A_566 = vector.shape_cast %get3A_565 : vector<1x16xf32> to vector<16xf32>
        %get3A_567 = arith.index_cast %scan3A_218 : i32 to index
        %get3A_568 = arith.constant 112 : index
        %get3A_569 = tpu.vector_load %arg16[%get3A_567, %get3A_568] {strides = array<i32>} : memref<40x128xf32, #tpu.memory_space<vmem>>, vector<1x16xf32>,
        %get3A_570 = vector.shape_cast %get3A_569 : vector<1x16xf32> to vector<16xf32>
        %add3A_571 = arith.addf %get3A_566, %get3A_570 : vector<16xf32>
        %add3A_572 = arith.addf %add3A_571, %bitcast_convert_type3A_558 : vector<16xf32>
        %max3A_573 = arith.constant 0.000000e+00 : f32
        %max3A_574 = vector.broadcast %max3A_573 : f32 to vector<16xf32>
        %max3A_575 = arith.maximumf %add3A_572, %max3A_574 : vector<16xf32>
        %swap3A_576 = arith.index_cast %scan3A_218 : i32 to index
        %swap3A_577 = arith.constant 112 : index
        %swap3A_578 = tpu.vector_load %arg20[%swap3A_576, %swap3A_577] {strides = array<i32>} : memref<40x128xf32, #tpu.memory_space<vmem>>, vector<1x16xf32>,
        %swap3A_579 = vector.shape_cast %swap3A_578 : vector<1x16xf32> to vector<16xf32>
        %swap3A_580 = vector.shape_cast %max3A_575 : vector<16xf32> to vector<1x16xf32>
        tpu.vector_store %arg20[%swap3A_576, %swap3A_577], %swap3A_580 {strides = array<i32>} : memref<40x128xf32, #tpu.memory_space<vmem>>, vector<1x16xf32>,
        %get3A_581 = arith.index_cast %add3A_220 : i32 to index
        %get3A_582 = arith.constant 112 : index
        %get3A_583 = tpu.vector_load %arg14[%get3A_581, %get3A_582] {strides = array<i32>} : memref<40x128xf32, #tpu.memory_space<vmem>>, vector<1x16xf32>,
        %get3A_584 = vector.shape_cast %get3A_583 : vector<1x16xf32> to vector<16xf32>
        %get3A_585 = arith.index_cast %add3A_220 : i32 to index
        %get3A_586 = arith.constant 112 : index
        %get3A_587 = tpu.vector_load %arg16[%get3A_585, %get3A_586] {strides = array<i32>} : memref<40x128xf32, #tpu.memory_space<vmem>>, vector<1x16xf32>,
        %get3A_588 = vector.shape_cast %get3A_587 : vector<1x16xf32> to vector<16xf32>
        %add3A_589 = arith.addf %get3A_584, %get3A_588 : vector<16xf32>
        %add3A_590 = arith.addf %add3A_589, %bitcast_convert_type3A_562 : vector<16xf32>
        %max3A_591 = arith.constant 0.000000e+00 : f32
        %max3A_592 = vector.broadcast %max3A_591 : f32 to vector<16xf32>
        %max3A_593 = arith.maximumf %add3A_590, %max3A_592 : vector<16xf32>
        %swap3A_594 = arith.index_cast %add3A_220 : i32 to index
        %swap3A_595 = arith.constant 112 : index
        %swap3A_596 = tpu.vector_load %arg20[%swap3A_594, %swap3A_595] {strides = array<i32>} : memref<40x128xf32, #tpu.memory_space<vmem>>, vector<1x16xf32>,
        %swap3A_597 = vector.shape_cast %swap3A_596 : vector<1x16xf32> to vector<16xf32>
        %swap3A_598 = vector.shape_cast %max3A_593 : vector<16xf32> to vector<1x16xf32>
        tpu.vector_store %arg20[%swap3A_594, %swap3A_595], %swap3A_598 {strides = array<i32>} : memref<40x128xf32, #tpu.memory_space<vmem>>, vector<1x16xf32>,
      }
      %scan3A_147 = arith.constant 20 : i32
      %dma_wait3A_148 = arith.constant 0 : i32
      %dma_wait3A_149 = arith.constant 0 : i32
      %dma_wait3A_150 = arith.constant 0 : i32
      %dma_wait3A_151 = tpu.memref_slice %arg6[%dma_wait3A_148, %dma_wait3A_149, %dma_wait3A_150] : memref<32x250x40xi32, #tpu.memory_space<hbm>> -> memref<1x1x40xi32, #tpu.memory_space<hbm>>
      %dma_wait3A_152 = tpu.memref_squeeze %dma_wait3A_151 : memref<1x1x40xi32, #tpu.memory_space<hbm>> -> memref<40xi32, #tpu.memory_space<hbm>>
      %dma_wait3A_153 = arith.constant 0 : i32
      %dma_wait3A_154 = tpu.memref_slice %arg6[%dma_wait3A_148, %dma_wait3A_149, %dma_wait3A_153] : memref<32x250x40xi32, #tpu.memory_space<hbm>> -> memref<1x1x40xi32, #tpu.memory_space<hbm>>
      %dma_wait3A_155 = tpu.memref_squeeze %dma_wait3A_154 : memref<1x1x40xi32, #tpu.memory_space<hbm>> -> memref<40xi32, #tpu.memory_space<hbm>>
      tpu.wait_dma2 semaphore(%arg27 : memref<!tpu.dma_semaphore, #tpu.memory_space<semaphore_mem>>) src(%dma_wait3A_155 : memref<40xi32, #tpu.memory_space<hbm>>) dst(%arg12 : memref<40xi32, #tpu.memory_space<vmem>>)
      %dma_start3A_156 = arith.constant 0 : i32
      %dma_start3A_157 = arith.constant 0 : i32
      %dma_start3A_158 = tpu.memref_slice %arg22[%dma_start3A_156, %dma_start3A_157] : memref<10000x128xf32, #tpu.memory_space<vmem_shared>> -> memref<10000x128xf32, #tpu.memory_space<vmem_shared>>
      tpu.enqueue_indirect_dma source(%arg20 : memref<40x128xf32, #tpu.memory_space<vmem>>) target(%dma_start3A_158 : memref<10000x128xf32, #tpu.memory_space<vmem_shared>>) offsets(%arg12 : memref<40xi32, #tpu.memory_space<vmem>>) semaphore(%arg35 : memref<!tpu.dma_semaphore, #tpu.memory_space<semaphore_mem>>) {add = true}
      %add3A_159 = arith.constant 1 : i32
      %add3A_160 = arith.addi %mul3A_103, %add3A_159 : i32
      %dma_wait3A_161 = arith.constant 0 : i32
      %dma_wait3A_162 = arith.constant 0 : i32
      %dma_wait3A_163 = tpu.memref_slice %arg2[%dma_wait3A_161, %dma_wait3A_162] : memref<10000x128xf32, #tpu.memory_space<hbm>> -> memref<40x128xf32, #tpu.memory_space<hbm>>
      %dma_wait3A_164 = arith.constant 0 : i32
      %dma_wait3A_165 = arith.constant 0 : i32
      %dma_wait3A_166 = tpu.memref_slice %arg2[%dma_wait3A_164, %dma_wait3A_165] : memref<10000x128xf32, #tpu.memory_space<hbm>> -> memref<40x128xf32, #tpu.memory_space<hbm>>
      tpu.wait_dma2 semaphore(%arg30 : memref<!tpu.dma_semaphore, #tpu.memory_space<semaphore_mem>>) src(%dma_wait3A_166 : memref<40x128xf32, #tpu.memory_space<hbm>>) dst(%arg15 : memref<40x128xf32, #tpu.memory_space<vmem>>)
      %dma_wait3A_167 = arith.constant 0 : i32
      %dma_wait3A_168 = arith.constant 0 : i32
      %dma_wait3A_169 = tpu.memref_slice %arg3[%dma_wait3A_167, %dma_wait3A_168] : memref<10000x128xf32, #tpu.memory_space<hbm>> -> memref<40x128xf32, #tpu.memory_space<hbm>>
      %dma_wait3A_170 = arith.constant 0 : i32
      %dma_wait3A_171 = arith.constant 0 : i32
      %dma_wait3A_172 = tpu.memref_slice %arg3[%dma_wait3A_170, %dma_wait3A_171] : memref<10000x128xf32, #tpu.memory_space<hbm>> -> memref<40x128xf32, #tpu.memory_space<hbm>>
      tpu.wait_dma2 semaphore(%arg32 : memref<!tpu.dma_semaphore, #tpu.memory_space<semaphore_mem>>) src(%dma_wait3A_172 : memref<40x128xf32, #tpu.memory_space<hbm>>) dst(%arg17 : memref<40x128xf32, #tpu.memory_space<vmem>>)
      %dma_wait3A_173 = arith.constant 0 : i32
      %dma_wait3A_174 = arith.constant 0 : i32
      %dma_wait3A_175 = arith.constant 0 : i32
      %dma_wait3A_176 = tpu.memref_slice %arg4[%dma_wait3A_173, %dma_wait3A_174, %dma_wait3A_175] : memref<8000x20x128xi32, #tpu.memory_space<hbm>> -> memref<1x20x128xi32, #tpu.memory_space<hbm>>
      %dma_wait3A_177 = tpu.memref_squeeze %dma_wait3A_176 : memref<1x20x128xi32, #tpu.memory_space<hbm>> -> memref<20x128xi32, #tpu.memory_space<hbm>>
      %dma_wait3A_178 = arith.constant 0 : i32
      %dma_wait3A_179 = arith.constant 0 : i32
      %dma_wait3A_180 = tpu.memref_slice %arg4[%dma_wait3A_173, %dma_wait3A_178, %dma_wait3A_179] : memref<8000x20x128xi32, #tpu.memory_space<hbm>> -> memref<1x20x128xi32, #tpu.memory_space<hbm>>
      %dma_wait3A_181 = tpu.memref_squeeze %dma_wait3A_180 : memref<1x20x128xi32, #tpu.memory_space<hbm>> -> memref<20x128xi32, #tpu.memory_space<hbm>>
      tpu.wait_dma2 semaphore(%arg34 : memref<!tpu.dma_semaphore, #tpu.memory_space<semaphore_mem>>) src(%dma_wait3A_181 : memref<20x128xi32, #tpu.memory_space<hbm>>) dst(%arg19 : memref<20x128xi32, #tpu.memory_space<vmem>>)
      %gt3A_182 = arith.constant 0 : i32
      %gt3A_183 = arith.cmpi sgt, %add3A_160, %gt3A_182 : i32
      %convert_element_type3A_184 = arith.extui %gt3A_183 : i1 to i32
      %cond3A_185 = arith.constant 0 : i32
      %cond3A_186 = arith.cmpi ne, %convert_element_type3A_184, %cond3A_185 : i32
      scf.if %cond3A_186 {
        %dma_wait3A_218 = arith.constant 0 : i32
        %dma_wait3A_219 = arith.constant 0 : i32
        %dma_wait3A_220 = tpu.memref_slice %arg22[%dma_wait3A_218, %dma_wait3A_219] : memref<10000x128xf32, #tpu.memory_space<vmem_shared>> -> memref<40x128xf32, #tpu.memory_space<vmem_shared>>
        %dma_wait3A_221 = arith.constant 0 : i32
        %dma_wait3A_222 = arith.constant 0 : i32
        %dma_wait3A_223 = tpu.memref_slice %arg22[%dma_wait3A_221, %dma_wait3A_222] : memref<10000x128xf32, #tpu.memory_space<vmem_shared>> -> memref<40x128xf32, #tpu.memory_space<vmem_shared>>
        tpu.wait_dma2 semaphore(%arg35 : memref<!tpu.dma_semaphore, #tpu.memory_space<semaphore_mem>>) src(%arg20 : memref<40x128xf32, #tpu.memory_space<vmem>>) dst(%dma_wait3A_223 : memref<40x128xf32, #tpu.memory_space<vmem_shared>>)
      } else {
      }
      %add3A_187 = arith.constant 2 : i32
      %add3A_188 = arith.addi %add3A_160, %add3A_187 : i32
      %lt3A_189 = arith.constant 250 : i32
      %lt3A_190 = arith.cmpi slt, %add3A_188, %lt3A_189 : i32
      %convert_element_type3A_191 = arith.extui %lt3A_190 : i1 to i32
      %cond3A_192 = arith.constant 0 : i32
      %cond3A_193 = arith.cmpi ne, %convert_element_type3A_191, %cond3A_192 : i32
      scf.if %cond3A_193 {
        %add3A_218 = arith.constant 2 : i32
        %add3A_219 = arith.addi %add3A_160, %add3A_218 : i32
        %dma_start3A_220 = arith.constant 0 : i32
        %dma_start3A_221 = tpu.memref_slice %arg5[%add3A, %add3A_219, %dma_start3A_220] : memref<32x250x40xi32, #tpu.memory_space<hbm>> -> memref<1x1x40xi32, #tpu.memory_space<hbm>>
        %dma_start3A_222 = tpu.memref_squeeze %dma_start3A_221 : memref<1x1x40xi32, #tpu.memory_space<hbm>> -> memref<40xi32, #tpu.memory_space<hbm>>
        %dma_start3A_223 = arith.constant 0 : i32
        %dma_start3A_224 = tpu.memref_slice %arg5[%add3A, %add3A_219, %dma_start3A_223] : memref<32x250x40xi32, #tpu.memory_space<hbm>> -> memref<1x1x40xi32, #tpu.memory_space<hbm>>
        %dma_start3A_225 = tpu.memref_squeeze %dma_start3A_224 : memref<1x1x40xi32, #tpu.memory_space<hbm>> -> memref<40xi32, #tpu.memory_space<hbm>>
        tpu.enqueue_dma source(%dma_start3A_225 : memref<40xi32, #tpu.memory_space<hbm>>) target(%arg9 : memref<40xi32, #tpu.memory_space<vmem>>) target_semaphore(%arg24 : memref<!tpu.dma_semaphore, #tpu.memory_space<semaphore_mem>>)
        %dma_start3A_226 = arith.constant 0 : i32
        %dma_start3A_227 = tpu.memref_slice %arg6[%add3A, %add3A_219, %dma_start3A_226] : memref<32x250x40xi32, #tpu.memory_space<hbm>> -> memref<1x1x40xi32, #tpu.memory_space<hbm>>
        %dma_start3A_228 = tpu.memref_squeeze %dma_start3A_227 : memref<1x1x40xi32, #tpu.memory_space<hbm>> -> memref<40xi32, #tpu.memory_space<hbm>>
        %dma_start3A_229 = arith.constant 0 : i32
        %dma_start3A_230 = tpu.memref_slice %arg6[%add3A, %add3A_219, %dma_start3A_229] : memref<32x250x40xi32, #tpu.memory_space<hbm>> -> memref<1x1x40xi32, #tpu.memory_space<hbm>>
        %dma_start3A_231 = tpu.memref_squeeze %dma_start3A_230 : memref<1x1x40xi32, #tpu.memory_space<hbm>> -> memref<40xi32, #tpu.memory_space<hbm>>
        tpu.enqueue_dma source(%dma_start3A_231 : memref<40xi32, #tpu.memory_space<hbm>>) target(%arg11 : memref<40xi32, #tpu.memory_space<vmem>>) target_semaphore(%arg26 : memref<!tpu.dma_semaphore, #tpu.memory_space<semaphore_mem>>)
      } else {
      }
      %add3A_194 = arith.constant 1 : i32
      %add3A_195 = arith.addi %add3A_160, %add3A_194 : i32
      %lt3A_196 = arith.constant 250 : i32
      %lt3A_197 = arith.cmpi slt, %add3A_195, %lt3A_196 : i32
      %convert_element_type3A_198 = arith.extui %lt3A_197 : i1 to i32
      %cond3A_199 = arith.constant 0 : i32
      %cond3A_200 = arith.cmpi ne, %convert_element_type3A_198, %cond3A_199 : i32
      scf.if %cond3A_200 {
        %add3A_218 = arith.constant 1 : i32
        %add3A_219 = arith.addi %add3A_160, %add3A_218 : i32
        %dma_start3A_220 = arith.constant 0 : i32
        %dma_start3A_221 = tpu.memref_slice %arg6[%add3A, %add3A_219, %dma_start3A_220] : memref<32x250x40xi32, #tpu.memory_space<hbm>> -> memref<1x1x40xi32, #tpu.memory_space<hbm>>
        %dma_start3A_222 = tpu.memref_squeeze %dma_start3A_221 : memref<1x1x40xi32, #tpu.memory_space<hbm>> -> memref<40xi32, #tpu.memory_space<hbm>>
        %dma_start3A_223 = arith.constant 0 : i32
        %dma_start3A_224 = tpu.memref_slice %arg6[%add3A, %add3A_219, %dma_start3A_223] : memref<32x250x40xi32, #tpu.memory_space<hbm>> -> memref<1x1x40xi32, #tpu.memory_space<hbm>>
        %dma_start3A_225 = tpu.memref_squeeze %dma_start3A_224 : memref<1x1x40xi32, #tpu.memory_space<hbm>> -> memref<40xi32, #tpu.memory_space<hbm>>
        tpu.enqueue_dma source(%dma_start3A_225 : memref<40xi32, #tpu.memory_space<hbm>>) target(%arg12 : memref<40xi32, #tpu.memory_space<vmem>>) target_semaphore(%arg27 : memref<!tpu.dma_semaphore, #tpu.memory_space<semaphore_mem>>)
        %dma_wait3A_226 = arith.constant 0 : i32
        %dma_wait3A_227 = arith.constant 0 : i32
        %dma_wait3A_228 = arith.constant 0 : i32
        %dma_wait3A_229 = tpu.memref_slice %arg5[%dma_wait3A_226, %dma_wait3A_227, %dma_wait3A_228] : memref<32x250x40xi32, #tpu.memory_space<hbm>> -> memref<1x1x40xi32, #tpu.memory_space<hbm>>
        %dma_wait3A_230 = tpu.memref_squeeze %dma_wait3A_229 : memref<1x1x40xi32, #tpu.memory_space<hbm>> -> memref<40xi32, #tpu.memory_space<hbm>>
        %dma_wait3A_231 = arith.constant 0 : i32
        %dma_wait3A_232 = tpu.memref_slice %arg5[%dma_wait3A_226, %dma_wait3A_227, %dma_wait3A_231] : memref<32x250x40xi32, #tpu.memory_space<hbm>> -> memref<1x1x40xi32, #tpu.memory_space<hbm>>
        %dma_wait3A_233 = tpu.memref_squeeze %dma_wait3A_232 : memref<1x1x40xi32, #tpu.memory_space<hbm>> -> memref<40xi32, #tpu.memory_space<hbm>>
        tpu.wait_dma2 semaphore(%arg23 : memref<!tpu.dma_semaphore, #tpu.memory_space<semaphore_mem>>) src(%dma_wait3A_233 : memref<40xi32, #tpu.memory_space<hbm>>) dst(%arg8 : memref<40xi32, #tpu.memory_space<vmem>>)
        %dma_wait3A_234 = arith.constant 0 : i32
        %dma_wait3A_235 = arith.constant 0 : i32
        %dma_wait3A_236 = arith.constant 0 : i32
        %dma_wait3A_237 = tpu.memref_slice %arg6[%dma_wait3A_234, %dma_wait3A_235, %dma_wait3A_236] : memref<32x250x40xi32, #tpu.memory_space<hbm>> -> memref<1x1x40xi32, #tpu.memory_space<hbm>>
        %dma_wait3A_238 = tpu.memref_squeeze %dma_wait3A_237 : memref<1x1x40xi32, #tpu.memory_space<hbm>> -> memref<40xi32, #tpu.memory_space<hbm>>
        %dma_wait3A_239 = arith.constant 0 : i32
        %dma_wait3A_240 = tpu.memref_slice %arg6[%dma_wait3A_234, %dma_wait3A_235, %dma_wait3A_239] : memref<32x250x40xi32, #tpu.memory_space<hbm>> -> memref<1x1x40xi32, #tpu.memory_space<hbm>>
        %dma_wait3A_241 = tpu.memref_squeeze %dma_wait3A_240 : memref<1x1x40xi32, #tpu.memory_space<hbm>> -> memref<40xi32, #tpu.memory_space<hbm>>
        tpu.wait_dma2 semaphore(%arg25 : memref<!tpu.dma_semaphore, #tpu.memory_space<semaphore_mem>>) src(%dma_wait3A_241 : memref<40xi32, #tpu.memory_space<hbm>>) dst(%arg10 : memref<40xi32, #tpu.memory_space<vmem>>)
        %add3A_242 = arith.constant 1 : i32
        %add3A_243 = arith.addi %add3A_160, %add3A_242 : i32
        %dma_start3A_244 = arith.constant 0 : i32
        %dma_start3A_245 = arith.constant 0 : i32
        %dma_start3A_246 = tpu.memref_slice %arg2[%dma_start3A_244, %dma_start3A_245] : memref<10000x128xf32, #tpu.memory_space<hbm>> -> memref<10000x128xf32, #tpu.memory_space<hbm>>
        tpu.enqueue_indirect_dma source(%dma_start3A_246 : memref<10000x128xf32, #tpu.memory_space<hbm>>) target(%arg14 : memref<40x128xf32, #tpu.memory_space<vmem>>) offsets(%arg8 : memref<40xi32, #tpu.memory_space<vmem>>) semaphore(%arg29 : memref<!tpu.dma_semaphore, #tpu.memory_space<semaphore_mem>>)
        %dma_start3A_247 = arith.constant 0 : i32
        %dma_start3A_248 = arith.constant 0 : i32
        %dma_start3A_249 = tpu.memref_slice %arg3[%dma_start3A_247, %dma_start3A_248] : memref<10000x128xf32, #tpu.memory_space<hbm>> -> memref<10000x128xf32, #tpu.memory_space<hbm>>
        tpu.enqueue_indirect_dma source(%dma_start3A_249 : memref<10000x128xf32, #tpu.memory_space<hbm>>) target(%arg16 : memref<40x128xf32, #tpu.memory_space<vmem>>) offsets(%arg10 : memref<40xi32, #tpu.memory_space<vmem>>) semaphore(%arg31 : memref<!tpu.dma_semaphore, #tpu.memory_space<semaphore_mem>>)
        %mul3A_250 = arith.constant 250 : i32
        %mul3A_251 = arith.muli %add3A, %mul3A_250 : i32
        %add3A_252 = arith.addi %mul3A_251, %add3A_243 : i32
        %dma_start3A_253 = arith.constant 0 : i32
        %dma_start3A_254 = arith.constant 0 : i32
        %dma_start3A_255 = tpu.memref_slice %arg4[%add3A_252, %dma_start3A_253, %dma_start3A_254] : memref<8000x20x128xi32, #tpu.memory_space<hbm>> -> memref<1x20x128xi32, #tpu.memory_space<hbm>>
        %dma_start3A_256 = tpu.memref_squeeze %dma_start3A_255 : memref<1x20x128xi32, #tpu.memory_space<hbm>> -> memref<20x128xi32, #tpu.memory_space<hbm>>
        %dma_start3A_257 = arith.constant 0 : i32
        %dma_start3A_258 = arith.constant 0 : i32
        %dma_start3A_259 = tpu.memref_slice %arg4[%add3A_252, %dma_start3A_257, %dma_start3A_258] : memref<8000x20x128xi32, #tpu.memory_space<hbm>> -> memref<1x20x128xi32, #tpu.memory_space<hbm>>
        %dma_start3A_260 = tpu.memref_squeeze %dma_start3A_259 : memref<1x20x128xi32, #tpu.memory_space<hbm>> -> memref<20x128xi32, #tpu.memory_space<hbm>>
        tpu.enqueue_dma source(%dma_start3A_260 : memref<20x128xi32, #tpu.memory_space<hbm>>) target(%arg18 : memref<20x128xi32, #tpu.memory_space<vmem>>) target_semaphore(%arg33 : memref<!tpu.dma_semaphore, #tpu.memory_space<semaphore_mem>>)
      } else {
      }
      %scan3A_201 = arith.constant 0 : i32
      %scan3A_202 = arith.constant 0 : i32
      %scan3A_203 = arith.constant 20 : i32
      %scan3A_204 = arith.addi %scan3A_202, %scan3A_203 : i32
      %scan3A_205 = arith.constant 1 : i32
      scf.for %scan3A_218 = %scan3A_202 to %scan3A_204 step %scan3A_205  : i32 {
        %add3A_219 = arith.constant 20 : i32
        %add3A_220 = arith.addi %scan3A_218, %add3A_219 : i32
        %get3A = arith.index_cast %scan3A_218 : i32 to index
        %get3A_221 = arith.constant 0 : index
        %get3A_222 = tpu.vector_load %arg19[%get3A, %get3A_221] {strides = array<i32>} : memref<20x128xi32, #tpu.memory_space<vmem>>, vector<1x16xi32>,
        %get3A_223 = vector.shape_cast %get3A_222 : vector<1x16xi32> to vector<16xi32>
        %shift_left3A = arith.constant 16 : i32
        %shift_left3A_224 = vector.broadcast %shift_left3A : i32 to vector<16xi32>
        %shift_left3A_225 = arith.shli %get3A_223, %shift_left3A_224 : vector<16xi32>
        %bitcast_convert_type3A = tpu.bitcast %shift_left3A_225 : vector<16xi32> -> vector<16xf32>
        %and3A = arith.constant -65536 : i32
        %and3A_226 = vector.broadcast %and3A : i32 to vector<16xi32>
        %and3A_227 = arith.andi %get3A_223, %and3A_226 : vector<16xi32>
        %bitcast_convert_type3A_228 = tpu.bitcast %and3A_227 : vector<16xi32> -> vector<16xf32>
        %get3A_229 = arith.index_cast %scan3A_218 : i32 to index
        %get3A_230 = arith.constant 0 : index
        %get3A_231 = tpu.vector_load %arg15[%get3A_229, %get3A_230] {strides = array<i32>} : memref<40x128xf32, #tpu.memory_space<vmem>>, vector<1x16xf32>,
        %get3A_232 = vector.shape_cast %get3A_231 : vector<1x16xf32> to vector<16xf32>
        %get3A_233 = arith.index_cast %scan3A_218 : i32 to index
        %get3A_234 = arith.constant 0 : index
        %get3A_235 = tpu.vector_load %arg17[%get3A_233, %get3A_234] {strides = array<i32>} : memref<40x128xf32, #tpu.memory_space<vmem>>, vector<1x16xf32>,
        %get3A_236 = vector.shape_cast %get3A_235 : vector<1x16xf32> to vector<16xf32>
        %add3A_237 = arith.addf %get3A_232, %get3A_236 : vector<16xf32>
        %add3A_238 = arith.addf %add3A_237, %bitcast_convert_type3A : vector<16xf32>
        %max3A = arith.constant 0.000000e+00 : f32
        %max3A_239 = vector.broadcast %max3A : f32 to vector<16xf32>
        %max3A_240 = arith.maximumf %add3A_238, %max3A_239 : vector<16xf32>
        %swap3A = arith.index_cast %scan3A_218 : i32 to index
        %swap3A_241 = arith.constant 0 : index
        %swap3A_242 = tpu.vector_load %arg21[%swap3A, %swap3A_241] {strides = array<i32>} : memref<40x128xf32, #tpu.memory_space<vmem>>, vector<1x16xf32>,
        %swap3A_243 = vector.shape_cast %swap3A_242 : vector<1x16xf32> to vector<16xf32>
        %swap3A_244 = vector.shape_cast %max3A_240 : vector<16xf32> to vector<1x16xf32>
        tpu.vector_store %arg21[%swap3A, %swap3A_241], %swap3A_244 {strides = array<i32>} : memref<40x128xf32, #tpu.memory_space<vmem>>, vector<1x16xf32>,
        %get3A_245 = arith.index_cast %add3A_220 : i32 to index
        %get3A_246 = arith.constant 0 : index
        %get3A_247 = tpu.vector_load %arg15[%get3A_245, %get3A_246] {strides = array<i32>} : memref<40x128xf32, #tpu.memory_space<vmem>>, vector<1x16xf32>,
        %get3A_248 = vector.shape_cast %get3A_247 : vector<1x16xf32> to vector<16xf32>
        %get3A_249 = arith.index_cast %add3A_220 : i32 to index
        %get3A_250 = arith.constant 0 : index
        %get3A_251 = tpu.vector_load %arg17[%get3A_249, %get3A_250] {strides = array<i32>} : memref<40x128xf32, #tpu.memory_space<vmem>>, vector<1x16xf32>,
        %get3A_252 = vector.shape_cast %get3A_251 : vector<1x16xf32> to vector<16xf32>
        %add3A_253 = arith.addf %get3A_248, %get3A_252 : vector<16xf32>
        %add3A_254 = arith.addf %add3A_253, %bitcast_convert_type3A_228 : vector<16xf32>
        %max3A_255 = arith.constant 0.000000e+00 : f32
        %max3A_256 = vector.broadcast %max3A_255 : f32 to vector<16xf32>
        %max3A_257 = arith.maximumf %add3A_254, %max3A_256 : vector<16xf32>
        %swap3A_258 = arith.index_cast %add3A_220 : i32 to index
        %swap3A_259 = arith.constant 0 : index
        %swap3A_260 = tpu.vector_load %arg21[%swap3A_258, %swap3A_259] {strides = array<i32>} : memref<40x128xf32, #tpu.memory_space<vmem>>, vector<1x16xf32>,
        %swap3A_261 = vector.shape_cast %swap3A_260 : vector<1x16xf32> to vector<16xf32>
        %swap3A_262 = vector.shape_cast %max3A_257 : vector<16xf32> to vector<1x16xf32>
        tpu.vector_store %arg21[%swap3A_258, %swap3A_259], %swap3A_262 {strides = array<i32>} : memref<40x128xf32, #tpu.memory_space<vmem>>, vector<1x16xf32>,
        %get3A_263 = arith.index_cast %scan3A_218 : i32 to index
        %get3A_264 = arith.constant 16 : index
        %get3A_265 = tpu.vector_load %arg19[%get3A_263, %get3A_264] {strides = array<i32>} : memref<20x128xi32, #tpu.memory_space<vmem>>, vector<1x16xi32>,
        %get3A_266 = vector.shape_cast %get3A_265 : vector<1x16xi32> to vector<16xi32>
        %shift_left3A_267 = arith.constant 16 : i32
        %shift_left3A_268 = vector.broadcast %shift_left3A_267 : i32 to vector<16xi32>
        %shift_left3A_269 = arith.shli %get3A_266, %shift_left3A_268 : vector<16xi32>
        %bitcast_convert_type3A_270 = tpu.bitcast %shift_left3A_269 : vector<16xi32> -> vector<16xf32>
        %and3A_271 = arith.constant -65536 : i32
        %and3A_272 = vector.broadcast %and3A_271 : i32 to vector<16xi32>
        %and3A_273 = arith.andi %get3A_266, %and3A_272 : vector<16xi32>
        %bitcast_convert_type3A_274 = tpu.bitcast %and3A_273 : vector<16xi32> -> vector<16xf32>
        %get3A_275 = arith.index_cast %scan3A_218 : i32 to index
        %get3A_276 = arith.constant 16 : index
        %get3A_277 = tpu.vector_load %arg15[%get3A_275, %get3A_276] {strides = array<i32>} : memref<40x128xf32, #tpu.memory_space<vmem>>, vector<1x16xf32>,
        %get3A_278 = vector.shape_cast %get3A_277 : vector<1x16xf32> to vector<16xf32>
        %get3A_279 = arith.index_cast %scan3A_218 : i32 to index
        %get3A_280 = arith.constant 16 : index
        %get3A_281 = tpu.vector_load %arg17[%get3A_279, %get3A_280] {strides = array<i32>} : memref<40x128xf32, #tpu.memory_space<vmem>>, vector<1x16xf32>,
        %get3A_282 = vector.shape_cast %get3A_281 : vector<1x16xf32> to vector<16xf32>
        %add3A_283 = arith.addf %get3A_278, %get3A_282 : vector<16xf32>
        %add3A_284 = arith.addf %add3A_283, %bitcast_convert_type3A_270 : vector<16xf32>
        %max3A_285 = arith.constant 0.000000e+00 : f32
        %max3A_286 = vector.broadcast %max3A_285 : f32 to vector<16xf32>
        %max3A_287 = arith.maximumf %add3A_284, %max3A_286 : vector<16xf32>
        %swap3A_288 = arith.index_cast %scan3A_218 : i32 to index
        %swap3A_289 = arith.constant 16 : index
        %swap3A_290 = tpu.vector_load %arg21[%swap3A_288, %swap3A_289] {strides = array<i32>} : memref<40x128xf32, #tpu.memory_space<vmem>>, vector<1x16xf32>,
        %swap3A_291 = vector.shape_cast %swap3A_290 : vector<1x16xf32> to vector<16xf32>
        %swap3A_292 = vector.shape_cast %max3A_287 : vector<16xf32> to vector<1x16xf32>
        tpu.vector_store %arg21[%swap3A_288, %swap3A_289], %swap3A_292 {strides = array<i32>} : memref<40x128xf32, #tpu.memory_space<vmem>>, vector<1x16xf32>,
        %get3A_293 = arith.index_cast %add3A_220 : i32 to index
        %get3A_294 = arith.constant 16 : index
        %get3A_295 = tpu.vector_load %arg15[%get3A_293, %get3A_294] {strides = array<i32>} : memref<40x128xf32, #tpu.memory_space<vmem>>, vector<1x16xf32>,
        %get3A_296 = vector.shape_cast %get3A_295 : vector<1x16xf32> to vector<16xf32>
        %get3A_297 = arith.index_cast %add3A_220 : i32 to index
        %get3A_298 = arith.constant 16 : index
        %get3A_299 = tpu.vector_load %arg17[%get3A_297, %get3A_298] {strides = array<i32>} : memref<40x128xf32, #tpu.memory_space<vmem>>, vector<1x16xf32>,
        %get3A_300 = vector.shape_cast %get3A_299 : vector<1x16xf32> to vector<16xf32>
        %add3A_301 = arith.addf %get3A_296, %get3A_300 : vector<16xf32>
        %add3A_302 = arith.addf %add3A_301, %bitcast_convert_type3A_274 : vector<16xf32>
        %max3A_303 = arith.constant 0.000000e+00 : f32
        %max3A_304 = vector.broadcast %max3A_303 : f32 to vector<16xf32>
        %max3A_305 = arith.maximumf %add3A_302, %max3A_304 : vector<16xf32>
        %swap3A_306 = arith.index_cast %add3A_220 : i32 to index
        %swap3A_307 = arith.constant 16 : index
        %swap3A_308 = tpu.vector_load %arg21[%swap3A_306, %swap3A_307] {strides = array<i32>} : memref<40x128xf32, #tpu.memory_space<vmem>>, vector<1x16xf32>,
        %swap3A_309 = vector.shape_cast %swap3A_308 : vector<1x16xf32> to vector<16xf32>
        %swap3A_310 = vector.shape_cast %max3A_305 : vector<16xf32> to vector<1x16xf32>
        tpu.vector_store %arg21[%swap3A_306, %swap3A_307], %swap3A_310 {strides = array<i32>} : memref<40x128xf32, #tpu.memory_space<vmem>>, vector<1x16xf32>,
        %get3A_311 = arith.index_cast %scan3A_218 : i32 to index
        %get3A_312 = arith.constant 32 : index
        %get3A_313 = tpu.vector_load %arg19[%get3A_311, %get3A_312] {strides = array<i32>} : memref<20x128xi32, #tpu.memory_space<vmem>>, vector<1x16xi32>,
        %get3A_314 = vector.shape_cast %get3A_313 : vector<1x16xi32> to vector<16xi32>
        %shift_left3A_315 = arith.constant 16 : i32
        %shift_left3A_316 = vector.broadcast %shift_left3A_315 : i32 to vector<16xi32>
        %shift_left3A_317 = arith.shli %get3A_314, %shift_left3A_316 : vector<16xi32>
        %bitcast_convert_type3A_318 = tpu.bitcast %shift_left3A_317 : vector<16xi32> -> vector<16xf32>
        %and3A_319 = arith.constant -65536 : i32
        %and3A_320 = vector.broadcast %and3A_319 : i32 to vector<16xi32>
        %and3A_321 = arith.andi %get3A_314, %and3A_320 : vector<16xi32>
        %bitcast_convert_type3A_322 = tpu.bitcast %and3A_321 : vector<16xi32> -> vector<16xf32>
        %get3A_323 = arith.index_cast %scan3A_218 : i32 to index
        %get3A_324 = arith.constant 32 : index
        %get3A_325 = tpu.vector_load %arg15[%get3A_323, %get3A_324] {strides = array<i32>} : memref<40x128xf32, #tpu.memory_space<vmem>>, vector<1x16xf32>,
        %get3A_326 = vector.shape_cast %get3A_325 : vector<1x16xf32> to vector<16xf32>
        %get3A_327 = arith.index_cast %scan3A_218 : i32 to index
        %get3A_328 = arith.constant 32 : index
        %get3A_329 = tpu.vector_load %arg17[%get3A_327, %get3A_328] {strides = array<i32>} : memref<40x128xf32, #tpu.memory_space<vmem>>, vector<1x16xf32>,
        %get3A_330 = vector.shape_cast %get3A_329 : vector<1x16xf32> to vector<16xf32>
        %add3A_331 = arith.addf %get3A_326, %get3A_330 : vector<16xf32>
        %add3A_332 = arith.addf %add3A_331, %bitcast_convert_type3A_318 : vector<16xf32>
        %max3A_333 = arith.constant 0.000000e+00 : f32
        %max3A_334 = vector.broadcast %max3A_333 : f32 to vector<16xf32>
        %max3A_335 = arith.maximumf %add3A_332, %max3A_334 : vector<16xf32>
        %swap3A_336 = arith.index_cast %scan3A_218 : i32 to index
        %swap3A_337 = arith.constant 32 : index
        %swap3A_338 = tpu.vector_load %arg21[%swap3A_336, %swap3A_337] {strides = array<i32>} : memref<40x128xf32, #tpu.memory_space<vmem>>, vector<1x16xf32>,
        %swap3A_339 = vector.shape_cast %swap3A_338 : vector<1x16xf32> to vector<16xf32>
        %swap3A_340 = vector.shape_cast %max3A_335 : vector<16xf32> to vector<1x16xf32>
        tpu.vector_store %arg21[%swap3A_336, %swap3A_337], %swap3A_340 {strides = array<i32>} : memref<40x128xf32, #tpu.memory_space<vmem>>, vector<1x16xf32>,
        %get3A_341 = arith.index_cast %add3A_220 : i32 to index
        %get3A_342 = arith.constant 32 : index
        %get3A_343 = tpu.vector_load %arg15[%get3A_341, %get3A_342] {strides = array<i32>} : memref<40x128xf32, #tpu.memory_space<vmem>>, vector<1x16xf32>,
        %get3A_344 = vector.shape_cast %get3A_343 : vector<1x16xf32> to vector<16xf32>
        %get3A_345 = arith.index_cast %add3A_220 : i32 to index
        %get3A_346 = arith.constant 32 : index
        %get3A_347 = tpu.vector_load %arg17[%get3A_345, %get3A_346] {strides = array<i32>} : memref<40x128xf32, #tpu.memory_space<vmem>>, vector<1x16xf32>,
        %get3A_348 = vector.shape_cast %get3A_347 : vector<1x16xf32> to vector<16xf32>
        %add3A_349 = arith.addf %get3A_344, %get3A_348 : vector<16xf32>
        %add3A_350 = arith.addf %add3A_349, %bitcast_convert_type3A_322 : vector<16xf32>
        %max3A_351 = arith.constant 0.000000e+00 : f32
        %max3A_352 = vector.broadcast %max3A_351 : f32 to vector<16xf32>
        %max3A_353 = arith.maximumf %add3A_350, %max3A_352 : vector<16xf32>
        %swap3A_354 = arith.index_cast %add3A_220 : i32 to index
        %swap3A_355 = arith.constant 32 : index
        %swap3A_356 = tpu.vector_load %arg21[%swap3A_354, %swap3A_355] {strides = array<i32>} : memref<40x128xf32, #tpu.memory_space<vmem>>, vector<1x16xf32>,
        %swap3A_357 = vector.shape_cast %swap3A_356 : vector<1x16xf32> to vector<16xf32>
        %swap3A_358 = vector.shape_cast %max3A_353 : vector<16xf32> to vector<1x16xf32>
        tpu.vector_store %arg21[%swap3A_354, %swap3A_355], %swap3A_358 {strides = array<i32>} : memref<40x128xf32, #tpu.memory_space<vmem>>, vector<1x16xf32>,
        %get3A_359 = arith.index_cast %scan3A_218 : i32 to index
        %get3A_360 = arith.constant 48 : index
        %get3A_361 = tpu.vector_load %arg19[%get3A_359, %get3A_360] {strides = array<i32>} : memref<20x128xi32, #tpu.memory_space<vmem>>, vector<1x16xi32>,
        %get3A_362 = vector.shape_cast %get3A_361 : vector<1x16xi32> to vector<16xi32>
        %shift_left3A_363 = arith.constant 16 : i32
        %shift_left3A_364 = vector.broadcast %shift_left3A_363 : i32 to vector<16xi32>
        %shift_left3A_365 = arith.shli %get3A_362, %shift_left3A_364 : vector<16xi32>
        %bitcast_convert_type3A_366 = tpu.bitcast %shift_left3A_365 : vector<16xi32> -> vector<16xf32>
        %and3A_367 = arith.constant -65536 : i32
        %and3A_368 = vector.broadcast %and3A_367 : i32 to vector<16xi32>
        %and3A_369 = arith.andi %get3A_362, %and3A_368 : vector<16xi32>
        %bitcast_convert_type3A_370 = tpu.bitcast %and3A_369 : vector<16xi32> -> vector<16xf32>
        %get3A_371 = arith.index_cast %scan3A_218 : i32 to index
        %get3A_372 = arith.constant 48 : index
        %get3A_373 = tpu.vector_load %arg15[%get3A_371, %get3A_372] {strides = array<i32>} : memref<40x128xf32, #tpu.memory_space<vmem>>, vector<1x16xf32>,
        %get3A_374 = vector.shape_cast %get3A_373 : vector<1x16xf32> to vector<16xf32>
        %get3A_375 = arith.index_cast %scan3A_218 : i32 to index
        %get3A_376 = arith.constant 48 : index
        %get3A_377 = tpu.vector_load %arg17[%get3A_375, %get3A_376] {strides = array<i32>} : memref<40x128xf32, #tpu.memory_space<vmem>>, vector<1x16xf32>,
        %get3A_378 = vector.shape_cast %get3A_377 : vector<1x16xf32> to vector<16xf32>
        %add3A_379 = arith.addf %get3A_374, %get3A_378 : vector<16xf32>
        %add3A_380 = arith.addf %add3A_379, %bitcast_convert_type3A_366 : vector<16xf32>
        %max3A_381 = arith.constant 0.000000e+00 : f32
        %max3A_382 = vector.broadcast %max3A_381 : f32 to vector<16xf32>
        %max3A_383 = arith.maximumf %add3A_380, %max3A_382 : vector<16xf32>
        %swap3A_384 = arith.index_cast %scan3A_218 : i32 to index
        %swap3A_385 = arith.constant 48 : index
        %swap3A_386 = tpu.vector_load %arg21[%swap3A_384, %swap3A_385] {strides = array<i32>} : memref<40x128xf32, #tpu.memory_space<vmem>>, vector<1x16xf32>,
        %swap3A_387 = vector.shape_cast %swap3A_386 : vector<1x16xf32> to vector<16xf32>
        %swap3A_388 = vector.shape_cast %max3A_383 : vector<16xf32> to vector<1x16xf32>
        tpu.vector_store %arg21[%swap3A_384, %swap3A_385], %swap3A_388 {strides = array<i32>} : memref<40x128xf32, #tpu.memory_space<vmem>>, vector<1x16xf32>,
        %get3A_389 = arith.index_cast %add3A_220 : i32 to index
        %get3A_390 = arith.constant 48 : index
        %get3A_391 = tpu.vector_load %arg15[%get3A_389, %get3A_390] {strides = array<i32>} : memref<40x128xf32, #tpu.memory_space<vmem>>, vector<1x16xf32>,
        %get3A_392 = vector.shape_cast %get3A_391 : vector<1x16xf32> to vector<16xf32>
        %get3A_393 = arith.index_cast %add3A_220 : i32 to index
        %get3A_394 = arith.constant 48 : index
        %get3A_395 = tpu.vector_load %arg17[%get3A_393, %get3A_394] {strides = array<i32>} : memref<40x128xf32, #tpu.memory_space<vmem>>, vector<1x16xf32>,
        %get3A_396 = vector.shape_cast %get3A_395 : vector<1x16xf32> to vector<16xf32>
        %add3A_397 = arith.addf %get3A_392, %get3A_396 : vector<16xf32>
        %add3A_398 = arith.addf %add3A_397, %bitcast_convert_type3A_370 : vector<16xf32>
        %max3A_399 = arith.constant 0.000000e+00 : f32
        %max3A_400 = vector.broadcast %max3A_399 : f32 to vector<16xf32>
        %max3A_401 = arith.maximumf %add3A_398, %max3A_400 : vector<16xf32>
        %swap3A_402 = arith.index_cast %add3A_220 : i32 to index
        %swap3A_403 = arith.constant 48 : index
        %swap3A_404 = tpu.vector_load %arg21[%swap3A_402, %swap3A_403] {strides = array<i32>} : memref<40x128xf32, #tpu.memory_space<vmem>>, vector<1x16xf32>,
        %swap3A_405 = vector.shape_cast %swap3A_404 : vector<1x16xf32> to vector<16xf32>
        %swap3A_406 = vector.shape_cast %max3A_401 : vector<16xf32> to vector<1x16xf32>
        tpu.vector_store %arg21[%swap3A_402, %swap3A_403], %swap3A_406 {strides = array<i32>} : memref<40x128xf32, #tpu.memory_space<vmem>>, vector<1x16xf32>,
        %get3A_407 = arith.index_cast %scan3A_218 : i32 to index
        %get3A_408 = arith.constant 64 : index
        %get3A_409 = tpu.vector_load %arg19[%get3A_407, %get3A_408] {strides = array<i32>} : memref<20x128xi32, #tpu.memory_space<vmem>>, vector<1x16xi32>,
        %get3A_410 = vector.shape_cast %get3A_409 : vector<1x16xi32> to vector<16xi32>
        %shift_left3A_411 = arith.constant 16 : i32
        %shift_left3A_412 = vector.broadcast %shift_left3A_411 : i32 to vector<16xi32>
        %shift_left3A_413 = arith.shli %get3A_410, %shift_left3A_412 : vector<16xi32>
        %bitcast_convert_type3A_414 = tpu.bitcast %shift_left3A_413 : vector<16xi32> -> vector<16xf32>
        %and3A_415 = arith.constant -65536 : i32
        %and3A_416 = vector.broadcast %and3A_415 : i32 to vector<16xi32>
        %and3A_417 = arith.andi %get3A_410, %and3A_416 : vector<16xi32>
        %bitcast_convert_type3A_418 = tpu.bitcast %and3A_417 : vector<16xi32> -> vector<16xf32>
        %get3A_419 = arith.index_cast %scan3A_218 : i32 to index
        %get3A_420 = arith.constant 64 : index
        %get3A_421 = tpu.vector_load %arg15[%get3A_419, %get3A_420] {strides = array<i32>} : memref<40x128xf32, #tpu.memory_space<vmem>>, vector<1x16xf32>,
        %get3A_422 = vector.shape_cast %get3A_421 : vector<1x16xf32> to vector<16xf32>
        %get3A_423 = arith.index_cast %scan3A_218 : i32 to index
        %get3A_424 = arith.constant 64 : index
        %get3A_425 = tpu.vector_load %arg17[%get3A_423, %get3A_424] {strides = array<i32>} : memref<40x128xf32, #tpu.memory_space<vmem>>, vector<1x16xf32>,
        %get3A_426 = vector.shape_cast %get3A_425 : vector<1x16xf32> to vector<16xf32>
        %add3A_427 = arith.addf %get3A_422, %get3A_426 : vector<16xf32>
        %add3A_428 = arith.addf %add3A_427, %bitcast_convert_type3A_414 : vector<16xf32>
        %max3A_429 = arith.constant 0.000000e+00 : f32
        %max3A_430 = vector.broadcast %max3A_429 : f32 to vector<16xf32>
        %max3A_431 = arith.maximumf %add3A_428, %max3A_430 : vector<16xf32>
        %swap3A_432 = arith.index_cast %scan3A_218 : i32 to index
        %swap3A_433 = arith.constant 64 : index
        %swap3A_434 = tpu.vector_load %arg21[%swap3A_432, %swap3A_433] {strides = array<i32>} : memref<40x128xf32, #tpu.memory_space<vmem>>, vector<1x16xf32>,
        %swap3A_435 = vector.shape_cast %swap3A_434 : vector<1x16xf32> to vector<16xf32>
        %swap3A_436 = vector.shape_cast %max3A_431 : vector<16xf32> to vector<1x16xf32>
        tpu.vector_store %arg21[%swap3A_432, %swap3A_433], %swap3A_436 {strides = array<i32>} : memref<40x128xf32, #tpu.memory_space<vmem>>, vector<1x16xf32>,
        %get3A_437 = arith.index_cast %add3A_220 : i32 to index
        %get3A_438 = arith.constant 64 : index
        %get3A_439 = tpu.vector_load %arg15[%get3A_437, %get3A_438] {strides = array<i32>} : memref<40x128xf32, #tpu.memory_space<vmem>>, vector<1x16xf32>,
        %get3A_440 = vector.shape_cast %get3A_439 : vector<1x16xf32> to vector<16xf32>
        %get3A_441 = arith.index_cast %add3A_220 : i32 to index
        %get3A_442 = arith.constant 64 : index
        %get3A_443 = tpu.vector_load %arg17[%get3A_441, %get3A_442] {strides = array<i32>} : memref<40x128xf32, #tpu.memory_space<vmem>>, vector<1x16xf32>,
        %get3A_444 = vector.shape_cast %get3A_443 : vector<1x16xf32> to vector<16xf32>
        %add3A_445 = arith.addf %get3A_440, %get3A_444 : vector<16xf32>
        %add3A_446 = arith.addf %add3A_445, %bitcast_convert_type3A_418 : vector<16xf32>
        %max3A_447 = arith.constant 0.000000e+00 : f32
        %max3A_448 = vector.broadcast %max3A_447 : f32 to vector<16xf32>
        %max3A_449 = arith.maximumf %add3A_446, %max3A_448 : vector<16xf32>
        %swap3A_450 = arith.index_cast %add3A_220 : i32 to index
        %swap3A_451 = arith.constant 64 : index
        %swap3A_452 = tpu.vector_load %arg21[%swap3A_450, %swap3A_451] {strides = array<i32>} : memref<40x128xf32, #tpu.memory_space<vmem>>, vector<1x16xf32>,
        %swap3A_453 = vector.shape_cast %swap3A_452 : vector<1x16xf32> to vector<16xf32>
        %swap3A_454 = vector.shape_cast %max3A_449 : vector<16xf32> to vector<1x16xf32>
        tpu.vector_store %arg21[%swap3A_450, %swap3A_451], %swap3A_454 {strides = array<i32>} : memref<40x128xf32, #tpu.memory_space<vmem>>, vector<1x16xf32>,
        %get3A_455 = arith.index_cast %scan3A_218 : i32 to index
        %get3A_456 = arith.constant 80 : index
        %get3A_457 = tpu.vector_load %arg19[%get3A_455, %get3A_456] {strides = array<i32>} : memref<20x128xi32, #tpu.memory_space<vmem>>, vector<1x16xi32>,
        %get3A_458 = vector.shape_cast %get3A_457 : vector<1x16xi32> to vector<16xi32>
        %shift_left3A_459 = arith.constant 16 : i32
        %shift_left3A_460 = vector.broadcast %shift_left3A_459 : i32 to vector<16xi32>
        %shift_left3A_461 = arith.shli %get3A_458, %shift_left3A_460 : vector<16xi32>
        %bitcast_convert_type3A_462 = tpu.bitcast %shift_left3A_461 : vector<16xi32> -> vector<16xf32>
        %and3A_463 = arith.constant -65536 : i32
        %and3A_464 = vector.broadcast %and3A_463 : i32 to vector<16xi32>
        %and3A_465 = arith.andi %get3A_458, %and3A_464 : vector<16xi32>
        %bitcast_convert_type3A_466 = tpu.bitcast %and3A_465 : vector<16xi32> -> vector<16xf32>
        %get3A_467 = arith.index_cast %scan3A_218 : i32 to index
        %get3A_468 = arith.constant 80 : index
        %get3A_469 = tpu.vector_load %arg15[%get3A_467, %get3A_468] {strides = array<i32>} : memref<40x128xf32, #tpu.memory_space<vmem>>, vector<1x16xf32>,
        %get3A_470 = vector.shape_cast %get3A_469 : vector<1x16xf32> to vector<16xf32>
        %get3A_471 = arith.index_cast %scan3A_218 : i32 to index
        %get3A_472 = arith.constant 80 : index
        %get3A_473 = tpu.vector_load %arg17[%get3A_471, %get3A_472] {strides = array<i32>} : memref<40x128xf32, #tpu.memory_space<vmem>>, vector<1x16xf32>,
        %get3A_474 = vector.shape_cast %get3A_473 : vector<1x16xf32> to vector<16xf32>
        %add3A_475 = arith.addf %get3A_470, %get3A_474 : vector<16xf32>
        %add3A_476 = arith.addf %add3A_475, %bitcast_convert_type3A_462 : vector<16xf32>
        %max3A_477 = arith.constant 0.000000e+00 : f32
        %max3A_478 = vector.broadcast %max3A_477 : f32 to vector<16xf32>
        %max3A_479 = arith.maximumf %add3A_476, %max3A_478 : vector<16xf32>
        %swap3A_480 = arith.index_cast %scan3A_218 : i32 to index
        %swap3A_481 = arith.constant 80 : index
        %swap3A_482 = tpu.vector_load %arg21[%swap3A_480, %swap3A_481] {strides = array<i32>} : memref<40x128xf32, #tpu.memory_space<vmem>>, vector<1x16xf32>,
        %swap3A_483 = vector.shape_cast %swap3A_482 : vector<1x16xf32> to vector<16xf32>
        %swap3A_484 = vector.shape_cast %max3A_479 : vector<16xf32> to vector<1x16xf32>
        tpu.vector_store %arg21[%swap3A_480, %swap3A_481], %swap3A_484 {strides = array<i32>} : memref<40x128xf32, #tpu.memory_space<vmem>>, vector<1x16xf32>,
        %get3A_485 = arith.index_cast %add3A_220 : i32 to index
        %get3A_486 = arith.constant 80 : index
        %get3A_487 = tpu.vector_load %arg15[%get3A_485, %get3A_486] {strides = array<i32>} : memref<40x128xf32, #tpu.memory_space<vmem>>, vector<1x16xf32>,
        %get3A_488 = vector.shape_cast %get3A_487 : vector<1x16xf32> to vector<16xf32>
        %get3A_489 = arith.index_cast %add3A_220 : i32 to index
        %get3A_490 = arith.constant 80 : index
        %get3A_491 = tpu.vector_load %arg17[%get3A_489, %get3A_490] {strides = array<i32>} : memref<40x128xf32, #tpu.memory_space<vmem>>, vector<1x16xf32>,
        %get3A_492 = vector.shape_cast %get3A_491 : vector<1x16xf32> to vector<16xf32>
        %add3A_493 = arith.addf %get3A_488, %get3A_492 : vector<16xf32>
        %add3A_494 = arith.addf %add3A_493, %bitcast_convert_type3A_466 : vector<16xf32>
        %max3A_495 = arith.constant 0.000000e+00 : f32
        %max3A_496 = vector.broadcast %max3A_495 : f32 to vector<16xf32>
        %max3A_497 = arith.maximumf %add3A_494, %max3A_496 : vector<16xf32>
        %swap3A_498 = arith.index_cast %add3A_220 : i32 to index
        %swap3A_499 = arith.constant 80 : index
        %swap3A_500 = tpu.vector_load %arg21[%swap3A_498, %swap3A_499] {strides = array<i32>} : memref<40x128xf32, #tpu.memory_space<vmem>>, vector<1x16xf32>,
        %swap3A_501 = vector.shape_cast %swap3A_500 : vector<1x16xf32> to vector<16xf32>
        %swap3A_502 = vector.shape_cast %max3A_497 : vector<16xf32> to vector<1x16xf32>
        tpu.vector_store %arg21[%swap3A_498, %swap3A_499], %swap3A_502 {strides = array<i32>} : memref<40x128xf32, #tpu.memory_space<vmem>>, vector<1x16xf32>,
        %get3A_503 = arith.index_cast %scan3A_218 : i32 to index
        %get3A_504 = arith.constant 96 : index
        %get3A_505 = tpu.vector_load %arg19[%get3A_503, %get3A_504] {strides = array<i32>} : memref<20x128xi32, #tpu.memory_space<vmem>>, vector<1x16xi32>,
        %get3A_506 = vector.shape_cast %get3A_505 : vector<1x16xi32> to vector<16xi32>
        %shift_left3A_507 = arith.constant 16 : i32
        %shift_left3A_508 = vector.broadcast %shift_left3A_507 : i32 to vector<16xi32>
        %shift_left3A_509 = arith.shli %get3A_506, %shift_left3A_508 : vector<16xi32>
        %bitcast_convert_type3A_510 = tpu.bitcast %shift_left3A_509 : vector<16xi32> -> vector<16xf32>
        %and3A_511 = arith.constant -65536 : i32
        %and3A_512 = vector.broadcast %and3A_511 : i32 to vector<16xi32>
        %and3A_513 = arith.andi %get3A_506, %and3A_512 : vector<16xi32>
        %bitcast_convert_type3A_514 = tpu.bitcast %and3A_513 : vector<16xi32> -> vector<16xf32>
        %get3A_515 = arith.index_cast %scan3A_218 : i32 to index
        %get3A_516 = arith.constant 96 : index
        %get3A_517 = tpu.vector_load %arg15[%get3A_515, %get3A_516] {strides = array<i32>} : memref<40x128xf32, #tpu.memory_space<vmem>>, vector<1x16xf32>,
        %get3A_518 = vector.shape_cast %get3A_517 : vector<1x16xf32> to vector<16xf32>
        %get3A_519 = arith.index_cast %scan3A_218 : i32 to index
        %get3A_520 = arith.constant 96 : index
        %get3A_521 = tpu.vector_load %arg17[%get3A_519, %get3A_520] {strides = array<i32>} : memref<40x128xf32, #tpu.memory_space<vmem>>, vector<1x16xf32>,
        %get3A_522 = vector.shape_cast %get3A_521 : vector<1x16xf32> to vector<16xf32>
        %add3A_523 = arith.addf %get3A_518, %get3A_522 : vector<16xf32>
        %add3A_524 = arith.addf %add3A_523, %bitcast_convert_type3A_510 : vector<16xf32>
        %max3A_525 = arith.constant 0.000000e+00 : f32
        %max3A_526 = vector.broadcast %max3A_525 : f32 to vector<16xf32>
        %max3A_527 = arith.maximumf %add3A_524, %max3A_526 : vector<16xf32>
        %swap3A_528 = arith.index_cast %scan3A_218 : i32 to index
        %swap3A_529 = arith.constant 96 : index
        %swap3A_530 = tpu.vector_load %arg21[%swap3A_528, %swap3A_529] {strides = array<i32>} : memref<40x128xf32, #tpu.memory_space<vmem>>, vector<1x16xf32>,
        %swap3A_531 = vector.shape_cast %swap3A_530 : vector<1x16xf32> to vector<16xf32>
        %swap3A_532 = vector.shape_cast %max3A_527 : vector<16xf32> to vector<1x16xf32>
        tpu.vector_store %arg21[%swap3A_528, %swap3A_529], %swap3A_532 {strides = array<i32>} : memref<40x128xf32, #tpu.memory_space<vmem>>, vector<1x16xf32>,
        %get3A_533 = arith.index_cast %add3A_220 : i32 to index
        %get3A_534 = arith.constant 96 : index
        %get3A_535 = tpu.vector_load %arg15[%get3A_533, %get3A_534] {strides = array<i32>} : memref<40x128xf32, #tpu.memory_space<vmem>>, vector<1x16xf32>,
        %get3A_536 = vector.shape_cast %get3A_535 : vector<1x16xf32> to vector<16xf32>
        %get3A_537 = arith.index_cast %add3A_220 : i32 to index
        %get3A_538 = arith.constant 96 : index
        %get3A_539 = tpu.vector_load %arg17[%get3A_537, %get3A_538] {strides = array<i32>} : memref<40x128xf32, #tpu.memory_space<vmem>>, vector<1x16xf32>,
        %get3A_540 = vector.shape_cast %get3A_539 : vector<1x16xf32> to vector<16xf32>
        %add3A_541 = arith.addf %get3A_536, %get3A_540 : vector<16xf32>
        %add3A_542 = arith.addf %add3A_541, %bitcast_convert_type3A_514 : vector<16xf32>
        %max3A_543 = arith.constant 0.000000e+00 : f32
        %max3A_544 = vector.broadcast %max3A_543 : f32 to vector<16xf32>
        %max3A_545 = arith.maximumf %add3A_542, %max3A_544 : vector<16xf32>
        %swap3A_546 = arith.index_cast %add3A_220 : i32 to index
        %swap3A_547 = arith.constant 96 : index
        %swap3A_548 = tpu.vector_load %arg21[%swap3A_546, %swap3A_547] {strides = array<i32>} : memref<40x128xf32, #tpu.memory_space<vmem>>, vector<1x16xf32>,
        %swap3A_549 = vector.shape_cast %swap3A_548 : vector<1x16xf32> to vector<16xf32>
        %swap3A_550 = vector.shape_cast %max3A_545 : vector<16xf32> to vector<1x16xf32>
        tpu.vector_store %arg21[%swap3A_546, %swap3A_547], %swap3A_550 {strides = array<i32>} : memref<40x128xf32, #tpu.memory_space<vmem>>, vector<1x16xf32>,
        %get3A_551 = arith.index_cast %scan3A_218 : i32 to index
        %get3A_552 = arith.constant 112 : index
        %get3A_553 = tpu.vector_load %arg19[%get3A_551, %get3A_552] {strides = array<i32>} : memref<20x128xi32, #tpu.memory_space<vmem>>, vector<1x16xi32>,
        %get3A_554 = vector.shape_cast %get3A_553 : vector<1x16xi32> to vector<16xi32>
        %shift_left3A_555 = arith.constant 16 : i32
        %shift_left3A_556 = vector.broadcast %shift_left3A_555 : i32 to vector<16xi32>
        %shift_left3A_557 = arith.shli %get3A_554, %shift_left3A_556 : vector<16xi32>
        %bitcast_convert_type3A_558 = tpu.bitcast %shift_left3A_557 : vector<16xi32> -> vector<16xf32>
        %and3A_559 = arith.constant -65536 : i32
        %and3A_560 = vector.broadcast %and3A_559 : i32 to vector<16xi32>
        %and3A_561 = arith.andi %get3A_554, %and3A_560 : vector<16xi32>
        %bitcast_convert_type3A_562 = tpu.bitcast %and3A_561 : vector<16xi32> -> vector<16xf32>
        %get3A_563 = arith.index_cast %scan3A_218 : i32 to index
        %get3A_564 = arith.constant 112 : index
        %get3A_565 = tpu.vector_load %arg15[%get3A_563, %get3A_564] {strides = array<i32>} : memref<40x128xf32, #tpu.memory_space<vmem>>, vector<1x16xf32>,
        %get3A_566 = vector.shape_cast %get3A_565 : vector<1x16xf32> to vector<16xf32>
        %get3A_567 = arith.index_cast %scan3A_218 : i32 to index
        %get3A_568 = arith.constant 112 : index
        %get3A_569 = tpu.vector_load %arg17[%get3A_567, %get3A_568] {strides = array<i32>} : memref<40x128xf32, #tpu.memory_space<vmem>>, vector<1x16xf32>,
        %get3A_570 = vector.shape_cast %get3A_569 : vector<1x16xf32> to vector<16xf32>
        %add3A_571 = arith.addf %get3A_566, %get3A_570 : vector<16xf32>
        %add3A_572 = arith.addf %add3A_571, %bitcast_convert_type3A_558 : vector<16xf32>
        %max3A_573 = arith.constant 0.000000e+00 : f32
        %max3A_574 = vector.broadcast %max3A_573 : f32 to vector<16xf32>
        %max3A_575 = arith.maximumf %add3A_572, %max3A_574 : vector<16xf32>
        %swap3A_576 = arith.index_cast %scan3A_218 : i32 to index
        %swap3A_577 = arith.constant 112 : index
        %swap3A_578 = tpu.vector_load %arg21[%swap3A_576, %swap3A_577] {strides = array<i32>} : memref<40x128xf32, #tpu.memory_space<vmem>>, vector<1x16xf32>,
        %swap3A_579 = vector.shape_cast %swap3A_578 : vector<1x16xf32> to vector<16xf32>
        %swap3A_580 = vector.shape_cast %max3A_575 : vector<16xf32> to vector<1x16xf32>
        tpu.vector_store %arg21[%swap3A_576, %swap3A_577], %swap3A_580 {strides = array<i32>} : memref<40x128xf32, #tpu.memory_space<vmem>>, vector<1x16xf32>,
        %get3A_581 = arith.index_cast %add3A_220 : i32 to index
        %get3A_582 = arith.constant 112 : index
        %get3A_583 = tpu.vector_load %arg15[%get3A_581, %get3A_582] {strides = array<i32>} : memref<40x128xf32, #tpu.memory_space<vmem>>, vector<1x16xf32>,
        %get3A_584 = vector.shape_cast %get3A_583 : vector<1x16xf32> to vector<16xf32>
        %get3A_585 = arith.index_cast %add3A_220 : i32 to index
        %get3A_586 = arith.constant 112 : index
        %get3A_587 = tpu.vector_load %arg17[%get3A_585, %get3A_586] {strides = array<i32>} : memref<40x128xf32, #tpu.memory_space<vmem>>, vector<1x16xf32>,
        %get3A_588 = vector.shape_cast %get3A_587 : vector<1x16xf32> to vector<16xf32>
        %add3A_589 = arith.addf %get3A_584, %get3A_588 : vector<16xf32>
        %add3A_590 = arith.addf %add3A_589, %bitcast_convert_type3A_562 : vector<16xf32>
        %max3A_591 = arith.constant 0.000000e+00 : f32
        %max3A_592 = vector.broadcast %max3A_591 : f32 to vector<16xf32>
        %max3A_593 = arith.maximumf %add3A_590, %max3A_592 : vector<16xf32>
        %swap3A_594 = arith.index_cast %add3A_220 : i32 to index
        %swap3A_595 = arith.constant 112 : index
        %swap3A_596 = tpu.vector_load %arg21[%swap3A_594, %swap3A_595] {strides = array<i32>} : memref<40x128xf32, #tpu.memory_space<vmem>>, vector<1x16xf32>,
        %swap3A_597 = vector.shape_cast %swap3A_596 : vector<1x16xf32> to vector<16xf32>
        %swap3A_598 = vector.shape_cast %max3A_593 : vector<16xf32> to vector<1x16xf32>
        tpu.vector_store %arg21[%swap3A_594, %swap3A_595], %swap3A_598 {strides = array<i32>} : memref<40x128xf32, #tpu.memory_space<vmem>>, vector<1x16xf32>,
      }
      %scan3A_206 = arith.constant 20 : i32
      %dma_wait3A_207 = arith.constant 0 : i32
      %dma_wait3A_208 = arith.constant 0 : i32
      %dma_wait3A_209 = arith.constant 0 : i32
      %dma_wait3A_210 = tpu.memref_slice %arg6[%dma_wait3A_207, %dma_wait3A_208, %dma_wait3A_209] : memref<32x250x40xi32, #tpu.memory_space<hbm>> -> memref<1x1x40xi32, #tpu.memory_space<hbm>>
      %dma_wait3A_211 = tpu.memref_squeeze %dma_wait3A_210 : memref<1x1x40xi32, #tpu.memory_space<hbm>> -> memref<40xi32, #tpu.memory_space<hbm>>
      %dma_wait3A_212 = arith.constant 0 : i32
      %dma_wait3A_213 = tpu.memref_slice %arg6[%dma_wait3A_207, %dma_wait3A_208, %dma_wait3A_212] : memref<32x250x40xi32, #tpu.memory_space<hbm>> -> memref<1x1x40xi32, #tpu.memory_space<hbm>>
      %dma_wait3A_214 = tpu.memref_squeeze %dma_wait3A_213 : memref<1x1x40xi32, #tpu.memory_space<hbm>> -> memref<40xi32, #tpu.memory_space<hbm>>
      tpu.wait_dma2 semaphore(%arg28 : memref<!tpu.dma_semaphore, #tpu.memory_space<semaphore_mem>>) src(%dma_wait3A_214 : memref<40xi32, #tpu.memory_space<hbm>>) dst(%arg13 : memref<40xi32, #tpu.memory_space<vmem>>)
      %dma_start3A_215 = arith.constant 0 : i32
      %dma_start3A_216 = arith.constant 0 : i32
      %dma_start3A_217 = tpu.memref_slice %arg22[%dma_start3A_215, %dma_start3A_216] : memref<10000x128xf32, #tpu.memory_space<vmem_shared>> -> memref<10000x128xf32, #tpu.memory_space<vmem_shared>>
      tpu.enqueue_indirect_dma source(%arg21 : memref<40x128xf32, #tpu.memory_space<vmem>>) target(%dma_start3A_217 : memref<10000x128xf32, #tpu.memory_space<vmem_shared>>) offsets(%arg13 : memref<40xi32, #tpu.memory_space<vmem>>) semaphore(%arg36 : memref<!tpu.dma_semaphore, #tpu.memory_space<semaphore_mem>>) {add = true}
    }
    %scan3A_87 = arith.constant 125 : i32
    %dma_wait3A_88 = arith.constant 0 : i32
    %dma_wait3A_89 = arith.constant 0 : i32
    %dma_wait3A_90 = tpu.memref_slice %arg22[%dma_wait3A_88, %dma_wait3A_89] : memref<10000x128xf32, #tpu.memory_space<vmem_shared>> -> memref<40x128xf32, #tpu.memory_space<vmem_shared>>
    %dma_wait3A_91 = arith.constant 0 : i32
    %dma_wait3A_92 = arith.constant 0 : i32
    %dma_wait3A_93 = tpu.memref_slice %arg22[%dma_wait3A_91, %dma_wait3A_92] : memref<10000x128xf32, #tpu.memory_space<vmem_shared>> -> memref<40x128xf32, #tpu.memory_space<vmem_shared>>
    tpu.wait_dma2 semaphore(%arg36 : memref<!tpu.dma_semaphore, #tpu.memory_space<semaphore_mem>>) src(%arg21 : memref<40x128xf32, #tpu.memory_space<vmem>>) dst(%dma_wait3A_93 : memref<40x128xf32, #tpu.memory_space<vmem_shared>>)
    %barrier3A_94 = arith.constant 0 : index
    tpu.barrier barrier_id(%barrier3A_94)
    %scan3A_95 = arith.constant 0 : i32
    %scan3A_96 = arith.constant 0 : i32
    %scan3A_97 = arith.constant 16 : i32
    %scan3A_98 = arith.addi %scan3A_96, %scan3A_97 : i32
    %scan3A_99 = arith.constant 1 : i32
    scf.for %scan3A_101 = %scan3A_96 to %scan3A_98 step %scan3A_99  : i32 {
      %mul3A_102 = arith.constant 16 : i32
      %mul3A_103 = arith.muli %scan3A_101, %mul3A_102 : i32
      %add3A_104 = arith.addi %arg1, %mul3A_103 : i32
      %lt3A = arith.constant 250 : i32
      %lt3A_105 = arith.cmpi slt, %add3A_104, %lt3A : i32
      %convert_element_type3A = arith.extui %lt3A_105 : i1 to i32
      %cond3A = arith.constant 0 : i32
      %cond3A_106 = arith.cmpi ne, %convert_element_type3A, %cond3A : i32
      scf.if %cond3A_106 {
        %mul3A_107 = arith.constant 40 : i32
        %mul3A_108 = arith.muli %add3A_104, %mul3A_107 : i32
        %mul3A_109 = arith.constant 40 : i32
        %mul3A_110 = arith.muli %add3A_104, %mul3A_109 : i32
        "tpu.region"() ({
          %run_scoped3A = tpu.sem_alloc : memref<!tpu.dma_semaphore, #tpu.memory_space<semaphore_mem>>
          %dma_start3A_111 = arith.constant 0 : i32
          %dma_start3A_112 = tpu.memref_slice %arg7[%arg0, %mul3A_110, %dma_start3A_111] : memref<2x10000x128xf32, #tpu.memory_space<hbm>> -> memref<1x40x128xf32, #tpu.memory_space<hbm>>
          %dma_start3A_113 = tpu.memref_squeeze %dma_start3A_112 : memref<1x40x128xf32, #tpu.memory_space<hbm>> -> memref<40x128xf32, #tpu.memory_space<hbm>>
          %dma_start3A_114 = arith.constant 0 : i32
          %dma_start3A_115 = tpu.memref_slice %arg22[%mul3A_108, %dma_start3A_114] : memref<10000x128xf32, #tpu.memory_space<vmem_shared>> -> memref<40x128xf32, #tpu.memory_space<vmem_shared>>
          tpu.enqueue_dma source(%dma_start3A_115 : memref<40x128xf32, #tpu.memory_space<vmem_shared>>) target(%dma_start3A_113 : memref<40x128xf32, #tpu.memory_space<hbm>>) target_semaphore(%run_scoped3A : memref<!tpu.dma_semaphore, #tpu.memory_space<semaphore_mem>>)
          %dma_wait3A_116 = arith.constant 0 : i32
          %dma_wait3A_117 = tpu.memref_slice %arg7[%arg0, %mul3A_110, %dma_wait3A_116] : memref<2x10000x128xf32, #tpu.memory_space<hbm>> -> memref<1x40x128xf32, #tpu.memory_space<hbm>>
          %dma_wait3A_118 = tpu.memref_squeeze %dma_wait3A_117 : memref<1x40x128xf32, #tpu.memory_space<hbm>> -> memref<40x128xf32, #tpu.memory_space<hbm>>
          %dma_wait3A_119 = arith.constant 0 : i32
          %dma_wait3A_120 = tpu.memref_slice %arg22[%mul3A_108, %dma_wait3A_119] : memref<10000x128xf32, #tpu.memory_space<vmem_shared>> -> memref<40x128xf32, #tpu.memory_space<vmem_shared>>
          tpu.wait_dma2 semaphore(%run_scoped3A : memref<!tpu.dma_semaphore, #tpu.memory_space<semaphore_mem>>) src(%dma_wait3A_120 : memref<40x128xf32, #tpu.memory_space<vmem_shared>>) dst(%dma_wait3A_118 : memref<40x128xf32, #tpu.memory_space<hbm>>)
          tpu.yield
        }) : () -> ()
      } else {
      }
    }
    %scan3A_100 = arith.constant 16 : i32
    return
  }
}

#map = affine_map<(d0, d1) -> (0, 0)>
#map1 = affine_map<(d0, d1) -> (0, 0, 0)>
module attributes {stable_mosaic.version = 14 : i64} {
  func.func @_sc_edge_body(%arg0: i32, %arg1: i32, %arg2: memref<10000x128xf32, #tpu.memory_space<hbm>>, %arg3: memref<10000x128xf32, #tpu.memory_space<hbm>>, %arg4: memref<8000x20x128xi32, #tpu.memory_space<hbm>>, %arg5: memref<32x250x40xi32, #tpu.memory_space<hbm>>, %arg6: memref<32x250x40xi32, #tpu.memory_space<hbm>>, %arg7: memref<2x10000x128xf32, #tpu.memory_space<hbm>>, %arg8: memref<40xi32, #tpu.memory_space<vmem>>, %arg9: memref<40xi32, #tpu.memory_space<vmem>>, %arg10: memref<40xi32, #tpu.memory_space<vmem>>, %arg11: memref<40xi32, #tpu.memory_space<vmem>>, %arg12: memref<40xi32, #tpu.memory_space<vmem>>, %arg13: memref<40xi32, #tpu.memory_space<vmem>>, %arg14: memref<40x128xf32, #tpu.memory_space<vmem>>, %arg15: memref<40x128xf32, #tpu.memory_space<vmem>>, %arg16: memref<40x128xf32, #tpu.memory_space<vmem>>, %arg17: memref<40x128xf32, #tpu.memory_space<vmem>>, %arg18: memref<20x128xi32, #tpu.memory_space<vmem>>, %arg19: memref<20x128xi32, #tpu.memory_space<vmem>>, %arg20: memref<40x128xf32, #tpu.memory_space<vmem>>, %arg21: memref<40x128xf32, #tpu.memory_space<vmem>>, %arg22: memref<10000x128xf32, #tpu.memory_space<vmem_shared>>, %arg23: memref<!tpu.dma_semaphore, #tpu.memory_space<semaphore_mem>>, %arg24: memref<!tpu.dma_semaphore, #tpu.memory_space<semaphore_mem>>, %arg25: memref<!tpu.dma_semaphore, #tpu.memory_space<semaphore_mem>>, %arg26: memref<!tpu.dma_semaphore, #tpu.memory_space<semaphore_mem>>, %arg27: memref<!tpu.dma_semaphore, #tpu.memory_space<semaphore_mem>>, %arg28: memref<!tpu.dma_semaphore, #tpu.memory_space<semaphore_mem>>, %arg29: memref<!tpu.dma_semaphore, #tpu.memory_space<semaphore_mem>>, %arg30: memref<!tpu.dma_semaphore, #tpu.memory_space<semaphore_mem>>, %arg31: memref<!tpu.dma_semaphore, #tpu.memory_space<semaphore_mem>>, %arg32: memref<!tpu.dma_semaphore, #tpu.memory_space<semaphore_mem>>, %arg33: memref<!tpu.dma_semaphore, #tpu.memory_space<semaphore_mem>>, %arg34: memref<!tpu.dma_semaphore, #tpu.memory_space<semaphore_mem>>, %arg35: memref<!tpu.dma_semaphore, #tpu.memory_space<semaphore_mem>>, %arg36: memref<!tpu.dma_semaphore, #tpu.memory_space<semaphore_mem>>) attributes {dimension_semantics = [#tpu.dimension_semantics<core_parallel>, #tpu.dimension_semantics<subcore_parallel>], iteration_bounds = array<i64: 2, 16>, scalar_prefetch = 0 : i64, scratch_operands = 29 : i64, tpu.core_type = #tpu.core_type<sc_vector_subcore>, window_params = [{transform_indices = #map}, {transform_indices = #map}, {transform_indices = #map1}, {transform_indices = #map1}, {transform_indices = #map1}, {transform_indices = #map1}]} {
    %mul3A = arith.constant 2 : i32
    %mul3A_0 = arith.muli %arg1, %mul3A : i32
    %add3A = arith.addi %mul3A_0, %arg0 : i32
    %mul3A_1 = arith.constant 10000 : i32
    %mul3A_2 = arith.muli %add3A, %mul3A_1 : i32
    %broadcast_in_dim3A = arith.constant 0.000000e+00 : f32
    %broadcast_in_dim3A_3 = vector.broadcast %broadcast_in_dim3A : f32 to vector<16xf32>
    %scan3A = arith.constant 0 : i32
    %scan3A_4 = arith.constant 0 : i32
    %scan3A_5 = arith.constant 40 : i32
    %scan3A_6 = arith.addi %scan3A_4, %scan3A_5 : i32
    %scan3A_7 = arith.constant 1 : i32
    scf.for %scan3A_101 = %scan3A_4 to %scan3A_6 step %scan3A_7  : i32 {
      %swap3A = arith.index_cast %scan3A_101 : i32 to index
      %swap3A_102 = arith.constant 0 : index
      %swap3A_103 = tpu.vector_load %arg20[%swap3A, %swap3A_102] {strides = array<i32>} : memref<40x128xf32, #tpu.memory_space<vmem>>, vector<1x16xf32>,
      %swap3A_104 = vector.shape_cast %swap3A_103 : vector<1x16xf32> to vector<16xf32>
      %swap3A_105 = vector.shape_cast %broadcast_in_dim3A_3 : vector<16xf32> to vector<1x16xf32>
      tpu.vector_store %arg20[%swap3A, %swap3A_102], %swap3A_105 {strides = array<i32>} : memref<40x128xf32, #tpu.memory_space<vmem>>, vector<1x16xf32>,
      %swap3A_106 = arith.index_cast %scan3A_101 : i32 to index
      %swap3A_107 = arith.constant 16 : index
      %swap3A_108 = tpu.vector_load %arg20[%swap3A_106, %swap3A_107] {strides = array<i32>} : memref<40x128xf32, #tpu.memory_space<vmem>>, vector<1x16xf32>,
      %swap3A_109 = vector.shape_cast %swap3A_108 : vector<1x16xf32> to vector<16xf32>
      %swap3A_110 = vector.shape_cast %broadcast_in_dim3A_3 : vector<16xf32> to vector<1x16xf32>
      tpu.vector_store %arg20[%swap3A_106, %swap3A_107], %swap3A_110 {strides = array<i32>} : memref<40x128xf32, #tpu.memory_space<vmem>>, vector<1x16xf32>,
      %swap3A_111 = arith.index_cast %scan3A_101 : i32 to index
      %swap3A_112 = arith.constant 32 : index
      %swap3A_113 = tpu.vector_load %arg20[%swap3A_111, %swap3A_112] {strides = array<i32>} : memref<40x128xf32, #tpu.memory_space<vmem>>, vector<1x16xf32>,
      %swap3A_114 = vector.shape_cast %swap3A_113 : vector<1x16xf32> to vector<16xf32>
      %swap3A_115 = vector.shape_cast %broadcast_in_dim3A_3 : vector<16xf32> to vector<1x16xf32>
      tpu.vector_store %arg20[%swap3A_111, %swap3A_112], %swap3A_115 {strides = array<i32>} : memref<40x128xf32, #tpu.memory_space<vmem>>, vector<1x16xf32>,
      %swap3A_116 = arith.index_cast %scan3A_101 : i32 to index
      %swap3A_117 = arith.constant 48 : index
      %swap3A_118 = tpu.vector_load %arg20[%swap3A_116, %swap3A_117] {strides = array<i32>} : memref<40x128xf32, #tpu.memory_space<vmem>>, vector<1x16xf32>,
      %swap3A_119 = vector.shape_cast %swap3A_118 : vector<1x16xf32> to vector<16xf32>
      %swap3A_120 = vector.shape_cast %broadcast_in_dim3A_3 : vector<16xf32> to vector<1x16xf32>
      tpu.vector_store %arg20[%swap3A_116, %swap3A_117], %swap3A_120 {strides = array<i32>} : memref<40x128xf32, #tpu.memory_space<vmem>>, vector<1x16xf32>,
      %swap3A_121 = arith.index_cast %scan3A_101 : i32 to index
      %swap3A_122 = arith.constant 64 : index
      %swap3A_123 = tpu.vector_load %arg20[%swap3A_121, %swap3A_122] {strides = array<i32>} : memref<40x128xf32, #tpu.memory_space<vmem>>, vector<1x16xf32>,
      %swap3A_124 = vector.shape_cast %swap3A_123 : vector<1x16xf32> to vector<16xf32>
      %swap3A_125 = vector.shape_cast %broadcast_in_dim3A_3 : vector<16xf32> to vector<1x16xf32>
      tpu.vector_store %arg20[%swap3A_121, %swap3A_122], %swap3A_125 {strides = array<i32>} : memref<40x128xf32, #tpu.memory_space<vmem>>, vector<1x16xf32>,
      %swap3A_126 = arith.index_cast %scan3A_101 : i32 to index
      %swap3A_127 = arith.constant 80 : index
      %swap3A_128 = tpu.vector_load %arg20[%swap3A_126, %swap3A_127] {strides = array<i32>} : memref<40x128xf32, #tpu.memory_space<vmem>>, vector<1x16xf32>,
      %swap3A_129 = vector.shape_cast %swap3A_128 : vector<1x16xf32> to vector<16xf32>
      %swap3A_130 = vector.shape_cast %broadcast_in_dim3A_3 : vector<16xf32> to vector<1x16xf32>
      tpu.vector_store %arg20[%swap3A_126, %swap3A_127], %swap3A_130 {strides = array<i32>} : memref<40x128xf32, #tpu.memory_space<vmem>>, vector<1x16xf32>,
      %swap3A_131 = arith.index_cast %scan3A_101 : i32 to index
      %swap3A_132 = arith.constant 96 : index
      %swap3A_133 = tpu.vector_load %arg20[%swap3A_131, %swap3A_132] {strides = array<i32>} : memref<40x128xf32, #tpu.memory_space<vmem>>, vector<1x16xf32>,
      %swap3A_134 = vector.shape_cast %swap3A_133 : vector<1x16xf32> to vector<16xf32>
      %swap3A_135 = vector.shape_cast %broadcast_in_dim3A_3 : vector<16xf32> to vector<1x16xf32>
      tpu.vector_store %arg20[%swap3A_131, %swap3A_132], %swap3A_135 {strides = array<i32>} : memref<40x128xf32, #tpu.memory_space<vmem>>, vector<1x16xf32>,
      %swap3A_136 = arith.index_cast %scan3A_101 : i32 to index
      %swap3A_137 = arith.constant 112 : index
      %swap3A_138 = tpu.vector_load %arg20[%swap3A_136, %swap3A_137] {strides = array<i32>} : memref<40x128xf32, #tpu.memory_space<vmem>>, vector<1x16xf32>,
      %swap3A_139 = vector.shape_cast %swap3A_138 : vector<1x16xf32> to vector<16xf32>
      %swap3A_140 = vector.shape_cast %broadcast_in_dim3A_3 : vector<16xf32> to vector<1x16xf32>
      tpu.vector_store %arg20[%swap3A_136, %swap3A_137], %swap3A_140 {strides = array<i32>} : memref<40x128xf32, #tpu.memory_space<vmem>>, vector<1x16xf32>,
    }
    %scan3A_8 = arith.constant 40 : i32
    %scan3A_9 = arith.constant 0 : i32
    %scan3A_10 = arith.constant 0 : i32
    %scan3A_11 = arith.constant 16 : i32
    %scan3A_12 = arith.addi %scan3A_10, %scan3A_11 : i32
    %scan3A_13 = arith.constant 1 : i32
    scf.for %scan3A_101 = %scan3A_10 to %scan3A_12 step %scan3A_13  : i32 {
      %mul3A_102 = arith.constant 16 : i32
      %mul3A_103 = arith.muli %scan3A_101, %mul3A_102 : i32
      %add3A_104 = arith.addi %arg1, %mul3A_103 : i32
      %lt3A = arith.constant 250 : i32
      %lt3A_105 = arith.cmpi slt, %add3A_104, %lt3A : i32
      %convert_element_type3A = arith.extui %lt3A_105 : i1 to i32
      %cond3A = arith.constant 0 : i32
      %cond3A_106 = arith.cmpi ne, %convert_element_type3A, %cond3A : i32
      scf.if %cond3A_106 {
        %mul3A_107 = arith.constant 40 : i32
        %mul3A_108 = arith.muli %add3A_104, %mul3A_107 : i32
        "tpu.region"() ({
          %run_scoped3A = tpu.sem_alloc : memref<!tpu.dma_semaphore, #tpu.memory_space<semaphore_mem>>
          %dma_start3A_109 = arith.constant 0 : i32
          %dma_start3A_110 = tpu.memref_slice %arg22[%mul3A_108, %dma_start3A_109] : memref<10000x128xf32, #tpu.memory_space<vmem_shared>> -> memref<40x128xf32, #tpu.memory_space<vmem_shared>>
          %dma_start3A_111 = arith.constant 0 : i32
          %dma_start3A_112 = tpu.memref_slice %arg22[%mul3A_108, %dma_start3A_111] : memref<10000x128xf32, #tpu.memory_space<vmem_shared>> -> memref<40x128xf32, #tpu.memory_space<vmem_shared>>
          tpu.enqueue_dma source(%arg20 : memref<40x128xf32, #tpu.memory_space<vmem>>) target(%dma_start3A_112 : memref<40x128xf32, #tpu.memory_space<vmem_shared>>) target_semaphore(%run_scoped3A : memref<!tpu.dma_semaphore, #tpu.memory_space<semaphore_mem>>)
          %dma_wait3A_113 = arith.constant 0 : i32
          %dma_wait3A_114 = tpu.memref_slice %arg22[%mul3A_108, %dma_wait3A_113] : memref<10000x128xf32, #tpu.memory_space<vmem_shared>> -> memref<40x128xf32, #tpu.memory_space<vmem_shared>>
          %dma_wait3A_115 = arith.constant 0 : i32
          %dma_wait3A_116 = tpu.memref_slice %arg22[%mul3A_108, %dma_wait3A_115] : memref<10000x128xf32, #tpu.memory_space<vmem_shared>> -> memref<40x128xf32, #tpu.memory_space<vmem_shared>>
          tpu.wait_dma2 semaphore(%run_scoped3A : memref<!tpu.dma_semaphore, #tpu.memory_space<semaphore_mem>>) src(%arg20 : memref<40x128xf32, #tpu.memory_space<vmem>>) dst(%dma_wait3A_116 : memref<40x128xf32, #tpu.memory_space<vmem_shared>>)
          tpu.yield
        }) : () -> ()
      } else {
      }
    }
    %scan3A_14 = arith.constant 16 : i32
    %barrier3A = arith.constant 0 : index
    tpu.barrier barrier_id(%barrier3A)
    %dma_start3A = arith.constant 0 : i32
    %dma_start3A_15 = arith.constant 0 : i32
    %dma_start3A_16 = tpu.memref_slice %arg5[%add3A, %dma_start3A, %dma_start3A_15] : memref<32x250x40xi32, #tpu.memory_space<hbm>> -> memref<1x1x40xi32, #tpu.memory_space<hbm>>
    %dma_start3A_17 = tpu.memref_squeeze %dma_start3A_16 : memref<1x1x40xi32, #tpu.memory_space<hbm>> -> memref<40xi32, #tpu.memory_space<hbm>>
    %dma_start3A_18 = arith.constant 0 : i32
    %dma_start3A_19 = tpu.memref_slice %arg5[%add3A, %dma_start3A, %dma_start3A_18] : memref<32x250x40xi32, #tpu.memory_space<hbm>> -> memref<1x1x40xi32, #tpu.memory_space<hbm>>
    %dma_start3A_20 = tpu.memref_squeeze %dma_start3A_19 : memref<1x1x40xi32, #tpu.memory_space<hbm>> -> memref<40xi32, #tpu.memory_space<hbm>>
    tpu.enqueue_dma source(%dma_start3A_20 : memref<40xi32, #tpu.memory_space<hbm>>) target(%arg8 : memref<40xi32, #tpu.memory_space<vmem>>) target_semaphore(%arg23 : memref<!tpu.dma_semaphore, #tpu.memory_space<semaphore_mem>>)
    %dma_start3A_21 = arith.constant 0 : i32
    %dma_start3A_22 = arith.constant 0 : i32
    %dma_start3A_23 = tpu.memref_slice %arg6[%add3A, %dma_start3A_21, %dma_start3A_22] : memref<32x250x40xi32, #tpu.memory_space<hbm>> -> memref<1x1x40xi32, #tpu.memory_space<hbm>>
    %dma_start3A_24 = tpu.memref_squeeze %dma_start3A_23 : memref<1x1x40xi32, #tpu.memory_space<hbm>> -> memref<40xi32, #tpu.memory_space<hbm>>
    %dma_start3A_25 = arith.constant 0 : i32
    %dma_start3A_26 = tpu.memref_slice %arg6[%add3A, %dma_start3A_21, %dma_start3A_25] : memref<32x250x40xi32, #tpu.memory_space<hbm>> -> memref<1x1x40xi32, #tpu.memory_space<hbm>>
    %dma_start3A_27 = tpu.memref_squeeze %dma_start3A_26 : memref<1x1x40xi32, #tpu.memory_space<hbm>> -> memref<40xi32, #tpu.memory_space<hbm>>
    tpu.enqueue_dma source(%dma_start3A_27 : memref<40xi32, #tpu.memory_space<hbm>>) target(%arg10 : memref<40xi32, #tpu.memory_space<vmem>>) target_semaphore(%arg25 : memref<!tpu.dma_semaphore, #tpu.memory_space<semaphore_mem>>)
    %dma_start3A_28 = arith.constant 1 : i32
    %dma_start3A_29 = arith.constant 0 : i32
    %dma_start3A_30 = tpu.memref_slice %arg5[%add3A, %dma_start3A_28, %dma_start3A_29] : memref<32x250x40xi32, #tpu.memory_space<hbm>> -> memref<1x1x40xi32, #tpu.memory_space<hbm>>
    %dma_start3A_31 = tpu.memref_squeeze %dma_start3A_30 : memref<1x1x40xi32, #tpu.memory_space<hbm>> -> memref<40xi32, #tpu.memory_space<hbm>>
    %dma_start3A_32 = arith.constant 0 : i32
    %dma_start3A_33 = tpu.memref_slice %arg5[%add3A, %dma_start3A_28, %dma_start3A_32] : memref<32x250x40xi32, #tpu.memory_space<hbm>> -> memref<1x1x40xi32, #tpu.memory_space<hbm>>
    %dma_start3A_34 = tpu.memref_squeeze %dma_start3A_33 : memref<1x1x40xi32, #tpu.memory_space<hbm>> -> memref<40xi32, #tpu.memory_space<hbm>>
    tpu.enqueue_dma source(%dma_start3A_34 : memref<40xi32, #tpu.memory_space<hbm>>) target(%arg9 : memref<40xi32, #tpu.memory_space<vmem>>) target_semaphore(%arg24 : memref<!tpu.dma_semaphore, #tpu.memory_space<semaphore_mem>>)
    %dma_start3A_35 = arith.constant 1 : i32
    %dma_start3A_36 = arith.constant 0 : i32
    %dma_start3A_37 = tpu.memref_slice %arg6[%add3A, %dma_start3A_35, %dma_start3A_36] : memref<32x250x40xi32, #tpu.memory_space<hbm>> -> memref<1x1x40xi32, #tpu.memory_space<hbm>>
    %dma_start3A_38 = tpu.memref_squeeze %dma_start3A_37 : memref<1x1x40xi32, #tpu.memory_space<hbm>> -> memref<40xi32, #tpu.memory_space<hbm>>
    %dma_start3A_39 = arith.constant 0 : i32
    %dma_start3A_40 = tpu.memref_slice %arg6[%add3A, %dma_start3A_35, %dma_start3A_39] : memref<32x250x40xi32, #tpu.memory_space<hbm>> -> memref<1x1x40xi32, #tpu.memory_space<hbm>>
    %dma_start3A_41 = tpu.memref_squeeze %dma_start3A_40 : memref<1x1x40xi32, #tpu.memory_space<hbm>> -> memref<40xi32, #tpu.memory_space<hbm>>
    tpu.enqueue_dma source(%dma_start3A_41 : memref<40xi32, #tpu.memory_space<hbm>>) target(%arg11 : memref<40xi32, #tpu.memory_space<vmem>>) target_semaphore(%arg26 : memref<!tpu.dma_semaphore, #tpu.memory_space<semaphore_mem>>)
    %dma_start3A_42 = arith.constant 0 : i32
    %dma_start3A_43 = arith.constant 0 : i32
    %dma_start3A_44 = tpu.memref_slice %arg6[%add3A, %dma_start3A_42, %dma_start3A_43] : memref<32x250x40xi32, #tpu.memory_space<hbm>> -> memref<1x1x40xi32, #tpu.memory_space<hbm>>
    %dma_start3A_45 = tpu.memref_squeeze %dma_start3A_44 : memref<1x1x40xi32, #tpu.memory_space<hbm>> -> memref<40xi32, #tpu.memory_space<hbm>>
    %dma_start3A_46 = arith.constant 0 : i32
    %dma_start3A_47 = tpu.memref_slice %arg6[%add3A, %dma_start3A_42, %dma_start3A_46] : memref<32x250x40xi32, #tpu.memory_space<hbm>> -> memref<1x1x40xi32, #tpu.memory_space<hbm>>
    %dma_start3A_48 = tpu.memref_squeeze %dma_start3A_47 : memref<1x1x40xi32, #tpu.memory_space<hbm>> -> memref<40xi32, #tpu.memory_space<hbm>>
    tpu.enqueue_dma source(%dma_start3A_48 : memref<40xi32, #tpu.memory_space<hbm>>) target(%arg12 : memref<40xi32, #tpu.memory_space<vmem>>) target_semaphore(%arg27 : memref<!tpu.dma_semaphore, #tpu.memory_space<semaphore_mem>>)
    %dma_wait3A = arith.constant 0 : i32
    %dma_wait3A_49 = arith.constant 0 : i32
    %dma_wait3A_50 = arith.constant 0 : i32
    %dma_wait3A_51 = tpu.memref_slice %arg5[%dma_wait3A, %dma_wait3A_49, %dma_wait3A_50] : memref<32x250x40xi32, #tpu.memory_space<hbm>> -> memref<1x1x40xi32, #tpu.memory_space<hbm>>
    %dma_wait3A_52 = tpu.memref_squeeze %dma_wait3A_51 : memref<1x1x40xi32, #tpu.memory_space<hbm>> -> memref<40xi32, #tpu.memory_space<hbm>>
    %dma_wait3A_53 = arith.constant 0 : i32
    %dma_wait3A_54 = tpu.memref_slice %arg5[%dma_wait3A, %dma_wait3A_49, %dma_wait3A_53] : memref<32x250x40xi32, #tpu.memory_space<hbm>> -> memref<1x1x40xi32, #tpu.memory_space<hbm>>
    %dma_wait3A_55 = tpu.memref_squeeze %dma_wait3A_54 : memref<1x1x40xi32, #tpu.memory_space<hbm>> -> memref<40xi32, #tpu.memory_space<hbm>>
    tpu.wait_dma2 semaphore(%arg23 : memref<!tpu.dma_semaphore, #tpu.memory_space<semaphore_mem>>) src(%dma_wait3A_55 : memref<40xi32, #tpu.memory_space<hbm>>) dst(%arg8 : memref<40xi32, #tpu.memory_space<vmem>>)
    %dma_wait3A_56 = arith.constant 0 : i32
    %dma_wait3A_57 = arith.constant 0 : i32
    %dma_wait3A_58 = arith.constant 0 : i32
    %dma_wait3A_59 = tpu.memref_slice %arg6[%dma_wait3A_56, %dma_wait3A_57, %dma_wait3A_58] : memref<32x250x40xi32, #tpu.memory_space<hbm>> -> memref<1x1x40xi32, #tpu.memory_space<hbm>>
    %dma_wait3A_60 = tpu.memref_squeeze %dma_wait3A_59 : memref<1x1x40xi32, #tpu.memory_space<hbm>> -> memref<40xi32, #tpu.memory_space<hbm>>
    %dma_wait3A_61 = arith.constant 0 : i32
    %dma_wait3A_62 = tpu.memref_slice %arg6[%dma_wait3A_56, %dma_wait3A_57, %dma_wait3A_61] : memref<32x250x40xi32, #tpu.memory_space<hbm>> -> memref<1x1x40xi32, #tpu.memory_space<hbm>>
    %dma_wait3A_63 = tpu.memref_squeeze %dma_wait3A_62 : memref<1x1x40xi32, #tpu.memory_space<hbm>> -> memref<40xi32, #tpu.memory_space<hbm>>
    tpu.wait_dma2 semaphore(%arg25 : memref<!tpu.dma_semaphore, #tpu.memory_space<semaphore_mem>>) src(%dma_wait3A_63 : memref<40xi32, #tpu.memory_space<hbm>>) dst(%arg10 : memref<40xi32, #tpu.memory_space<vmem>>)
    %dma_start3A_64 = arith.constant 0 : i32
    %dma_start3A_65 = arith.constant 0 : i32
    %dma_start3A_66 = tpu.memref_slice %arg2[%dma_start3A_64, %dma_start3A_65] : memref<10000x128xf32, #tpu.memory_space<hbm>> -> memref<10000x128xf32, #tpu.memory_space<hbm>>
    tpu.enqueue_indirect_dma source(%dma_start3A_66 : memref<10000x128xf32, #tpu.memory_space<hbm>>) target(%arg14 : memref<40x128xf32, #tpu.memory_space<vmem>>) offsets(%arg8 : memref<40xi32, #tpu.memory_space<vmem>>) semaphore(%arg29 : memref<!tpu.dma_semaphore, #tpu.memory_space<semaphore_mem>>)
    %dma_start3A_67 = arith.constant 0 : i32
    %dma_start3A_68 = arith.constant 0 : i32
    %dma_start3A_69 = tpu.memref_slice %arg3[%dma_start3A_67, %dma_start3A_68] : memref<10000x128xf32, #tpu.memory_space<hbm>> -> memref<10000x128xf32, #tpu.memory_space<hbm>>
    tpu.enqueue_indirect_dma source(%dma_start3A_69 : memref<10000x128xf32, #tpu.memory_space<hbm>>) target(%arg16 : memref<40x128xf32, #tpu.memory_space<vmem>>) offsets(%arg10 : memref<40xi32, #tpu.memory_space<vmem>>) semaphore(%arg31 : memref<!tpu.dma_semaphore, #tpu.memory_space<semaphore_mem>>)
    %mul3A_70 = arith.constant 250 : i32
    %mul3A_71 = arith.muli %add3A, %mul3A_70 : i32
    %add3A_72 = arith.constant 0 : i32
    %add3A_73 = arith.addi %mul3A_71, %add3A_72 : i32
    %dma_start3A_74 = arith.constant 0 : i32
    %dma_start3A_75 = arith.constant 0 : i32
    %dma_start3A_76 = tpu.memref_slice %arg4[%add3A_73, %dma_start3A_74, %dma_start3A_75] : memref<8000x20x128xi32, #tpu.memory_space<hbm>> -> memref<1x20x128xi32, #tpu.memory_space<hbm>>
    %dma_start3A_77 = tpu.memref_squeeze %dma_start3A_76 : memref<1x20x128xi32, #tpu.memory_space<hbm>> -> memref<20x128xi32, #tpu.memory_space<hbm>>
    %dma_start3A_78 = arith.constant 0 : i32
    %dma_start3A_79 = arith.constant 0 : i32
    %dma_start3A_80 = tpu.memref_slice %arg4[%add3A_73, %dma_start3A_78, %dma_start3A_79] : memref<8000x20x128xi32, #tpu.memory_space<hbm>> -> memref<1x20x128xi32, #tpu.memory_space<hbm>>
    %dma_start3A_81 = tpu.memref_squeeze %dma_start3A_80 : memref<1x20x128xi32, #tpu.memory_space<hbm>> -> memref<20x128xi32, #tpu.memory_space<hbm>>
    tpu.enqueue_dma source(%dma_start3A_81 : memref<20x128xi32, #tpu.memory_space<hbm>>) target(%arg18 : memref<20x128xi32, #tpu.memory_space<vmem>>) target_semaphore(%arg33 : memref<!tpu.dma_semaphore, #tpu.memory_space<semaphore_mem>>)
    %scan3A_82 = arith.constant 0 : i32
    %scan3A_83 = arith.constant 0 : i32
    %scan3A_84 = arith.constant 125 : i32
    %scan3A_85 = arith.addi %scan3A_83, %scan3A_84 : i32
    %scan3A_86 = arith.constant 1 : i32
    scf.for %scan3A_101 = %scan3A_83 to %scan3A_85 step %scan3A_86  : i32 {
      %mul3A_102 = arith.constant 2 : i32
      %mul3A_103 = arith.muli %scan3A_101, %mul3A_102 : i32
      %add3A_104 = arith.constant 0 : i32
      %add3A_105 = arith.addi %mul3A_103, %add3A_104 : i32
      %dma_wait3A_106 = arith.constant 0 : i32
      %dma_wait3A_107 = arith.constant 0 : i32
      %dma_wait3A_108 = tpu.memref_slice %arg2[%dma_wait3A_106, %dma_wait3A_107] : memref<10000x128xf32, #tpu.memory_space<hbm>> -> memref<40x128xf32, #tpu.memory_space<hbm>>
      %dma_wait3A_109 = arith.constant 0 : i32
      %dma_wait3A_110 = arith.constant 0 : i32
      %dma_wait3A_111 = tpu.memref_slice %arg2[%dma_wait3A_109, %dma_wait3A_110] : memref<10000x128xf32, #tpu.memory_space<hbm>> -> memref<40x128xf32, #tpu.memory_space<hbm>>
      tpu.wait_dma2 semaphore(%arg29 : memref<!tpu.dma_semaphore, #tpu.memory_space<semaphore_mem>>) src(%dma_wait3A_111 : memref<40x128xf32, #tpu.memory_space<hbm>>) dst(%arg14 : memref<40x128xf32, #tpu.memory_space<vmem>>)
      %dma_wait3A_112 = arith.constant 0 : i32
      %dma_wait3A_113 = arith.constant 0 : i32
      %dma_wait3A_114 = tpu.memref_slice %arg3[%dma_wait3A_112, %dma_wait3A_113] : memref<10000x128xf32, #tpu.memory_space<hbm>> -> memref<40x128xf32, #tpu.memory_space<hbm>>
      %dma_wait3A_115 = arith.constant 0 : i32
      %dma_wait3A_116 = arith.constant 0 : i32
      %dma_wait3A_117 = tpu.memref_slice %arg3[%dma_wait3A_115, %dma_wait3A_116] : memref<10000x128xf32, #tpu.memory_space<hbm>> -> memref<40x128xf32, #tpu.memory_space<hbm>>
      tpu.wait_dma2 semaphore(%arg31 : memref<!tpu.dma_semaphore, #tpu.memory_space<semaphore_mem>>) src(%dma_wait3A_117 : memref<40x128xf32, #tpu.memory_space<hbm>>) dst(%arg16 : memref<40x128xf32, #tpu.memory_space<vmem>>)
      %dma_wait3A_118 = arith.constant 0 : i32
      %dma_wait3A_119 = arith.constant 0 : i32
      %dma_wait3A_120 = arith.constant 0 : i32
      %dma_wait3A_121 = tpu.memref_slice %arg4[%dma_wait3A_118, %dma_wait3A_119, %dma_wait3A_120] : memref<8000x20x128xi32, #tpu.memory_space<hbm>> -> memref<1x20x128xi32, #tpu.memory_space<hbm>>
      %dma_wait3A_122 = tpu.memref_squeeze %dma_wait3A_121 : memref<1x20x128xi32, #tpu.memory_space<hbm>> -> memref<20x128xi32, #tpu.memory_space<hbm>>
      %dma_wait3A_123 = arith.constant 0 : i32
      %dma_wait3A_124 = arith.constant 0 : i32
      %dma_wait3A_125 = tpu.memref_slice %arg4[%dma_wait3A_118, %dma_wait3A_123, %dma_wait3A_124] : memref<8000x20x128xi32, #tpu.memory_space<hbm>> -> memref<1x20x128xi32, #tpu.memory_space<hbm>>
      %dma_wait3A_126 = tpu.memref_squeeze %dma_wait3A_125 : memref<1x20x128xi32, #tpu.memory_space<hbm>> -> memref<20x128xi32, #tpu.memory_space<hbm>>
      tpu.wait_dma2 semaphore(%arg33 : memref<!tpu.dma_semaphore, #tpu.memory_space<semaphore_mem>>) src(%dma_wait3A_126 : memref<20x128xi32, #tpu.memory_space<hbm>>) dst(%arg18 : memref<20x128xi32, #tpu.memory_space<vmem>>)
      %gt3A = arith.constant 0 : i32
      %gt3A_127 = arith.cmpi sgt, %add3A_105, %gt3A : i32
      %convert_element_type3A = arith.extui %gt3A_127 : i1 to i32
      %cond3A = arith.constant 0 : i32
      %cond3A_128 = arith.cmpi ne, %convert_element_type3A, %cond3A : i32
      scf.if %cond3A_128 {
        %dma_wait3A_218 = arith.constant 0 : i32
        %dma_wait3A_219 = arith.constant 0 : i32
        %dma_wait3A_220 = tpu.memref_slice %arg22[%dma_wait3A_218, %dma_wait3A_219] : memref<10000x128xf32, #tpu.memory_space<vmem_shared>> -> memref<40x128xf32, #tpu.memory_space<vmem_shared>>
        %dma_wait3A_221 = arith.constant 0 : i32
        %dma_wait3A_222 = arith.constant 0 : i32
        %dma_wait3A_223 = tpu.memref_slice %arg22[%dma_wait3A_221, %dma_wait3A_222] : memref<10000x128xf32, #tpu.memory_space<vmem_shared>> -> memref<40x128xf32, #tpu.memory_space<vmem_shared>>
        tpu.wait_dma2 semaphore(%arg36 : memref<!tpu.dma_semaphore, #tpu.memory_space<semaphore_mem>>) src(%arg21 : memref<40x128xf32, #tpu.memory_space<vmem>>) dst(%dma_wait3A_223 : memref<40x128xf32, #tpu.memory_space<vmem_shared>>)
      } else {
      }
      %add3A_129 = arith.constant 2 : i32
      %add3A_130 = arith.addi %add3A_105, %add3A_129 : i32
      %lt3A = arith.constant 250 : i32
      %lt3A_131 = arith.cmpi slt, %add3A_130, %lt3A : i32
      %convert_element_type3A_132 = arith.extui %lt3A_131 : i1 to i32
      %cond3A_133 = arith.constant 0 : i32
      %cond3A_134 = arith.cmpi ne, %convert_element_type3A_132, %cond3A_133 : i32
      scf.if %cond3A_134 {
        %add3A_218 = arith.constant 2 : i32
        %add3A_219 = arith.addi %add3A_105, %add3A_218 : i32
        %dma_start3A_220 = arith.constant 0 : i32
        %dma_start3A_221 = tpu.memref_slice %arg5[%add3A, %add3A_219, %dma_start3A_220] : memref<32x250x40xi32, #tpu.memory_space<hbm>> -> memref<1x1x40xi32, #tpu.memory_space<hbm>>
        %dma_start3A_222 = tpu.memref_squeeze %dma_start3A_221 : memref<1x1x40xi32, #tpu.memory_space<hbm>> -> memref<40xi32, #tpu.memory_space<hbm>>
        %dma_start3A_223 = arith.constant 0 : i32
        %dma_start3A_224 = tpu.memref_slice %arg5[%add3A, %add3A_219, %dma_start3A_223] : memref<32x250x40xi32, #tpu.memory_space<hbm>> -> memref<1x1x40xi32, #tpu.memory_space<hbm>>
        %dma_start3A_225 = tpu.memref_squeeze %dma_start3A_224 : memref<1x1x40xi32, #tpu.memory_space<hbm>> -> memref<40xi32, #tpu.memory_space<hbm>>
        tpu.enqueue_dma source(%dma_start3A_225 : memref<40xi32, #tpu.memory_space<hbm>>) target(%arg8 : memref<40xi32, #tpu.memory_space<vmem>>) target_semaphore(%arg23 : memref<!tpu.dma_semaphore, #tpu.memory_space<semaphore_mem>>)
        %dma_start3A_226 = arith.constant 0 : i32
        %dma_start3A_227 = tpu.memref_slice %arg6[%add3A, %add3A_219, %dma_start3A_226] : memref<32x250x40xi32, #tpu.memory_space<hbm>> -> memref<1x1x40xi32, #tpu.memory_space<hbm>>
        %dma_start3A_228 = tpu.memref_squeeze %dma_start3A_227 : memref<1x1x40xi32, #tpu.memory_space<hbm>> -> memref<40xi32, #tpu.memory_space<hbm>>
        %dma_start3A_229 = arith.constant 0 : i32
        %dma_start3A_230 = tpu.memref_slice %arg6[%add3A, %add3A_219, %dma_start3A_229] : memref<32x250x40xi32, #tpu.memory_space<hbm>> -> memref<1x1x40xi32, #tpu.memory_space<hbm>>
        %dma_start3A_231 = tpu.memref_squeeze %dma_start3A_230 : memref<1x1x40xi32, #tpu.memory_space<hbm>> -> memref<40xi32, #tpu.memory_space<hbm>>
        tpu.enqueue_dma source(%dma_start3A_231 : memref<40xi32, #tpu.memory_space<hbm>>) target(%arg10 : memref<40xi32, #tpu.memory_space<vmem>>) target_semaphore(%arg25 : memref<!tpu.dma_semaphore, #tpu.memory_space<semaphore_mem>>)
      } else {
      }
      %add3A_135 = arith.constant 1 : i32
      %add3A_136 = arith.addi %add3A_105, %add3A_135 : i32
      %lt3A_137 = arith.constant 250 : i32
      %lt3A_138 = arith.cmpi slt, %add3A_136, %lt3A_137 : i32
      %convert_element_type3A_139 = arith.extui %lt3A_138 : i1 to i32
      %cond3A_140 = arith.constant 0 : i32
      %cond3A_141 = arith.cmpi ne, %convert_element_type3A_139, %cond3A_140 : i32
      scf.if %cond3A_141 {
        %add3A_218 = arith.constant 1 : i32
        %add3A_219 = arith.addi %add3A_105, %add3A_218 : i32
        %dma_start3A_220 = arith.constant 0 : i32
        %dma_start3A_221 = tpu.memref_slice %arg6[%add3A, %add3A_219, %dma_start3A_220] : memref<32x250x40xi32, #tpu.memory_space<hbm>> -> memref<1x1x40xi32, #tpu.memory_space<hbm>>
        %dma_start3A_222 = tpu.memref_squeeze %dma_start3A_221 : memref<1x1x40xi32, #tpu.memory_space<hbm>> -> memref<40xi32, #tpu.memory_space<hbm>>
        %dma_start3A_223 = arith.constant 0 : i32
        %dma_start3A_224 = tpu.memref_slice %arg6[%add3A, %add3A_219, %dma_start3A_223] : memref<32x250x40xi32, #tpu.memory_space<hbm>> -> memref<1x1x40xi32, #tpu.memory_space<hbm>>
        %dma_start3A_225 = tpu.memref_squeeze %dma_start3A_224 : memref<1x1x40xi32, #tpu.memory_space<hbm>> -> memref<40xi32, #tpu.memory_space<hbm>>
        tpu.enqueue_dma source(%dma_start3A_225 : memref<40xi32, #tpu.memory_space<hbm>>) target(%arg13 : memref<40xi32, #tpu.memory_space<vmem>>) target_semaphore(%arg28 : memref<!tpu.dma_semaphore, #tpu.memory_space<semaphore_mem>>)
        %dma_wait3A_226 = arith.constant 0 : i32
        %dma_wait3A_227 = arith.constant 0 : i32
        %dma_wait3A_228 = arith.constant 0 : i32
        %dma_wait3A_229 = tpu.memref_slice %arg5[%dma_wait3A_226, %dma_wait3A_227, %dma_wait3A_228] : memref<32x250x40xi32, #tpu.memory_space<hbm>> -> memref<1x1x40xi32, #tpu.memory_space<hbm>>
        %dma_wait3A_230 = tpu.memref_squeeze %dma_wait3A_229 : memref<1x1x40xi32, #tpu.memory_space<hbm>> -> memref<40xi32, #tpu.memory_space<hbm>>
        %dma_wait3A_231 = arith.constant 0 : i32
        %dma_wait3A_232 = tpu.memref_slice %arg5[%dma_wait3A_226, %dma_wait3A_227, %dma_wait3A_231] : memref<32x250x40xi32, #tpu.memory_space<hbm>> -> memref<1x1x40xi32, #tpu.memory_space<hbm>>
        %dma_wait3A_233 = tpu.memref_squeeze %dma_wait3A_232 : memref<1x1x40xi32, #tpu.memory_space<hbm>> -> memref<40xi32, #tpu.memory_space<hbm>>
        tpu.wait_dma2 semaphore(%arg24 : memref<!tpu.dma_semaphore, #tpu.memory_space<semaphore_mem>>) src(%dma_wait3A_233 : memref<40xi32, #tpu.memory_space<hbm>>) dst(%arg9 : memref<40xi32, #tpu.memory_space<vmem>>)
        %dma_wait3A_234 = arith.constant 0 : i32
        %dma_wait3A_235 = arith.constant 0 : i32
        %dma_wait3A_236 = arith.constant 0 : i32
        %dma_wait3A_237 = tpu.memref_slice %arg6[%dma_wait3A_234, %dma_wait3A_235, %dma_wait3A_236] : memref<32x250x40xi32, #tpu.memory_space<hbm>> -> memref<1x1x40xi32, #tpu.memory_space<hbm>>
        %dma_wait3A_238 = tpu.memref_squeeze %dma_wait3A_237 : memref<1x1x40xi32, #tpu.memory_space<hbm>> -> memref<40xi32, #tpu.memory_space<hbm>>
        %dma_wait3A_239 = arith.constant 0 : i32
        %dma_wait3A_240 = tpu.memref_slice %arg6[%dma_wait3A_234, %dma_wait3A_235, %dma_wait3A_239] : memref<32x250x40xi32, #tpu.memory_space<hbm>> -> memref<1x1x40xi32, #tpu.memory_space<hbm>>
        %dma_wait3A_241 = tpu.memref_squeeze %dma_wait3A_240 : memref<1x1x40xi32, #tpu.memory_space<hbm>> -> memref<40xi32, #tpu.memory_space<hbm>>
        tpu.wait_dma2 semaphore(%arg26 : memref<!tpu.dma_semaphore, #tpu.memory_space<semaphore_mem>>) src(%dma_wait3A_241 : memref<40xi32, #tpu.memory_space<hbm>>) dst(%arg11 : memref<40xi32, #tpu.memory_space<vmem>>)
        %add3A_242 = arith.constant 1 : i32
        %add3A_243 = arith.addi %add3A_105, %add3A_242 : i32
        %dma_start3A_244 = arith.constant 0 : i32
        %dma_start3A_245 = arith.constant 0 : i32
        %dma_start3A_246 = tpu.memref_slice %arg2[%dma_start3A_244, %dma_start3A_245] : memref<10000x128xf32, #tpu.memory_space<hbm>> -> memref<10000x128xf32, #tpu.memory_space<hbm>>
        tpu.enqueue_indirect_dma source(%dma_start3A_246 : memref<10000x128xf32, #tpu.memory_space<hbm>>) target(%arg15 : memref<40x128xf32, #tpu.memory_space<vmem>>) offsets(%arg9 : memref<40xi32, #tpu.memory_space<vmem>>) semaphore(%arg30 : memref<!tpu.dma_semaphore, #tpu.memory_space<semaphore_mem>>)
        %dma_start3A_247 = arith.constant 0 : i32
        %dma_start3A_248 = arith.constant 0 : i32
        %dma_start3A_249 = tpu.memref_slice %arg3[%dma_start3A_247, %dma_start3A_248] : memref<10000x128xf32, #tpu.memory_space<hbm>> -> memref<10000x128xf32, #tpu.memory_space<hbm>>
        tpu.enqueue_indirect_dma source(%dma_start3A_249 : memref<10000x128xf32, #tpu.memory_space<hbm>>) target(%arg17 : memref<40x128xf32, #tpu.memory_space<vmem>>) offsets(%arg11 : memref<40xi32, #tpu.memory_space<vmem>>) semaphore(%arg32 : memref<!tpu.dma_semaphore, #tpu.memory_space<semaphore_mem>>)
        %mul3A_250 = arith.constant 250 : i32
        %mul3A_251 = arith.muli %add3A, %mul3A_250 : i32
        %add3A_252 = arith.addi %mul3A_251, %add3A_243 : i32
        %dma_start3A_253 = arith.constant 0 : i32
        %dma_start3A_254 = arith.constant 0 : i32
        %dma_start3A_255 = tpu.memref_slice %arg4[%add3A_252, %dma_start3A_253, %dma_start3A_254] : memref<8000x20x128xi32, #tpu.memory_space<hbm>> -> memref<1x20x128xi32, #tpu.memory_space<hbm>>
        %dma_start3A_256 = tpu.memref_squeeze %dma_start3A_255 : memref<1x20x128xi32, #tpu.memory_space<hbm>> -> memref<20x128xi32, #tpu.memory_space<hbm>>
        %dma_start3A_257 = arith.constant 0 : i32
        %dma_start3A_258 = arith.constant 0 : i32
        %dma_start3A_259 = tpu.memref_slice %arg4[%add3A_252, %dma_start3A_257, %dma_start3A_258] : memref<8000x20x128xi32, #tpu.memory_space<hbm>> -> memref<1x20x128xi32, #tpu.memory_space<hbm>>
        %dma_start3A_260 = tpu.memref_squeeze %dma_start3A_259 : memref<1x20x128xi32, #tpu.memory_space<hbm>> -> memref<20x128xi32, #tpu.memory_space<hbm>>
        tpu.enqueue_dma source(%dma_start3A_260 : memref<20x128xi32, #tpu.memory_space<hbm>>) target(%arg19 : memref<20x128xi32, #tpu.memory_space<vmem>>) target_semaphore(%arg34 : memref<!tpu.dma_semaphore, #tpu.memory_space<semaphore_mem>>)
      } else {
      }
      %scan3A_142 = arith.constant 0 : i32
      %scan3A_143 = arith.constant 0 : i32
      %scan3A_144 = arith.constant 20 : i32
      %scan3A_145 = arith.addi %scan3A_143, %scan3A_144 : i32
      %scan3A_146 = arith.constant 1 : i32
      scf.for %scan3A_218 = %scan3A_143 to %scan3A_145 step %scan3A_146  : i32 {
        %add3A_219 = arith.constant 20 : i32
        %add3A_220 = arith.addi %scan3A_218, %add3A_219 : i32
        %get3A = arith.index_cast %scan3A_218 : i32 to index
        %get3A_221 = arith.constant 0 : index
        %get3A_222 = tpu.vector_load %arg18[%get3A, %get3A_221] {strides = array<i32>} : memref<20x128xi32, #tpu.memory_space<vmem>>, vector<1x16xi32>,
        %get3A_223 = vector.shape_cast %get3A_222 : vector<1x16xi32> to vector<16xi32>
        %shift_left3A = arith.constant 16 : i32
        %shift_left3A_224 = vector.broadcast %shift_left3A : i32 to vector<16xi32>
        %shift_left3A_225 = arith.shli %get3A_223, %shift_left3A_224 : vector<16xi32>
        %bitcast_convert_type3A = tpu.bitcast %shift_left3A_225 : vector<16xi32> -> vector<16xf32>
        %and3A = arith.constant -65536 : i32
        %and3A_226 = vector.broadcast %and3A : i32 to vector<16xi32>
        %and3A_227 = arith.andi %get3A_223, %and3A_226 : vector<16xi32>
        %bitcast_convert_type3A_228 = tpu.bitcast %and3A_227 : vector<16xi32> -> vector<16xf32>
        %get3A_229 = arith.index_cast %scan3A_218 : i32 to index
        %get3A_230 = arith.constant 0 : index
        %get3A_231 = tpu.vector_load %arg14[%get3A_229, %get3A_230] {strides = array<i32>} : memref<40x128xf32, #tpu.memory_space<vmem>>, vector<1x16xf32>,
        %get3A_232 = vector.shape_cast %get3A_231 : vector<1x16xf32> to vector<16xf32>
        %get3A_233 = arith.index_cast %scan3A_218 : i32 to index
        %get3A_234 = arith.constant 0 : index
        %get3A_235 = tpu.vector_load %arg16[%get3A_233, %get3A_234] {strides = array<i32>} : memref<40x128xf32, #tpu.memory_space<vmem>>, vector<1x16xf32>,
        %get3A_236 = vector.shape_cast %get3A_235 : vector<1x16xf32> to vector<16xf32>
        %add3A_237 = arith.addf %get3A_232, %get3A_236 : vector<16xf32>
        %add3A_238 = arith.addf %add3A_237, %bitcast_convert_type3A : vector<16xf32>
        %max3A = arith.constant 0.000000e+00 : f32
        %max3A_239 = vector.broadcast %max3A : f32 to vector<16xf32>
        %max3A_240 = arith.maximumf %add3A_238, %max3A_239 : vector<16xf32>
        %swap3A = arith.index_cast %scan3A_218 : i32 to index
        %swap3A_241 = arith.constant 0 : index
        %swap3A_242 = tpu.vector_load %arg20[%swap3A, %swap3A_241] {strides = array<i32>} : memref<40x128xf32, #tpu.memory_space<vmem>>, vector<1x16xf32>,
        %swap3A_243 = vector.shape_cast %swap3A_242 : vector<1x16xf32> to vector<16xf32>
        %swap3A_244 = vector.shape_cast %max3A_240 : vector<16xf32> to vector<1x16xf32>
        tpu.vector_store %arg20[%swap3A, %swap3A_241], %swap3A_244 {strides = array<i32>} : memref<40x128xf32, #tpu.memory_space<vmem>>, vector<1x16xf32>,
        %get3A_245 = arith.index_cast %add3A_220 : i32 to index
        %get3A_246 = arith.constant 0 : index
        %get3A_247 = tpu.vector_load %arg14[%get3A_245, %get3A_246] {strides = array<i32>} : memref<40x128xf32, #tpu.memory_space<vmem>>, vector<1x16xf32>,
        %get3A_248 = vector.shape_cast %get3A_247 : vector<1x16xf32> to vector<16xf32>
        %get3A_249 = arith.index_cast %add3A_220 : i32 to index
        %get3A_250 = arith.constant 0 : index
        %get3A_251 = tpu.vector_load %arg16[%get3A_249, %get3A_250] {strides = array<i32>} : memref<40x128xf32, #tpu.memory_space<vmem>>, vector<1x16xf32>,
        %get3A_252 = vector.shape_cast %get3A_251 : vector<1x16xf32> to vector<16xf32>
        %add3A_253 = arith.addf %get3A_248, %get3A_252 : vector<16xf32>
        %add3A_254 = arith.addf %add3A_253, %bitcast_convert_type3A_228 : vector<16xf32>
        %max3A_255 = arith.constant 0.000000e+00 : f32
        %max3A_256 = vector.broadcast %max3A_255 : f32 to vector<16xf32>
        %max3A_257 = arith.maximumf %add3A_254, %max3A_256 : vector<16xf32>
        %swap3A_258 = arith.index_cast %add3A_220 : i32 to index
        %swap3A_259 = arith.constant 0 : index
        %swap3A_260 = tpu.vector_load %arg20[%swap3A_258, %swap3A_259] {strides = array<i32>} : memref<40x128xf32, #tpu.memory_space<vmem>>, vector<1x16xf32>,
        %swap3A_261 = vector.shape_cast %swap3A_260 : vector<1x16xf32> to vector<16xf32>
        %swap3A_262 = vector.shape_cast %max3A_257 : vector<16xf32> to vector<1x16xf32>
        tpu.vector_store %arg20[%swap3A_258, %swap3A_259], %swap3A_262 {strides = array<i32>} : memref<40x128xf32, #tpu.memory_space<vmem>>, vector<1x16xf32>,
        %get3A_263 = arith.index_cast %scan3A_218 : i32 to index
        %get3A_264 = arith.constant 16 : index
        %get3A_265 = tpu.vector_load %arg18[%get3A_263, %get3A_264] {strides = array<i32>} : memref<20x128xi32, #tpu.memory_space<vmem>>, vector<1x16xi32>,
        %get3A_266 = vector.shape_cast %get3A_265 : vector<1x16xi32> to vector<16xi32>
        %shift_left3A_267 = arith.constant 16 : i32
        %shift_left3A_268 = vector.broadcast %shift_left3A_267 : i32 to vector<16xi32>
        %shift_left3A_269 = arith.shli %get3A_266, %shift_left3A_268 : vector<16xi32>
        %bitcast_convert_type3A_270 = tpu.bitcast %shift_left3A_269 : vector<16xi32> -> vector<16xf32>
        %and3A_271 = arith.constant -65536 : i32
        %and3A_272 = vector.broadcast %and3A_271 : i32 to vector<16xi32>
        %and3A_273 = arith.andi %get3A_266, %and3A_272 : vector<16xi32>
        %bitcast_convert_type3A_274 = tpu.bitcast %and3A_273 : vector<16xi32> -> vector<16xf32>
        %get3A_275 = arith.index_cast %scan3A_218 : i32 to index
        %get3A_276 = arith.constant 16 : index
        %get3A_277 = tpu.vector_load %arg14[%get3A_275, %get3A_276] {strides = array<i32>} : memref<40x128xf32, #tpu.memory_space<vmem>>, vector<1x16xf32>,
        %get3A_278 = vector.shape_cast %get3A_277 : vector<1x16xf32> to vector<16xf32>
        %get3A_279 = arith.index_cast %scan3A_218 : i32 to index
        %get3A_280 = arith.constant 16 : index
        %get3A_281 = tpu.vector_load %arg16[%get3A_279, %get3A_280] {strides = array<i32>} : memref<40x128xf32, #tpu.memory_space<vmem>>, vector<1x16xf32>,
        %get3A_282 = vector.shape_cast %get3A_281 : vector<1x16xf32> to vector<16xf32>
        %add3A_283 = arith.addf %get3A_278, %get3A_282 : vector<16xf32>
        %add3A_284 = arith.addf %add3A_283, %bitcast_convert_type3A_270 : vector<16xf32>
        %max3A_285 = arith.constant 0.000000e+00 : f32
        %max3A_286 = vector.broadcast %max3A_285 : f32 to vector<16xf32>
        %max3A_287 = arith.maximumf %add3A_284, %max3A_286 : vector<16xf32>
        %swap3A_288 = arith.index_cast %scan3A_218 : i32 to index
        %swap3A_289 = arith.constant 16 : index
        %swap3A_290 = tpu.vector_load %arg20[%swap3A_288, %swap3A_289] {strides = array<i32>} : memref<40x128xf32, #tpu.memory_space<vmem>>, vector<1x16xf32>,
        %swap3A_291 = vector.shape_cast %swap3A_290 : vector<1x16xf32> to vector<16xf32>
        %swap3A_292 = vector.shape_cast %max3A_287 : vector<16xf32> to vector<1x16xf32>
        tpu.vector_store %arg20[%swap3A_288, %swap3A_289], %swap3A_292 {strides = array<i32>} : memref<40x128xf32, #tpu.memory_space<vmem>>, vector<1x16xf32>,
        %get3A_293 = arith.index_cast %add3A_220 : i32 to index
        %get3A_294 = arith.constant 16 : index
        %get3A_295 = tpu.vector_load %arg14[%get3A_293, %get3A_294] {strides = array<i32>} : memref<40x128xf32, #tpu.memory_space<vmem>>, vector<1x16xf32>,
        %get3A_296 = vector.shape_cast %get3A_295 : vector<1x16xf32> to vector<16xf32>
        %get3A_297 = arith.index_cast %add3A_220 : i32 to index
        %get3A_298 = arith.constant 16 : index
        %get3A_299 = tpu.vector_load %arg16[%get3A_297, %get3A_298] {strides = array<i32>} : memref<40x128xf32, #tpu.memory_space<vmem>>, vector<1x16xf32>,
        %get3A_300 = vector.shape_cast %get3A_299 : vector<1x16xf32> to vector<16xf32>
        %add3A_301 = arith.addf %get3A_296, %get3A_300 : vector<16xf32>
        %add3A_302 = arith.addf %add3A_301, %bitcast_convert_type3A_274 : vector<16xf32>
        %max3A_303 = arith.constant 0.000000e+00 : f32
        %max3A_304 = vector.broadcast %max3A_303 : f32 to vector<16xf32>
        %max3A_305 = arith.maximumf %add3A_302, %max3A_304 : vector<16xf32>
        %swap3A_306 = arith.index_cast %add3A_220 : i32 to index
        %swap3A_307 = arith.constant 16 : index
        %swap3A_308 = tpu.vector_load %arg20[%swap3A_306, %swap3A_307] {strides = array<i32>} : memref<40x128xf32, #tpu.memory_space<vmem>>, vector<1x16xf32>,
        %swap3A_309 = vector.shape_cast %swap3A_308 : vector<1x16xf32> to vector<16xf32>
        %swap3A_310 = vector.shape_cast %max3A_305 : vector<16xf32> to vector<1x16xf32>
        tpu.vector_store %arg20[%swap3A_306, %swap3A_307], %swap3A_310 {strides = array<i32>} : memref<40x128xf32, #tpu.memory_space<vmem>>, vector<1x16xf32>,
        %get3A_311 = arith.index_cast %scan3A_218 : i32 to index
        %get3A_312 = arith.constant 32 : index
        %get3A_313 = tpu.vector_load %arg18[%get3A_311, %get3A_312] {strides = array<i32>} : memref<20x128xi32, #tpu.memory_space<vmem>>, vector<1x16xi32>,
        %get3A_314 = vector.shape_cast %get3A_313 : vector<1x16xi32> to vector<16xi32>
        %shift_left3A_315 = arith.constant 16 : i32
        %shift_left3A_316 = vector.broadcast %shift_left3A_315 : i32 to vector<16xi32>
        %shift_left3A_317 = arith.shli %get3A_314, %shift_left3A_316 : vector<16xi32>
        %bitcast_convert_type3A_318 = tpu.bitcast %shift_left3A_317 : vector<16xi32> -> vector<16xf32>
        %and3A_319 = arith.constant -65536 : i32
        %and3A_320 = vector.broadcast %and3A_319 : i32 to vector<16xi32>
        %and3A_321 = arith.andi %get3A_314, %and3A_320 : vector<16xi32>
        %bitcast_convert_type3A_322 = tpu.bitcast %and3A_321 : vector<16xi32> -> vector<16xf32>
        %get3A_323 = arith.index_cast %scan3A_218 : i32 to index
        %get3A_324 = arith.constant 32 : index
        %get3A_325 = tpu.vector_load %arg14[%get3A_323, %get3A_324] {strides = array<i32>} : memref<40x128xf32, #tpu.memory_space<vmem>>, vector<1x16xf32>,
        %get3A_326 = vector.shape_cast %get3A_325 : vector<1x16xf32> to vector<16xf32>
        %get3A_327 = arith.index_cast %scan3A_218 : i32 to index
        %get3A_328 = arith.constant 32 : index
        %get3A_329 = tpu.vector_load %arg16[%get3A_327, %get3A_328] {strides = array<i32>} : memref<40x128xf32, #tpu.memory_space<vmem>>, vector<1x16xf32>,
        %get3A_330 = vector.shape_cast %get3A_329 : vector<1x16xf32> to vector<16xf32>
        %add3A_331 = arith.addf %get3A_326, %get3A_330 : vector<16xf32>
        %add3A_332 = arith.addf %add3A_331, %bitcast_convert_type3A_318 : vector<16xf32>
        %max3A_333 = arith.constant 0.000000e+00 : f32
        %max3A_334 = vector.broadcast %max3A_333 : f32 to vector<16xf32>
        %max3A_335 = arith.maximumf %add3A_332, %max3A_334 : vector<16xf32>
        %swap3A_336 = arith.index_cast %scan3A_218 : i32 to index
        %swap3A_337 = arith.constant 32 : index
        %swap3A_338 = tpu.vector_load %arg20[%swap3A_336, %swap3A_337] {strides = array<i32>} : memref<40x128xf32, #tpu.memory_space<vmem>>, vector<1x16xf32>,
        %swap3A_339 = vector.shape_cast %swap3A_338 : vector<1x16xf32> to vector<16xf32>
        %swap3A_340 = vector.shape_cast %max3A_335 : vector<16xf32> to vector<1x16xf32>
        tpu.vector_store %arg20[%swap3A_336, %swap3A_337], %swap3A_340 {strides = array<i32>} : memref<40x128xf32, #tpu.memory_space<vmem>>, vector<1x16xf32>,
        %get3A_341 = arith.index_cast %add3A_220 : i32 to index
        %get3A_342 = arith.constant 32 : index
        %get3A_343 = tpu.vector_load %arg14[%get3A_341, %get3A_342] {strides = array<i32>} : memref<40x128xf32, #tpu.memory_space<vmem>>, vector<1x16xf32>,
        %get3A_344 = vector.shape_cast %get3A_343 : vector<1x16xf32> to vector<16xf32>
        %get3A_345 = arith.index_cast %add3A_220 : i32 to index
        %get3A_346 = arith.constant 32 : index
        %get3A_347 = tpu.vector_load %arg16[%get3A_345, %get3A_346] {strides = array<i32>} : memref<40x128xf32, #tpu.memory_space<vmem>>, vector<1x16xf32>,
        %get3A_348 = vector.shape_cast %get3A_347 : vector<1x16xf32> to vector<16xf32>
        %add3A_349 = arith.addf %get3A_344, %get3A_348 : vector<16xf32>
        %add3A_350 = arith.addf %add3A_349, %bitcast_convert_type3A_322 : vector<16xf32>
        %max3A_351 = arith.constant 0.000000e+00 : f32
        %max3A_352 = vector.broadcast %max3A_351 : f32 to vector<16xf32>
        %max3A_353 = arith.maximumf %add3A_350, %max3A_352 : vector<16xf32>
        %swap3A_354 = arith.index_cast %add3A_220 : i32 to index
        %swap3A_355 = arith.constant 32 : index
        %swap3A_356 = tpu.vector_load %arg20[%swap3A_354, %swap3A_355] {strides = array<i32>} : memref<40x128xf32, #tpu.memory_space<vmem>>, vector<1x16xf32>,
        %swap3A_357 = vector.shape_cast %swap3A_356 : vector<1x16xf32> to vector<16xf32>
        %swap3A_358 = vector.shape_cast %max3A_353 : vector<16xf32> to vector<1x16xf32>
        tpu.vector_store %arg20[%swap3A_354, %swap3A_355], %swap3A_358 {strides = array<i32>} : memref<40x128xf32, #tpu.memory_space<vmem>>, vector<1x16xf32>,
        %get3A_359 = arith.index_cast %scan3A_218 : i32 to index
        %get3A_360 = arith.constant 48 : index
        %get3A_361 = tpu.vector_load %arg18[%get3A_359, %get3A_360] {strides = array<i32>} : memref<20x128xi32, #tpu.memory_space<vmem>>, vector<1x16xi32>,
        %get3A_362 = vector.shape_cast %get3A_361 : vector<1x16xi32> to vector<16xi32>
        %shift_left3A_363 = arith.constant 16 : i32
        %shift_left3A_364 = vector.broadcast %shift_left3A_363 : i32 to vector<16xi32>
        %shift_left3A_365 = arith.shli %get3A_362, %shift_left3A_364 : vector<16xi32>
        %bitcast_convert_type3A_366 = tpu.bitcast %shift_left3A_365 : vector<16xi32> -> vector<16xf32>
        %and3A_367 = arith.constant -65536 : i32
        %and3A_368 = vector.broadcast %and3A_367 : i32 to vector<16xi32>
        %and3A_369 = arith.andi %get3A_362, %and3A_368 : vector<16xi32>
        %bitcast_convert_type3A_370 = tpu.bitcast %and3A_369 : vector<16xi32> -> vector<16xf32>
        %get3A_371 = arith.index_cast %scan3A_218 : i32 to index
        %get3A_372 = arith.constant 48 : index
        %get3A_373 = tpu.vector_load %arg14[%get3A_371, %get3A_372] {strides = array<i32>} : memref<40x128xf32, #tpu.memory_space<vmem>>, vector<1x16xf32>,
        %get3A_374 = vector.shape_cast %get3A_373 : vector<1x16xf32> to vector<16xf32>
        %get3A_375 = arith.index_cast %scan3A_218 : i32 to index
        %get3A_376 = arith.constant 48 : index
        %get3A_377 = tpu.vector_load %arg16[%get3A_375, %get3A_376] {strides = array<i32>} : memref<40x128xf32, #tpu.memory_space<vmem>>, vector<1x16xf32>,
        %get3A_378 = vector.shape_cast %get3A_377 : vector<1x16xf32> to vector<16xf32>
        %add3A_379 = arith.addf %get3A_374, %get3A_378 : vector<16xf32>
        %add3A_380 = arith.addf %add3A_379, %bitcast_convert_type3A_366 : vector<16xf32>
        %max3A_381 = arith.constant 0.000000e+00 : f32
        %max3A_382 = vector.broadcast %max3A_381 : f32 to vector<16xf32>
        %max3A_383 = arith.maximumf %add3A_380, %max3A_382 : vector<16xf32>
        %swap3A_384 = arith.index_cast %scan3A_218 : i32 to index
        %swap3A_385 = arith.constant 48 : index
        %swap3A_386 = tpu.vector_load %arg20[%swap3A_384, %swap3A_385] {strides = array<i32>} : memref<40x128xf32, #tpu.memory_space<vmem>>, vector<1x16xf32>,
        %swap3A_387 = vector.shape_cast %swap3A_386 : vector<1x16xf32> to vector<16xf32>
        %swap3A_388 = vector.shape_cast %max3A_383 : vector<16xf32> to vector<1x16xf32>
        tpu.vector_store %arg20[%swap3A_384, %swap3A_385], %swap3A_388 {strides = array<i32>} : memref<40x128xf32, #tpu.memory_space<vmem>>, vector<1x16xf32>,
        %get3A_389 = arith.index_cast %add3A_220 : i32 to index
        %get3A_390 = arith.constant 48 : index
        %get3A_391 = tpu.vector_load %arg14[%get3A_389, %get3A_390] {strides = array<i32>} : memref<40x128xf32, #tpu.memory_space<vmem>>, vector<1x16xf32>,
        %get3A_392 = vector.shape_cast %get3A_391 : vector<1x16xf32> to vector<16xf32>
        %get3A_393 = arith.index_cast %add3A_220 : i32 to index
        %get3A_394 = arith.constant 48 : index
        %get3A_395 = tpu.vector_load %arg16[%get3A_393, %get3A_394] {strides = array<i32>} : memref<40x128xf32, #tpu.memory_space<vmem>>, vector<1x16xf32>,
        %get3A_396 = vector.shape_cast %get3A_395 : vector<1x16xf32> to vector<16xf32>
        %add3A_397 = arith.addf %get3A_392, %get3A_396 : vector<16xf32>
        %add3A_398 = arith.addf %add3A_397, %bitcast_convert_type3A_370 : vector<16xf32>
        %max3A_399 = arith.constant 0.000000e+00 : f32
        %max3A_400 = vector.broadcast %max3A_399 : f32 to vector<16xf32>
        %max3A_401 = arith.maximumf %add3A_398, %max3A_400 : vector<16xf32>
        %swap3A_402 = arith.index_cast %add3A_220 : i32 to index
        %swap3A_403 = arith.constant 48 : index
        %swap3A_404 = tpu.vector_load %arg20[%swap3A_402, %swap3A_403] {strides = array<i32>} : memref<40x128xf32, #tpu.memory_space<vmem>>, vector<1x16xf32>,
        %swap3A_405 = vector.shape_cast %swap3A_404 : vector<1x16xf32> to vector<16xf32>
        %swap3A_406 = vector.shape_cast %max3A_401 : vector<16xf32> to vector<1x16xf32>
        tpu.vector_store %arg20[%swap3A_402, %swap3A_403], %swap3A_406 {strides = array<i32>} : memref<40x128xf32, #tpu.memory_space<vmem>>, vector<1x16xf32>,
        %get3A_407 = arith.index_cast %scan3A_218 : i32 to index
        %get3A_408 = arith.constant 64 : index
        %get3A_409 = tpu.vector_load %arg18[%get3A_407, %get3A_408] {strides = array<i32>} : memref<20x128xi32, #tpu.memory_space<vmem>>, vector<1x16xi32>,
        %get3A_410 = vector.shape_cast %get3A_409 : vector<1x16xi32> to vector<16xi32>
        %shift_left3A_411 = arith.constant 16 : i32
        %shift_left3A_412 = vector.broadcast %shift_left3A_411 : i32 to vector<16xi32>
        %shift_left3A_413 = arith.shli %get3A_410, %shift_left3A_412 : vector<16xi32>
        %bitcast_convert_type3A_414 = tpu.bitcast %shift_left3A_413 : vector<16xi32> -> vector<16xf32>
        %and3A_415 = arith.constant -65536 : i32
        %and3A_416 = vector.broadcast %and3A_415 : i32 to vector<16xi32>
        %and3A_417 = arith.andi %get3A_410, %and3A_416 : vector<16xi32>
        %bitcast_convert_type3A_418 = tpu.bitcast %and3A_417 : vector<16xi32> -> vector<16xf32>
        %get3A_419 = arith.index_cast %scan3A_218 : i32 to index
        %get3A_420 = arith.constant 64 : index
        %get3A_421 = tpu.vector_load %arg14[%get3A_419, %get3A_420] {strides = array<i32>} : memref<40x128xf32, #tpu.memory_space<vmem>>, vector<1x16xf32>,
        %get3A_422 = vector.shape_cast %get3A_421 : vector<1x16xf32> to vector<16xf32>
        %get3A_423 = arith.index_cast %scan3A_218 : i32 to index
        %get3A_424 = arith.constant 64 : index
        %get3A_425 = tpu.vector_load %arg16[%get3A_423, %get3A_424] {strides = array<i32>} : memref<40x128xf32, #tpu.memory_space<vmem>>, vector<1x16xf32>,
        %get3A_426 = vector.shape_cast %get3A_425 : vector<1x16xf32> to vector<16xf32>
        %add3A_427 = arith.addf %get3A_422, %get3A_426 : vector<16xf32>
        %add3A_428 = arith.addf %add3A_427, %bitcast_convert_type3A_414 : vector<16xf32>
        %max3A_429 = arith.constant 0.000000e+00 : f32
        %max3A_430 = vector.broadcast %max3A_429 : f32 to vector<16xf32>
        %max3A_431 = arith.maximumf %add3A_428, %max3A_430 : vector<16xf32>
        %swap3A_432 = arith.index_cast %scan3A_218 : i32 to index
        %swap3A_433 = arith.constant 64 : index
        %swap3A_434 = tpu.vector_load %arg20[%swap3A_432, %swap3A_433] {strides = array<i32>} : memref<40x128xf32, #tpu.memory_space<vmem>>, vector<1x16xf32>,
        %swap3A_435 = vector.shape_cast %swap3A_434 : vector<1x16xf32> to vector<16xf32>
        %swap3A_436 = vector.shape_cast %max3A_431 : vector<16xf32> to vector<1x16xf32>
        tpu.vector_store %arg20[%swap3A_432, %swap3A_433], %swap3A_436 {strides = array<i32>} : memref<40x128xf32, #tpu.memory_space<vmem>>, vector<1x16xf32>,
        %get3A_437 = arith.index_cast %add3A_220 : i32 to index
        %get3A_438 = arith.constant 64 : index
        %get3A_439 = tpu.vector_load %arg14[%get3A_437, %get3A_438] {strides = array<i32>} : memref<40x128xf32, #tpu.memory_space<vmem>>, vector<1x16xf32>,
        %get3A_440 = vector.shape_cast %get3A_439 : vector<1x16xf32> to vector<16xf32>
        %get3A_441 = arith.index_cast %add3A_220 : i32 to index
        %get3A_442 = arith.constant 64 : index
        %get3A_443 = tpu.vector_load %arg16[%get3A_441, %get3A_442] {strides = array<i32>} : memref<40x128xf32, #tpu.memory_space<vmem>>, vector<1x16xf32>,
        %get3A_444 = vector.shape_cast %get3A_443 : vector<1x16xf32> to vector<16xf32>
        %add3A_445 = arith.addf %get3A_440, %get3A_444 : vector<16xf32>
        %add3A_446 = arith.addf %add3A_445, %bitcast_convert_type3A_418 : vector<16xf32>
        %max3A_447 = arith.constant 0.000000e+00 : f32
        %max3A_448 = vector.broadcast %max3A_447 : f32 to vector<16xf32>
        %max3A_449 = arith.maximumf %add3A_446, %max3A_448 : vector<16xf32>
        %swap3A_450 = arith.index_cast %add3A_220 : i32 to index
        %swap3A_451 = arith.constant 64 : index
        %swap3A_452 = tpu.vector_load %arg20[%swap3A_450, %swap3A_451] {strides = array<i32>} : memref<40x128xf32, #tpu.memory_space<vmem>>, vector<1x16xf32>,
        %swap3A_453 = vector.shape_cast %swap3A_452 : vector<1x16xf32> to vector<16xf32>
        %swap3A_454 = vector.shape_cast %max3A_449 : vector<16xf32> to vector<1x16xf32>
        tpu.vector_store %arg20[%swap3A_450, %swap3A_451], %swap3A_454 {strides = array<i32>} : memref<40x128xf32, #tpu.memory_space<vmem>>, vector<1x16xf32>,
        %get3A_455 = arith.index_cast %scan3A_218 : i32 to index
        %get3A_456 = arith.constant 80 : index
        %get3A_457 = tpu.vector_load %arg18[%get3A_455, %get3A_456] {strides = array<i32>} : memref<20x128xi32, #tpu.memory_space<vmem>>, vector<1x16xi32>,
        %get3A_458 = vector.shape_cast %get3A_457 : vector<1x16xi32> to vector<16xi32>
        %shift_left3A_459 = arith.constant 16 : i32
        %shift_left3A_460 = vector.broadcast %shift_left3A_459 : i32 to vector<16xi32>
        %shift_left3A_461 = arith.shli %get3A_458, %shift_left3A_460 : vector<16xi32>
        %bitcast_convert_type3A_462 = tpu.bitcast %shift_left3A_461 : vector<16xi32> -> vector<16xf32>
        %and3A_463 = arith.constant -65536 : i32
        %and3A_464 = vector.broadcast %and3A_463 : i32 to vector<16xi32>
        %and3A_465 = arith.andi %get3A_458, %and3A_464 : vector<16xi32>
        %bitcast_convert_type3A_466 = tpu.bitcast %and3A_465 : vector<16xi32> -> vector<16xf32>
        %get3A_467 = arith.index_cast %scan3A_218 : i32 to index
        %get3A_468 = arith.constant 80 : index
        %get3A_469 = tpu.vector_load %arg14[%get3A_467, %get3A_468] {strides = array<i32>} : memref<40x128xf32, #tpu.memory_space<vmem>>, vector<1x16xf32>,
        %get3A_470 = vector.shape_cast %get3A_469 : vector<1x16xf32> to vector<16xf32>
        %get3A_471 = arith.index_cast %scan3A_218 : i32 to index
        %get3A_472 = arith.constant 80 : index
        %get3A_473 = tpu.vector_load %arg16[%get3A_471, %get3A_472] {strides = array<i32>} : memref<40x128xf32, #tpu.memory_space<vmem>>, vector<1x16xf32>,
        %get3A_474 = vector.shape_cast %get3A_473 : vector<1x16xf32> to vector<16xf32>
        %add3A_475 = arith.addf %get3A_470, %get3A_474 : vector<16xf32>
        %add3A_476 = arith.addf %add3A_475, %bitcast_convert_type3A_462 : vector<16xf32>
        %max3A_477 = arith.constant 0.000000e+00 : f32
        %max3A_478 = vector.broadcast %max3A_477 : f32 to vector<16xf32>
        %max3A_479 = arith.maximumf %add3A_476, %max3A_478 : vector<16xf32>
        %swap3A_480 = arith.index_cast %scan3A_218 : i32 to index
        %swap3A_481 = arith.constant 80 : index
        %swap3A_482 = tpu.vector_load %arg20[%swap3A_480, %swap3A_481] {strides = array<i32>} : memref<40x128xf32, #tpu.memory_space<vmem>>, vector<1x16xf32>,
        %swap3A_483 = vector.shape_cast %swap3A_482 : vector<1x16xf32> to vector<16xf32>
        %swap3A_484 = vector.shape_cast %max3A_479 : vector<16xf32> to vector<1x16xf32>
        tpu.vector_store %arg20[%swap3A_480, %swap3A_481], %swap3A_484 {strides = array<i32>} : memref<40x128xf32, #tpu.memory_space<vmem>>, vector<1x16xf32>,
        %get3A_485 = arith.index_cast %add3A_220 : i32 to index
        %get3A_486 = arith.constant 80 : index
        %get3A_487 = tpu.vector_load %arg14[%get3A_485, %get3A_486] {strides = array<i32>} : memref<40x128xf32, #tpu.memory_space<vmem>>, vector<1x16xf32>,
        %get3A_488 = vector.shape_cast %get3A_487 : vector<1x16xf32> to vector<16xf32>
        %get3A_489 = arith.index_cast %add3A_220 : i32 to index
        %get3A_490 = arith.constant 80 : index
        %get3A_491 = tpu.vector_load %arg16[%get3A_489, %get3A_490] {strides = array<i32>} : memref<40x128xf32, #tpu.memory_space<vmem>>, vector<1x16xf32>,
        %get3A_492 = vector.shape_cast %get3A_491 : vector<1x16xf32> to vector<16xf32>
        %add3A_493 = arith.addf %get3A_488, %get3A_492 : vector<16xf32>
        %add3A_494 = arith.addf %add3A_493, %bitcast_convert_type3A_466 : vector<16xf32>
        %max3A_495 = arith.constant 0.000000e+00 : f32
        %max3A_496 = vector.broadcast %max3A_495 : f32 to vector<16xf32>
        %max3A_497 = arith.maximumf %add3A_494, %max3A_496 : vector<16xf32>
        %swap3A_498 = arith.index_cast %add3A_220 : i32 to index
        %swap3A_499 = arith.constant 80 : index
        %swap3A_500 = tpu.vector_load %arg20[%swap3A_498, %swap3A_499] {strides = array<i32>} : memref<40x128xf32, #tpu.memory_space<vmem>>, vector<1x16xf32>,
        %swap3A_501 = vector.shape_cast %swap3A_500 : vector<1x16xf32> to vector<16xf32>
        %swap3A_502 = vector.shape_cast %max3A_497 : vector<16xf32> to vector<1x16xf32>
        tpu.vector_store %arg20[%swap3A_498, %swap3A_499], %swap3A_502 {strides = array<i32>} : memref<40x128xf32, #tpu.memory_space<vmem>>, vector<1x16xf32>,
        %get3A_503 = arith.index_cast %scan3A_218 : i32 to index
        %get3A_504 = arith.constant 96 : index
        %get3A_505 = tpu.vector_load %arg18[%get3A_503, %get3A_504] {strides = array<i32>} : memref<20x128xi32, #tpu.memory_space<vmem>>, vector<1x16xi32>,
        %get3A_506 = vector.shape_cast %get3A_505 : vector<1x16xi32> to vector<16xi32>
        %shift_left3A_507 = arith.constant 16 : i32
        %shift_left3A_508 = vector.broadcast %shift_left3A_507 : i32 to vector<16xi32>
        %shift_left3A_509 = arith.shli %get3A_506, %shift_left3A_508 : vector<16xi32>
        %bitcast_convert_type3A_510 = tpu.bitcast %shift_left3A_509 : vector<16xi32> -> vector<16xf32>
        %and3A_511 = arith.constant -65536 : i32
        %and3A_512 = vector.broadcast %and3A_511 : i32 to vector<16xi32>
        %and3A_513 = arith.andi %get3A_506, %and3A_512 : vector<16xi32>
        %bitcast_convert_type3A_514 = tpu.bitcast %and3A_513 : vector<16xi32> -> vector<16xf32>
        %get3A_515 = arith.index_cast %scan3A_218 : i32 to index
        %get3A_516 = arith.constant 96 : index
        %get3A_517 = tpu.vector_load %arg14[%get3A_515, %get3A_516] {strides = array<i32>} : memref<40x128xf32, #tpu.memory_space<vmem>>, vector<1x16xf32>,
        %get3A_518 = vector.shape_cast %get3A_517 : vector<1x16xf32> to vector<16xf32>
        %get3A_519 = arith.index_cast %scan3A_218 : i32 to index
        %get3A_520 = arith.constant 96 : index
        %get3A_521 = tpu.vector_load %arg16[%get3A_519, %get3A_520] {strides = array<i32>} : memref<40x128xf32, #tpu.memory_space<vmem>>, vector<1x16xf32>,
        %get3A_522 = vector.shape_cast %get3A_521 : vector<1x16xf32> to vector<16xf32>
        %add3A_523 = arith.addf %get3A_518, %get3A_522 : vector<16xf32>
        %add3A_524 = arith.addf %add3A_523, %bitcast_convert_type3A_510 : vector<16xf32>
        %max3A_525 = arith.constant 0.000000e+00 : f32
        %max3A_526 = vector.broadcast %max3A_525 : f32 to vector<16xf32>
        %max3A_527 = arith.maximumf %add3A_524, %max3A_526 : vector<16xf32>
        %swap3A_528 = arith.index_cast %scan3A_218 : i32 to index
        %swap3A_529 = arith.constant 96 : index
        %swap3A_530 = tpu.vector_load %arg20[%swap3A_528, %swap3A_529] {strides = array<i32>} : memref<40x128xf32, #tpu.memory_space<vmem>>, vector<1x16xf32>,
        %swap3A_531 = vector.shape_cast %swap3A_530 : vector<1x16xf32> to vector<16xf32>
        %swap3A_532 = vector.shape_cast %max3A_527 : vector<16xf32> to vector<1x16xf32>
        tpu.vector_store %arg20[%swap3A_528, %swap3A_529], %swap3A_532 {strides = array<i32>} : memref<40x128xf32, #tpu.memory_space<vmem>>, vector<1x16xf32>,
        %get3A_533 = arith.index_cast %add3A_220 : i32 to index
        %get3A_534 = arith.constant 96 : index
        %get3A_535 = tpu.vector_load %arg14[%get3A_533, %get3A_534] {strides = array<i32>} : memref<40x128xf32, #tpu.memory_space<vmem>>, vector<1x16xf32>,
        %get3A_536 = vector.shape_cast %get3A_535 : vector<1x16xf32> to vector<16xf32>
        %get3A_537 = arith.index_cast %add3A_220 : i32 to index
        %get3A_538 = arith.constant 96 : index
        %get3A_539 = tpu.vector_load %arg16[%get3A_537, %get3A_538] {strides = array<i32>} : memref<40x128xf32, #tpu.memory_space<vmem>>, vector<1x16xf32>,
        %get3A_540 = vector.shape_cast %get3A_539 : vector<1x16xf32> to vector<16xf32>
        %add3A_541 = arith.addf %get3A_536, %get3A_540 : vector<16xf32>
        %add3A_542 = arith.addf %add3A_541, %bitcast_convert_type3A_514 : vector<16xf32>
        %max3A_543 = arith.constant 0.000000e+00 : f32
        %max3A_544 = vector.broadcast %max3A_543 : f32 to vector<16xf32>
        %max3A_545 = arith.maximumf %add3A_542, %max3A_544 : vector<16xf32>
        %swap3A_546 = arith.index_cast %add3A_220 : i32 to index
        %swap3A_547 = arith.constant 96 : index
        %swap3A_548 = tpu.vector_load %arg20[%swap3A_546, %swap3A_547] {strides = array<i32>} : memref<40x128xf32, #tpu.memory_space<vmem>>, vector<1x16xf32>,
        %swap3A_549 = vector.shape_cast %swap3A_548 : vector<1x16xf32> to vector<16xf32>
        %swap3A_550 = vector.shape_cast %max3A_545 : vector<16xf32> to vector<1x16xf32>
        tpu.vector_store %arg20[%swap3A_546, %swap3A_547], %swap3A_550 {strides = array<i32>} : memref<40x128xf32, #tpu.memory_space<vmem>>, vector<1x16xf32>,
        %get3A_551 = arith.index_cast %scan3A_218 : i32 to index
        %get3A_552 = arith.constant 112 : index
        %get3A_553 = tpu.vector_load %arg18[%get3A_551, %get3A_552] {strides = array<i32>} : memref<20x128xi32, #tpu.memory_space<vmem>>, vector<1x16xi32>,
        %get3A_554 = vector.shape_cast %get3A_553 : vector<1x16xi32> to vector<16xi32>
        %shift_left3A_555 = arith.constant 16 : i32
        %shift_left3A_556 = vector.broadcast %shift_left3A_555 : i32 to vector<16xi32>
        %shift_left3A_557 = arith.shli %get3A_554, %shift_left3A_556 : vector<16xi32>
        %bitcast_convert_type3A_558 = tpu.bitcast %shift_left3A_557 : vector<16xi32> -> vector<16xf32>
        %and3A_559 = arith.constant -65536 : i32
        %and3A_560 = vector.broadcast %and3A_559 : i32 to vector<16xi32>
        %and3A_561 = arith.andi %get3A_554, %and3A_560 : vector<16xi32>
        %bitcast_convert_type3A_562 = tpu.bitcast %and3A_561 : vector<16xi32> -> vector<16xf32>
        %get3A_563 = arith.index_cast %scan3A_218 : i32 to index
        %get3A_564 = arith.constant 112 : index
        %get3A_565 = tpu.vector_load %arg14[%get3A_563, %get3A_564] {strides = array<i32>} : memref<40x128xf32, #tpu.memory_space<vmem>>, vector<1x16xf32>,
        %get3A_566 = vector.shape_cast %get3A_565 : vector<1x16xf32> to vector<16xf32>
        %get3A_567 = arith.index_cast %scan3A_218 : i32 to index
        %get3A_568 = arith.constant 112 : index
        %get3A_569 = tpu.vector_load %arg16[%get3A_567, %get3A_568] {strides = array<i32>} : memref<40x128xf32, #tpu.memory_space<vmem>>, vector<1x16xf32>,
        %get3A_570 = vector.shape_cast %get3A_569 : vector<1x16xf32> to vector<16xf32>
        %add3A_571 = arith.addf %get3A_566, %get3A_570 : vector<16xf32>
        %add3A_572 = arith.addf %add3A_571, %bitcast_convert_type3A_558 : vector<16xf32>
        %max3A_573 = arith.constant 0.000000e+00 : f32
        %max3A_574 = vector.broadcast %max3A_573 : f32 to vector<16xf32>
        %max3A_575 = arith.maximumf %add3A_572, %max3A_574 : vector<16xf32>
        %swap3A_576 = arith.index_cast %scan3A_218 : i32 to index
        %swap3A_577 = arith.constant 112 : index
        %swap3A_578 = tpu.vector_load %arg20[%swap3A_576, %swap3A_577] {strides = array<i32>} : memref<40x128xf32, #tpu.memory_space<vmem>>, vector<1x16xf32>,
        %swap3A_579 = vector.shape_cast %swap3A_578 : vector<1x16xf32> to vector<16xf32>
        %swap3A_580 = vector.shape_cast %max3A_575 : vector<16xf32> to vector<1x16xf32>
        tpu.vector_store %arg20[%swap3A_576, %swap3A_577], %swap3A_580 {strides = array<i32>} : memref<40x128xf32, #tpu.memory_space<vmem>>, vector<1x16xf32>,
        %get3A_581 = arith.index_cast %add3A_220 : i32 to index
        %get3A_582 = arith.constant 112 : index
        %get3A_583 = tpu.vector_load %arg14[%get3A_581, %get3A_582] {strides = array<i32>} : memref<40x128xf32, #tpu.memory_space<vmem>>, vector<1x16xf32>,
        %get3A_584 = vector.shape_cast %get3A_583 : vector<1x16xf32> to vector<16xf32>
        %get3A_585 = arith.index_cast %add3A_220 : i32 to index
        %get3A_586 = arith.constant 112 : index
        %get3A_587 = tpu.vector_load %arg16[%get3A_585, %get3A_586] {strides = array<i32>} : memref<40x128xf32, #tpu.memory_space<vmem>>, vector<1x16xf32>,
        %get3A_588 = vector.shape_cast %get3A_587 : vector<1x16xf32> to vector<16xf32>
        %add3A_589 = arith.addf %get3A_584, %get3A_588 : vector<16xf32>
        %add3A_590 = arith.addf %add3A_589, %bitcast_convert_type3A_562 : vector<16xf32>
        %max3A_591 = arith.constant 0.000000e+00 : f32
        %max3A_592 = vector.broadcast %max3A_591 : f32 to vector<16xf32>
        %max3A_593 = arith.maximumf %add3A_590, %max3A_592 : vector<16xf32>
        %swap3A_594 = arith.index_cast %add3A_220 : i32 to index
        %swap3A_595 = arith.constant 112 : index
        %swap3A_596 = tpu.vector_load %arg20[%swap3A_594, %swap3A_595] {strides = array<i32>} : memref<40x128xf32, #tpu.memory_space<vmem>>, vector<1x16xf32>,
        %swap3A_597 = vector.shape_cast %swap3A_596 : vector<1x16xf32> to vector<16xf32>
        %swap3A_598 = vector.shape_cast %max3A_593 : vector<16xf32> to vector<1x16xf32>
        tpu.vector_store %arg20[%swap3A_594, %swap3A_595], %swap3A_598 {strides = array<i32>} : memref<40x128xf32, #tpu.memory_space<vmem>>, vector<1x16xf32>,
      }
      %scan3A_147 = arith.constant 20 : i32
      %dma_wait3A_148 = arith.constant 0 : i32
      %dma_wait3A_149 = arith.constant 0 : i32
      %dma_wait3A_150 = arith.constant 0 : i32
      %dma_wait3A_151 = tpu.memref_slice %arg6[%dma_wait3A_148, %dma_wait3A_149, %dma_wait3A_150] : memref<32x250x40xi32, #tpu.memory_space<hbm>> -> memref<1x1x40xi32, #tpu.memory_space<hbm>>
      %dma_wait3A_152 = tpu.memref_squeeze %dma_wait3A_151 : memref<1x1x40xi32, #tpu.memory_space<hbm>> -> memref<40xi32, #tpu.memory_space<hbm>>
      %dma_wait3A_153 = arith.constant 0 : i32
      %dma_wait3A_154 = tpu.memref_slice %arg6[%dma_wait3A_148, %dma_wait3A_149, %dma_wait3A_153] : memref<32x250x40xi32, #tpu.memory_space<hbm>> -> memref<1x1x40xi32, #tpu.memory_space<hbm>>
      %dma_wait3A_155 = tpu.memref_squeeze %dma_wait3A_154 : memref<1x1x40xi32, #tpu.memory_space<hbm>> -> memref<40xi32, #tpu.memory_space<hbm>>
      tpu.wait_dma2 semaphore(%arg27 : memref<!tpu.dma_semaphore, #tpu.memory_space<semaphore_mem>>) src(%dma_wait3A_155 : memref<40xi32, #tpu.memory_space<hbm>>) dst(%arg12 : memref<40xi32, #tpu.memory_space<vmem>>)
      %dma_start3A_156 = arith.constant 0 : i32
      %dma_start3A_157 = arith.constant 0 : i32
      %dma_start3A_158 = tpu.memref_slice %arg22[%dma_start3A_156, %dma_start3A_157] : memref<10000x128xf32, #tpu.memory_space<vmem_shared>> -> memref<10000x128xf32, #tpu.memory_space<vmem_shared>>
      tpu.enqueue_indirect_dma source(%arg20 : memref<40x128xf32, #tpu.memory_space<vmem>>) target(%dma_start3A_158 : memref<10000x128xf32, #tpu.memory_space<vmem_shared>>) offsets(%arg12 : memref<40xi32, #tpu.memory_space<vmem>>) semaphore(%arg35 : memref<!tpu.dma_semaphore, #tpu.memory_space<semaphore_mem>>) {add = true}
      %add3A_159 = arith.constant 1 : i32
      %add3A_160 = arith.addi %mul3A_103, %add3A_159 : i32
      %dma_wait3A_161 = arith.constant 0 : i32
      %dma_wait3A_162 = arith.constant 0 : i32
      %dma_wait3A_163 = tpu.memref_slice %arg2[%dma_wait3A_161, %dma_wait3A_162] : memref<10000x128xf32, #tpu.memory_space<hbm>> -> memref<40x128xf32, #tpu.memory_space<hbm>>
      %dma_wait3A_164 = arith.constant 0 : i32
      %dma_wait3A_165 = arith.constant 0 : i32
      %dma_wait3A_166 = tpu.memref_slice %arg2[%dma_wait3A_164, %dma_wait3A_165] : memref<10000x128xf32, #tpu.memory_space<hbm>> -> memref<40x128xf32, #tpu.memory_space<hbm>>
      tpu.wait_dma2 semaphore(%arg30 : memref<!tpu.dma_semaphore, #tpu.memory_space<semaphore_mem>>) src(%dma_wait3A_166 : memref<40x128xf32, #tpu.memory_space<hbm>>) dst(%arg15 : memref<40x128xf32, #tpu.memory_space<vmem>>)
      %dma_wait3A_167 = arith.constant 0 : i32
      %dma_wait3A_168 = arith.constant 0 : i32
      %dma_wait3A_169 = tpu.memref_slice %arg3[%dma_wait3A_167, %dma_wait3A_168] : memref<10000x128xf32, #tpu.memory_space<hbm>> -> memref<40x128xf32, #tpu.memory_space<hbm>>
      %dma_wait3A_170 = arith.constant 0 : i32
      %dma_wait3A_171 = arith.constant 0 : i32
      %dma_wait3A_172 = tpu.memref_slice %arg3[%dma_wait3A_170, %dma_wait3A_171] : memref<10000x128xf32, #tpu.memory_space<hbm>> -> memref<40x128xf32, #tpu.memory_space<hbm>>
      tpu.wait_dma2 semaphore(%arg32 : memref<!tpu.dma_semaphore, #tpu.memory_space<semaphore_mem>>) src(%dma_wait3A_172 : memref<40x128xf32, #tpu.memory_space<hbm>>) dst(%arg17 : memref<40x128xf32, #tpu.memory_space<vmem>>)
      %dma_wait3A_173 = arith.constant 0 : i32
      %dma_wait3A_174 = arith.constant 0 : i32
      %dma_wait3A_175 = arith.constant 0 : i32
      %dma_wait3A_176 = tpu.memref_slice %arg4[%dma_wait3A_173, %dma_wait3A_174, %dma_wait3A_175] : memref<8000x20x128xi32, #tpu.memory_space<hbm>> -> memref<1x20x128xi32, #tpu.memory_space<hbm>>
      %dma_wait3A_177 = tpu.memref_squeeze %dma_wait3A_176 : memref<1x20x128xi32, #tpu.memory_space<hbm>> -> memref<20x128xi32, #tpu.memory_space<hbm>>
      %dma_wait3A_178 = arith.constant 0 : i32
      %dma_wait3A_179 = arith.constant 0 : i32
      %dma_wait3A_180 = tpu.memref_slice %arg4[%dma_wait3A_173, %dma_wait3A_178, %dma_wait3A_179] : memref<8000x20x128xi32, #tpu.memory_space<hbm>> -> memref<1x20x128xi32, #tpu.memory_space<hbm>>
      %dma_wait3A_181 = tpu.memref_squeeze %dma_wait3A_180 : memref<1x20x128xi32, #tpu.memory_space<hbm>> -> memref<20x128xi32, #tpu.memory_space<hbm>>
      tpu.wait_dma2 semaphore(%arg34 : memref<!tpu.dma_semaphore, #tpu.memory_space<semaphore_mem>>) src(%dma_wait3A_181 : memref<20x128xi32, #tpu.memory_space<hbm>>) dst(%arg19 : memref<20x128xi32, #tpu.memory_space<vmem>>)
      %gt3A_182 = arith.constant 0 : i32
      %gt3A_183 = arith.cmpi sgt, %add3A_160, %gt3A_182 : i32
      %convert_element_type3A_184 = arith.extui %gt3A_183 : i1 to i32
      %cond3A_185 = arith.constant 0 : i32
      %cond3A_186 = arith.cmpi ne, %convert_element_type3A_184, %cond3A_185 : i32
      scf.if %cond3A_186 {
        %dma_wait3A_218 = arith.constant 0 : i32
        %dma_wait3A_219 = arith.constant 0 : i32
        %dma_wait3A_220 = tpu.memref_slice %arg22[%dma_wait3A_218, %dma_wait3A_219] : memref<10000x128xf32, #tpu.memory_space<vmem_shared>> -> memref<40x128xf32, #tpu.memory_space<vmem_shared>>
        %dma_wait3A_221 = arith.constant 0 : i32
        %dma_wait3A_222 = arith.constant 0 : i32
        %dma_wait3A_223 = tpu.memref_slice %arg22[%dma_wait3A_221, %dma_wait3A_222] : memref<10000x128xf32, #tpu.memory_space<vmem_shared>> -> memref<40x128xf32, #tpu.memory_space<vmem_shared>>
        tpu.wait_dma2 semaphore(%arg35 : memref<!tpu.dma_semaphore, #tpu.memory_space<semaphore_mem>>) src(%arg20 : memref<40x128xf32, #tpu.memory_space<vmem>>) dst(%dma_wait3A_223 : memref<40x128xf32, #tpu.memory_space<vmem_shared>>)
      } else {
      }
      %add3A_187 = arith.constant 2 : i32
      %add3A_188 = arith.addi %add3A_160, %add3A_187 : i32
      %lt3A_189 = arith.constant 250 : i32
      %lt3A_190 = arith.cmpi slt, %add3A_188, %lt3A_189 : i32
      %convert_element_type3A_191 = arith.extui %lt3A_190 : i1 to i32
      %cond3A_192 = arith.constant 0 : i32
      %cond3A_193 = arith.cmpi ne, %convert_element_type3A_191, %cond3A_192 : i32
      scf.if %cond3A_193 {
        %add3A_218 = arith.constant 2 : i32
        %add3A_219 = arith.addi %add3A_160, %add3A_218 : i32
        %dma_start3A_220 = arith.constant 0 : i32
        %dma_start3A_221 = tpu.memref_slice %arg5[%add3A, %add3A_219, %dma_start3A_220] : memref<32x250x40xi32, #tpu.memory_space<hbm>> -> memref<1x1x40xi32, #tpu.memory_space<hbm>>
        %dma_start3A_222 = tpu.memref_squeeze %dma_start3A_221 : memref<1x1x40xi32, #tpu.memory_space<hbm>> -> memref<40xi32, #tpu.memory_space<hbm>>
        %dma_start3A_223 = arith.constant 0 : i32
        %dma_start3A_224 = tpu.memref_slice %arg5[%add3A, %add3A_219, %dma_start3A_223] : memref<32x250x40xi32, #tpu.memory_space<hbm>> -> memref<1x1x40xi32, #tpu.memory_space<hbm>>
        %dma_start3A_225 = tpu.memref_squeeze %dma_start3A_224 : memref<1x1x40xi32, #tpu.memory_space<hbm>> -> memref<40xi32, #tpu.memory_space<hbm>>
        tpu.enqueue_dma source(%dma_start3A_225 : memref<40xi32, #tpu.memory_space<hbm>>) target(%arg9 : memref<40xi32, #tpu.memory_space<vmem>>) target_semaphore(%arg24 : memref<!tpu.dma_semaphore, #tpu.memory_space<semaphore_mem>>)
        %dma_start3A_226 = arith.constant 0 : i32
        %dma_start3A_227 = tpu.memref_slice %arg6[%add3A, %add3A_219, %dma_start3A_226] : memref<32x250x40xi32, #tpu.memory_space<hbm>> -> memref<1x1x40xi32, #tpu.memory_space<hbm>>
        %dma_start3A_228 = tpu.memref_squeeze %dma_start3A_227 : memref<1x1x40xi32, #tpu.memory_space<hbm>> -> memref<40xi32, #tpu.memory_space<hbm>>
        %dma_start3A_229 = arith.constant 0 : i32
        %dma_start3A_230 = tpu.memref_slice %arg6[%add3A, %add3A_219, %dma_start3A_229] : memref<32x250x40xi32, #tpu.memory_space<hbm>> -> memref<1x1x40xi32, #tpu.memory_space<hbm>>
        %dma_start3A_231 = tpu.memref_squeeze %dma_start3A_230 : memref<1x1x40xi32, #tpu.memory_space<hbm>> -> memref<40xi32, #tpu.memory_space<hbm>>
        tpu.enqueue_dma source(%dma_start3A_231 : memref<40xi32, #tpu.memory_space<hbm>>) target(%arg11 : memref<40xi32, #tpu.memory_space<vmem>>) target_semaphore(%arg26 : memref<!tpu.dma_semaphore, #tpu.memory_space<semaphore_mem>>)
      } else {
      }
      %add3A_194 = arith.constant 1 : i32
      %add3A_195 = arith.addi %add3A_160, %add3A_194 : i32
      %lt3A_196 = arith.constant 250 : i32
      %lt3A_197 = arith.cmpi slt, %add3A_195, %lt3A_196 : i32
      %convert_element_type3A_198 = arith.extui %lt3A_197 : i1 to i32
      %cond3A_199 = arith.constant 0 : i32
      %cond3A_200 = arith.cmpi ne, %convert_element_type3A_198, %cond3A_199 : i32
      scf.if %cond3A_200 {
        %add3A_218 = arith.constant 1 : i32
        %add3A_219 = arith.addi %add3A_160, %add3A_218 : i32
        %dma_start3A_220 = arith.constant 0 : i32
        %dma_start3A_221 = tpu.memref_slice %arg6[%add3A, %add3A_219, %dma_start3A_220] : memref<32x250x40xi32, #tpu.memory_space<hbm>> -> memref<1x1x40xi32, #tpu.memory_space<hbm>>
        %dma_start3A_222 = tpu.memref_squeeze %dma_start3A_221 : memref<1x1x40xi32, #tpu.memory_space<hbm>> -> memref<40xi32, #tpu.memory_space<hbm>>
        %dma_start3A_223 = arith.constant 0 : i32
        %dma_start3A_224 = tpu.memref_slice %arg6[%add3A, %add3A_219, %dma_start3A_223] : memref<32x250x40xi32, #tpu.memory_space<hbm>> -> memref<1x1x40xi32, #tpu.memory_space<hbm>>
        %dma_start3A_225 = tpu.memref_squeeze %dma_start3A_224 : memref<1x1x40xi32, #tpu.memory_space<hbm>> -> memref<40xi32, #tpu.memory_space<hbm>>
        tpu.enqueue_dma source(%dma_start3A_225 : memref<40xi32, #tpu.memory_space<hbm>>) target(%arg12 : memref<40xi32, #tpu.memory_space<vmem>>) target_semaphore(%arg27 : memref<!tpu.dma_semaphore, #tpu.memory_space<semaphore_mem>>)
        %dma_wait3A_226 = arith.constant 0 : i32
        %dma_wait3A_227 = arith.constant 0 : i32
        %dma_wait3A_228 = arith.constant 0 : i32
        %dma_wait3A_229 = tpu.memref_slice %arg5[%dma_wait3A_226, %dma_wait3A_227, %dma_wait3A_228] : memref<32x250x40xi32, #tpu.memory_space<hbm>> -> memref<1x1x40xi32, #tpu.memory_space<hbm>>
        %dma_wait3A_230 = tpu.memref_squeeze %dma_wait3A_229 : memref<1x1x40xi32, #tpu.memory_space<hbm>> -> memref<40xi32, #tpu.memory_space<hbm>>
        %dma_wait3A_231 = arith.constant 0 : i32
        %dma_wait3A_232 = tpu.memref_slice %arg5[%dma_wait3A_226, %dma_wait3A_227, %dma_wait3A_231] : memref<32x250x40xi32, #tpu.memory_space<hbm>> -> memref<1x1x40xi32, #tpu.memory_space<hbm>>
        %dma_wait3A_233 = tpu.memref_squeeze %dma_wait3A_232 : memref<1x1x40xi32, #tpu.memory_space<hbm>> -> memref<40xi32, #tpu.memory_space<hbm>>
        tpu.wait_dma2 semaphore(%arg23 : memref<!tpu.dma_semaphore, #tpu.memory_space<semaphore_mem>>) src(%dma_wait3A_233 : memref<40xi32, #tpu.memory_space<hbm>>) dst(%arg8 : memref<40xi32, #tpu.memory_space<vmem>>)
        %dma_wait3A_234 = arith.constant 0 : i32
        %dma_wait3A_235 = arith.constant 0 : i32
        %dma_wait3A_236 = arith.constant 0 : i32
        %dma_wait3A_237 = tpu.memref_slice %arg6[%dma_wait3A_234, %dma_wait3A_235, %dma_wait3A_236] : memref<32x250x40xi32, #tpu.memory_space<hbm>> -> memref<1x1x40xi32, #tpu.memory_space<hbm>>
        %dma_wait3A_238 = tpu.memref_squeeze %dma_wait3A_237 : memref<1x1x40xi32, #tpu.memory_space<hbm>> -> memref<40xi32, #tpu.memory_space<hbm>>
        %dma_wait3A_239 = arith.constant 0 : i32
        %dma_wait3A_240 = tpu.memref_slice %arg6[%dma_wait3A_234, %dma_wait3A_235, %dma_wait3A_239] : memref<32x250x40xi32, #tpu.memory_space<hbm>> -> memref<1x1x40xi32, #tpu.memory_space<hbm>>
        %dma_wait3A_241 = tpu.memref_squeeze %dma_wait3A_240 : memref<1x1x40xi32, #tpu.memory_space<hbm>> -> memref<40xi32, #tpu.memory_space<hbm>>
        tpu.wait_dma2 semaphore(%arg25 : memref<!tpu.dma_semaphore, #tpu.memory_space<semaphore_mem>>) src(%dma_wait3A_241 : memref<40xi32, #tpu.memory_space<hbm>>) dst(%arg10 : memref<40xi32, #tpu.memory_space<vmem>>)
        %add3A_242 = arith.constant 1 : i32
        %add3A_243 = arith.addi %add3A_160, %add3A_242 : i32
        %dma_start3A_244 = arith.constant 0 : i32
        %dma_start3A_245 = arith.constant 0 : i32
        %dma_start3A_246 = tpu.memref_slice %arg2[%dma_start3A_244, %dma_start3A_245] : memref<10000x128xf32, #tpu.memory_space<hbm>> -> memref<10000x128xf32, #tpu.memory_space<hbm>>
        tpu.enqueue_indirect_dma source(%dma_start3A_246 : memref<10000x128xf32, #tpu.memory_space<hbm>>) target(%arg14 : memref<40x128xf32, #tpu.memory_space<vmem>>) offsets(%arg8 : memref<40xi32, #tpu.memory_space<vmem>>) semaphore(%arg29 : memref<!tpu.dma_semaphore, #tpu.memory_space<semaphore_mem>>)
        %dma_start3A_247 = arith.constant 0 : i32
        %dma_start3A_248 = arith.constant 0 : i32
        %dma_start3A_249 = tpu.memref_slice %arg3[%dma_start3A_247, %dma_start3A_248] : memref<10000x128xf32, #tpu.memory_space<hbm>> -> memref<10000x128xf32, #tpu.memory_space<hbm>>
        tpu.enqueue_indirect_dma source(%dma_start3A_249 : memref<10000x128xf32, #tpu.memory_space<hbm>>) target(%arg16 : memref<40x128xf32, #tpu.memory_space<vmem>>) offsets(%arg10 : memref<40xi32, #tpu.memory_space<vmem>>) semaphore(%arg31 : memref<!tpu.dma_semaphore, #tpu.memory_space<semaphore_mem>>)
        %mul3A_250 = arith.constant 250 : i32
        %mul3A_251 = arith.muli %add3A, %mul3A_250 : i32
        %add3A_252 = arith.addi %mul3A_251, %add3A_243 : i32
        %dma_start3A_253 = arith.constant 0 : i32
        %dma_start3A_254 = arith.constant 0 : i32
        %dma_start3A_255 = tpu.memref_slice %arg4[%add3A_252, %dma_start3A_253, %dma_start3A_254] : memref<8000x20x128xi32, #tpu.memory_space<hbm>> -> memref<1x20x128xi32, #tpu.memory_space<hbm>>
        %dma_start3A_256 = tpu.memref_squeeze %dma_start3A_255 : memref<1x20x128xi32, #tpu.memory_space<hbm>> -> memref<20x128xi32, #tpu.memory_space<hbm>>
        %dma_start3A_257 = arith.constant 0 : i32
        %dma_start3A_258 = arith.constant 0 : i32
        %dma_start3A_259 = tpu.memref_slice %arg4[%add3A_252, %dma_start3A_257, %dma_start3A_258] : memref<8000x20x128xi32, #tpu.memory_space<hbm>> -> memref<1x20x128xi32, #tpu.memory_space<hbm>>
        %dma_start3A_260 = tpu.memref_squeeze %dma_start3A_259 : memref<1x20x128xi32, #tpu.memory_space<hbm>> -> memref<20x128xi32, #tpu.memory_space<hbm>>
        tpu.enqueue_dma source(%dma_start3A_260 : memref<20x128xi32, #tpu.memory_space<hbm>>) target(%arg18 : memref<20x128xi32, #tpu.memory_space<vmem>>) target_semaphore(%arg33 : memref<!tpu.dma_semaphore, #tpu.memory_space<semaphore_mem>>)
      } else {
      }
      %scan3A_201 = arith.constant 0 : i32
      %scan3A_202 = arith.constant 0 : i32
      %scan3A_203 = arith.constant 20 : i32
      %scan3A_204 = arith.addi %scan3A_202, %scan3A_203 : i32
      %scan3A_205 = arith.constant 1 : i32
      scf.for %scan3A_218 = %scan3A_202 to %scan3A_204 step %scan3A_205  : i32 {
        %add3A_219 = arith.constant 20 : i32
        %add3A_220 = arith.addi %scan3A_218, %add3A_219 : i32
        %get3A = arith.index_cast %scan3A_218 : i32 to index
        %get3A_221 = arith.constant 0 : index
        %get3A_222 = tpu.vector_load %arg19[%get3A, %get3A_221] {strides = array<i32>} : memref<20x128xi32, #tpu.memory_space<vmem>>, vector<1x16xi32>,
        %get3A_223 = vector.shape_cast %get3A_222 : vector<1x16xi32> to vector<16xi32>
        %shift_left3A = arith.constant 16 : i32
        %shift_left3A_224 = vector.broadcast %shift_left3A : i32 to vector<16xi32>
        %shift_left3A_225 = arith.shli %get3A_223, %shift_left3A_224 : vector<16xi32>
        %bitcast_convert_type3A = tpu.bitcast %shift_left3A_225 : vector<16xi32> -> vector<16xf32>
        %and3A = arith.constant -65536 : i32
        %and3A_226 = vector.broadcast %and3A : i32 to vector<16xi32>
        %and3A_227 = arith.andi %get3A_223, %and3A_226 : vector<16xi32>
        %bitcast_convert_type3A_228 = tpu.bitcast %and3A_227 : vector<16xi32> -> vector<16xf32>
        %get3A_229 = arith.index_cast %scan3A_218 : i32 to index
        %get3A_230 = arith.constant 0 : index
        %get3A_231 = tpu.vector_load %arg15[%get3A_229, %get3A_230] {strides = array<i32>} : memref<40x128xf32, #tpu.memory_space<vmem>>, vector<1x16xf32>,
        %get3A_232 = vector.shape_cast %get3A_231 : vector<1x16xf32> to vector<16xf32>
        %get3A_233 = arith.index_cast %scan3A_218 : i32 to index
        %get3A_234 = arith.constant 0 : index
        %get3A_235 = tpu.vector_load %arg17[%get3A_233, %get3A_234] {strides = array<i32>} : memref<40x128xf32, #tpu.memory_space<vmem>>, vector<1x16xf32>,
        %get3A_236 = vector.shape_cast %get3A_235 : vector<1x16xf32> to vector<16xf32>
        %add3A_237 = arith.addf %get3A_232, %get3A_236 : vector<16xf32>
        %add3A_238 = arith.addf %add3A_237, %bitcast_convert_type3A : vector<16xf32>
        %max3A = arith.constant 0.000000e+00 : f32
        %max3A_239 = vector.broadcast %max3A : f32 to vector<16xf32>
        %max3A_240 = arith.maximumf %add3A_238, %max3A_239 : vector<16xf32>
        %swap3A = arith.index_cast %scan3A_218 : i32 to index
        %swap3A_241 = arith.constant 0 : index
        %swap3A_242 = tpu.vector_load %arg21[%swap3A, %swap3A_241] {strides = array<i32>} : memref<40x128xf32, #tpu.memory_space<vmem>>, vector<1x16xf32>,
        %swap3A_243 = vector.shape_cast %swap3A_242 : vector<1x16xf32> to vector<16xf32>
        %swap3A_244 = vector.shape_cast %max3A_240 : vector<16xf32> to vector<1x16xf32>
        tpu.vector_store %arg21[%swap3A, %swap3A_241], %swap3A_244 {strides = array<i32>} : memref<40x128xf32, #tpu.memory_space<vmem>>, vector<1x16xf32>,
        %get3A_245 = arith.index_cast %add3A_220 : i32 to index
        %get3A_246 = arith.constant 0 : index
        %get3A_247 = tpu.vector_load %arg15[%get3A_245, %get3A_246] {strides = array<i32>} : memref<40x128xf32, #tpu.memory_space<vmem>>, vector<1x16xf32>,
        %get3A_248 = vector.shape_cast %get3A_247 : vector<1x16xf32> to vector<16xf32>
        %get3A_249 = arith.index_cast %add3A_220 : i32 to index
        %get3A_250 = arith.constant 0 : index
        %get3A_251 = tpu.vector_load %arg17[%get3A_249, %get3A_250] {strides = array<i32>} : memref<40x128xf32, #tpu.memory_space<vmem>>, vector<1x16xf32>,
        %get3A_252 = vector.shape_cast %get3A_251 : vector<1x16xf32> to vector<16xf32>
        %add3A_253 = arith.addf %get3A_248, %get3A_252 : vector<16xf32>
        %add3A_254 = arith.addf %add3A_253, %bitcast_convert_type3A_228 : vector<16xf32>
        %max3A_255 = arith.constant 0.000000e+00 : f32
        %max3A_256 = vector.broadcast %max3A_255 : f32 to vector<16xf32>
        %max3A_257 = arith.maximumf %add3A_254, %max3A_256 : vector<16xf32>
        %swap3A_258 = arith.index_cast %add3A_220 : i32 to index
        %swap3A_259 = arith.constant 0 : index
        %swap3A_260 = tpu.vector_load %arg21[%swap3A_258, %swap3A_259] {strides = array<i32>} : memref<40x128xf32, #tpu.memory_space<vmem>>, vector<1x16xf32>,
        %swap3A_261 = vector.shape_cast %swap3A_260 : vector<1x16xf32> to vector<16xf32>
        %swap3A_262 = vector.shape_cast %max3A_257 : vector<16xf32> to vector<1x16xf32>
        tpu.vector_store %arg21[%swap3A_258, %swap3A_259], %swap3A_262 {strides = array<i32>} : memref<40x128xf32, #tpu.memory_space<vmem>>, vector<1x16xf32>,
        %get3A_263 = arith.index_cast %scan3A_218 : i32 to index
        %get3A_264 = arith.constant 16 : index
        %get3A_265 = tpu.vector_load %arg19[%get3A_263, %get3A_264] {strides = array<i32>} : memref<20x128xi32, #tpu.memory_space<vmem>>, vector<1x16xi32>,
        %get3A_266 = vector.shape_cast %get3A_265 : vector<1x16xi32> to vector<16xi32>
        %shift_left3A_267 = arith.constant 16 : i32
        %shift_left3A_268 = vector.broadcast %shift_left3A_267 : i32 to vector<16xi32>
        %shift_left3A_269 = arith.shli %get3A_266, %shift_left3A_268 : vector<16xi32>
        %bitcast_convert_type3A_270 = tpu.bitcast %shift_left3A_269 : vector<16xi32> -> vector<16xf32>
        %and3A_271 = arith.constant -65536 : i32
        %and3A_272 = vector.broadcast %and3A_271 : i32 to vector<16xi32>
        %and3A_273 = arith.andi %get3A_266, %and3A_272 : vector<16xi32>
        %bitcast_convert_type3A_274 = tpu.bitcast %and3A_273 : vector<16xi32> -> vector<16xf32>
        %get3A_275 = arith.index_cast %scan3A_218 : i32 to index
        %get3A_276 = arith.constant 16 : index
        %get3A_277 = tpu.vector_load %arg15[%get3A_275, %get3A_276] {strides = array<i32>} : memref<40x128xf32, #tpu.memory_space<vmem>>, vector<1x16xf32>,
        %get3A_278 = vector.shape_cast %get3A_277 : vector<1x16xf32> to vector<16xf32>
        %get3A_279 = arith.index_cast %scan3A_218 : i32 to index
        %get3A_280 = arith.constant 16 : index
        %get3A_281 = tpu.vector_load %arg17[%get3A_279, %get3A_280] {strides = array<i32>} : memref<40x128xf32, #tpu.memory_space<vmem>>, vector<1x16xf32>,
        %get3A_282 = vector.shape_cast %get3A_281 : vector<1x16xf32> to vector<16xf32>
        %add3A_283 = arith.addf %get3A_278, %get3A_282 : vector<16xf32>
        %add3A_284 = arith.addf %add3A_283, %bitcast_convert_type3A_270 : vector<16xf32>
        %max3A_285 = arith.constant 0.000000e+00 : f32
        %max3A_286 = vector.broadcast %max3A_285 : f32 to vector<16xf32>
        %max3A_287 = arith.maximumf %add3A_284, %max3A_286 : vector<16xf32>
        %swap3A_288 = arith.index_cast %scan3A_218 : i32 to index
        %swap3A_289 = arith.constant 16 : index
        %swap3A_290 = tpu.vector_load %arg21[%swap3A_288, %swap3A_289] {strides = array<i32>} : memref<40x128xf32, #tpu.memory_space<vmem>>, vector<1x16xf32>,
        %swap3A_291 = vector.shape_cast %swap3A_290 : vector<1x16xf32> to vector<16xf32>
        %swap3A_292 = vector.shape_cast %max3A_287 : vector<16xf32> to vector<1x16xf32>
        tpu.vector_store %arg21[%swap3A_288, %swap3A_289], %swap3A_292 {strides = array<i32>} : memref<40x128xf32, #tpu.memory_space<vmem>>, vector<1x16xf32>,
        %get3A_293 = arith.index_cast %add3A_220 : i32 to index
        %get3A_294 = arith.constant 16 : index
        %get3A_295 = tpu.vector_load %arg15[%get3A_293, %get3A_294] {strides = array<i32>} : memref<40x128xf32, #tpu.memory_space<vmem>>, vector<1x16xf32>,
        %get3A_296 = vector.shape_cast %get3A_295 : vector<1x16xf32> to vector<16xf32>
        %get3A_297 = arith.index_cast %add3A_220 : i32 to index
        %get3A_298 = arith.constant 16 : index
        %get3A_299 = tpu.vector_load %arg17[%get3A_297, %get3A_298] {strides = array<i32>} : memref<40x128xf32, #tpu.memory_space<vmem>>, vector<1x16xf32>,
        %get3A_300 = vector.shape_cast %get3A_299 : vector<1x16xf32> to vector<16xf32>
        %add3A_301 = arith.addf %get3A_296, %get3A_300 : vector<16xf32>
        %add3A_302 = arith.addf %add3A_301, %bitcast_convert_type3A_274 : vector<16xf32>
        %max3A_303 = arith.constant 0.000000e+00 : f32
        %max3A_304 = vector.broadcast %max3A_303 : f32 to vector<16xf32>
        %max3A_305 = arith.maximumf %add3A_302, %max3A_304 : vector<16xf32>
        %swap3A_306 = arith.index_cast %add3A_220 : i32 to index
        %swap3A_307 = arith.constant 16 : index
        %swap3A_308 = tpu.vector_load %arg21[%swap3A_306, %swap3A_307] {strides = array<i32>} : memref<40x128xf32, #tpu.memory_space<vmem>>, vector<1x16xf32>,
        %swap3A_309 = vector.shape_cast %swap3A_308 : vector<1x16xf32> to vector<16xf32>
        %swap3A_310 = vector.shape_cast %max3A_305 : vector<16xf32> to vector<1x16xf32>
        tpu.vector_store %arg21[%swap3A_306, %swap3A_307], %swap3A_310 {strides = array<i32>} : memref<40x128xf32, #tpu.memory_space<vmem>>, vector<1x16xf32>,
        %get3A_311 = arith.index_cast %scan3A_218 : i32 to index
        %get3A_312 = arith.constant 32 : index
        %get3A_313 = tpu.vector_load %arg19[%get3A_311, %get3A_312] {strides = array<i32>} : memref<20x128xi32, #tpu.memory_space<vmem>>, vector<1x16xi32>,
        %get3A_314 = vector.shape_cast %get3A_313 : vector<1x16xi32> to vector<16xi32>
        %shift_left3A_315 = arith.constant 16 : i32
        %shift_left3A_316 = vector.broadcast %shift_left3A_315 : i32 to vector<16xi32>
        %shift_left3A_317 = arith.shli %get3A_314, %shift_left3A_316 : vector<16xi32>
        %bitcast_convert_type3A_318 = tpu.bitcast %shift_left3A_317 : vector<16xi32> -> vector<16xf32>
        %and3A_319 = arith.constant -65536 : i32
        %and3A_320 = vector.broadcast %and3A_319 : i32 to vector<16xi32>
        %and3A_321 = arith.andi %get3A_314, %and3A_320 : vector<16xi32>
        %bitcast_convert_type3A_322 = tpu.bitcast %and3A_321 : vector<16xi32> -> vector<16xf32>
        %get3A_323 = arith.index_cast %scan3A_218 : i32 to index
        %get3A_324 = arith.constant 32 : index
        %get3A_325 = tpu.vector_load %arg15[%get3A_323, %get3A_324] {strides = array<i32>} : memref<40x128xf32, #tpu.memory_space<vmem>>, vector<1x16xf32>,
        %get3A_326 = vector.shape_cast %get3A_325 : vector<1x16xf32> to vector<16xf32>
        %get3A_327 = arith.index_cast %scan3A_218 : i32 to index
        %get3A_328 = arith.constant 32 : index
        %get3A_329 = tpu.vector_load %arg17[%get3A_327, %get3A_328] {strides = array<i32>} : memref<40x128xf32, #tpu.memory_space<vmem>>, vector<1x16xf32>,
        %get3A_330 = vector.shape_cast %get3A_329 : vector<1x16xf32> to vector<16xf32>
        %add3A_331 = arith.addf %get3A_326, %get3A_330 : vector<16xf32>
        %add3A_332 = arith.addf %add3A_331, %bitcast_convert_type3A_318 : vector<16xf32>
        %max3A_333 = arith.constant 0.000000e+00 : f32
        %max3A_334 = vector.broadcast %max3A_333 : f32 to vector<16xf32>
        %max3A_335 = arith.maximumf %add3A_332, %max3A_334 : vector<16xf32>
        %swap3A_336 = arith.index_cast %scan3A_218 : i32 to index
        %swap3A_337 = arith.constant 32 : index
        %swap3A_338 = tpu.vector_load %arg21[%swap3A_336, %swap3A_337] {strides = array<i32>} : memref<40x128xf32, #tpu.memory_space<vmem>>, vector<1x16xf32>,
        %swap3A_339 = vector.shape_cast %swap3A_338 : vector<1x16xf32> to vector<16xf32>
        %swap3A_340 = vector.shape_cast %max3A_335 : vector<16xf32> to vector<1x16xf32>
        tpu.vector_store %arg21[%swap3A_336, %swap3A_337], %swap3A_340 {strides = array<i32>} : memref<40x128xf32, #tpu.memory_space<vmem>>, vector<1x16xf32>,
        %get3A_341 = arith.index_cast %add3A_220 : i32 to index
        %get3A_342 = arith.constant 32 : index
        %get3A_343 = tpu.vector_load %arg15[%get3A_341, %get3A_342] {strides = array<i32>} : memref<40x128xf32, #tpu.memory_space<vmem>>, vector<1x16xf32>,
        %get3A_344 = vector.shape_cast %get3A_343 : vector<1x16xf32> to vector<16xf32>
        %get3A_345 = arith.index_cast %add3A_220 : i32 to index
        %get3A_346 = arith.constant 32 : index
        %get3A_347 = tpu.vector_load %arg17[%get3A_345, %get3A_346] {strides = array<i32>} : memref<40x128xf32, #tpu.memory_space<vmem>>, vector<1x16xf32>,
        %get3A_348 = vector.shape_cast %get3A_347 : vector<1x16xf32> to vector<16xf32>
        %add3A_349 = arith.addf %get3A_344, %get3A_348 : vector<16xf32>
        %add3A_350 = arith.addf %add3A_349, %bitcast_convert_type3A_322 : vector<16xf32>
        %max3A_351 = arith.constant 0.000000e+00 : f32
        %max3A_352 = vector.broadcast %max3A_351 : f32 to vector<16xf32>
        %max3A_353 = arith.maximumf %add3A_350, %max3A_352 : vector<16xf32>
        %swap3A_354 = arith.index_cast %add3A_220 : i32 to index
        %swap3A_355 = arith.constant 32 : index
        %swap3A_356 = tpu.vector_load %arg21[%swap3A_354, %swap3A_355] {strides = array<i32>} : memref<40x128xf32, #tpu.memory_space<vmem>>, vector<1x16xf32>,
        %swap3A_357 = vector.shape_cast %swap3A_356 : vector<1x16xf32> to vector<16xf32>
        %swap3A_358 = vector.shape_cast %max3A_353 : vector<16xf32> to vector<1x16xf32>
        tpu.vector_store %arg21[%swap3A_354, %swap3A_355], %swap3A_358 {strides = array<i32>} : memref<40x128xf32, #tpu.memory_space<vmem>>, vector<1x16xf32>,
        %get3A_359 = arith.index_cast %scan3A_218 : i32 to index
        %get3A_360 = arith.constant 48 : index
        %get3A_361 = tpu.vector_load %arg19[%get3A_359, %get3A_360] {strides = array<i32>} : memref<20x128xi32, #tpu.memory_space<vmem>>, vector<1x16xi32>,
        %get3A_362 = vector.shape_cast %get3A_361 : vector<1x16xi32> to vector<16xi32>
        %shift_left3A_363 = arith.constant 16 : i32
        %shift_left3A_364 = vector.broadcast %shift_left3A_363 : i32 to vector<16xi32>
        %shift_left3A_365 = arith.shli %get3A_362, %shift_left3A_364 : vector<16xi32>
        %bitcast_convert_type3A_366 = tpu.bitcast %shift_left3A_365 : vector<16xi32> -> vector<16xf32>
        %and3A_367 = arith.constant -65536 : i32
        %and3A_368 = vector.broadcast %and3A_367 : i32 to vector<16xi32>
        %and3A_369 = arith.andi %get3A_362, %and3A_368 : vector<16xi32>
        %bitcast_convert_type3A_370 = tpu.bitcast %and3A_369 : vector<16xi32> -> vector<16xf32>
        %get3A_371 = arith.index_cast %scan3A_218 : i32 to index
        %get3A_372 = arith.constant 48 : index
        %get3A_373 = tpu.vector_load %arg15[%get3A_371, %get3A_372] {strides = array<i32>} : memref<40x128xf32, #tpu.memory_space<vmem>>, vector<1x16xf32>,
        %get3A_374 = vector.shape_cast %get3A_373 : vector<1x16xf32> to vector<16xf32>
        %get3A_375 = arith.index_cast %scan3A_218 : i32 to index
        %get3A_376 = arith.constant 48 : index
        %get3A_377 = tpu.vector_load %arg17[%get3A_375, %get3A_376] {strides = array<i32>} : memref<40x128xf32, #tpu.memory_space<vmem>>, vector<1x16xf32>,
        %get3A_378 = vector.shape_cast %get3A_377 : vector<1x16xf32> to vector<16xf32>
        %add3A_379 = arith.addf %get3A_374, %get3A_378 : vector<16xf32>
        %add3A_380 = arith.addf %add3A_379, %bitcast_convert_type3A_366 : vector<16xf32>
        %max3A_381 = arith.constant 0.000000e+00 : f32
        %max3A_382 = vector.broadcast %max3A_381 : f32 to vector<16xf32>
        %max3A_383 = arith.maximumf %add3A_380, %max3A_382 : vector<16xf32>
        %swap3A_384 = arith.index_cast %scan3A_218 : i32 to index
        %swap3A_385 = arith.constant 48 : index
        %swap3A_386 = tpu.vector_load %arg21[%swap3A_384, %swap3A_385] {strides = array<i32>} : memref<40x128xf32, #tpu.memory_space<vmem>>, vector<1x16xf32>,
        %swap3A_387 = vector.shape_cast %swap3A_386 : vector<1x16xf32> to vector<16xf32>
        %swap3A_388 = vector.shape_cast %max3A_383 : vector<16xf32> to vector<1x16xf32>
        tpu.vector_store %arg21[%swap3A_384, %swap3A_385], %swap3A_388 {strides = array<i32>} : memref<40x128xf32, #tpu.memory_space<vmem>>, vector<1x16xf32>,
        %get3A_389 = arith.index_cast %add3A_220 : i32 to index
        %get3A_390 = arith.constant 48 : index
        %get3A_391 = tpu.vector_load %arg15[%get3A_389, %get3A_390] {strides = array<i32>} : memref<40x128xf32, #tpu.memory_space<vmem>>, vector<1x16xf32>,
        %get3A_392 = vector.shape_cast %get3A_391 : vector<1x16xf32> to vector<16xf32>
        %get3A_393 = arith.index_cast %add3A_220 : i32 to index
        %get3A_394 = arith.constant 48 : index
        %get3A_395 = tpu.vector_load %arg17[%get3A_393, %get3A_394] {strides = array<i32>} : memref<40x128xf32, #tpu.memory_space<vmem>>, vector<1x16xf32>,
        %get3A_396 = vector.shape_cast %get3A_395 : vector<1x16xf32> to vector<16xf32>
        %add3A_397 = arith.addf %get3A_392, %get3A_396 : vector<16xf32>
        %add3A_398 = arith.addf %add3A_397, %bitcast_convert_type3A_370 : vector<16xf32>
        %max3A_399 = arith.constant 0.000000e+00 : f32
        %max3A_400 = vector.broadcast %max3A_399 : f32 to vector<16xf32>
        %max3A_401 = arith.maximumf %add3A_398, %max3A_400 : vector<16xf32>
        %swap3A_402 = arith.index_cast %add3A_220 : i32 to index
        %swap3A_403 = arith.constant 48 : index
        %swap3A_404 = tpu.vector_load %arg21[%swap3A_402, %swap3A_403] {strides = array<i32>} : memref<40x128xf32, #tpu.memory_space<vmem>>, vector<1x16xf32>,
        %swap3A_405 = vector.shape_cast %swap3A_404 : vector<1x16xf32> to vector<16xf32>
        %swap3A_406 = vector.shape_cast %max3A_401 : vector<16xf32> to vector<1x16xf32>
        tpu.vector_store %arg21[%swap3A_402, %swap3A_403], %swap3A_406 {strides = array<i32>} : memref<40x128xf32, #tpu.memory_space<vmem>>, vector<1x16xf32>,
        %get3A_407 = arith.index_cast %scan3A_218 : i32 to index
        %get3A_408 = arith.constant 64 : index
        %get3A_409 = tpu.vector_load %arg19[%get3A_407, %get3A_408] {strides = array<i32>} : memref<20x128xi32, #tpu.memory_space<vmem>>, vector<1x16xi32>,
        %get3A_410 = vector.shape_cast %get3A_409 : vector<1x16xi32> to vector<16xi32>
        %shift_left3A_411 = arith.constant 16 : i32
        %shift_left3A_412 = vector.broadcast %shift_left3A_411 : i32 to vector<16xi32>
        %shift_left3A_413 = arith.shli %get3A_410, %shift_left3A_412 : vector<16xi32>
        %bitcast_convert_type3A_414 = tpu.bitcast %shift_left3A_413 : vector<16xi32> -> vector<16xf32>
        %and3A_415 = arith.constant -65536 : i32
        %and3A_416 = vector.broadcast %and3A_415 : i32 to vector<16xi32>
        %and3A_417 = arith.andi %get3A_410, %and3A_416 : vector<16xi32>
        %bitcast_convert_type3A_418 = tpu.bitcast %and3A_417 : vector<16xi32> -> vector<16xf32>
        %get3A_419 = arith.index_cast %scan3A_218 : i32 to index
        %get3A_420 = arith.constant 64 : index
        %get3A_421 = tpu.vector_load %arg15[%get3A_419, %get3A_420] {strides = array<i32>} : memref<40x128xf32, #tpu.memory_space<vmem>>, vector<1x16xf32>,
        %get3A_422 = vector.shape_cast %get3A_421 : vector<1x16xf32> to vector<16xf32>
        %get3A_423 = arith.index_cast %scan3A_218 : i32 to index
        %get3A_424 = arith.constant 64 : index
        %get3A_425 = tpu.vector_load %arg17[%get3A_423, %get3A_424] {strides = array<i32>} : memref<40x128xf32, #tpu.memory_space<vmem>>, vector<1x16xf32>,
        %get3A_426 = vector.shape_cast %get3A_425 : vector<1x16xf32> to vector<16xf32>
        %add3A_427 = arith.addf %get3A_422, %get3A_426 : vector<16xf32>
        %add3A_428 = arith.addf %add3A_427, %bitcast_convert_type3A_414 : vector<16xf32>
        %max3A_429 = arith.constant 0.000000e+00 : f32
        %max3A_430 = vector.broadcast %max3A_429 : f32 to vector<16xf32>
        %max3A_431 = arith.maximumf %add3A_428, %max3A_430 : vector<16xf32>
        %swap3A_432 = arith.index_cast %scan3A_218 : i32 to index
        %swap3A_433 = arith.constant 64 : index
        %swap3A_434 = tpu.vector_load %arg21[%swap3A_432, %swap3A_433] {strides = array<i32>} : memref<40x128xf32, #tpu.memory_space<vmem>>, vector<1x16xf32>,
        %swap3A_435 = vector.shape_cast %swap3A_434 : vector<1x16xf32> to vector<16xf32>
        %swap3A_436 = vector.shape_cast %max3A_431 : vector<16xf32> to vector<1x16xf32>
        tpu.vector_store %arg21[%swap3A_432, %swap3A_433], %swap3A_436 {strides = array<i32>} : memref<40x128xf32, #tpu.memory_space<vmem>>, vector<1x16xf32>,
        %get3A_437 = arith.index_cast %add3A_220 : i32 to index
        %get3A_438 = arith.constant 64 : index
        %get3A_439 = tpu.vector_load %arg15[%get3A_437, %get3A_438] {strides = array<i32>} : memref<40x128xf32, #tpu.memory_space<vmem>>, vector<1x16xf32>,
        %get3A_440 = vector.shape_cast %get3A_439 : vector<1x16xf32> to vector<16xf32>
        %get3A_441 = arith.index_cast %add3A_220 : i32 to index
        %get3A_442 = arith.constant 64 : index
        %get3A_443 = tpu.vector_load %arg17[%get3A_441, %get3A_442] {strides = array<i32>} : memref<40x128xf32, #tpu.memory_space<vmem>>, vector<1x16xf32>,
        %get3A_444 = vector.shape_cast %get3A_443 : vector<1x16xf32> to vector<16xf32>
        %add3A_445 = arith.addf %get3A_440, %get3A_444 : vector<16xf32>
        %add3A_446 = arith.addf %add3A_445, %bitcast_convert_type3A_418 : vector<16xf32>
        %max3A_447 = arith.constant 0.000000e+00 : f32
        %max3A_448 = vector.broadcast %max3A_447 : f32 to vector<16xf32>
        %max3A_449 = arith.maximumf %add3A_446, %max3A_448 : vector<16xf32>
        %swap3A_450 = arith.index_cast %add3A_220 : i32 to index
        %swap3A_451 = arith.constant 64 : index
        %swap3A_452 = tpu.vector_load %arg21[%swap3A_450, %swap3A_451] {strides = array<i32>} : memref<40x128xf32, #tpu.memory_space<vmem>>, vector<1x16xf32>,
        %swap3A_453 = vector.shape_cast %swap3A_452 : vector<1x16xf32> to vector<16xf32>
        %swap3A_454 = vector.shape_cast %max3A_449 : vector<16xf32> to vector<1x16xf32>
        tpu.vector_store %arg21[%swap3A_450, %swap3A_451], %swap3A_454 {strides = array<i32>} : memref<40x128xf32, #tpu.memory_space<vmem>>, vector<1x16xf32>,
        %get3A_455 = arith.index_cast %scan3A_218 : i32 to index
        %get3A_456 = arith.constant 80 : index
        %get3A_457 = tpu.vector_load %arg19[%get3A_455, %get3A_456] {strides = array<i32>} : memref<20x128xi32, #tpu.memory_space<vmem>>, vector<1x16xi32>,
        %get3A_458 = vector.shape_cast %get3A_457 : vector<1x16xi32> to vector<16xi32>
        %shift_left3A_459 = arith.constant 16 : i32
        %shift_left3A_460 = vector.broadcast %shift_left3A_459 : i32 to vector<16xi32>
        %shift_left3A_461 = arith.shli %get3A_458, %shift_left3A_460 : vector<16xi32>
        %bitcast_convert_type3A_462 = tpu.bitcast %shift_left3A_461 : vector<16xi32> -> vector<16xf32>
        %and3A_463 = arith.constant -65536 : i32
        %and3A_464 = vector.broadcast %and3A_463 : i32 to vector<16xi32>
        %and3A_465 = arith.andi %get3A_458, %and3A_464 : vector<16xi32>
        %bitcast_convert_type3A_466 = tpu.bitcast %and3A_465 : vector<16xi32> -> vector<16xf32>
        %get3A_467 = arith.index_cast %scan3A_218 : i32 to index
        %get3A_468 = arith.constant 80 : index
        %get3A_469 = tpu.vector_load %arg15[%get3A_467, %get3A_468] {strides = array<i32>} : memref<40x128xf32, #tpu.memory_space<vmem>>, vector<1x16xf32>,
        %get3A_470 = vector.shape_cast %get3A_469 : vector<1x16xf32> to vector<16xf32>
        %get3A_471 = arith.index_cast %scan3A_218 : i32 to index
        %get3A_472 = arith.constant 80 : index
        %get3A_473 = tpu.vector_load %arg17[%get3A_471, %get3A_472] {strides = array<i32>} : memref<40x128xf32, #tpu.memory_space<vmem>>, vector<1x16xf32>,
        %get3A_474 = vector.shape_cast %get3A_473 : vector<1x16xf32> to vector<16xf32>
        %add3A_475 = arith.addf %get3A_470, %get3A_474 : vector<16xf32>
        %add3A_476 = arith.addf %add3A_475, %bitcast_convert_type3A_462 : vector<16xf32>
        %max3A_477 = arith.constant 0.000000e+00 : f32
        %max3A_478 = vector.broadcast %max3A_477 : f32 to vector<16xf32>
        %max3A_479 = arith.maximumf %add3A_476, %max3A_478 : vector<16xf32>
        %swap3A_480 = arith.index_cast %scan3A_218 : i32 to index
        %swap3A_481 = arith.constant 80 : index
        %swap3A_482 = tpu.vector_load %arg21[%swap3A_480, %swap3A_481] {strides = array<i32>} : memref<40x128xf32, #tpu.memory_space<vmem>>, vector<1x16xf32>,
        %swap3A_483 = vector.shape_cast %swap3A_482 : vector<1x16xf32> to vector<16xf32>
        %swap3A_484 = vector.shape_cast %max3A_479 : vector<16xf32> to vector<1x16xf32>
        tpu.vector_store %arg21[%swap3A_480, %swap3A_481], %swap3A_484 {strides = array<i32>} : memref<40x128xf32, #tpu.memory_space<vmem>>, vector<1x16xf32>,
        %get3A_485 = arith.index_cast %add3A_220 : i32 to index
        %get3A_486 = arith.constant 80 : index
        %get3A_487 = tpu.vector_load %arg15[%get3A_485, %get3A_486] {strides = array<i32>} : memref<40x128xf32, #tpu.memory_space<vmem>>, vector<1x16xf32>,
        %get3A_488 = vector.shape_cast %get3A_487 : vector<1x16xf32> to vector<16xf32>
        %get3A_489 = arith.index_cast %add3A_220 : i32 to index
        %get3A_490 = arith.constant 80 : index
        %get3A_491 = tpu.vector_load %arg17[%get3A_489, %get3A_490] {strides = array<i32>} : memref<40x128xf32, #tpu.memory_space<vmem>>, vector<1x16xf32>,
        %get3A_492 = vector.shape_cast %get3A_491 : vector<1x16xf32> to vector<16xf32>
        %add3A_493 = arith.addf %get3A_488, %get3A_492 : vector<16xf32>
        %add3A_494 = arith.addf %add3A_493, %bitcast_convert_type3A_466 : vector<16xf32>
        %max3A_495 = arith.constant 0.000000e+00 : f32
        %max3A_496 = vector.broadcast %max3A_495 : f32 to vector<16xf32>
        %max3A_497 = arith.maximumf %add3A_494, %max3A_496 : vector<16xf32>
        %swap3A_498 = arith.index_cast %add3A_220 : i32 to index
        %swap3A_499 = arith.constant 80 : index
        %swap3A_500 = tpu.vector_load %arg21[%swap3A_498, %swap3A_499] {strides = array<i32>} : memref<40x128xf32, #tpu.memory_space<vmem>>, vector<1x16xf32>,
        %swap3A_501 = vector.shape_cast %swap3A_500 : vector<1x16xf32> to vector<16xf32>
        %swap3A_502 = vector.shape_cast %max3A_497 : vector<16xf32> to vector<1x16xf32>
        tpu.vector_store %arg21[%swap3A_498, %swap3A_499], %swap3A_502 {strides = array<i32>} : memref<40x128xf32, #tpu.memory_space<vmem>>, vector<1x16xf32>,
        %get3A_503 = arith.index_cast %scan3A_218 : i32 to index
        %get3A_504 = arith.constant 96 : index
        %get3A_505 = tpu.vector_load %arg19[%get3A_503, %get3A_504] {strides = array<i32>} : memref<20x128xi32, #tpu.memory_space<vmem>>, vector<1x16xi32>,
        %get3A_506 = vector.shape_cast %get3A_505 : vector<1x16xi32> to vector<16xi32>
        %shift_left3A_507 = arith.constant 16 : i32
        %shift_left3A_508 = vector.broadcast %shift_left3A_507 : i32 to vector<16xi32>
        %shift_left3A_509 = arith.shli %get3A_506, %shift_left3A_508 : vector<16xi32>
        %bitcast_convert_type3A_510 = tpu.bitcast %shift_left3A_509 : vector<16xi32> -> vector<16xf32>
        %and3A_511 = arith.constant -65536 : i32
        %and3A_512 = vector.broadcast %and3A_511 : i32 to vector<16xi32>
        %and3A_513 = arith.andi %get3A_506, %and3A_512 : vector<16xi32>
        %bitcast_convert_type3A_514 = tpu.bitcast %and3A_513 : vector<16xi32> -> vector<16xf32>
        %get3A_515 = arith.index_cast %scan3A_218 : i32 to index
        %get3A_516 = arith.constant 96 : index
        %get3A_517 = tpu.vector_load %arg15[%get3A_515, %get3A_516] {strides = array<i32>} : memref<40x128xf32, #tpu.memory_space<vmem>>, vector<1x16xf32>,
        %get3A_518 = vector.shape_cast %get3A_517 : vector<1x16xf32> to vector<16xf32>
        %get3A_519 = arith.index_cast %scan3A_218 : i32 to index
        %get3A_520 = arith.constant 96 : index
        %get3A_521 = tpu.vector_load %arg17[%get3A_519, %get3A_520] {strides = array<i32>} : memref<40x128xf32, #tpu.memory_space<vmem>>, vector<1x16xf32>,
        %get3A_522 = vector.shape_cast %get3A_521 : vector<1x16xf32> to vector<16xf32>
        %add3A_523 = arith.addf %get3A_518, %get3A_522 : vector<16xf32>
        %add3A_524 = arith.addf %add3A_523, %bitcast_convert_type3A_510 : vector<16xf32>
        %max3A_525 = arith.constant 0.000000e+00 : f32
        %max3A_526 = vector.broadcast %max3A_525 : f32 to vector<16xf32>
        %max3A_527 = arith.maximumf %add3A_524, %max3A_526 : vector<16xf32>
        %swap3A_528 = arith.index_cast %scan3A_218 : i32 to index
        %swap3A_529 = arith.constant 96 : index
        %swap3A_530 = tpu.vector_load %arg21[%swap3A_528, %swap3A_529] {strides = array<i32>} : memref<40x128xf32, #tpu.memory_space<vmem>>, vector<1x16xf32>,
        %swap3A_531 = vector.shape_cast %swap3A_530 : vector<1x16xf32> to vector<16xf32>
        %swap3A_532 = vector.shape_cast %max3A_527 : vector<16xf32> to vector<1x16xf32>
        tpu.vector_store %arg21[%swap3A_528, %swap3A_529], %swap3A_532 {strides = array<i32>} : memref<40x128xf32, #tpu.memory_space<vmem>>, vector<1x16xf32>,
        %get3A_533 = arith.index_cast %add3A_220 : i32 to index
        %get3A_534 = arith.constant 96 : index
        %get3A_535 = tpu.vector_load %arg15[%get3A_533, %get3A_534] {strides = array<i32>} : memref<40x128xf32, #tpu.memory_space<vmem>>, vector<1x16xf32>,
        %get3A_536 = vector.shape_cast %get3A_535 : vector<1x16xf32> to vector<16xf32>
        %get3A_537 = arith.index_cast %add3A_220 : i32 to index
        %get3A_538 = arith.constant 96 : index
        %get3A_539 = tpu.vector_load %arg17[%get3A_537, %get3A_538] {strides = array<i32>} : memref<40x128xf32, #tpu.memory_space<vmem>>, vector<1x16xf32>,
        %get3A_540 = vector.shape_cast %get3A_539 : vector<1x16xf32> to vector<16xf32>
        %add3A_541 = arith.addf %get3A_536, %get3A_540 : vector<16xf32>
        %add3A_542 = arith.addf %add3A_541, %bitcast_convert_type3A_514 : vector<16xf32>
        %max3A_543 = arith.constant 0.000000e+00 : f32
        %max3A_544 = vector.broadcast %max3A_543 : f32 to vector<16xf32>
        %max3A_545 = arith.maximumf %add3A_542, %max3A_544 : vector<16xf32>
        %swap3A_546 = arith.index_cast %add3A_220 : i32 to index
        %swap3A_547 = arith.constant 96 : index
        %swap3A_548 = tpu.vector_load %arg21[%swap3A_546, %swap3A_547] {strides = array<i32>} : memref<40x128xf32, #tpu.memory_space<vmem>>, vector<1x16xf32>,
        %swap3A_549 = vector.shape_cast %swap3A_548 : vector<1x16xf32> to vector<16xf32>
        %swap3A_550 = vector.shape_cast %max3A_545 : vector<16xf32> to vector<1x16xf32>
        tpu.vector_store %arg21[%swap3A_546, %swap3A_547], %swap3A_550 {strides = array<i32>} : memref<40x128xf32, #tpu.memory_space<vmem>>, vector<1x16xf32>,
        %get3A_551 = arith.index_cast %scan3A_218 : i32 to index
        %get3A_552 = arith.constant 112 : index
        %get3A_553 = tpu.vector_load %arg19[%get3A_551, %get3A_552] {strides = array<i32>} : memref<20x128xi32, #tpu.memory_space<vmem>>, vector<1x16xi32>,
        %get3A_554 = vector.shape_cast %get3A_553 : vector<1x16xi32> to vector<16xi32>
        %shift_left3A_555 = arith.constant 16 : i32
        %shift_left3A_556 = vector.broadcast %shift_left3A_555 : i32 to vector<16xi32>
        %shift_left3A_557 = arith.shli %get3A_554, %shift_left3A_556 : vector<16xi32>
        %bitcast_convert_type3A_558 = tpu.bitcast %shift_left3A_557 : vector<16xi32> -> vector<16xf32>
        %and3A_559 = arith.constant -65536 : i32
        %and3A_560 = vector.broadcast %and3A_559 : i32 to vector<16xi32>
        %and3A_561 = arith.andi %get3A_554, %and3A_560 : vector<16xi32>
        %bitcast_convert_type3A_562 = tpu.bitcast %and3A_561 : vector<16xi32> -> vector<16xf32>
        %get3A_563 = arith.index_cast %scan3A_218 : i32 to index
        %get3A_564 = arith.constant 112 : index
        %get3A_565 = tpu.vector_load %arg15[%get3A_563, %get3A_564] {strides = array<i32>} : memref<40x128xf32, #tpu.memory_space<vmem>>, vector<1x16xf32>,
        %get3A_566 = vector.shape_cast %get3A_565 : vector<1x16xf32> to vector<16xf32>
        %get3A_567 = arith.index_cast %scan3A_218 : i32 to index
        %get3A_568 = arith.constant 112 : index
        %get3A_569 = tpu.vector_load %arg17[%get3A_567, %get3A_568] {strides = array<i32>} : memref<40x128xf32, #tpu.memory_space<vmem>>, vector<1x16xf32>,
        %get3A_570 = vector.shape_cast %get3A_569 : vector<1x16xf32> to vector<16xf32>
        %add3A_571 = arith.addf %get3A_566, %get3A_570 : vector<16xf32>
        %add3A_572 = arith.addf %add3A_571, %bitcast_convert_type3A_558 : vector<16xf32>
        %max3A_573 = arith.constant 0.000000e+00 : f32
        %max3A_574 = vector.broadcast %max3A_573 : f32 to vector<16xf32>
        %max3A_575 = arith.maximumf %add3A_572, %max3A_574 : vector<16xf32>
        %swap3A_576 = arith.index_cast %scan3A_218 : i32 to index
        %swap3A_577 = arith.constant 112 : index
        %swap3A_578 = tpu.vector_load %arg21[%swap3A_576, %swap3A_577] {strides = array<i32>} : memref<40x128xf32, #tpu.memory_space<vmem>>, vector<1x16xf32>,
        %swap3A_579 = vector.shape_cast %swap3A_578 : vector<1x16xf32> to vector<16xf32>
        %swap3A_580 = vector.shape_cast %max3A_575 : vector<16xf32> to vector<1x16xf32>
        tpu.vector_store %arg21[%swap3A_576, %swap3A_577], %swap3A_580 {strides = array<i32>} : memref<40x128xf32, #tpu.memory_space<vmem>>, vector<1x16xf32>,
        %get3A_581 = arith.index_cast %add3A_220 : i32 to index
        %get3A_582 = arith.constant 112 : index
        %get3A_583 = tpu.vector_load %arg15[%get3A_581, %get3A_582] {strides = array<i32>} : memref<40x128xf32, #tpu.memory_space<vmem>>, vector<1x16xf32>,
        %get3A_584 = vector.shape_cast %get3A_583 : vector<1x16xf32> to vector<16xf32>
        %get3A_585 = arith.index_cast %add3A_220 : i32 to index
        %get3A_586 = arith.constant 112 : index
        %get3A_587 = tpu.vector_load %arg17[%get3A_585, %get3A_586] {strides = array<i32>} : memref<40x128xf32, #tpu.memory_space<vmem>>, vector<1x16xf32>,
        %get3A_588 = vector.shape_cast %get3A_587 : vector<1x16xf32> to vector<16xf32>
        %add3A_589 = arith.addf %get3A_584, %get3A_588 : vector<16xf32>
        %add3A_590 = arith.addf %add3A_589, %bitcast_convert_type3A_562 : vector<16xf32>
        %max3A_591 = arith.constant 0.000000e+00 : f32
        %max3A_592 = vector.broadcast %max3A_591 : f32 to vector<16xf32>
        %max3A_593 = arith.maximumf %add3A_590, %max3A_592 : vector<16xf32>
        %swap3A_594 = arith.index_cast %add3A_220 : i32 to index
        %swap3A_595 = arith.constant 112 : index
        %swap3A_596 = tpu.vector_load %arg21[%swap3A_594, %swap3A_595] {strides = array<i32>} : memref<40x128xf32, #tpu.memory_space<vmem>>, vector<1x16xf32>,
        %swap3A_597 = vector.shape_cast %swap3A_596 : vector<1x16xf32> to vector<16xf32>
        %swap3A_598 = vector.shape_cast %max3A_593 : vector<16xf32> to vector<1x16xf32>
        tpu.vector_store %arg21[%swap3A_594, %swap3A_595], %swap3A_598 {strides = array<i32>} : memref<40x128xf32, #tpu.memory_space<vmem>>, vector<1x16xf32>,
      }
      %scan3A_206 = arith.constant 20 : i32
      %dma_wait3A_207 = arith.constant 0 : i32
      %dma_wait3A_208 = arith.constant 0 : i32
      %dma_wait3A_209 = arith.constant 0 : i32
      %dma_wait3A_210 = tpu.memref_slice %arg6[%dma_wait3A_207, %dma_wait3A_208, %dma_wait3A_209] : memref<32x250x40xi32, #tpu.memory_space<hbm>> -> memref<1x1x40xi32, #tpu.memory_space<hbm>>
      %dma_wait3A_211 = tpu.memref_squeeze %dma_wait3A_210 : memref<1x1x40xi32, #tpu.memory_space<hbm>> -> memref<40xi32, #tpu.memory_space<hbm>>
      %dma_wait3A_212 = arith.constant 0 : i32
      %dma_wait3A_213 = tpu.memref_slice %arg6[%dma_wait3A_207, %dma_wait3A_208, %dma_wait3A_212] : memref<32x250x40xi32, #tpu.memory_space<hbm>> -> memref<1x1x40xi32, #tpu.memory_space<hbm>>
      %dma_wait3A_214 = tpu.memref_squeeze %dma_wait3A_213 : memref<1x1x40xi32, #tpu.memory_space<hbm>> -> memref<40xi32, #tpu.memory_space<hbm>>
      tpu.wait_dma2 semaphore(%arg28 : memref<!tpu.dma_semaphore, #tpu.memory_space<semaphore_mem>>) src(%dma_wait3A_214 : memref<40xi32, #tpu.memory_space<hbm>>) dst(%arg13 : memref<40xi32, #tpu.memory_space<vmem>>)
      %dma_start3A_215 = arith.constant 0 : i32
      %dma_start3A_216 = arith.constant 0 : i32
      %dma_start3A_217 = tpu.memref_slice %arg22[%dma_start3A_215, %dma_start3A_216] : memref<10000x128xf32, #tpu.memory_space<vmem_shared>> -> memref<10000x128xf32, #tpu.memory_space<vmem_shared>>
      tpu.enqueue_indirect_dma source(%arg21 : memref<40x128xf32, #tpu.memory_space<vmem>>) target(%dma_start3A_217 : memref<10000x128xf32, #tpu.memory_space<vmem_shared>>) offsets(%arg13 : memref<40xi32, #tpu.memory_space<vmem>>) semaphore(%arg36 : memref<!tpu.dma_semaphore, #tpu.memory_space<semaphore_mem>>) {add = true}
    }
    %scan3A_87 = arith.constant 125 : i32
    %dma_wait3A_88 = arith.constant 0 : i32
    %dma_wait3A_89 = arith.constant 0 : i32
    %dma_wait3A_90 = tpu.memref_slice %arg22[%dma_wait3A_88, %dma_wait3A_89] : memref<10000x128xf32, #tpu.memory_space<vmem_shared>> -> memref<40x128xf32, #tpu.memory_space<vmem_shared>>
    %dma_wait3A_91 = arith.constant 0 : i32
    %dma_wait3A_92 = arith.constant 0 : i32
    %dma_wait3A_93 = tpu.memref_slice %arg22[%dma_wait3A_91, %dma_wait3A_92] : memref<10000x128xf32, #tpu.memory_space<vmem_shared>> -> memref<40x128xf32, #tpu.memory_space<vmem_shared>>
    tpu.wait_dma2 semaphore(%arg36 : memref<!tpu.dma_semaphore, #tpu.memory_space<semaphore_mem>>) src(%arg21 : memref<40x128xf32, #tpu.memory_space<vmem>>) dst(%dma_wait3A_93 : memref<40x128xf32, #tpu.memory_space<vmem_shared>>)
    %barrier3A_94 = arith.constant 0 : index
    tpu.barrier barrier_id(%barrier3A_94)
    %scan3A_95 = arith.constant 0 : i32
    %scan3A_96 = arith.constant 0 : i32
    %scan3A_97 = arith.constant 16 : i32
    %scan3A_98 = arith.addi %scan3A_96, %scan3A_97 : i32
    %scan3A_99 = arith.constant 1 : i32
    scf.for %scan3A_101 = %scan3A_96 to %scan3A_98 step %scan3A_99  : i32 {
      %mul3A_102 = arith.constant 16 : i32
      %mul3A_103 = arith.muli %scan3A_101, %mul3A_102 : i32
      %add3A_104 = arith.addi %arg1, %mul3A_103 : i32
      %lt3A = arith.constant 250 : i32
      %lt3A_105 = arith.cmpi slt, %add3A_104, %lt3A : i32
      %convert_element_type3A = arith.extui %lt3A_105 : i1 to i32
      %cond3A = arith.constant 0 : i32
      %cond3A_106 = arith.cmpi ne, %convert_element_type3A, %cond3A : i32
      scf.if %cond3A_106 {
        %mul3A_107 = arith.constant 40 : i32
        %mul3A_108 = arith.muli %add3A_104, %mul3A_107 : i32
        %mul3A_109 = arith.constant 40 : i32
        %mul3A_110 = arith.muli %add3A_104, %mul3A_109 : i32
        "tpu.region"() ({
          %run_scoped3A = tpu.sem_alloc : memref<!tpu.dma_semaphore, #tpu.memory_space<semaphore_mem>>
          %dma_start3A_111 = arith.constant 0 : i32
          %dma_start3A_112 = tpu.memref_slice %arg7[%arg0, %mul3A_110, %dma_start3A_111] : memref<2x10000x128xf32, #tpu.memory_space<hbm>> -> memref<1x40x128xf32, #tpu.memory_space<hbm>>
          %dma_start3A_113 = tpu.memref_squeeze %dma_start3A_112 : memref<1x40x128xf32, #tpu.memory_space<hbm>> -> memref<40x128xf32, #tpu.memory_space<hbm>>
          %dma_start3A_114 = arith.constant 0 : i32
          %dma_start3A_115 = tpu.memref_slice %arg22[%mul3A_108, %dma_start3A_114] : memref<10000x128xf32, #tpu.memory_space<vmem_shared>> -> memref<40x128xf32, #tpu.memory_space<vmem_shared>>
          tpu.enqueue_dma source(%dma_start3A_115 : memref<40x128xf32, #tpu.memory_space<vmem_shared>>) target(%dma_start3A_113 : memref<40x128xf32, #tpu.memory_space<hbm>>) target_semaphore(%run_scoped3A : memref<!tpu.dma_semaphore, #tpu.memory_space<semaphore_mem>>)
          %dma_wait3A_116 = arith.constant 0 : i32
          %dma_wait3A_117 = tpu.memref_slice %arg7[%arg0, %mul3A_110, %dma_wait3A_116] : memref<2x10000x128xf32, #tpu.memory_space<hbm>> -> memref<1x40x128xf32, #tpu.memory_space<hbm>>
          %dma_wait3A_118 = tpu.memref_squeeze %dma_wait3A_117 : memref<1x40x128xf32, #tpu.memory_space<hbm>> -> memref<40x128xf32, #tpu.memory_space<hbm>>
          %dma_wait3A_119 = arith.constant 0 : i32
          %dma_wait3A_120 = tpu.memref_slice %arg22[%mul3A_108, %dma_wait3A_119] : memref<10000x128xf32, #tpu.memory_space<vmem_shared>> -> memref<40x128xf32, #tpu.memory_space<vmem_shared>>
          tpu.wait_dma2 semaphore(%run_scoped3A : memref<!tpu.dma_semaphore, #tpu.memory_space<semaphore_mem>>) src(%dma_wait3A_120 : memref<40x128xf32, #tpu.memory_space<vmem_shared>>) dst(%dma_wait3A_118 : memref<40x128xf32, #tpu.memory_space<hbm>>)
          tpu.yield
        }) : () -> ()
      } else {
      }
    }
    %scan3A_100 = arith.constant 16 : i32
    return
  }
}

module attributes {stable_mosaic.version = 14 : i64} {
  func.func @_edgeproj_body(%arg0: i32, %arg1: memref<4000x16xf32, #tpu.memory_space<vmem>>, %arg2: memref<4000x16xf32, #tpu.memory_space<vmem>>, %arg3: memref<16x128xf32, #tpu.memory_space<vmem>>, %arg4: memref<16x128xf32, #tpu.memory_space<vmem>>, %arg5: memref<200x20x128xi32, #tpu.memory_space<vmem>>, %arg6: memref<200x20x128xi32, #tpu.memory_space<vmem>>) attributes {dimension_semantics = [#tpu.dimension_semantics<arbitrary>], iteration_bounds = array<i64: 40>, scalar_prefetch = 0 : i64, scratch_operands = 0 : i64, tpu.core_type = #tpu.core_type<tc>, window_params = [{transform_indices = @transform_0, window_bounds = array<i64: 4000, 16>}, {transform_indices = @transform_1, window_bounds = array<i64: 4000, 16>}, {pipeline_mode = #tpu.pipeline_mode<synchronous>, transform_indices = @transform_2, window_bounds = array<i64: 16, 128>}, {pipeline_mode = #tpu.pipeline_mode<synchronous>, transform_indices = @transform_3, window_bounds = array<i64: 16, 128>}, {transform_indices = @transform_4, window_bounds = array<i64: 200, 20, 128>}, {transform_indices = @transform_5, window_bounds = array<i64: 200, 20, 128>}]} {
    %get3A = arith.constant 0 : index
    %get3A_0 = arith.constant 0 : index
    %get3A_1 = vector.load %arg1[%get3A, %get3A_0] : memref<4000x16xf32, #tpu.memory_space<vmem>>, vector<4000x16xf32>
    %get3A_2 = arith.constant 0 : index
    %get3A_3 = arith.constant 0 : index
    %get3A_4 = vector.load %arg2[%get3A_2, %get3A_3] : memref<4000x16xf32, #tpu.memory_space<vmem>>, vector<4000x16xf32>
    %get3A_5 = arith.constant 0 : index
    %get3A_6 = arith.constant 0 : index
    %get3A_7 = vector.load %arg3[%get3A_5, %get3A_6] : memref<16x128xf32, #tpu.memory_space<vmem>>, vector<16x128xf32>
    %dot_general3A = arith.constant dense<0.000000e+00> : vector<4000x128xf32>
    %dot_general3A_8 = tpu.matmul %get3A_1, %get3A_7, %dot_general3A {dimension_numbers = #tpu.dot_dimension_numbers<[1], [0], [0], [1], [0, 0, 1, 1], [], []>, transpose_lhs_hint = false} : vector<4000x16xf32>, vector<16x128xf32>, vector<4000x128xf32> -> vector<4000x128xf32>
    %get3A_9 = arith.constant 0 : index
    %get3A_10 = arith.constant 0 : index
    %get3A_11 = vector.load %arg3[%get3A_9, %get3A_10] : memref<16x128xf32, #tpu.memory_space<vmem>>, vector<16x128xf32>
    %dot_general3A_12 = arith.constant dense<0.000000e+00> : vector<4000x128xf32>
    %dot_general3A_13 = tpu.matmul %get3A_4, %get3A_11, %dot_general3A_12 {dimension_numbers = #tpu.dot_dimension_numbers<[1], [0], [0], [1], [0, 0, 1, 1], [], []>, transpose_lhs_hint = false} : vector<4000x16xf32>, vector<16x128xf32>, vector<4000x128xf32> -> vector<4000x128xf32>
    %bitcast_convert_type3A = tpu.bitcast %dot_general3A_8 : vector<4000x128xf32> -> vector<4000x128xi32>
    %shift_right_logical3A = arith.constant 16 : i32
    %shift_right_logical3A_14 = vector.broadcast %shift_right_logical3A : i32 to vector<4000x128xi32>
    %shift_right_logical3A_15 = arith.shrui %bitcast_convert_type3A, %shift_right_logical3A_14 : vector<4000x128xi32>
    %and3A = arith.constant 1 : i32
    %and3A_16 = vector.broadcast %and3A : i32 to vector<4000x128xi32>
    %and3A_17 = arith.andi %shift_right_logical3A_15, %and3A_16 : vector<4000x128xi32>
    %add3A = arith.constant 32767 : i32
    %add3A_18 = vector.broadcast %add3A : i32 to vector<4000x128xi32>
    %add3A_19 = arith.addi %bitcast_convert_type3A, %add3A_18 : vector<4000x128xi32>
    %add3A_20 = arith.addi %add3A_19, %and3A_17 : vector<4000x128xi32>
    %and3A_21 = arith.constant -65536 : i32
    %and3A_22 = vector.broadcast %and3A_21 : i32 to vector<4000x128xi32>
    %and3A_23 = arith.andi %add3A_20, %and3A_22 : vector<4000x128xi32>
    %shift_right_logical3A_24 = arith.constant 16 : i32
    %shift_right_logical3A_25 = vector.broadcast %shift_right_logical3A_24 : i32 to vector<4000x128xi32>
    %shift_right_logical3A_26 = arith.shrui %and3A_23, %shift_right_logical3A_25 : vector<4000x128xi32>
    %bitcast_convert_type3A_27 = tpu.bitcast %dot_general3A_13 : vector<4000x128xf32> -> vector<4000x128xi32>
    %shift_right_logical3A_28 = arith.constant 16 : i32
    %shift_right_logical3A_29 = vector.broadcast %shift_right_logical3A_28 : i32 to vector<4000x128xi32>
    %shift_right_logical3A_30 = arith.shrui %bitcast_convert_type3A_27, %shift_right_logical3A_29 : vector<4000x128xi32>
    %and3A_31 = arith.constant 1 : i32
    %and3A_32 = vector.broadcast %and3A_31 : i32 to vector<4000x128xi32>
    %and3A_33 = arith.andi %shift_right_logical3A_30, %and3A_32 : vector<4000x128xi32>
    %add3A_34 = arith.constant 32767 : i32
    %add3A_35 = vector.broadcast %add3A_34 : i32 to vector<4000x128xi32>
    %add3A_36 = arith.addi %bitcast_convert_type3A_27, %add3A_35 : vector<4000x128xi32>
    %add3A_37 = arith.addi %add3A_36, %and3A_33 : vector<4000x128xi32>
    %and3A_38 = arith.constant -65536 : i32
    %and3A_39 = vector.broadcast %and3A_38 : i32 to vector<4000x128xi32>
    %and3A_40 = arith.andi %add3A_37, %and3A_39 : vector<4000x128xi32>
    %or3A = arith.ori %shift_right_logical3A_26, %and3A_40 : vector<4000x128xi32>
    %reshape3A = vector.shape_cast %or3A : vector<4000x128xi32> to vector<200x20x128xi32>
    %swap3A = arith.constant 0 : index
    %swap3A_41 = arith.constant 0 : index
    %swap3A_42 = arith.constant 0 : index
    %swap3A_43 = vector.load %arg5[%swap3A, %swap3A_41, %swap3A_42] : memref<200x20x128xi32, #tpu.memory_space<vmem>>, vector<200x20x128xi32>
    tpu.vector_store %arg5[%swap3A, %swap3A_41, %swap3A_42], %reshape3A {strides = array<i32>} : memref<200x20x128xi32, #tpu.memory_space<vmem>>, vector<200x20x128xi32>,
    %get3A_44 = arith.constant 0 : index
    %get3A_45 = arith.constant 0 : index
    %get3A_46 = vector.load %arg4[%get3A_44, %get3A_45] : memref<16x128xf32, #tpu.memory_space<vmem>>, vector<16x128xf32>
    %dot_general3A_47 = arith.constant dense<0.000000e+00> : vector<4000x128xf32>
    %dot_general3A_48 = tpu.matmul %get3A_1, %get3A_46, %dot_general3A_47 {dimension_numbers = #tpu.dot_dimension_numbers<[1], [0], [0], [1], [0, 0, 1, 1], [], []>, transpose_lhs_hint = false} : vector<4000x16xf32>, vector<16x128xf32>, vector<4000x128xf32> -> vector<4000x128xf32>
    %get3A_49 = arith.constant 0 : index
    %get3A_50 = arith.constant 0 : index
    %get3A_51 = vector.load %arg4[%get3A_49, %get3A_50] : memref<16x128xf32, #tpu.memory_space<vmem>>, vector<16x128xf32>
    %dot_general3A_52 = arith.constant dense<0.000000e+00> : vector<4000x128xf32>
    %dot_general3A_53 = tpu.matmul %get3A_4, %get3A_51, %dot_general3A_52 {dimension_numbers = #tpu.dot_dimension_numbers<[1], [0], [0], [1], [0, 0, 1, 1], [], []>, transpose_lhs_hint = false} : vector<4000x16xf32>, vector<16x128xf32>, vector<4000x128xf32> -> vector<4000x128xf32>
    %bitcast_convert_type3A_54 = tpu.bitcast %dot_general3A_48 : vector<4000x128xf32> -> vector<4000x128xi32>
    %shift_right_logical3A_55 = arith.constant 16 : i32
    %shift_right_logical3A_56 = vector.broadcast %shift_right_logical3A_55 : i32 to vector<4000x128xi32>
    %shift_right_logical3A_57 = arith.shrui %bitcast_convert_type3A_54, %shift_right_logical3A_56 : vector<4000x128xi32>
    %and3A_58 = arith.constant 1 : i32
    %and3A_59 = vector.broadcast %and3A_58 : i32 to vector<4000x128xi32>
    %and3A_60 = arith.andi %shift_right_logical3A_57, %and3A_59 : vector<4000x128xi32>
    %add3A_61 = arith.constant 32767 : i32
    %add3A_62 = vector.broadcast %add3A_61 : i32 to vector<4000x128xi32>
    %add3A_63 = arith.addi %bitcast_convert_type3A_54, %add3A_62 : vector<4000x128xi32>
    %add3A_64 = arith.addi %add3A_63, %and3A_60 : vector<4000x128xi32>
    %and3A_65 = arith.constant -65536 : i32
    %and3A_66 = vector.broadcast %and3A_65 : i32 to vector<4000x128xi32>
    %and3A_67 = arith.andi %add3A_64, %and3A_66 : vector<4000x128xi32>
    %shift_right_logical3A_68 = arith.constant 16 : i32
    %shift_right_logical3A_69 = vector.broadcast %shift_right_logical3A_68 : i32 to vector<4000x128xi32>
    %shift_right_logical3A_70 = arith.shrui %and3A_67, %shift_right_logical3A_69 : vector<4000x128xi32>
    %bitcast_convert_type3A_71 = tpu.bitcast %dot_general3A_53 : vector<4000x128xf32> -> vector<4000x128xi32>
    %shift_right_logical3A_72 = arith.constant 16 : i32
    %shift_right_logical3A_73 = vector.broadcast %shift_right_logical3A_72 : i32 to vector<4000x128xi32>
    %shift_right_logical3A_74 = arith.shrui %bitcast_convert_type3A_71, %shift_right_logical3A_73 : vector<4000x128xi32>
    %and3A_75 = arith.constant 1 : i32
    %and3A_76 = vector.broadcast %and3A_75 : i32 to vector<4000x128xi32>
    %and3A_77 = arith.andi %shift_right_logical3A_74, %and3A_76 : vector<4000x128xi32>
    %add3A_78 = arith.constant 32767 : i32
    %add3A_79 = vector.broadcast %add3A_78 : i32 to vector<4000x128xi32>
    %add3A_80 = arith.addi %bitcast_convert_type3A_71, %add3A_79 : vector<4000x128xi32>
    %add3A_81 = arith.addi %add3A_80, %and3A_77 : vector<4000x128xi32>
    %and3A_82 = arith.constant -65536 : i32
    %and3A_83 = vector.broadcast %and3A_82 : i32 to vector<4000x128xi32>
    %and3A_84 = arith.andi %add3A_81, %and3A_83 : vector<4000x128xi32>
    %or3A_85 = arith.ori %shift_right_logical3A_70, %and3A_84 : vector<4000x128xi32>
    %reshape3A_86 = vector.shape_cast %or3A_85 : vector<4000x128xi32> to vector<200x20x128xi32>
    %swap3A_87 = arith.constant 0 : index
    %swap3A_88 = arith.constant 0 : index
    %swap3A_89 = arith.constant 0 : index
    %swap3A_90 = vector.load %arg6[%swap3A_87, %swap3A_88, %swap3A_89] : memref<200x20x128xi32, #tpu.memory_space<vmem>>, vector<200x20x128xi32>
    tpu.vector_store %arg6[%swap3A_87, %swap3A_88, %swap3A_89], %reshape3A_86 {strides = array<i32>} : memref<200x20x128xi32, #tpu.memory_space<vmem>>, vector<200x20x128xi32>,
    return
  }
  func.func @transform_0(%arg0: i32) -> (i32, i32) {
    %c0_i32 = arith.constant 0 : i32
    %c0_i32_0 = arith.constant 0 : i32
    return %arg0, %c0_i32 : i32, i32
  }
  func.func @transform_1(%arg0: i32) -> (i32, i32) {
    %add3A = arith.constant 40 : i32
    %add3A_0 = arith.addi %arg0, %add3A : i32
    %c0_i32 = arith.constant 0 : i32
    %c0_i32_1 = arith.constant 0 : i32
    return %add3A_0, %c0_i32 : i32, i32
  }
  func.func @transform_2(%arg0: i32) -> (i32, i32) {
    %c0_i32 = arith.constant 0 : i32
    %c0_i32_0 = arith.constant 0 : i32
    %c0_i32_1 = arith.constant 0 : i32
    return %c0_i32, %c0_i32_0 : i32, i32
  }
  func.func @transform_3(%arg0: i32) -> (i32, i32) {
    %c0_i32 = arith.constant 0 : i32
    %c0_i32_0 = arith.constant 0 : i32
    %c0_i32_1 = arith.constant 0 : i32
    return %c0_i32, %c0_i32_0 : i32, i32
  }
  func.func @transform_4(%arg0: i32) -> (i32, i32, i32) {
    %c0_i32 = arith.constant 0 : i32
    %c0_i32_0 = arith.constant 0 : i32
    %c0_i32_1 = arith.constant 0 : i32
    return %arg0, %c0_i32, %c0_i32_0 : i32, i32, i32
  }
  func.func @transform_5(%arg0: i32) -> (i32, i32, i32) {
    %c0_i32 = arith.constant 0 : i32
    %c0_i32_0 = arith.constant 0 : i32
    %c0_i32_1 = arith.constant 0 : i32
    return %arg0, %c0_i32, %c0_i32_0 : i32, i32, i32
  }
}

module attributes {stable_mosaic.version = 14 : i64} {
  func.func @_proj_body(%arg0: i32, %arg1: memref<1000x128xf32, #tpu.memory_space<vmem>>, %arg2: memref<128x128xf32, #tpu.memory_space<vmem>>, %arg3: memref<128x128xf32, #tpu.memory_space<vmem>>, %arg4: memref<1x128xf32, #tpu.memory_space<vmem>>, %arg5: memref<1000x128xf32, #tpu.memory_space<vmem>>, %arg6: memref<1000x128xf32, #tpu.memory_space<vmem>>) attributes {dimension_semantics = [#tpu.dimension_semantics<arbitrary>], iteration_bounds = array<i64: 10>, scalar_prefetch = 0 : i64, scratch_operands = 0 : i64, tpu.core_type = #tpu.core_type<tc>, window_params = [{transform_indices = @transform_0, window_bounds = array<i64: 1000, 128>}, {pipeline_mode = #tpu.pipeline_mode<synchronous>, transform_indices = @transform_1, window_bounds = array<i64: 128, 128>}, {pipeline_mode = #tpu.pipeline_mode<synchronous>, transform_indices = @transform_2, window_bounds = array<i64: 128, 128>}, {pipeline_mode = #tpu.pipeline_mode<synchronous>, transform_indices = @transform_3, window_bounds = array<i64: 1, 128>}, {transform_indices = @transform_4, window_bounds = array<i64: 1000, 128>}, {transform_indices = @transform_5, window_bounds = array<i64: 1000, 128>}]} {
    %get3A = arith.constant 0 : index
    %get3A_0 = arith.constant 0 : index
    %get3A_1 = vector.load %arg1[%get3A, %get3A_0] : memref<1000x128xf32, #tpu.memory_space<vmem>>, vector<1000x128xf32>
    %get3A_2 = arith.constant 0 : index
    %get3A_3 = arith.constant 0 : index
    %get3A_4 = vector.load %arg2[%get3A_2, %get3A_3] : memref<128x128xf32, #tpu.memory_space<vmem>>, vector<128x128xf32>
    %dot_general3A = arith.constant dense<0.000000e+00> : vector<1000x128xf32>
    %dot_general3A_5 = tpu.matmul %get3A_1, %get3A_4, %dot_general3A {dimension_numbers = #tpu.dot_dimension_numbers<[1], [0], [0], [1], [0, 0, 1, 1], [], []>, transpose_lhs_hint = false} : vector<1000x128xf32>, vector<128x128xf32>, vector<1000x128xf32> -> vector<1000x128xf32>
    %swap3A = arith.constant 0 : index
    %swap3A_6 = arith.constant 0 : index
    %swap3A_7 = vector.load %arg5[%swap3A, %swap3A_6] : memref<1000x128xf32, #tpu.memory_space<vmem>>, vector<1000x128xf32>
    tpu.vector_store %arg5[%swap3A, %swap3A_6], %dot_general3A_5 {strides = array<i32>} : memref<1000x128xf32, #tpu.memory_space<vmem>>, vector<1000x128xf32>,
    %get3A_8 = arith.constant 0 : index
    %get3A_9 = arith.constant 0 : index
    %get3A_10 = vector.load %arg3[%get3A_8, %get3A_9] : memref<128x128xf32, #tpu.memory_space<vmem>>, vector<128x128xf32>
    %dot_general3A_11 = arith.constant dense<0.000000e+00> : vector<1000x128xf32>
    %dot_general3A_12 = tpu.matmul %get3A_1, %get3A_10, %dot_general3A_11 {dimension_numbers = #tpu.dot_dimension_numbers<[1], [0], [0], [1], [0, 0, 1, 1], [], []>, transpose_lhs_hint = false} : vector<1000x128xf32>, vector<128x128xf32>, vector<1000x128xf32> -> vector<1000x128xf32>
    %get3A_13 = arith.constant 0 : index
    %get3A_14 = arith.constant 0 : index
    %get3A_15 = vector.load %arg4[%get3A_13, %get3A_14] : memref<1x128xf32, #tpu.memory_space<vmem>>, vector<1x128xf32>
    %add3A = vector.broadcast %get3A_15 : vector<1x128xf32> to vector<1000x128xf32>
    %add3A_16 = arith.addf %dot_general3A_12, %add3A : vector<1000x128xf32>
    %swap3A_17 = arith.constant 0 : index
    %swap3A_18 = arith.constant 0 : index
    %swap3A_19 = vector.load %arg6[%swap3A_17, %swap3A_18] : memref<1000x128xf32, #tpu.memory_space<vmem>>, vector<1000x128xf32>
    tpu.vector_store %arg6[%swap3A_17, %swap3A_18], %add3A_16 {strides = array<i32>} : memref<1000x128xf32, #tpu.memory_space<vmem>>, vector<1000x128xf32>,
    return
  }
  func.func @transform_0(%arg0: i32) -> (i32, i32) {
    %c0_i32 = arith.constant 0 : i32
    %c0_i32_0 = arith.constant 0 : i32
    return %arg0, %c0_i32 : i32, i32
  }
  func.func @transform_1(%arg0: i32) -> (i32, i32) {
    %c0_i32 = arith.constant 0 : i32
    %c0_i32_0 = arith.constant 0 : i32
    %c0_i32_1 = arith.constant 0 : i32
    return %c0_i32, %c0_i32_0 : i32, i32
  }
  func.func @transform_2(%arg0: i32) -> (i32, i32) {
    %c0_i32 = arith.constant 0 : i32
    %c0_i32_0 = arith.constant 0 : i32
    %c0_i32_1 = arith.constant 0 : i32
    return %c0_i32, %c0_i32_0 : i32, i32
  }
  func.func @transform_3(%arg0: i32) -> (i32, i32) {
    %c0_i32 = arith.constant 0 : i32
    %c0_i32_0 = arith.constant 0 : i32
    %c0_i32_1 = arith.constant 0 : i32
    return %c0_i32, %c0_i32_0 : i32, i32
  }
  func.func @transform_4(%arg0: i32) -> (i32, i32) {
    %c0_i32 = arith.constant 0 : i32
    %c0_i32_0 = arith.constant 0 : i32
    return %arg0, %c0_i32 : i32, i32
  }
  func.func @transform_5(%arg0: i32) -> (i32, i32) {
    %c0_i32 = arith.constant 0 : i32
    %c0_i32_0 = arith.constant 0 : i32
    return %arg0, %c0_i32 : i32, i32
  }
}

module attributes {stable_mosaic.version = 14 : i64} {
  func.func @_upd_body(%arg0: i32, %arg1: memref<1000x128xf32, #tpu.memory_space<vmem>>, %arg2: memref<2x1000x128xf32, #tpu.memory_space<vmem>>, %arg3: memref<128x128xf32, #tpu.memory_space<vmem>>, %arg4: memref<128x128xf32, #tpu.memory_space<vmem>>, %arg5: memref<1x128xf32, #tpu.memory_space<vmem>>, %arg6: memref<128x128xf32, #tpu.memory_space<vmem>>, %arg7: memref<128x128xf32, #tpu.memory_space<vmem>>, %arg8: memref<1x128xf32, #tpu.memory_space<vmem>>, %arg9: memref<1000x128xf32, #tpu.memory_space<vmem>>, %arg10: memref<1000x128xf32, #tpu.memory_space<vmem>>, %arg11: memref<1000x128xf32, #tpu.memory_space<vmem>>) attributes {dimension_semantics = [#tpu.dimension_semantics<arbitrary>], iteration_bounds = array<i64: 10>, scalar_prefetch = 0 : i64, scratch_operands = 0 : i64, tpu.core_type = #tpu.core_type<tc>, window_params = [{transform_indices = @transform_0, window_bounds = array<i64: 1000, 128>}, {transform_indices = @transform_1, window_bounds = array<i64: 2, 1000, 128>}, {pipeline_mode = #tpu.pipeline_mode<synchronous>, transform_indices = @transform_2, window_bounds = array<i64: 128, 128>}, {pipeline_mode = #tpu.pipeline_mode<synchronous>, transform_indices = @transform_3, window_bounds = array<i64: 128, 128>}, {pipeline_mode = #tpu.pipeline_mode<synchronous>, transform_indices = @transform_4, window_bounds = array<i64: 1, 128>}, {pipeline_mode = #tpu.pipeline_mode<synchronous>, transform_indices = @transform_5, window_bounds = array<i64: 128, 128>}, {pipeline_mode = #tpu.pipeline_mode<synchronous>, transform_indices = @transform_6, window_bounds = array<i64: 128, 128>}, {pipeline_mode = #tpu.pipeline_mode<synchronous>, transform_indices = @transform_7, window_bounds = array<i64: 1, 128>}, {transform_indices = @transform_8, window_bounds = array<i64: 1000, 128>}, {transform_indices = @transform_9, window_bounds = array<i64: 1000, 128>}, {transform_indices = @transform_10, window_bounds = array<i64: 1000, 128>}]} {
    %get3A = arith.constant 0 : index
    %get3A_0 = arith.constant 0 : index
    %get3A_1 = arith.constant 0 : index
    %get3A_2 = vector.load %arg2[%get3A, %get3A_0, %get3A_1] : memref<2x1000x128xf32, #tpu.memory_space<vmem>>, vector<1x1000x128xf32>
    %get3A_3 = vector.shape_cast %get3A_2 : vector<1x1000x128xf32> to vector<1000x128xf32>
    %get3A_4 = arith.constant 1 : index
    %get3A_5 = arith.constant 0 : index
    %get3A_6 = arith.constant 0 : index
    %get3A_7 = vector.load %arg2[%get3A_4, %get3A_5, %get3A_6] : memref<2x1000x128xf32, #tpu.memory_space<vmem>>, vector<1x1000x128xf32>
    %get3A_8 = vector.shape_cast %get3A_7 : vector<1x1000x128xf32> to vector<1000x128xf32>
    %add3A = arith.addf %get3A_3, %get3A_8 : vector<1000x128xf32>
    %get3A_9 = arith.constant 0 : index
    %get3A_10 = arith.constant 0 : index
    %get3A_11 = vector.load %arg1[%get3A_9, %get3A_10] : memref<1000x128xf32, #tpu.memory_space<vmem>>, vector<1000x128xf32>
    %get3A_12 = arith.constant 0 : index
    %get3A_13 = arith.constant 0 : index
    %get3A_14 = vector.load %arg3[%get3A_12, %get3A_13] : memref<128x128xf32, #tpu.memory_space<vmem>>, vector<128x128xf32>
    %dot_general3A = arith.constant dense<0.000000e+00> : vector<1000x128xf32>
    %dot_general3A_15 = tpu.matmul %get3A_11, %get3A_14, %dot_general3A {dimension_numbers = #tpu.dot_dimension_numbers<[1], [0], [0], [1], [0, 0, 1, 1], [], []>, transpose_lhs_hint = false} : vector<1000x128xf32>, vector<128x128xf32>, vector<1000x128xf32> -> vector<1000x128xf32>
    %get3A_16 = arith.constant 0 : index
    %get3A_17 = arith.constant 0 : index
    %get3A_18 = vector.load %arg4[%get3A_16, %get3A_17] : memref<128x128xf32, #tpu.memory_space<vmem>>, vector<128x128xf32>
    %dot_general3A_19 = arith.constant dense<0.000000e+00> : vector<1000x128xf32>
    %dot_general3A_20 = tpu.matmul %add3A, %get3A_18, %dot_general3A_19 {dimension_numbers = #tpu.dot_dimension_numbers<[1], [0], [0], [1], [0, 0, 1, 1], [], []>, transpose_lhs_hint = false} : vector<1000x128xf32>, vector<128x128xf32>, vector<1000x128xf32> -> vector<1000x128xf32>
    %add3A_21 = arith.addf %dot_general3A_15, %dot_general3A_20 : vector<1000x128xf32>
    %get3A_22 = arith.constant 0 : index
    %get3A_23 = arith.constant 0 : index
    %get3A_24 = vector.load %arg5[%get3A_22, %get3A_23] : memref<1x128xf32, #tpu.memory_space<vmem>>, vector<1x128xf32>
    %add3A_25 = vector.broadcast %get3A_24 : vector<1x128xf32> to vector<1000x128xf32>
    %add3A_26 = arith.addf %add3A_21, %add3A_25 : vector<1000x128xf32>
    %max3A = arith.constant 0.000000e+00 : f32
    %max3A_27 = vector.broadcast %max3A : f32 to vector<1000x128xf32>
    %max3A_28 = arith.maximumf %add3A_26, %max3A_27 : vector<1000x128xf32>
    %swap3A = arith.constant 0 : index
    %swap3A_29 = arith.constant 0 : index
    %swap3A_30 = vector.load %arg9[%swap3A, %swap3A_29] : memref<1000x128xf32, #tpu.memory_space<vmem>>, vector<1000x128xf32>
    tpu.vector_store %arg9[%swap3A, %swap3A_29], %max3A_28 {strides = array<i32>} : memref<1000x128xf32, #tpu.memory_space<vmem>>, vector<1000x128xf32>,
    %get3A_31 = arith.constant 0 : index
    %get3A_32 = arith.constant 0 : index
    %get3A_33 = vector.load %arg6[%get3A_31, %get3A_32] : memref<128x128xf32, #tpu.memory_space<vmem>>, vector<128x128xf32>
    %dot_general3A_34 = arith.constant dense<0.000000e+00> : vector<1000x128xf32>
    %dot_general3A_35 = tpu.matmul %max3A_28, %get3A_33, %dot_general3A_34 {dimension_numbers = #tpu.dot_dimension_numbers<[1], [0], [0], [1], [0, 0, 1, 1], [], []>, transpose_lhs_hint = false} : vector<1000x128xf32>, vector<128x128xf32>, vector<1000x128xf32> -> vector<1000x128xf32>
    %swap3A_36 = arith.constant 0 : index
    %swap3A_37 = arith.constant 0 : index
    %swap3A_38 = vector.load %arg10[%swap3A_36, %swap3A_37] : memref<1000x128xf32, #tpu.memory_space<vmem>>, vector<1000x128xf32>
    tpu.vector_store %arg10[%swap3A_36, %swap3A_37], %dot_general3A_35 {strides = array<i32>} : memref<1000x128xf32, #tpu.memory_space<vmem>>, vector<1000x128xf32>,
    %get3A_39 = arith.constant 0 : index
    %get3A_40 = arith.constant 0 : index
    %get3A_41 = vector.load %arg7[%get3A_39, %get3A_40] : memref<128x128xf32, #tpu.memory_space<vmem>>, vector<128x128xf32>
    %dot_general3A_42 = arith.constant dense<0.000000e+00> : vector<1000x128xf32>
    %dot_general3A_43 = tpu.matmul %max3A_28, %get3A_41, %dot_general3A_42 {dimension_numbers = #tpu.dot_dimension_numbers<[1], [0], [0], [1], [0, 0, 1, 1], [], []>, transpose_lhs_hint = false} : vector<1000x128xf32>, vector<128x128xf32>, vector<1000x128xf32> -> vector<1000x128xf32>
    %get3A_44 = arith.constant 0 : index
    %get3A_45 = arith.constant 0 : index
    %get3A_46 = vector.load %arg8[%get3A_44, %get3A_45] : memref<1x128xf32, #tpu.memory_space<vmem>>, vector<1x128xf32>
    %add3A_47 = vector.broadcast %get3A_46 : vector<1x128xf32> to vector<1000x128xf32>
    %add3A_48 = arith.addf %dot_general3A_43, %add3A_47 : vector<1000x128xf32>
    %swap3A_49 = arith.constant 0 : index
    %swap3A_50 = arith.constant 0 : index
    %swap3A_51 = vector.load %arg11[%swap3A_49, %swap3A_50] : memref<1000x128xf32, #tpu.memory_space<vmem>>, vector<1000x128xf32>
    tpu.vector_store %arg11[%swap3A_49, %swap3A_50], %add3A_48 {strides = array<i32>} : memref<1000x128xf32, #tpu.memory_space<vmem>>, vector<1000x128xf32>,
    return
  }
  func.func @transform_0(%arg0: i32) -> (i32, i32) {
    %c0_i32 = arith.constant 0 : i32
    %c0_i32_0 = arith.constant 0 : i32
    return %arg0, %c0_i32 : i32, i32
  }
  func.func @transform_1(%arg0: i32) -> (i32, i32, i32) {
    %c0_i32 = arith.constant 0 : i32
    %c0_i32_0 = arith.constant 0 : i32
    %c0_i32_1 = arith.constant 0 : i32
    return %c0_i32, %arg0, %c0_i32_0 : i32, i32, i32
  }
  func.func @transform_2(%arg0: i32) -> (i32, i32) {
    %c0_i32 = arith.constant 0 : i32
    %c0_i32_0 = arith.constant 0 : i32
    %c0_i32_1 = arith.constant 0 : i32
    return %c0_i32, %c0_i32_0 : i32, i32
  }
  func.func @transform_3(%arg0: i32) -> (i32, i32) {
    %c0_i32 = arith.constant 0 : i32
    %c0_i32_0 = arith.constant 0 : i32
    %c0_i32_1 = arith.constant 0 : i32
    return %c0_i32, %c0_i32_0 : i32, i32
  }
  func.func @transform_4(%arg0: i32) -> (i32, i32) {
    %c0_i32 = arith.constant 0 : i32
    %c0_i32_0 = arith.constant 0 : i32
    %c0_i32_1 = arith.constant 0 : i32
    return %c0_i32, %c0_i32_0 : i32, i32
  }
  func.func @transform_5(%arg0: i32) -> (i32, i32) {
    %c0_i32 = arith.constant 0 : i32
    %c0_i32_0 = arith.constant 0 : i32
    %c0_i32_1 = arith.constant 0 : i32
    return %c0_i32, %c0_i32_0 : i32, i32
  }
  func.func @transform_6(%arg0: i32) -> (i32, i32) {
    %c0_i32 = arith.constant 0 : i32
    %c0_i32_0 = arith.constant 0 : i32
    %c0_i32_1 = arith.constant 0 : i32
    return %c0_i32, %c0_i32_0 : i32, i32
  }
  func.func @transform_7(%arg0: i32) -> (i32, i32) {
    %c0_i32 = arith.constant 0 : i32
    %c0_i32_0 = arith.constant 0 : i32
    %c0_i32_1 = arith.constant 0 : i32
    return %c0_i32, %c0_i32_0 : i32, i32
  }
  func.func @transform_8(%arg0: i32) -> (i32, i32) {
    %c0_i32 = arith.constant 0 : i32
    %c0_i32_0 = arith.constant 0 : i32
    return %arg0, %c0_i32 : i32, i32
  }
  func.func @transform_9(%arg0: i32) -> (i32, i32) {
    %c0_i32 = arith.constant 0 : i32
    %c0_i32_0 = arith.constant 0 : i32
    return %arg0, %c0_i32 : i32, i32
  }
  func.func @transform_10(%arg0: i32) -> (i32, i32) {
    %c0_i32 = arith.constant 0 : i32
    %c0_i32_0 = arith.constant 0 : i32
    return %arg0, %c0_i32 : i32, i32
  }
}

module attributes {stable_mosaic.version = 14 : i64} {
  func.func @_fin_body(%arg0: i32, %arg1: memref<1000x128xf32, #tpu.memory_space<vmem>>, %arg2: memref<2x1000x128xf32, #tpu.memory_space<vmem>>, %arg3: memref<128x128xf32, #tpu.memory_space<vmem>>, %arg4: memref<128x128xf32, #tpu.memory_space<vmem>>, %arg5: memref<1x128xf32, #tpu.memory_space<vmem>>, %arg6: memref<1000x128xf32, #tpu.memory_space<vmem>>) attributes {dimension_semantics = [#tpu.dimension_semantics<arbitrary>], iteration_bounds = array<i64: 10>, scalar_prefetch = 0 : i64, scratch_operands = 0 : i64, tpu.core_type = #tpu.core_type<tc>, window_params = [{transform_indices = @transform_0, window_bounds = array<i64: 1000, 128>}, {transform_indices = @transform_1, window_bounds = array<i64: 2, 1000, 128>}, {pipeline_mode = #tpu.pipeline_mode<synchronous>, transform_indices = @transform_2, window_bounds = array<i64: 128, 128>}, {pipeline_mode = #tpu.pipeline_mode<synchronous>, transform_indices = @transform_3, window_bounds = array<i64: 128, 128>}, {pipeline_mode = #tpu.pipeline_mode<synchronous>, transform_indices = @transform_4, window_bounds = array<i64: 1, 128>}, {transform_indices = @transform_5, window_bounds = array<i64: 1000, 128>}]} {
    %get3A = arith.constant 0 : index
    %get3A_0 = arith.constant 0 : index
    %get3A_1 = arith.constant 0 : index
    %get3A_2 = vector.load %arg2[%get3A, %get3A_0, %get3A_1] : memref<2x1000x128xf32, #tpu.memory_space<vmem>>, vector<1x1000x128xf32>
    %get3A_3 = vector.shape_cast %get3A_2 : vector<1x1000x128xf32> to vector<1000x128xf32>
    %get3A_4 = arith.constant 1 : index
    %get3A_5 = arith.constant 0 : index
    %get3A_6 = arith.constant 0 : index
    %get3A_7 = vector.load %arg2[%get3A_4, %get3A_5, %get3A_6] : memref<2x1000x128xf32, #tpu.memory_space<vmem>>, vector<1x1000x128xf32>
    %get3A_8 = vector.shape_cast %get3A_7 : vector<1x1000x128xf32> to vector<1000x128xf32>
    %add3A = arith.addf %get3A_3, %get3A_8 : vector<1000x128xf32>
    %get3A_9 = arith.constant 0 : index
    %get3A_10 = arith.constant 0 : index
    %get3A_11 = vector.load %arg1[%get3A_9, %get3A_10] : memref<1000x128xf32, #tpu.memory_space<vmem>>, vector<1000x128xf32>
    %get3A_12 = arith.constant 0 : index
    %get3A_13 = arith.constant 0 : index
    %get3A_14 = vector.load %arg3[%get3A_12, %get3A_13] : memref<128x128xf32, #tpu.memory_space<vmem>>, vector<128x128xf32>
    %dot_general3A = arith.constant dense<0.000000e+00> : vector<1000x128xf32>
    %dot_general3A_15 = tpu.matmul %get3A_11, %get3A_14, %dot_general3A {dimension_numbers = #tpu.dot_dimension_numbers<[1], [0], [0], [1], [0, 0, 1, 1], [], []>, transpose_lhs_hint = false} : vector<1000x128xf32>, vector<128x128xf32>, vector<1000x128xf32> -> vector<1000x128xf32>
    %get3A_16 = arith.constant 0 : index
    %get3A_17 = arith.constant 0 : index
    %get3A_18 = vector.load %arg4[%get3A_16, %get3A_17] : memref<128x128xf32, #tpu.memory_space<vmem>>, vector<128x128xf32>
    %dot_general3A_19 = arith.constant dense<0.000000e+00> : vector<1000x128xf32>
    %dot_general3A_20 = tpu.matmul %add3A, %get3A_18, %dot_general3A_19 {dimension_numbers = #tpu.dot_dimension_numbers<[1], [0], [0], [1], [0, 0, 1, 1], [], []>, transpose_lhs_hint = false} : vector<1000x128xf32>, vector<128x128xf32>, vector<1000x128xf32> -> vector<1000x128xf32>
    %add3A_21 = arith.addf %dot_general3A_15, %dot_general3A_20 : vector<1000x128xf32>
    %get3A_22 = arith.constant 0 : index
    %get3A_23 = arith.constant 0 : index
    %get3A_24 = vector.load %arg5[%get3A_22, %get3A_23] : memref<1x128xf32, #tpu.memory_space<vmem>>, vector<1x128xf32>
    %add3A_25 = vector.broadcast %get3A_24 : vector<1x128xf32> to vector<1000x128xf32>
    %add3A_26 = arith.addf %add3A_21, %add3A_25 : vector<1000x128xf32>
    %swap3A = arith.constant 0 : index
    %swap3A_27 = arith.constant 0 : index
    %swap3A_28 = vector.load %arg6[%swap3A, %swap3A_27] : memref<1000x128xf32, #tpu.memory_space<vmem>>, vector<1000x128xf32>
    tpu.vector_store %arg6[%swap3A, %swap3A_27], %add3A_26 {strides = array<i32>} : memref<1000x128xf32, #tpu.memory_space<vmem>>, vector<1000x128xf32>,
    return
  }
  func.func @transform_0(%arg0: i32) -> (i32, i32) {
    %c0_i32 = arith.constant 0 : i32
    %c0_i32_0 = arith.constant 0 : i32
    return %arg0, %c0_i32 : i32, i32
  }
  func.func @transform_1(%arg0: i32) -> (i32, i32, i32) {
    %c0_i32 = arith.constant 0 : i32
    %c0_i32_0 = arith.constant 0 : i32
    %c0_i32_1 = arith.constant 0 : i32
    return %c0_i32, %arg0, %c0_i32_0 : i32, i32, i32
  }
  func.func @transform_2(%arg0: i32) -> (i32, i32) {
    %c0_i32 = arith.constant 0 : i32
    %c0_i32_0 = arith.constant 0 : i32
    %c0_i32_1 = arith.constant 0 : i32
    return %c0_i32, %c0_i32_0 : i32, i32
  }
  func.func @transform_3(%arg0: i32) -> (i32, i32) {
    %c0_i32 = arith.constant 0 : i32
    %c0_i32_0 = arith.constant 0 : i32
    %c0_i32_1 = arith.constant 0 : i32
    return %c0_i32, %c0_i32_0 : i32, i32
  }
  func.func @transform_4(%arg0: i32) -> (i32, i32) {
    %c0_i32 = arith.constant 0 : i32
    %c0_i32_0 = arith.constant 0 : i32
    %c0_i32_1 = arith.constant 0 : i32
    return %c0_i32, %c0_i32_0 : i32, i32
  }
  func.func @transform_5(%arg0: i32) -> (i32, i32) {
    %c0_i32 = arith.constant 0 : i32
    %c0_i32_0 = arith.constant 0 : i32
    return %arg0, %c0_i32 : i32, i32
  }
}

</mosaic_0001>

<sc_bundles>
// kernel: kernel.11.cloned.1.call-start
scs
__scs_entry_jumppad:
0x0: {  	(pc) =	sbr.rel $0x88, $3  }
0x1: {  	(tag) =	ssettag $0x0;
	lr =	simm.s32 $0x1  }
0x2: {  	[smem:$0x3F96] =	sst lr;
	_ =	strace $0xD0000000  }
0x3: {  	_ = 	snop  }
0x4: {  	_ = 	snop  }
0x5: {  	_ = 	snop  }
0x6: {  	_ = 	snop  }
0x7: {  	_ = 	snop  }
__scs_overlays_trampoline_lowered:
0x8: {  	[smem:$0x3FA5] =	sst s0  }
0x9: {  	[smem:$0x3FA6] =	sst s1  }
0xa: {  	[smem:$0x3FA7] =	sst s2  }
0xb: {  	[smem:$0x3FA8] =	sst s3  }
0xc: {  	[smem:$0x3FA9] =	sst s4  }
0xd: {  	[smem:$0x3FAA] =	sst s5  }
0xe: {  	[smem:$0x3FAB] =	sst s6  }
0xf: {  	[smem:$0x3FAC] =	sst s7  }
0x10: {  	[smem:$0x3FAD] =	sst s8  }
0x11: {  	[smem:$0x3FAE] =	sst s9;
	s0 =	simm.s32 @!p0 $0x0  }
0x12: {  	s1 =	sld [smem:$0x3F94];
	s0 =	simm.s32 @p0 $0x1  }
0x13: {  	[smem:$0x3FAF] =	sst s0;
	s0 =	simm.s32 @!p1 $0x0  }
0x14: {  	s2 =	sld [smem:$0x3F93];
	s0 =	simm.s32 @p1 $0x1  }
0x15: {  	[smem:$0x3FB0] =	sst s0;
	s0 =	simm.s32 @!p2 $0x0  }
0x16: {  	s3 =	sld [smem:$0x3FDB];
	s0 =	simm.s32 @p2 $0x1  }
0x17: {  	s4 =	simm.s32 $0x1BF5;
	[smem:$0x3FB2] =	sst s0  }
0x18: {  	s0 =	sld [smem:$0x3F95];
	_ =	swait.ge [sflag:s4], $0x0  }
0x19: {  	s7 =	sld [smem:$0x3F96]  }
0x1a: {  	s8 =	sadd.s32 $0xFFFFE003, lr  }
0x1b: {  	s9 =	sadd.s32 $0xFFFFFEF7, lr;
	s5 =	simm.s32 $0xFFFFFFFF;
	p2 =	slt.u32 s8, $0xFFFFF086  }
0x1c: {  	p1 =	slt.u32 s9, $0xF7A;
	s5 =	simm.s32 @!p2 $0x0  }
0x1d: {  	s5 =	simm.s32 @p1 $0x1;
	p0 =	seq.s32 s7, s2  }
0x1e: {  	s7 =	smul.u32 @!p0 $0xF7A, s2;
	p2 =	seq.s32 @!p0 s5, $0x0  }
0x1f: {  	s9 =	smul.u32 $0xF7A, s1;
	s8 =	simm.s32 @!p0 $0x1BF5;
	p2 =	por !p2, p0  }
0x20: {  	[sflag:s8] =	ssyncset.s32 @!p0 $0xFFFFF086;
	s6 =	sadd.s32 @!p0 s3, s7;
	s7 =	simm.s32 @!p0 $0x108  }
0x21: {  	s3 =	sadd.s32 s3, s9;
	s6 =	sadd.s32 @!p0 $0x88, s6;
	s7 =	simm.s32 @p2 $0x1082  }
0x22: {  	[simem:s7], [sflag:s8] =	dma.local @!p0 [hbm:s6], $0xF7A  }
0x23: {  	s9 =	sor.u32 $0xD0000000, s2;
	s6 =	simm.s32 $0x108;
	_ =	swait.ge @!p0 [sflag:s8], $0x0  }
0x24: {  	s3 =	sadd.s32 $0x88, s3;
	s6 =	simm.s32 @!p1 $0x1082;
	[sflag:s4] =	ssyncset.s32 $0xFFFFF086  }
0x25: {  	[simem:s6], [sflag:s4] =	dma.local [hbm:s3], $0xF7A  }
0x26: {  	[smem:$0x3F96] =	sst s1;
	(tag) =	ssettag s2;
	_ =	strace s9  }
0x27: {  	s1 =	sld [smem:$0x3FA6]  }
0x28: {  	s2 =	sld [smem:$0x3FA7]  }
0x29: {  	s4 =	sld [smem:$0x3FA9]  }
0x2a: {  	p0 =	seq.s32 s5, $0x0;
	s5 =	sld [smem:$0x3FAA]  }
0x2b: {  	s6 =	sld [smem:$0x3FAB]  }
0x2c: {  	s7 =	sld [smem:$0x3FAC]  }
0x2d: {  	s3 =	simm.s32 $0x108;
	s8 =	sld [smem:$0x3FAD]  }
0x2e: {  	s3 =	simm.s32 @!p0 $0x1082;
	s9 =	sld [smem:$0x3FAE]  }
0x2f: {  	lr =	sadd.s32 s0, s3;
	s0 =	sld [smem:$0x3FA5]  }
0x30: {  	s3 =	sld [smem:$0x3FA8]  }
0x31: {  	[smem:$0x3FB1] =	sst s10  }
0x32: {  	s10 =	sld [smem:$0x3FAF];
	_ =	sdelay $0x3  }
0x33: {  	p0 =	seq.s32 s10, $0x1;
	s10 =	sld [smem:$0x3FB1];
	_ =	sdelay $0x3  }
0x34: {  	[smem:$0x3FB1] =	sst s10  }
0x35: {  	s10 =	sld [smem:$0x3FB0];
	_ =	sdelay $0x3  }
0x36: {  	p1 =	seq.s32 s10, $0x1;
	s10 =	sld [smem:$0x3FB1];
	_ =	sdelay $0x3  }
0x37: {  	[smem:$0x3FB1] =	sst s10  }
0x38: {  	s10 =	sld [smem:$0x3FB2]  }
0x39: {  	_ = 	snop;
	(pc) =	sbr.ind lr, $3  }
0x3a: {  	_ = 	snop  }
0x3b: {  	_ = 	snop  }
0x3c: {  	p2 =	seq.s32 s10, $0x1;
	s10 =	sld [smem:$0x3FB1]  }
0x3d: {  	_ =	shalt  }
0x3e: {  	_ =	shalt  }
0x3f: {  	_ =	shalt  }
0x40: {  	_ =	shalt  }
0x41: {  	_ =	shalt  }
0x42: {  	_ =	shalt  }
0x43: {  	_ =	shalt  }
0x44: {  	_ =	shalt  }
0x45: {  	_ =	shalt  }
0x46: {  	_ =	shalt  }
0x47: {  	_ =	shalt  }
0x48: {  	_ =	shalt  }
0x49: {  	_ =	shalt  }
0x4a: {  	_ =	shalt  }
0x4b: {  	_ =	shalt  }
0x4c: {  	_ =	shalt  }
0x4d: {  	_ =	shalt  }
0x4e: {  	_ =	shalt  }
0x4f: {  	_ =	shalt  }
0x50: {  	_ =	shalt  }
0x51: {  	_ =	shalt  }
0x52: {  	_ =	shalt  }
0x53: {  	_ =	shalt  }
0x54: {  	_ =	shalt  }
0x55: {  	_ =	shalt  }
0x56: {  	_ =	shalt  }
0x57: {  	_ =	shalt  }
0x58: {  	_ =	shalt  }
0x59: {  	_ =	shalt  }
0x5a: {  	_ =	shalt  }
0x5b: {  	_ =	shalt  }
0x5c: {  	_ =	shalt  }
0x5d: {  	_ =	shalt  }
0x5e: {  	_ =	shalt  }
0x5f: {  	_ =	shalt  }
0x60: {  	_ =	shalt  }
0x61: {  	_ =	shalt  }
0x62: {  	_ =	shalt  }
0x63: {  	_ =	shalt  }
0x64: {  	_ =	shalt  }
0x65: {  	_ =	shalt  }
0x66: {  	_ =	shalt  }
0x67: {  	_ =	shalt  }
0x68: {  	_ =	shalt  }
0x69: {  	_ =	shalt  }
0x6a: {  	_ =	shalt  }
0x6b: {  	_ =	shalt  }
0x6c: {  	_ =	shalt  }
0x6d: {  	_ =	shalt  }
0x6e: {  	_ =	shalt  }
0x6f: {  	_ =	shalt  }
0x70: {  	_ =	shalt  }
0x71: {  	_ =	shalt  }
0x72: {  	_ =	shalt  }
0x73: {  	_ =	shalt  }
0x74: {  	_ =	shalt  }
0x75: {  	_ =	shalt  }
0x76: {  	_ =	shalt  }
0x77: {  	_ =	shalt  }
0x78: {  	_ =	shalt  }
0x79: {  	_ =	shalt  }
0x7a: {  	_ =	shalt  }
0x7b: {  	_ =	shalt  }
0x7c: {  	_ =	shalt  }
0x7d: {  	_ =	shalt  }
0x7e: {  	_ =	shalt  }
0x7f: {  	_ =	shalt  }
0x80: {  	_ =	shalt  }
0x81: {  	_ =	shalt  }
0x82: {  	_ =	shalt  }
0x83: {  	_ =	shalt  }
0x84: {  	_ =	shalt  }
0x85: {  	_ =	shalt  }
0x86: {  	_ =	shalt  }
0x87: {  	_ =	shalt  }
.Lfunc_end0:
.L_simem_size_0:
called_computation.1_lowered:
.L_overlay_start_0:
0x88: {  	s2 =	sld [smem:$0x3FD9]  }
0x89: {  	s3 =	sld [smem:$0x3FFE];
	_ =	sdelay $0x1  }
0x8a: {  	s1 =	srdreg.scid  }
0x8b: {  	s0 =	sand.u32 $0x1, s1  }
0x8c: {  	s17 =	sshll.u32 s0, $0xA;
	s2 =	sadd.s32 s3, s2  }
0x8d: {  	s2 =	sadd.s32 s2, s17  }
0x8e: {  	[smem:$0x3FBD] =	sst s2  }
0x8f: {  	_ = 	snop  }
0x90: {  	s2 =	sld [smem:$0x3FD0];
	(tm) =	ssettm $0x1  }
0x91: {  	s18 =	sld [smem:$0x3FFB];
	_ =	sdelay $0x3  }
0x92: {  	_ =	strace s18  }
0x93: {  	s3 =	sld [smem:$0x3FFC];
	_ =	sdelay $0x3  }
0x94: {  	_ =	strace s3  }
0x95: {  	s3 =	sld [smem:$0x3FFD];
	_ =	sdelay $0x3  }
0x96: {  	_ =	strace s3  }
0x97: {  	_ =	strace $0x8FFFFFFF  }
0x98: {  	s19 =	sld [smem:$0x3FDB];
	_ =	sdelay $0x1  }
0x99: {  	s4 =	simm.s32 $_scs_section_size  }
0x9a: {  	s5 =	simm.s32 $_size__tile_overlayer_lowered;
	s6 =	simm.s32 $_tile_overlayer_lowered  }
0x9b: {  	s22 =	simm.s32 $0x1BFF;
	s21 =	sshll.u32 s6, $0x1;
	s3 =	sadd.s32 s4, s19  }
0x9c: {  	s7 =	simm.s32 $0x0;
	s20 =	sshll.u32 s5, $0x1;
	s5 =	sadd.s32 s21, s3  }
0x9d: {  	[timem:s7], [sflag:s22] =	dma.local [hbm:s5], s20  }
0x9e: {  	_ =	swait.ge [sflag:s22], s20  }
0x9f: {  	s4 =	ssub.s32 $0x0, s20;
	[sflag:s22] =	ssyncset.done $0x0  }
0xa0: {  	[sflag:s22] =	ssyncadd.s32 s4;
	_ =	sdelay $0x1  }
0xa1: {  	s23 =	simm.s32 $0x1B8B  }
0xa2: {  	_ =	swait.ge [sflag:s23], $0x1  }
0xa3: {  	[sflag:s23] =	ssyncset.done $0x0  }
0xa4: {  	s25 =	simm.s32 $0x1B8E;
	s24 =	sld [smem:$0x3FFE];
	[sflag:s23] =	ssyncadd.s32 $0xFFFFFFFF  }
0xa5: {  	s26 =	simm.s32 $execute0_lowered;
	[smem:$0x3FD2] =	sst s25  }
0xa6: {  	s5 =	sshll.u32 s26, $0x1;
	_ =	strace $0x80000049;
	[dreg:$0x1] =	wrdreg $0xFFFFFFFF  }
0xa7: {  	s28 =	simm.s32 $_size_execute0_lowered;
	s3 =	sadd.s32 s3, s5;
	[dreg:$0x0] =	wrdreg $0x0  }
0xa8: {  	s5 =	sshll.u32 s28, $0x1;
	[dreg:$0x2] =	wrdreg s3  }
0xa9: {  	[dreg:$0x3] =	wrdreg s5  }
0xaa: {  	[dreg:$0x4] =	wrdreg $0xC0  }
0xab: {  	_ =	task [dreg:s7], $0x5FFFF  }
0xac: {  	[dreg:$0x1] =	wrdreg $0xFFFFFFFF  }
0xad: {  	[dreg:$0x0] =	wrdreg $0x60  }
0xae: {  	[dreg:$0x2] =	wrdreg s2  }
0xaf: {  	[dreg:$0x3] =	wrdreg s24  }
0xb0: {  	[dreg:$0x4] =	wrdreg $0x93000  }
0xb1: {  	[dreg:$0x5] =	wrdreg $0x9  }
0xb2: {  	_ =	task.clear_ibuf [dreg:s7], $0x6FFFF;
	_ =	strace $0x90000049  }
0xb3: {  	s29 =	simm.s32 $0x9;
	_ =	strace $0x8000004B  }
0xb4: {  	_ =	swait.ge [sflag:s29], $0x1  }
0xb5: {  	[sflag:s29] =	ssyncadd.s32 $0xFFFFFFFF  }
0xb6: {  	_ =	strace $0x9000004B  }
0xb7: {  	_ =	sfence  }
0xb8: {  	s30 =	sld [smem:$0x0];
	_ =	sdelay $0x2  }
0xb9: {  	s31 =	sshll.u32 s1, $0xD;
	s1 =	sshrl.u32 s1, $0x2  }
0xba: {  	s3 =	sand.u32 $0x4000, s31;
	s1 =	sadd.s32 s1, s30  }
0xbb: {  	s0 =	sor.u32 s3, s0;
	s1 =	sshll.u32 s1, $0x11  }
0xbc: {  	s0 =	sor.u32 s1, s0  }
0xbd: {  	s0 =	sadd.s32 $0x8F2B, s0  }
0xbe: {  	[sflag:s0] =	ssyncadd.remote.s32 $0x1  }
0xbf: {  	_ =	sfence.sel $0xFFFF  }
0xc0: {  	[dreg:$0x0] =	wrdreg $0xFFFFFFFF;
	(pc) =	sbr.abs _section_cstart, $3  }
0xc1: {  	[dreg:$0x1] =	wrdreg $0xFFFFFFFF  }
0xc2: {  	_ =	task.clear_ibuf [dreg:s7], $0x2FFFF;
	_ =	strace $0x9FFFFFFF  }
0xc3: {  	(tm) =	ssettm $0x7FFFFFFF  }
tec
execute0_lowered:
.L_overlay_start_1:
0x0: {  	(tag) =	ssettag $0x1  }
0x1: {  	s1 =	rddreg [dreg:$0x0]  }
0x2: {  	s0 =	rddreg [dreg:$0x1]  }
0x3: {  	s2 =	rddreg [dreg:$0x2];
	s20 =	simm.s32 $0x0  }
0x4: {  	s3 =	srdreg.scid;
	s30 =	simm.s32 $0x7;
	s31 =	simm.s32 $0x9  }
0x5: {  	s28 =	simm.s32 $0x280;
	s29 =	simm.s32 $0x4;
	s15 =	simm.s32 $0x5  }
0x6: {  	s18 =	simm.s32 $0xD;
	s17 =	simm.s32 $0x6;
	[smem:$0x7FF] =	sst s20  }
0x7: {  	s4 =	sand.u32 $0x1, s3;
	s3 =	stileid.u32;
	s6 =	sadd.s32 $0x873E00, s0  }
0x8: {  	s5 =	sadd.s32 $0x3600, s0;
	s7 =	sadd.s32 $0x2A800, s0;
	s9 =	smul.u32 $0x138800, s4  }
0x9: {  	s8 =	sadd.s32 $0x4A800, s0;
	_ =	strace $0x8000004A;
	s10 =	smul.u32 $0x1400, s3  }
0xa: {  	s21 =	ssub.s32 $0x2, s4;
	s11 =	sshll.u32 s3, $0x1;
	s13 =	smul.u32 $0x5000, s3  }
0xb: {  	s22 =	sshrl.u32 s21, $0x1;
	s4 =	sor.u32 s4, s11;
	s9 =	sadd.s32 s10, s9  }
0xc: {  	s10 =	ssub.s32 s21, s22;
	s11 =	sshll.u32 s4, $0xC;
	s25 =	smul.u32 $0x17700, s4  }
0xd: {  	s14 =	smul.u32 $0xFA, s4;
	s26 =	sshrl.u32 s13, $0x2;
	s22 =	simm.s32 $0x200  }
0xe: {  	s9 =	sshrl.u32 s9, $0x3;
	s12 =	sadd.s32 s7, s11;
	s23 =	sor.u32 $0x10, s11  }
0xf: {  	s11 =	sadd.s32 s8, s11;
	s10 =	smax.u32 s10, $0x1;
	[dreg:$0x4] =	wrdreg s12  }
0x10: {  	s0 =	sadd.s32 s9, s0;
	s9 =	sshll.u32 s4, $0xF;
	[dreg:$0x5] =	wrdreg s11  }
0x11: {  	s24 =	sadd.s32 s7, s23;
	s12 =	sadd.s32 s8, s23;
	[dreg:$0x9] =	wrdreg s10  }
0x12: {  	s11 =	sadd.s32 s6, s25;
	s4 =	sadd.s32 s26, s2;
	[dreg:$0x6] =	wrdreg s24  }
0x13: {  	s25 =	simm.s32 $0x28;
	s26 =	simm.s32 $0x2;
	[dreg:$0x7] =	wrdreg s12  }
0x14: {  	s23 =	simm.s32 $0x8;
	s10 =	simm.s32 $0x0;
	[dreg:$0x8] =	wrdreg s11  }
0x15: {  	[dreg:$0xa] =	wrdreg s4;
	s0 =	sadd.s32 $0x6A800, s0;
	s24 =	simm.s32 $0xA  }
0x16: {  	v0 =	vimm.f32 $0.0e+00;
	s11 =	simm.s32 $0xC;
	[dreg:$0xb] =	wrdreg s0;
	s0 =	simm.s32 $0xB  }
.LBB2_1:
0x17: {  	[dreg:$0xc] =	wrdreg s10;
	s4 =	simm.s32 $0x0;
	s10 =	simm.s32 $0x200  }
.LBB2_2:
0x18: {  	p0 =	sne.s32 s10, $0x4E00;
	[tilespmem:s4+$0x6B70] =	vst v0  }
0x19: {  	[tilespmem:s4+$0x6B00] =	vst v0  }
0x1a: {  	[tilespmem:s4+$0x6B10] =	vst v0  }
.Ltmp0:
0x1b: {  	[tilespmem:s4+$0x6B20] =	vst v0;
	(pc) =	sbr.rel @p0 .LBB2_2-.Ltmp0, $4  }
0x1c: {  	[tilespmem:s4+$0x6B30] =	vst v0  }
0x1d: {  	[tilespmem:s4+$0x6B40] =	vst v0  }
0x1e: {  	[tilespmem:s4+$0x6B50] =	vst v0  }
0x1f: {  	[tilespmem:s4+$0x6B60] =	vst v0;
	s4 =	sshra.s32 s10, $0x2;
	s10 =	sadd.s32 $0x200, s10  }
0x20: {  	[tilespmem:s4+$0x6B70] =	vst v0  }
0x21: {  	[tilespmem:s4+$0x6B00] =	vst v0  }
0x22: {  	[tilespmem:s4+$0x6B10] =	vst v0  }
0x23: {  	[tilespmem:s4+$0x6B20] =	vst v0  }
0x24: {  	[tilespmem:s4+$0x6B30] =	vst v0  }
0x25: {  	[tilespmem:s4+$0x6B40] =	vst v0;
	s10 =	sadd.s32 $0x0, s3  }
0x26: {  	[tilespmem:s4+$0x6B50] =	vst v0;
	p0 =	sgt.u32 s10, $0xF9  }
0x27: {  	[tilespmem:s4+$0x6B60] =	vst v0;
	s16 =	rddreg [dreg:$0xa];
	s4 =	simm.s32 @!p0 $0x6B00;
	s13 =	simm.s32 @!p0 $0xF  }
0x28: {  	[spmem:s16] =	stream.linear.scatter @!p0 [tilespmem:s4], [sflag:$0xF], $0x1400, $0x38;
	[tilespmem:$0x1CB80] =	vst v63  }
0x29: {  	s12 =	simm.s32 $0x20;
	_ =	swait.ge @!p0 [sflag:s13], $0x1400  }
0x2a: {  	s10 =	simm.s32 $0x10;
	s4 =	sadd.s32 $0x14000, s16;
	[sflag:s13] =	ssyncset.done @!p0 $0x0  }
.LBB2_4:
0x2b: {  	s16 =	sadd.s32 s10, s3;
	s10 =	smov.u32 s12;
	s12 =	sadd.s32 $0x10, s12  }
0x2c: {  	[sflag:s13] =	ssyncadd.s32 @!p0 $0xFFFFEC00;
	p1 =	sne.s32 s12, $0x100  }
.Ltmp1:
0x2d: {  	p0 =	sgt.u32 s16, $0xF9;
	(pc) =	sbr.rel @p1 .LBB2_4-.Ltmp1, $4  }
0x2e: {  	s16 =	simm.s32 @!p0 $0x6B00;
	s13 =	simm.s32 @!p0 $0xF  }
0x2f: {  	[spmem:s4] =	stream.linear.scatter @!p0 [tilespmem:s16], [sflag:$0xF], $0x1400, $0x38;
	[tilespmem:$0x1CB80] =	vst v63  }
0x30: {  	_ =	swait.ge @!p0 [sflag:s13], $0x1400  }
0x31: {  	s4 =	sadd.s32 $0x14000, s4;
	[sflag:s13] =	ssyncset.done @!p0 $0x0  }
0x32: {  	s10 =	sadd.s32 s10, s3  }
0x33: {  	p1 =	sgt.u32 s10, $0xF9  }
0x34: {  	[sflag:s13] =	ssyncadd.s32 @!p0 $0xFFFFEC00;
	s10 =	simm.s32 @!p1 $0x6B00;
	s12 =	simm.s32 @!p1 $0xF  }
0x35: {  	[spmem:s4] =	stream.linear.scatter @!p1 [tilespmem:s10], [sflag:$0xF], $0x1400, $0x38;
	[tilespmem:$0x1CB80] =	vst v63  }
0x36: {  	_ =	swait.ge @!p1 [sflag:s12], $0x1400  }
0x37: {  	[sflag:s12] =	ssyncset.done @!p1 $0x0  }
0x38: {  	[sflag:s12] =	ssyncadd.s32 @!p1 $0xFFFFEC00  }
0x39: {  	[bflag:$0x0] =	sbarrier.arrive $0xFFFF  }
0x3a: {  	s4 =	simm.s32 $0x0;
	s19 =	rddreg [dreg:$0x4]  }
0x3b: {  	[tilespmem:s4], [sflag:$0x1] =	stream.linear.gather [hbm4b:s19+s4], $0x80, $0x38;
	[tilespmem:$0x1CB80] =	vst v63  }
0x3c: {  	s13 =	simm.s32 $0x100;
	s10 =	rddreg [dreg:$0x5]  }
0x3d: {  	[tilespmem:s13], [sflag:$0x3] =	stream.linear.gather [hbm4b:s10+s4], $0x80, $0x38;
	[tilespmem:$0x1CB80] =	vst v63  }
0x3e: {  	s16 =	simm.s32 $0x80;
	s21 =	rddreg [dreg:$0x6]  }
0x3f: {  	[tilespmem:s16], [sflag:$0x2] =	stream.linear.gather [hbm4b:s21+s4], $0x80, $0x38;
	[tilespmem:$0x1CB80] =	vst v63  }
0x40: {  	s19 =	rddreg [dreg:$0x7];
	s21 =	simm.s32 $0x180  }
0x41: {  	[tilespmem:s21], [sflag:$0x4] =	stream.linear.gather [hbm4b:s19+s4], $0x80, $0x38;
	[tilespmem:$0x1CB80] =	vst v63  }
0x42: {  	s19 =	simm.s32 $0x1  }
0x43: {  	[tilespmem:s22], [sflag:$0x5] =	stream.linear.gather [hbm4b:s10+s4], $0x80, $0x38;
	[tilespmem:$0x1CB80] =	vst v63  }
0x44: {  	_ =	swait.ge [sflag:s19], $0x80  }
0x45: {  	[sflag:s19] =	ssyncset.done $0x0  }
0x46: {  	s21 =	simm.s32 $0x3;
	[sflag:s19] =	ssyncadd.s32 $0xFFFFFF80  }
0x47: {  	_ =	swait.ge [sflag:s21], $0x80  }
0x48: {  	[sflag:s21] =	ssyncset.done $0x0  }
0x49: {  	s12 =	simm.s32 $0x300;
	[sflag:s21] =	ssyncadd.s32 $0xFFFFFF80  }
0x4a: {  	[tilespmem:s12], [sflag:$0x7] =	stream.indirect.gather [hbm4b:s1+s25], $0x80, s4, s25, $0xb8;
	[tilespmem:$0x1CB80] =	vst v63  }
0x4b: {  	s16 =	simm.s32 $0x2B00  }
0x4c: {  	[tilespmem:s16], [sflag:$0x9] =	stream.indirect.gather [hbm4b:s5+s25], $0x80, s13, s25, $0xb8;
	[tilespmem:$0x1CB80] =	vst v63  }
0x4d: {  	s19 =	rddreg [dreg:$0x8];
	s21 =	simm.s32 $0x5300  }
0x4e: {  	[tilespmem:s21], [sflag:$0xB] =	stream.linear.gather [hbm4b:s19+s4], $0xA00, $0x38;
	[tilespmem:$0x1CB80] =	vst v63  }
.LBB2_6:
0x4f: {  	_ =	swait.ge [sflag:s30], $0x1400  }
0x50: {  	[sflag:s30] =	ssyncset.done $0x0  }
0x51: {  	[sflag:s30] =	ssyncadd.s32 $0xFFFFEC00  }
0x52: {  	_ =	swait.ge [sflag:s31], $0x1400  }
0x53: {  	p1 =	seq.s32 s4, $0x0;
	[sflag:s31] =	ssyncset.done $0x0  }
0x54: {  	p0 =	seq.s32 @!p1 s4, $0x7C;
	[sflag:s31] =	ssyncadd.s32 $0xFFFFEC00  }
0x55: {  	p2 =	por p1, !p0;
	_ =	swait.ge [sflag:s0], $0xA00  }
.Ltmp2:
0x56: {  	[sflag:s0] =	ssyncset.done $0x0;
	(pc) =	sbr.rel @!p2 .LBB2_8-.Ltmp2, $4  }
0x57: {  	s10 =	simm.s32 @!p1 $0xE;
	[sflag:s0] =	ssyncadd.s32 $0xFFFFF600  }
0x58: {  	_ =	swait.ge @!p1 [sflag:s10], $0x1400  }
0x59: {  	s12 =	sshll.u32 s4, $0x1;
	[sflag:s10] =	ssyncset.done @!p1 $0x0  }
0x5a: {  	p0 =	por @!p1 $0x1, $0x1;
	[sflag:s10] =	ssyncadd.s32 @!p1 $0xFFFFEC00;
	s10 =	sadd.s32 @!p1 $0x2, s12  }
0x5b: {  	s10 =	simm.s32 @p1 $0x2  }
0x5c: {  	s13 =	sshll.u32 s10, $0x7  }
0x5d: {  	s16 =	sand.u32 $0xFC00, s13  }
0x5e: {  	s13 =	sand.u32 $0x300, s13;
	s16 =	sadd.s32 s9, s16  }
0x5f: {  	s13 =	sor.u32 s13, s16  }
0x60: {  	s13 =	sshrl.u32 s13, $0x3  }
0x61: {  	s19 =	sadd.s32 s7, s13  }
0x62: {  	[tilespmem:s20], [sflag:$0x1] =	stream.linear.gather [hbm4b:s19+s20], $0x80, $0x38;
	[tilespmem:$0x1CB80] =	vst v63  }
0x63: {  	s21 =	simm.s32 $0x100;
	p0 =	por $0x0, $0x0;
	s13 =	sadd.s32 s8, s13  }
0x64: {  	[tilespmem:s21], [sflag:$0x3] =	stream.linear.gather [hbm4b:s13+s20], $0x80, $0x38;
	[tilespmem:$0x1CB80] =	vst v63  }
.LBB2_8:
0x65: {  	s13 =	sor.u32 $0x1, s12  }
0x66: {  	s12 =	sshll.u32 s4, $0x8;
	s16 =	sshll.u32 s13, $0x7  }
0x67: {  	s19 =	sand.u32 $0x7C00, s12;
	s16 =	sand.u32 $0x380, s16  }
0x68: {  	s16 =	sor.u32 s16, s19  }
0x69: {  	s16 =	sor.u32 s9, s16  }
0x6a: {  	s16 =	sshrl.u32 s16, $0x3  }
0x6b: {  	s19 =	simm.s32 $0x0;
	s16 =	sadd.s32 s8, s16  }
0x6c: {  	[tilespmem:s28], [sflag:$0x6] =	stream.linear.gather [hbm4b:s16+s19], $0x80, $0x38;
	[tilespmem:$0x1CB80] =	vst v63  }
0x6d: {  	_ =	swait.ge [sflag:s26], $0x80  }
0x6e: {  	[sflag:s26] =	ssyncset.done $0x0  }
0x6f: {  	[sflag:s26] =	ssyncadd.s32 $0xFFFFFF80  }
0x70: {  	_ =	swait.ge [sflag:s29], $0x80  }
0x71: {  	s21 =	simm.s32 $0x1700;
	[sflag:s29] =	ssyncset.done $0x0  }
0x72: {  	s13 =	sadd.s32 s14, s13;
	s16 =	simm.s32 $0x80;
	[sflag:s29] =	ssyncadd.s32 $0xFFFFFF80  }
0x73: {  	[tilespmem:s21], [sflag:$0x8] =	stream.indirect.gather [hbm4b:s1+s25], $0x80, s16, s25, $0xb8;
	[tilespmem:$0x1CB80] =	vst v63  }
0x74: {  	s13 =	smul.u32 $0x180, s13;
	s16 =	simm.s32 $0x180;
	s21 =	simm.s32 $0x3F00  }
0x75: {  	[tilespmem:s21], [sflag:$0xA] =	stream.indirect.gather [hbm4b:s5+s25], $0x80, s16, s25, $0xb8;
	[tilespmem:$0x1CB80] =	vst v63  }
0x76: {  	s13 =	sadd.s32 s6, s13;
	s21 =	simm.s32 $0x5F00  }
0x77: {  	[tilespmem:s21], [sflag:$0xC] =	stream.linear.gather [hbm4b:s13+s19], $0xA00, $0x38;
	[tilespmem:$0x1CB80] =	vst v63  }
0x78: {  	s13 =	simm.s32 $0x0  }
0x79: {  	v1 =	vld [tilespmem:s13+$0xD70]  }
0x7a: {  	v2 =	vld [tilespmem:s13+$0x3570]  }
0x7b: {  	v3 =	vld [tilespmem:s13+$0x5370]  }
0x7c: {  	v4 =	vld [tilespmem:s13+$0x300]  }
0x7d: {  	v5 =	vld [tilespmem:s13+$0x2B00]  }
0x7e: {  	v6 =	vld [tilespmem:s13+$0xD00]  }
0x7f: {  	v7 =	vld [tilespmem:s13+$0x3500]  }
0x80: {  	v9 =	vld [tilespmem:s13+$0x2B10]  }
0x81: {  	v10 =	vld [tilespmem:s13+$0x3510]  }
0x82: {  	v12 =	vld [tilespmem:s13+$0x320]  }
0x83: {  	v14 =	vld [tilespmem:s13+$0xD20]  }
0x84: {  	v16 =	vld [tilespmem:s13+$0x3520]  }
0x85: {  	v17 =	vld [tilespmem:s13+$0x330]  }
0x86: {  	v18 =	vld [tilespmem:s13+$0x2B30]  }
0x87: {  	v19 =	vld [tilespmem:s13+$0xD30]  }
0x88: {  	v20 =	vld [tilespmem:s13+$0x3530]  }
0x89: {  	v21 =	vld [tilespmem:s13+$0x340]  }
0x8a: {  	v22 =	vld [tilespmem:s13+$0x2B40]  }
0x8b: {  	v23 =	vld [tilespmem:s13+$0xD40]  }
0x8c: {  	v24 =	vld [tilespmem:s13+$0x3540]  }
0x8d: {  	v25 =	vld [tilespmem:s13+$0x350]  }
0x8e: {  	v26 =	vld [tilespmem:s13+$0x2B50]  }
0x8f: {  	v27 =	vld [tilespmem:s13+$0xD50]  }
0x90: {  	v28 =	vld [tilespmem:s13+$0x3550]  }
0x91: {  	v29 =	vld [tilespmem:s13+$0x360];
	v1 =	vadd.f32 v2, v1  }
0x92: {  	v30 =	vld [tilespmem:s13+$0x2B60];
	v8 =	vand.u32 $0xFFFF0000, v3  }
0x93: {  	v31 =	vld [tilespmem:s13+$0xD60];
	v1 =	vadd.f32 v8, v1  }
0x94: {  	v2 =	vld [tilespmem:s13+$0x310]  }
0x95: {  	v32 =	vld [tilespmem:s13+$0x3560];
	v1 =	vmax.f32 v1, $0.0e+00  }
0x96: {  	[tilespmem:s13+$0x7570] =	vst v1;
	v1 =	vld [tilespmem:s13+$0x2B20]  }
0x97: {  	v34 =	vld [tilespmem:s13+$0x370]  }
0x98: {  	v8 =	vld [tilespmem:s13+$0xD10]  }
0x99: {  	v33 =	vadd.f32 v5, v4;
	v11 =	vadd.f32 v9, v2;
	v2 =	vld [tilespmem:s13+$0x2B70]  }
0x9a: {  	v6 =	vadd.f32 v7, v6;
	v9 =	vadd.f32 v22, v21;
	v21 =	vld [tilespmem:s13+$0x5320]  }
0x9b: {  	v13 =	vadd.f32 v1, v12;
	v12 =	vadd.f32 v16, v14;
	v16 =	vld [tilespmem:s13+$0x5300]  }
0x9c: {  	v7 =	vadd.f32 v26, v25;
	v14 =	vadd.f32 v20, v19;
	v20 =	vld [tilespmem:s13+$0x5310]  }
0x9d: {  	v5 =	vadd.f32 v28, v27;
	v4 =	vadd.f32 v32, v31  }
0x9e: {  	v15 =	vadd.f32 v10, v8;
	v10 =	vadd.f32 v18, v17;
	v19 =	vld [tilespmem:s13+$0x5330]  }
0x9f: {  	v8 =	vadd.f32 v24, v23;
	v18 =	vld [tilespmem:s13+$0x5340];
	v1 =	vshll.u32 v3, $0x10;
	v3 =	vadd.f32 v30, v29  }
0xa0: {  	v17 =	vld [tilespmem:s13+$0x5350];
	v2 =	vadd.f32 v2, v34;
	v24 =	vshll.u32 v21, $0x10;
	v21 =	vand.u32 $0xFFFF0000, v21  }
0xa1: {  	s16 =	simm.s32 $0x80;
	v22 =	vshll.u32 v16, $0x10;
	v23 =	vand.u32 $0xFFFF0000, v16;
	v26 =	vshll.u32 v20, $0x10;
	v16 =	vld [tilespmem:s13+$0x5360]  }
0xa2: {  	s19 =	simm.s32 $0x400;
	v25 =	vand.u32 $0xFFFF0000, v20;
	v20 =	vld [tilespmem:s16+$0xD70];
	v22 =	vadd.f32 v22, v33;
	v23 =	vadd.f32 v23, v6  }
.LBB2_9:
0xa3: {  	p1 =	sne.s32 s19, $0x2600;
	v6 =	vld [tilespmem:s16+$0x3570];
	v11 =	vadd.f32 v26, v11;
	v26 =	vshll.u32 v19, $0x10;
	v19 =	vand.u32 $0xFFFF0000, v19  }
0xa4: {  	v15 =	vadd.f32 v25, v15;
	v27 =	vld [tilespmem:s16+$0x5370];
	v25 =	vshll.u32 v18, $0x10;
	v18 =	vand.u32 $0xFFFF0000, v18  }
0xa5: {  	v13 =	vadd.f32 v24, v13;
	v28 =	vld [tilespmem:s16+$0x300];
	v24 =	vshll.u32 v17, $0x10;
	v17 =	vand.u32 $0xFFFF0000, v17  }
0xa6: {  	v12 =	vadd.f32 v21, v12;
	v29 =	vld [tilespmem:s16+$0x2B00];
	v21 =	vshll.u32 v16, $0x10;
	v16 =	vand.u32 $0xFFFF0000, v16  }
0xa7: {  	v22 =	vmax.f32 v22, $0.0e+00;
	v10 =	vadd.f32 v26, v10;
	v14 =	vadd.f32 v19, v14;
	v30 =	vld [tilespmem:s16+$0xD00]  }
0xa8: {  	v9 =	vadd.f32 v25, v9;
	v19 =	vld [tilespmem:s16+$0x3500];
	v6 =	vadd.f32 v6, v20;
	[tilespmem:s13+$0x6B00] =	vst v22;
	v20 =	vmax.f32 v23, $0.0e+00  }
0xa9: {  	v8 =	vadd.f32 v18, v8;
	v22 =	vld [tilespmem:s16+$0x310];
	v23 =	vshll.u32 v27, $0x10;
	v25 =	vand.u32 $0xFFFF0000, v27;
	[tilespmem:s13+$0x7500] =	vst v20  }
0xaa: {  	v11 =	vmax.f32 v11, $0.0e+00;
	v7 =	vadd.f32 v24, v7;
	v18 =	vld [tilespmem:s16+$0x2B10];
	v6 =	vadd.f32 v25, v6  }
0xab: {  	v5 =	vadd.f32 v17, v5;
	v20 =	vadd.f32 v29, v28;
	v24 =	vld [tilespmem:s16+$0xD10];
	[tilespmem:s13+$0x6B10] =	vst v11;
	v11 =	vmax.f32 v15, $0.0e+00  }
0xac: {  	v3 =	vadd.f32 v21, v3;
	v4 =	vadd.f32 v16, v4;
	v15 =	vld [tilespmem:s16+$0x3510];
	v6 =	vmax.f32 v6, $0.0e+00;
	[tilespmem:s13+$0x7510] =	vst v11  }
0xad: {  	v2 =	vadd.f32 v1, v2;
	v1 =	vmovc v23;
	v21 =	vadd.f32 v19, v30;
	v16 =	vld [tilespmem:s16+$0x320];
	[tilespmem:s16+$0x7570] =	vst v6;
	v6 =	vmax.f32 v13, $0.0e+00  }
0xae: {  	v10 =	vmax.f32 v10, $0.0e+00;
	v13 =	vld [tilespmem:s16+$0x2B20];
	[tilespmem:s13+$0x6B20] =	vst v6;
	v6 =	vmax.f32 v12, $0.0e+00;
	v12 =	vmax.f32 v14, $0.0e+00  }
0xaf: {  	v8 =	vmax.f32 v8, $0.0e+00;
	v11 =	vadd.f32 v18, v22;
	v14 =	vld [tilespmem:s16+$0xD20];
	[tilespmem:s13+$0x7520] =	vst v6;
	v6 =	vmax.f32 v9, $0.0e+00  }
0xb0: {  	v7 =	vmax.f32 v7, $0.0e+00;
	v5 =	vmax.f32 v5, $0.0e+00;
	v3 =	vmax.f32 v3, $0.0e+00;
	v9 =	vld [tilespmem:s16+$0x3520];
	[tilespmem:s13+$0x6B30] =	vst v10  }
0xb1: {  	v2 =	vmax.f32 v2, $0.0e+00;
	v4 =	vmax.f32 v4, $0.0e+00;
	v15 =	vadd.f32 v15, v24;
	v10 =	vld [tilespmem:s16+$0x330];
	[tilespmem:s13+$0x7530] =	vst v12  }
0xb2: {  	v17 =	vld [tilespmem:s16+$0x2B30];
	[tilespmem:s13+$0x6B40] =	vst v6  }
0xb3: {  	v13 =	vadd.f32 v13, v16;
	v6 =	vld [tilespmem:s16+$0xD30];
	[tilespmem:s13+$0x7540] =	vst v8  }
0xb4: {  	v8 =	vld [tilespmem:s16+$0x3530];
	[tilespmem:s13+$0x6B50] =	vst v7  }
0xb5: {  	v12 =	vadd.f32 v9, v14;
	v7 =	vld [tilespmem:s16+$0x340];
	[tilespmem:s13+$0x7550] =	vst v5  }
0xb6: {  	v5 =	vld [tilespmem:s16+$0x2B40];
	[tilespmem:s13+$0x6B60] =	vst v3  }
0xb7: {  	v10 =	vadd.f32 v17, v10;
	v3 =	vld [tilespmem:s16+$0xD40];
	[tilespmem:s13+$0x7560] =	vst v4  }
0xb8: {  	v4 =	vld [tilespmem:s16+$0x3540];
	[tilespmem:s13+$0x6B70] =	vst v2;
	s13 =	smov.u32 s16  }
0xb9: {  	v14 =	vadd.f32 v8, v6;
	v2 =	vld [tilespmem:s13+$0x350]  }
0xba: {  	v6 =	vld [tilespmem:s13+$0x2B50]  }
0xbb: {  	v9 =	vadd.f32 v5, v7;
	v5 =	vld [tilespmem:s13+$0xD50]  }
0xbc: {  	v16 =	vld [tilespmem:s13+$0x3550]  }
0xbd: {  	v8 =	vadd.f32 v4, v3;
	v3 =	vld [tilespmem:s13+$0x360]  }
0xbe: {  	v4 =	vld [tilespmem:s13+$0x2B60]  }
0xbf: {  	v7 =	vadd.f32 v6, v2;
	v2 =	vld [tilespmem:s13+$0xD60]  }
0xc0: {  	v6 =	vld [tilespmem:s13+$0x3560]  }
0xc1: {  	v5 =	vadd.f32 v16, v5;
	v16 =	vld [tilespmem:s13+$0x370]  }
0xc2: {  	v17 =	vld [tilespmem:s13+$0x2B70]  }
0xc3: {  	v22 =	vld [tilespmem:s13+$0x5300];
	v3 =	vadd.f32 v4, v3  }
0xc4: {  	v23 =	vld [tilespmem:s13+$0x5310]  }
0xc5: {  	v27 =	vld [tilespmem:s13+$0x5320];
	v4 =	vadd.f32 v6, v2  }
.Ltmp3:
0xc6: {  	v19 =	vld [tilespmem:s13+$0x5330];
	(pc) =	sbr.rel @p1 .LBB2_9-.Ltmp3, $4  }
0xc7: {  	v18 =	vld [tilespmem:s13+$0x5340];
	v2 =	vadd.f32 v17, v16  }
0xc8: {  	v6 =	vshll.u32 v22, $0x10;
	v24 =	vand.u32 $0xFFFF0000, v22;
	v17 =	vld [tilespmem:s13+$0x5350]  }
0xc9: {  	s16 =	sshra.s32 s19, $0x2;
	v22 =	vadd.f32 v6, v20;
	v26 =	vshll.u32 v23, $0x10;
	v25 =	vand.u32 $0xFFFF0000, v23;
	v16 =	vld [tilespmem:s13+$0x5360]  }
0xca: {  	s19 =	sadd.s32 $0x200, s19;
	v23 =	vadd.f32 v24, v21;
	v20 =	vld [tilespmem:s16+$0xD70];
	v24 =	vshll.u32 v27, $0x10;
	v21 =	vand.u32 $0xFFFF0000, v27  }
0xcb: {  	v27 =	vld [tilespmem:s16+$0x3570]  }
0xcc: {  	v6 =	vld [tilespmem:s16+$0x5370]  }
0xcd: {  	v28 =	vld [tilespmem:s16+$0x300]  }
0xce: {  	v29 =	vld [tilespmem:s16+$0x2B00]  }
0xcf: {  	v30 =	vld [tilespmem:s16+$0xD00];
	v22 =	vmax.f32 v22, $0.0e+00  }
0xd0: {  	v31 =	vld [tilespmem:s16+$0x3500];
	v11 =	vadd.f32 v26, v11;
	[tilespmem:s13+$0x6B00] =	vst v22;
	v22 =	vmax.f32 v23, $0.0e+00  }
0xd1: {  	v23 =	vld [tilespmem:s16+$0x310];
	[tilespmem:s13+$0x7500] =	vst v22;
	v20 =	vadd.f32 v27, v20  }
0xd2: {  	v15 =	vadd.f32 v25, v15;
	v11 =	vmax.f32 v11, $0.0e+00;
	v22 =	vld [tilespmem:s16+$0x2B10];
	v26 =	vand.u32 $0xFFFF0000, v6  }
0xd3: {  	v25 =	vld [tilespmem:s16+$0xD10];
	[tilespmem:s13+$0x6B10] =	vst v11;
	v11 =	vadd.f32 v26, v20  }
0xd4: {  	v15 =	vmax.f32 v15, $0.0e+00  }
0xd5: {  	v13 =	vadd.f32 v24, v13;
	v20 =	vld [tilespmem:s16+$0x3510];
	[tilespmem:s13+$0x7510] =	vst v15;
	v11 =	vmax.f32 v11, $0.0e+00  }
0xd6: {  	[tilespmem:s16+$0x7570] =	vst v11;
	v11 =	vadd.f32 v21, v12  }
0xd7: {  	v15 =	vld [tilespmem:s16+$0x320];
	v12 =	vmax.f32 v13, $0.0e+00;
	v21 =	vshll.u32 v19, $0x10  }
0xd8: {  	v13 =	vld [tilespmem:s16+$0x2B20];
	v19 =	vand.u32 $0xFFFF0000, v19;
	[tilespmem:s13+$0x6B20] =	vst v12;
	v10 =	vadd.f32 v21, v10;
	v11 =	vmax.f32 v11, $0.0e+00  }
0xd9: {  	v12 =	vld [tilespmem:s16+$0xD20];
	[tilespmem:s13+$0x7520] =	vst v11;
	v11 =	vadd.f32 v19, v14;
	v19 =	vshll.u32 v18, $0x10  }
0xda: {  	v10 =	vmax.f32 v10, $0.0e+00;
	v18 =	vand.u32 $0xFFFF0000, v18;
	v9 =	vadd.f32 v19, v9  }
0xdb: {  	v14 =	vld [tilespmem:s16+$0x3520];
	[tilespmem:s13+$0x6B30] =	vst v10;
	v8 =	vadd.f32 v18, v8;
	v18 =	vshll.u32 v17, $0x10;
	v10 =	vmax.f32 v11, $0.0e+00  }
0xdc: {  	v17 =	vand.u32 $0xFFFF0000, v17;
	v11 =	vld [tilespmem:s16+$0x330];
	v7 =	vadd.f32 v18, v7;
	[tilespmem:s13+$0x7530] =	vst v10;
	v9 =	vmax.f32 v9, $0.0e+00  }
0xdd: {  	v5 =	vadd.f32 v17, v5;
	v17 =	vshll.u32 v16, $0x10;
	v8 =	vmax.f32 v8, $0.0e+00;
	v10 =	vld [tilespmem:s16+$0x2B30];
	[tilespmem:s13+$0x6B40] =	vst v9  }
0xde: {  	v16 =	vand.u32 $0xFFFF0000, v16;
	v3 =	vadd.f32 v17, v3;
	v7 =	vmax.f32 v7, $0.0e+00;
	v9 =	vld [tilespmem:s16+$0xD30];
	[tilespmem:s13+$0x7540] =	vst v8  }
0xdf: {  	v4 =	vadd.f32 v16, v4;
	v5 =	vmax.f32 v5, $0.0e+00;
	v8 =	vld [tilespmem:s16+$0x3530];
	[tilespmem:s13+$0x6B50] =	vst v7  }
0xe0: {  	v1 =	vadd.f32 v1, v2;
	v3 =	vmax.f32 v3, $0.0e+00;
	v7 =	vld [tilespmem:s16+$0x340];
	[tilespmem:s13+$0x7550] =	vst v5  }
0xe1: {  	v2 =	vmax.f32 v4, $0.0e+00;
	v5 =	vld [tilespmem:s16+$0x2B40];
	[tilespmem:s13+$0x6B60] =	vst v3  }
0xe2: {  	v1 =	vmax.f32 v1, $0.0e+00;
	v3 =	vld [tilespmem:s16+$0xD40];
	[tilespmem:s13+$0x7560] =	vst v2  }
0xe3: {  	v2 =	vld [tilespmem:s16+$0x3540];
	[tilespmem:s13+$0x6B70] =	vst v1  }
0xe4: {  	v1 =	vld [tilespmem:s16+$0x350]  }
0xe5: {  	v4 =	vld [tilespmem:s16+$0x2B50]  }
0xe6: {  	v16 =	vld [tilespmem:s16+$0xD50]  }
0xe7: {  	v17 =	vld [tilespmem:s16+$0x3550]  }
0xe8: {  	v18 =	vld [tilespmem:s16+$0x360]  }
0xe9: {  	v19 =	vld [tilespmem:s16+$0x2B60]  }
0xea: {  	v21 =	vld [tilespmem:s16+$0xD60]  }
0xeb: {  	v59 =	vadd.f32 v31, v30;
	v24 =	vld [tilespmem:s16+$0x3560]  }
0xec: {  	v26 =	vadd.f32 v29, v28;
	v22 =	vadd.f32 v22, v23;
	v23 =	vld [tilespmem:s16+$0x5300]  }
0xed: {  	v20 =	vadd.f32 v20, v25;
	v10 =	vadd.f32 v10, v11;
	v11 =	vld [tilespmem:s16+$0x5310]  }
0xee: {  	v13 =	vadd.f32 v13, v15;
	v12 =	vadd.f32 v14, v12;
	v27 =	vld [tilespmem:s16+$0x370]  }
0xef: {  	v15 =	vld [tilespmem:s16+$0x2B70];
	v8 =	vadd.f32 v8, v9;
	v5 =	vadd.f32 v5, v7  }
0xf0: {  	v2 =	vadd.f32 v2, v3;
	v3 =	vld [tilespmem:s16+$0x5320];
	v1 =	vadd.f32 v4, v1  }
0xf1: {  	v4 =	vadd.f32 v17, v16;
	v14 =	vshll.u32 v23, $0x10;
	v16 =	vadd.f32 v24, v21  }
0xf2: {  	v9 =	vld [tilespmem:s16+$0x5330];
	v21 =	vshll.u32 v11, $0x10;
	v11 =	vand.u32 $0xFFFF0000, v11;
	v14 =	vadd.f32 v14, v26  }
0xf3: {  	v7 =	vadd.f32 v19, v18;
	v18 =	vand.u32 $0xFFFF0000, v23;
	v11 =	vadd.f32 v11, v20  }
0xf4: {  	v17 =	vld [tilespmem:s16+$0x5340];
	v15 =	vadd.f32 v15, v27;
	v18 =	vadd.f32 v18, v59;
	v14 =	vmax.f32 v14, $0.0e+00  }
0xf5: {  	v21 =	vadd.f32 v21, v22;
	v11 =	vmax.f32 v11, $0.0e+00;
	v22 =	vshll.u32 v3, $0x10;
	[tilespmem:s16+$0x6B00] =	vst v14  }
0xf6: {  	v19 =	vld [tilespmem:s16+$0x5350];
	v14 =	vmax.f32 v18, $0.0e+00;
	v3 =	vand.u32 $0xFFFF0000, v3;
	[tilespmem:s16+$0x7510] =	vst v11;
	v13 =	vadd.f32 v22, v13  }
0xf7: {  	v18 =	vshll.u32 v9, $0x10;
	[tilespmem:s16+$0x7500] =	vst v14;
	v14 =	vmax.f32 v21, $0.0e+00;
	v3 =	vadd.f32 v3, v12  }
0xf8: {  	v23 =	vld [tilespmem:s16+$0x5360];
	v9 =	vand.u32 $0xFFFF0000, v9;
	v10 =	vadd.f32 v18, v10;
	[tilespmem:s16+$0x6B10] =	vst v14;
	v11 =	vmax.f32 v13, $0.0e+00  }
0xf9: {  	v8 =	vadd.f32 v9, v8;
	v9 =	vand.u32 $0xFFFF0000, v17;
	v3 =	vmax.f32 v3, $0.0e+00;
	[tilespmem:s16+$0x6B20] =	vst v11  }
0xfa: {  	v12 =	vshll.u32 v17, $0x10;
	v2 =	vadd.f32 v9, v2;
	v10 =	vmax.f32 v10, $0.0e+00;
	[tilespmem:s16+$0x7520] =	vst v3  }
0xfb: {  	v5 =	vadd.f32 v12, v5;
	v9 =	vand.u32 $0xFFFF0000, v19;
	v8 =	vmax.f32 v8, $0.0e+00;
	[tilespmem:s16+$0x6B30] =	vst v10  }
0xfc: {  	v4 =	vadd.f32 v9, v4;
	v3 =	vshll.u32 v19, $0x10;
	[tilespmem:s16+$0x7530] =	vst v8;
	v2 =	vmax.f32 v2, $0.0e+00  }
0xfd: {  	v1 =	vadd.f32 v3, v1;
	v3 =	vmax.f32 v5, $0.0e+00;
	v5 =	vshll.u32 v23, $0x10;
	[tilespmem:s16+$0x7540] =	vst v2  }
0xfe: {  	v4 =	vmax.f32 v4, $0.0e+00;
	[tilespmem:s16+$0x6B40] =	vst v3;
	v3 =	vand.u32 $0xFFFF0000, v23;
	v5 =	vadd.f32 v5, v7  }
0xff: {  	v2 =	vshll.u32 v6, $0x10;
	[tilespmem:s16+$0x7550] =	vst v4;
	v1 =	vmax.f32 v1, $0.0e+00;
	v3 =	vadd.f32 v3, v16  }
0x100: {  	[tilespmem:s16+$0x6B50] =	vst v1;
	v1 =	vadd.f32 v2, v15;
	v2 =	vmax.f32 v5, $0.0e+00  }
0x101: {  	v3 =	vmax.f32 v3, $0.0e+00;
	[tilespmem:s16+$0x6B60] =	vst v2  }
0x102: {  	v1 =	vmax.f32 v1, $0.0e+00;
	[tilespmem:s16+$0x7560] =	vst v3  }
0x103: {  	[tilespmem:s16+$0x6B70] =	vst v1  }
0x104: {  	_ =	swait.ge [sflag:s15], $0x80  }
0x105: {  	[sflag:s15] =	ssyncset.done $0x0  }
0x106: {  	s21 =	simm.s32 $0x6B00;
	[sflag:s15] =	ssyncadd.s32 $0xFFFFFF80  }
0x107: {  	[spmem:s2] =	stream.indirect.scatter.add.f32 [tilespmem:s21], [sflag:$0xD], $0x80, s22, s25, $0xb8;
	[tilespmem:$0x1CB80] =	vst v63  }
0x108: {  	_ =	swait.ge [sflag:s23], $0x1400  }
0x109: {  	[sflag:s23] =	ssyncset.done $0x0  }
0x10a: {  	[sflag:s23] =	ssyncadd.s32 $0xFFFFEC00  }
0x10b: {  	_ =	swait.ge [sflag:s24], $0x1400  }
0x10c: {  	[sflag:s24] =	ssyncset.done $0x0  }
0x10d: {  	[sflag:s24] =	ssyncadd.s32 $0xFFFFEC00  }
0x10e: {  	s12 =	sadd.s32 @!p0 $0x180, s12;
	_ =	swait.ge [sflag:s11], $0xA00  }
0x10f: {  	s13 =	sand.u32 @!p0 $0xFC00, s12;
	[sflag:s11] =	ssyncset.done $0x0  }
0x110: {  	s12 =	sand.u32 @!p0 $0x380, s12;
	s13 =	sadd.s32 @!p0 s9, s13;
	[sflag:s11] =	ssyncadd.s32 $0xFFFFF600  }
0x111: {  	s12 =	sor.u32 @!p0 s12, s13;
	_ =	swait.ge [sflag:s18], $0x1400  }
0x112: {  	s19 =	simm.s32 @!p0 $0x80;
	s12 =	sshrl.u32 @!p0 s12, $0x3;
	[sflag:s18] =	ssyncset.done $0x0  }
0x113: {  	s13 =	sadd.s32 @!p0 s7, s12;
	s16 =	simm.s32 @!p0 $0x0;
	[sflag:s18] =	ssyncadd.s32 $0xFFFFEC00  }
0x114: {  	[tilespmem:s19], [sflag:$0x2] =	stream.linear.gather @!p0 [hbm4b:s13+s16], $0x80, $0x38;
	[tilespmem:$0x1CB80] =	vst v63  }
0x115: {  	s12 =	sadd.s32 @!p0 s8, s12;
	s13 =	simm.s32 @!p0 $0x180  }
0x116: {  	[tilespmem:s13], [sflag:$0x4] =	stream.linear.gather @!p0 [hbm4b:s12+s16], $0x80, $0x38;
	[tilespmem:$0x1CB80] =	vst v63  }
0x117: {  	s12 =	sshll.u32 @!p0 s10, $0x7  }
0x118: {  	s13 =	sand.u32 @!p0 $0xFC00, s12  }
0x119: {  	s12 =	sand.u32 @!p0 $0x300, s12;
	s13 =	sadd.s32 @!p0 s9, s13  }
0x11a: {  	s12 =	sor.u32 @!p0 s12, s13  }
0x11b: {  	s12 =	sshrl.u32 @!p0 s12, $0x3  }
0x11c: {  	s13 =	simm.s32 @!p0 $0x200;
	s12 =	sadd.s32 @!p0 s8, s12  }
0x11d: {  	[tilespmem:s13], [sflag:$0x5] =	stream.linear.gather @!p0 [hbm4b:s12+s16], $0x80, $0x38;
	[tilespmem:$0x1CB80] =	vst v63  }
0x11e: {  	s12 =	simm.s32 @!p0 $0x1  }
0x11f: {  	_ =	swait.ge @!p0 [sflag:s12], $0x80  }
0x120: {  	[sflag:s12] =	ssyncset.done @!p0 $0x0  }
0x121: {  	[sflag:s12] =	ssyncadd.s32 @!p0 $0xFFFFFF80;
	s12 =	simm.s32 @!p0 $0x3  }
0x122: {  	_ =	swait.ge @!p0 [sflag:s12], $0x80  }
0x123: {  	s10 =	sadd.s32 @!p0 s14, s10;
	[sflag:s12] =	ssyncset.done @!p0 $0x0  }
0x124: {  	s13 =	simm.s32 @!p0 $0x300;
	[sflag:s12] =	ssyncadd.s32 @!p0 $0xFFFFFF80;
	s12 =	simm.s32 @!p0 $0x28  }
0x125: {  	[tilespmem:s13], [sflag:$0x7] =	stream.indirect.gather @!p0 [hbm4b:s1+s12], $0x80, s16, s12, $0xb8;
	[tilespmem:$0x1CB80] =	vst v63  }
0x126: {  	s19 =	simm.s32 @!p0 $0x2B00;
	s10 =	smul.u32 @!p0 $0x180, s10;
	s13 =	simm.s32 @!p0 $0x100  }
0x127: {  	[tilespmem:s19], [sflag:$0x9] =	stream.indirect.gather @!p0 [hbm4b:s5+s12], $0x80, s13, s12, $0xb8;
	[tilespmem:$0x1CB80] =	vst v63  }
0x128: {  	s10 =	sadd.s32 @!p0 s6, s10;
	s12 =	simm.s32 @!p0 $0x5300  }
0x129: {  	[tilespmem:s12], [sflag:$0xB] =	stream.linear.gather @!p0 [hbm4b:s10+s16], $0xA00, $0x38;
	[tilespmem:$0x1CB80] =	vst v63  }
0x12a: {  	s10 =	simm.s32 $0x0  }
0x12b: {  	v1 =	vld [tilespmem:s10+$0x2170]  }
0x12c: {  	v2 =	vld [tilespmem:s10+$0x4970]  }
0x12d: {  	v3 =	vld [tilespmem:s10+$0x5F70]  }
0x12e: {  	v4 =	vld [tilespmem:s10+$0x1700]  }
0x12f: {  	v5 =	vld [tilespmem:s10+$0x3F00]  }
0x130: {  	v6 =	vld [tilespmem:s10+$0x2100]  }
0x131: {  	v7 =	vld [tilespmem:s10+$0x4900]  }
0x132: {  	v9 =	vld [tilespmem:s10+$0x3F10]  }
0x133: {  	v10 =	vld [tilespmem:s10+$0x4910]  }
0x134: {  	v12 =	vld [tilespmem:s10+$0x1720]  }
0x135: {  	v14 =	vld [tilespmem:s10+$0x2120]  }
0x136: {  	v16 =	vld [tilespmem:s10+$0x4920]  }
0x137: {  	v17 =	vld [tilespmem:s10+$0x1730]  }
0x138: {  	v18 =	vld [tilespmem:s10+$0x3F30]  }
0x139: {  	v19 =	vld [tilespmem:s10+$0x2130]  }
0x13a: {  	v20 =	vld [tilespmem:s10+$0x4930]  }
0x13b: {  	v21 =	vld [tilespmem:s10+$0x1740]  }
0x13c: {  	v22 =	vld [tilespmem:s10+$0x3F40]  }
0x13d: {  	v23 =	vld [tilespmem:s10+$0x2140]  }
0x13e: {  	v24 =	vld [tilespmem:s10+$0x4940]  }
0x13f: {  	v25 =	vld [tilespmem:s10+$0x1750]  }
0x140: {  	v26 =	vld [tilespmem:s10+$0x3F50]  }
0x141: {  	v27 =	vld [tilespmem:s10+$0x2150]  }
0x142: {  	v60 =	vld [tilespmem:s10+$0x4950]  }
0x143: {  	v61 =	vld [tilespmem:s10+$0x1760];
	v1 =	vadd.f32 v2, v1  }
0x144: {  	v62 =	vld [tilespmem:s10+$0x3F60];
	v8 =	vand.u32 $0xFFFF0000, v3  }
0x145: {  	v63 =	vld [tilespmem:s10+$0x2160];
	v1 =	vadd.f32 v8, v1  }
0x146: {  	v2 =	vld [tilespmem:s10+$0x1710]  }
0x147: {  	v32 =	vld [tilespmem:s10+$0x4960];
	v1 =	vmax.f32 v1, $0.0e+00  }
0x148: {  	[tilespmem:s10+$0x8970] =	vst v1;
	v1 =	vld [tilespmem:s10+$0x3F20]  }
0x149: {  	v34 =	vld [tilespmem:s10+$0x1770]  }
0x14a: {  	v8 =	vld [tilespmem:s10+$0x2110]  }
0x14b: {  	v33 =	vadd.f32 v5, v4;
	v11 =	vadd.f32 v9, v2;
	v2 =	vld [tilespmem:s10+$0x3F70]  }
0x14c: {  	v6 =	vadd.f32 v7, v6;
	v9 =	vadd.f32 v22, v21;
	v21 =	vld [tilespmem:s10+$0x5F20]  }
0x14d: {  	v13 =	vadd.f32 v1, v12;
	v12 =	vadd.f32 v16, v14;
	v16 =	vld [tilespmem:s10+$0x5F00]  }
0x14e: {  	v7 =	vadd.f32 v26, v25;
	v14 =	vadd.f32 v20, v19;
	v20 =	vld [tilespmem:s10+$0x5F10]  }
0x14f: {  	v5 =	vadd.f32 v60, v27;
	v4 =	vadd.f32 v32, v63  }
0x150: {  	v15 =	vadd.f32 v10, v8;
	v10 =	vadd.f32 v18, v17;
	v19 =	vld [tilespmem:s10+$0x5F30]  }
0x151: {  	v8 =	vadd.f32 v24, v23;
	v18 =	vld [tilespmem:s10+$0x5F40];
	v1 =	vshll.u32 v3, $0x10;
	v3 =	vadd.f32 v62, v61  }
0x152: {  	v17 =	vld [tilespmem:s10+$0x5F50];
	v2 =	vadd.f32 v2, v34;
	v24 =	vshll.u32 v21, $0x10;
	v21 =	vand.u32 $0xFFFF0000, v21  }
0x153: {  	s12 =	simm.s32 $0x80;
	v22 =	vshll.u32 v16, $0x10;
	v23 =	vand.u32 $0xFFFF0000, v16;
	v26 =	vshll.u32 v20, $0x10;
	v16 =	vld [tilespmem:s10+$0x5F60]  }
0x154: {  	s13 =	simm.s32 $0x400;
	v25 =	vand.u32 $0xFFFF0000, v20;
	v20 =	vld [tilespmem:s12+$0x2170];
	v22 =	vadd.f32 v22, v33;
	v23 =	vadd.f32 v23, v6  }
.LBB2_11:
0x155: {  	p0 =	sne.s32 s13, $0x2600;
	v6 =	vld [tilespmem:s12+$0x4970];
	v11 =	vadd.f32 v26, v11;
	v26 =	vshll.u32 v19, $0x10;
	v19 =	vand.u32 $0xFFFF0000, v19  }
0x156: {  	v15 =	vadd.f32 v25, v15;
	v27 =	vld [tilespmem:s12+$0x5F70];
	v25 =	vshll.u32 v18, $0x10;
	v18 =	vand.u32 $0xFFFF0000, v18  }
0x157: {  	v13 =	vadd.f32 v24, v13;
	v28 =	vld [tilespmem:s12+$0x1700];
	v24 =	vshll.u32 v17, $0x10;
	v17 =	vand.u32 $0xFFFF0000, v17  }
0x158: {  	v12 =	vadd.f32 v21, v12;
	v29 =	vld [tilespmem:s12+$0x3F00];
	v21 =	vshll.u32 v16, $0x10;
	v16 =	vand.u32 $0xFFFF0000, v16  }
0x159: {  	v22 =	vmax.f32 v22, $0.0e+00;
	v10 =	vadd.f32 v26, v10;
	v14 =	vadd.f32 v19, v14;
	v30 =	vld [tilespmem:s12+$0x2100]  }
0x15a: {  	v9 =	vadd.f32 v25, v9;
	v19 =	vld [tilespmem:s12+$0x4900];
	v6 =	vadd.f32 v6, v20;
	[tilespmem:s10+$0x7F00] =	vst v22;
	v20 =	vmax.f32 v23, $0.0e+00  }
0x15b: {  	v8 =	vadd.f32 v18, v8;
	v22 =	vld [tilespmem:s12+$0x1710];
	v23 =	vshll.u32 v27, $0x10;
	v25 =	vand.u32 $0xFFFF0000, v27;
	[tilespmem:s10+$0x8900] =	vst v20  }
0x15c: {  	v11 =	vmax.f32 v11, $0.0e+00;
	v7 =	vadd.f32 v24, v7;
	v18 =	vld [tilespmem:s12+$0x3F10];
	v6 =	vadd.f32 v25, v6  }
0x15d: {  	v5 =	vadd.f32 v17, v5;
	v20 =	vadd.f32 v29, v28;
	v24 =	vld [tilespmem:s12+$0x2110];
	[tilespmem:s10+$0x7F10] =	vst v11;
	v11 =	vmax.f32 v15, $0.0e+00  }
0x15e: {  	v3 =	vadd.f32 v21, v3;
	v4 =	vadd.f32 v16, v4;
	v15 =	vld [tilespmem:s12+$0x4910];
	v6 =	vmax.f32 v6, $0.0e+00;
	[tilespmem:s10+$0x8910] =	vst v11  }
0x15f: {  	v2 =	vadd.f32 v1, v2;
	v1 =	vmovc v23;
	v21 =	vadd.f32 v19, v30;
	v16 =	vld [tilespmem:s12+$0x1720];
	[tilespmem:s12+$0x8970] =	vst v6;
	v6 =	vmax.f32 v13, $0.0e+00  }
0x160: {  	v10 =	vmax.f32 v10, $0.0e+00;
	v13 =	vld [tilespmem:s12+$0x3F20];
	[tilespmem:s10+$0x7F20] =	vst v6;
	v6 =	vmax.f32 v12, $0.0e+00;
	v12 =	vmax.f32 v14, $0.0e+00  }
0x161: {  	v8 =	vmax.f32 v8, $0.0e+00;
	v11 =	vadd.f32 v18, v22;
	v14 =	vld [tilespmem:s12+$0x2120];
	[tilespmem:s10+$0x8920] =	vst v6;
	v6 =	vmax.f32 v9, $0.0e+00  }
0x162: {  	v7 =	vmax.f32 v7, $0.0e+00;
	v5 =	vmax.f32 v5, $0.0e+00;
	v3 =	vmax.f32 v3, $0.0e+00;
	v9 =	vld [tilespmem:s12+$0x4920];
	[tilespmem:s10+$0x7F30] =	vst v10  }
0x163: {  	v2 =	vmax.f32 v2, $0.0e+00;
	v4 =	vmax.f32 v4, $0.0e+00;
	v15 =	vadd.f32 v15, v24;
	v10 =	vld [tilespmem:s12+$0x1730];
	[tilespmem:s10+$0x8930] =	vst v12  }
0x164: {  	v17 =	vld [tilespmem:s12+$0x3F30];
	[tilespmem:s10+$0x7F40] =	vst v6  }
0x165: {  	v13 =	vadd.f32 v13, v16;
	v6 =	vld [tilespmem:s12+$0x2130];
	[tilespmem:s10+$0x8940] =	vst v8  }
0x166: {  	v8 =	vld [tilespmem:s12+$0x4930];
	[tilespmem:s10+$0x7F50] =	vst v7  }
0x167: {  	v12 =	vadd.f32 v9, v14;
	v7 =	vld [tilespmem:s12+$0x1740];
	[tilespmem:s10+$0x8950] =	vst v5  }
0x168: {  	v5 =	vld [tilespmem:s12+$0x3F40];
	[tilespmem:s10+$0x7F60] =	vst v3  }
0x169: {  	v10 =	vadd.f32 v17, v10;
	v3 =	vld [tilespmem:s12+$0x2140];
	[tilespmem:s10+$0x8960] =	vst v4  }
0x16a: {  	v4 =	vld [tilespmem:s12+$0x4940];
	[tilespmem:s10+$0x7F70] =	vst v2;
	s10 =	smov.u32 s12  }
0x16b: {  	v14 =	vadd.f32 v8, v6;
	v2 =	vld [tilespmem:s10+$0x1750]  }
0x16c: {  	v6 =	vld [tilespmem:s10+$0x3F50]  }
0x16d: {  	v9 =	vadd.f32 v5, v7;
	v5 =	vld [tilespmem:s10+$0x2150]  }
0x16e: {  	v16 =	vld [tilespmem:s10+$0x4950]  }
0x16f: {  	v8 =	vadd.f32 v4, v3;
	v3 =	vld [tilespmem:s10+$0x1760]  }
0x170: {  	v4 =	vld [tilespmem:s10+$0x3F60]  }
0x171: {  	v7 =	vadd.f32 v6, v2;
	v2 =	vld [tilespmem:s10+$0x2160]  }
0x172: {  	v6 =	vld [tilespmem:s10+$0x4960]  }
0x173: {  	v5 =	vadd.f32 v16, v5;
	v16 =	vld [tilespmem:s10+$0x1770]  }
0x174: {  	v17 =	vld [tilespmem:s10+$0x3F70]  }
0x175: {  	v22 =	vld [tilespmem:s10+$0x5F00];
	v3 =	vadd.f32 v4, v3  }
0x176: {  	v23 =	vld [tilespmem:s10+$0x5F10]  }
0x177: {  	v27 =	vld [tilespmem:s10+$0x5F20];
	v4 =	vadd.f32 v6, v2  }
.Ltmp4:
0x178: {  	v19 =	vld [tilespmem:s10+$0x5F30];
	(pc) =	sbr.rel @p0 .LBB2_11-.Ltmp4, $4  }
0x179: {  	v18 =	vld [tilespmem:s10+$0x5F40];
	v2 =	vadd.f32 v17, v16  }
0x17a: {  	v6 =	vshll.u32 v22, $0x10;
	v24 =	vand.u32 $0xFFFF0000, v22;
	v17 =	vld [tilespmem:s10+$0x5F50]  }
0x17b: {  	s12 =	sshra.s32 s13, $0x2;
	v22 =	vadd.f32 v6, v20;
	v26 =	vshll.u32 v23, $0x10;
	v25 =	vand.u32 $0xFFFF0000, v23;
	v16 =	vld [tilespmem:s10+$0x5F60]  }
0x17c: {  	s13 =	sadd.s32 $0x200, s13;
	v23 =	vadd.f32 v24, v21;
	v20 =	vld [tilespmem:s12+$0x2170];
	v24 =	vshll.u32 v27, $0x10;
	v21 =	vand.u32 $0xFFFF0000, v27  }
0x17d: {  	v27 =	vld [tilespmem:s12+$0x4970]  }
0x17e: {  	v6 =	vld [tilespmem:s12+$0x5F70]  }
0x17f: {  	v28 =	vld [tilespmem:s12+$0x1700]  }
0x180: {  	v29 =	vld [tilespmem:s12+$0x3F00]  }
0x181: {  	v30 =	vld [tilespmem:s12+$0x2100];
	v22 =	vmax.f32 v22, $0.0e+00  }
0x182: {  	v31 =	vld [tilespmem:s12+$0x4900];
	v11 =	vadd.f32 v26, v11;
	[tilespmem:s10+$0x7F00] =	vst v22;
	v47 =	vmax.f32 v23, $0.0e+00;
	v20 =	vadd.f32 v27, v20  }
0x183: {  	v15 =	vadd.f32 v25, v15;
	v48 =	vld [tilespmem:s12+$0x1710];
	[tilespmem:s10+$0x8900] =	vst v47;
	v50 =	vand.u32 $0xFFFF0000, v6  }
0x184: {  	v11 =	vmax.f32 v11, $0.0e+00;
	v22 =	vld [tilespmem:s12+$0x3F10];
	v51 =	vadd.f32 v50, v20  }
0x185: {  	v13 =	vadd.f32 v24, v13;
	v15 =	vmax.f32 v15, $0.0e+00;
	v49 =	vld [tilespmem:s12+$0x2110];
	[tilespmem:s10+$0x7F10] =	vst v11  }
0x186: {  	v53 =	vadd.f32 v21, v12;
	v56 =	vshll.u32 v19, $0x10;
	v52 =	vld [tilespmem:s12+$0x4910];
	[tilespmem:s10+$0x8910] =	vst v15;
	v11 =	vmax.f32 v51, $0.0e+00  }
0x187: {  	v57 =	vand.u32 $0xFFFF0000, v19;
	v10 =	vadd.f32 v56, v10;
	v54 =	vmax.f32 v13, $0.0e+00;
	v15 =	vld [tilespmem:s12+$0x1720];
	[tilespmem:s12+$0x8970] =	vst v11  }
0x188: {  	v58 =	vadd.f32 v57, v14;
	v60 =	vshll.u32 v18, $0x10;
	v55 =	vld [tilespmem:s12+$0x3F20];
	v11 =	vmax.f32 v53, $0.0e+00;
	[tilespmem:s10+$0x7F20] =	vst v54  }
0x189: {  	v63 =	vand.u32 $0xFFFF0000, v18;
	v9 =	vadd.f32 v60, v9;
	v10 =	vmax.f32 v10, $0.0e+00;
	v12 =	vld [tilespmem:s12+$0x2120];
	[tilespmem:s10+$0x8920] =	vst v11  }
0x18a: {  	v8 =	vadd.f32 v63, v8;
	v21 =	vshll.u32 v17, $0x10;
	v61 =	vmax.f32 v58, $0.0e+00;
	v59 =	vld [tilespmem:s12+$0x4920];
	[tilespmem:s10+$0x7F30] =	vst v10  }
0x18b: {  	v24 =	vand.u32 $0xFFFF0000, v17;
	v7 =	vadd.f32 v21, v7;
	v9 =	vmax.f32 v9, $0.0e+00;
	v62 =	vld [tilespmem:s12+$0x1730];
	[tilespmem:s10+$0x8930] =	vst v61  }
0x18c: {  	v5 =	vadd.f32 v24, v5;
	v26 =	vshll.u32 v16, $0x10;
	v8 =	vmax.f32 v8, $0.0e+00;
	v10 =	vld [tilespmem:s12+$0x3F30];
	[tilespmem:s10+$0x7F40] =	vst v9  }
0x18d: {  	v3 =	vadd.f32 v26, v3;
	v7 =	vmax.f32 v7, $0.0e+00;
	v27 =	vand.u32 $0xFFFF0000, v16;
	v9 =	vld [tilespmem:s12+$0x2130];
	[tilespmem:s10+$0x8940] =	vst v8  }
0x18e: {  	v5 =	vmax.f32 v5, $0.0e+00;
	v4 =	vadd.f32 v27, v4;
	v8 =	vld [tilespmem:s12+$0x4930];
	[tilespmem:s10+$0x7F50] =	vst v7  }
0x18f: {  	v1 =	vadd.f32 v1, v2;
	v3 =	vmax.f32 v3, $0.0e+00;
	v7 =	vld [tilespmem:s12+$0x1740];
	[tilespmem:s10+$0x8950] =	vst v5  }
0x190: {  	v2 =	vmax.f32 v4, $0.0e+00;
	v5 =	vld [tilespmem:s12+$0x3F40];
	[tilespmem:s10+$0x7F60] =	vst v3  }
0x191: {  	v1 =	vmax.f32 v1, $0.0e+00;
	v3 =	vld [tilespmem:s12+$0x2140];
	[tilespmem:s10+$0x8960] =	vst v2  }
0x192: {  	v2 =	vld [tilespmem:s12+$0x4940];
	[tilespmem:s10+$0x7F70] =	vst v1  }
0x193: {  	v1 =	vld [tilespmem:s12+$0x1750]  }
0x194: {  	v32 =	vld [tilespmem:s12+$0x3F50]  }
0x195: {  	v33 =	vld [tilespmem:s12+$0x2150]  }
0x196: {  	v34 =	vld [tilespmem:s12+$0x4950]  }
0x197: {  	v35 =	vld [tilespmem:s12+$0x1760]  }
0x198: {  	v36 =	vld [tilespmem:s12+$0x3F60]  }
0x199: {  	v39 =	vadd.f32 v29, v28;
	v37 =	vld [tilespmem:s12+$0x2160]  }
0x19a: {  	v41 =	vadd.f32 v31, v30;
	v22 =	vadd.f32 v22, v48;
	v42 =	vld [tilespmem:s12+$0x5F00]  }
0x19b: {  	v20 =	vadd.f32 v52, v49;
	v13 =	vadd.f32 v55, v15;
	v38 =	vld [tilespmem:s12+$0x4960]  }
0x19c: {  	v12 =	vadd.f32 v59, v12;
	v10 =	vadd.f32 v10, v62;
	v44 =	vld [tilespmem:s12+$0x5F10]  }
0x19d: {  	v8 =	vadd.f32 v8, v9;
	v47 =	vld [tilespmem:s12+$0x5F30];
	v5 =	vadd.f32 v5, v7  }
0x19e: {  	v2 =	vadd.f32 v2, v3;
	v1 =	vadd.f32 v32, v1  }
0x19f: {  	v50 =	vld [tilespmem:s12+$0x5F40];
	v45 =	vadd.f32 v34, v33;
	v46 =	vadd.f32 v36, v35;
	v48 =	vshll.u32 v42, $0x10  }
0x1a0: {  	v49 =	vadd.f32 v38, v37;
	v51 =	vand.u32 $0xFFFF0000, v42;
	v14 =	vadd.f32 v48, v39  }
0x1a1: {  	v3 =	vld [tilespmem:s12+$0x5F20];
	v53 =	vshll.u32 v44, $0x10;
	v11 =	vand.u32 $0xFFFF0000, v44;
	v18 =	vadd.f32 v51, v41  }
0x1a2: {  	v52 =	vld [tilespmem:s12+$0x5F50];
	v58 =	vshll.u32 v47, $0x10;
	v21 =	vadd.f32 v53, v22;
	v14 =	vmax.f32 v14, $0.0e+00  }
0x1a3: {  	v40 =	vld [tilespmem:s12+$0x1770];
	v9 =	vand.u32 $0xFFFF0000, v47;
	v11 =	vadd.f32 v11, v20;
	v56 =	vmax.f32 v18, $0.0e+00;
	[tilespmem:s12+$0x7F00] =	vst v14  }
0x1a4: {  	v43 =	vld [tilespmem:s12+$0x3F70];
	v61 =	vand.u32 $0xFFFF0000, v50;
	v10 =	vadd.f32 v58, v10;
	v57 =	vmax.f32 v21, $0.0e+00;
	[tilespmem:s12+$0x8900] =	vst v56  }
0x1a5: {  	v8 =	vadd.f32 v9, v8;
	v2 =	vadd.f32 v61, v2;
	v11 =	vmax.f32 v11, $0.0e+00;
	[tilespmem:s12+$0x7F10] =	vst v57  }
0x1a6: {  	v54 =	vld [tilespmem:s12+$0x5F60];
	v10 =	vmax.f32 v10, $0.0e+00;
	v55 =	vshll.u32 v3, $0x10;
	v3 =	vand.u32 $0xFFFF0000, v3;
	[tilespmem:s12+$0x8910] =	vst v11  }
0x1a7: {  	v62 =	vand.u32 $0xFFFF0000, v52;
	v8 =	vmax.f32 v8, $0.0e+00;
	[tilespmem:s12+$0x7F30] =	vst v10;
	v3 =	vadd.f32 v3, v12  }
0x1a8: {  	v60 =	vshll.u32 v50, $0x10;
	v4 =	vadd.f32 v62, v45;
	v2 =	vmax.f32 v2, $0.0e+00;
	[tilespmem:s12+$0x8930] =	vst v8  }
0x1a9: {  	v15 =	vadd.f32 v43, v40;
	v5 =	vadd.f32 v60, v5;
	[tilespmem:s12+$0x8940] =	vst v2;
	v3 =	vmax.f32 v3, $0.0e+00  }
0x1aa: {  	v4 =	vmax.f32 v4, $0.0e+00;
	v13 =	vadd.f32 v55, v13;
	[tilespmem:s12+$0x8920] =	vst v3;
	v3 =	vshll.u32 v52, $0x10  }
0x1ab: {  	v63 =	vshll.u32 v54, $0x10;
	[tilespmem:s12+$0x8950] =	vst v4;
	v1 =	vadd.f32 v3, v1;
	v3 =	vmax.f32 v5, $0.0e+00  }
0x1ac: {  	v59 =	vmax.f32 v13, $0.0e+00;
	v5 =	vadd.f32 v63, v46;
	[tilespmem:s12+$0x7F40] =	vst v3;
	v3 =	vand.u32 $0xFFFF0000, v54  }
0x1ad: {  	v2 =	vshll.u32 v6, $0x10;
	[tilespmem:s12+$0x7F20] =	vst v59;
	v1 =	vmax.f32 v1, $0.0e+00;
	v3 =	vadd.f32 v3, v49  }
0x1ae: {  	[tilespmem:s12+$0x7F50] =	vst v1;
	v1 =	vadd.f32 v2, v15;
	v2 =	vmax.f32 v5, $0.0e+00  }
0x1af: {  	s4 =	sadd.s32 $0x1, s4;
	v3 =	vmax.f32 v3, $0.0e+00;
	[tilespmem:s12+$0x7F60] =	vst v2  }
0x1b0: {  	p0 =	sne.s32 s4, $0x7D;
	v1 =	vmax.f32 v1, $0.0e+00;
	[tilespmem:s12+$0x8960] =	vst v3  }
.Ltmp5:
0x1b1: {  	[tilespmem:s12+$0x7F70] =	vst v1;
	(pc) =	sbr.rel @p0 .LBB2_6-.Ltmp5, $4  }
0x1b2: {  	_ =	swait.ge [sflag:s17], $0x80  }
0x1b3: {  	[sflag:s17] =	ssyncset.done $0x0  }
0x1b4: {  	s21 =	simm.s32 $0x7F00;
	[sflag:s17] =	ssyncadd.s32 $0xFFFFFF80  }
0x1b5: {  	[spmem:s2] =	stream.indirect.scatter.add.f32 [tilespmem:s21], [sflag:$0xE], $0x80, s28, s25, $0xb8;
	[tilespmem:$0x1CB80] =	vst v63  }
0x1b6: {  	s10 =	simm.s32 $0xE  }
0x1b7: {  	_ =	swait.ge [sflag:s10], $0x1400  }
0x1b8: {  	[sflag:s10] =	ssyncset.done $0x0  }
0x1b9: {  	s4 =	sadd.s32 $0x0, s3;
	[sflag:s10] =	ssyncadd.s32 $0xFFFFEC00  }
0x1ba: {  	p0 =	sgt.u32 s4, $0xF9;
	[bflag:$0x0] =	sbarrier.arrive $0xFFFF  }
0x1bb: {  	s4 =	sshll.u32 @!p0 s3, $0x6;
	s13 =	simm.s32 @!p0 $0xF;
	s16 =	rddreg [dreg:$0xa]  }
0x1bc: {  	s4 =	sor.u32 @!p0 $0x1C0F, s4;
	s19 =	rddreg [dreg:$0xb];
	s10 =	sshrl.u32 @!p0 s16, $0x3  }
0x1bd: {  	[hbm:s19], [sflag:s4] =	dma.local @!p0 [spmem:s10], $0x280  }
0x1be: {  	s12 =	simm.s32 $0x20;
	s4 =	sadd.s32 $0x14000, s16;
	_ =	swait.ge @!p0 [sflag:s13], $0x280  }
0x1bf: {  	s16 =	sadd.s32 $0x10, s3;
	s10 =	sadd.s32 $0x2800, s19;
	[sflag:s13] =	ssyncset.done @!p0 $0x0  }
.LBB2_14:
0x1c0: {  	[sflag:s13] =	ssyncadd.s32 @!p0 $0xFFFFFD80  }
0x1c1: {  	p0 =	sgt.u32 s16, $0xF9;
	s16 =	smov.u32 s12;
	s12 =	sadd.s32 $0x10, s12  }
0x1c2: {  	p1 =	sne.s32 s12, $0x100  }
.Ltmp6:
0x1c3: {  	s13 =	sshll.u32 @!p0 s3, $0x6;
	s19 =	sshrl.u32 @!p0 s4, $0x3;
	(pc) =	sbr.rel @p1 .LBB2_14-.Ltmp6, $4  }
0x1c4: {  	s20 =	sor.u32 @!p0 $0x1C0F, s13;
	s13 =	simm.s32 @!p0 $0xF  }
0x1c5: {  	[hbm:s10], [sflag:s20] =	dma.local @!p0 [spmem:s19], $0x280  }
0x1c6: {  	s4 =	sadd.s32 $0x14000, s4;
	_ =	swait.ge @!p0 [sflag:s13], $0x280  }
0x1c7: {  	s16 =	sadd.s32 s16, s3;
	s10 =	sadd.s32 $0x2800, s10;
	[sflag:s13] =	ssyncset.done @!p0 $0x0  }
0x1c8: {  	p1 =	sgt.u32 s16, $0xF9  }
0x1c9: {  	[sflag:s13] =	ssyncadd.s32 @!p0 $0xFFFFFD80;
	s12 =	sshll.u32 @!p1 s3, $0x6  }
0x1ca: {  	s4 =	sshrl.u32 @!p1 s4, $0x3;
	s13 =	simm.s32 @!p1 $0xF;
	s12 =	sor.u32 @!p1 $0x1C0F, s12  }
0x1cb: {  	[hbm:s10], [sflag:s12] =	dma.local @!p1 [spmem:s4], $0x280  }
0x1cc: {  	_ =	swait.ge @!p1 [sflag:s13], $0x280  }
0x1cd: {  	s20 =	rddreg [dreg:$0xc]  }
0x1ce: {  	s21 =	rddreg [dreg:$0x9];
	s10 =	sadd.s32 $0x1, s20  }
0x1cf: {  	p0 =	sne.s32 s10, s21  }
.Ltmp7:
0x1d0: {  	_ = 	snop;
	(pc) =	sbr.rel @p0 .LBB2_1-.Ltmp7, $3  }
0x1d1: {  	_ =	sdelay $0x1  }
0x1d2: {  	[sflag:s13] =	ssyncset.done @!p1 $0x0  }
0x1d3: {  	[sflag:s13] =	ssyncadd.s32 @!p1 $0xFFFFFD80;
	s20 =	simm.s32 $0x0  }
0x1d4: {  	_ =	sfence.sel $0x180000  }
0x1d5: {  	[bflag:$0x0] =	sbarrier.arrive $0xFFFF  }
0x1d6: {  	_ =	strace $0x9000004A  }
0x1d7: {  	[bflag:$0x2] =	sbarrier.arrive $0xFFFF  }
0x1d8: {  	p0 =	sne.s32 s3, $0x0;
	s0 =	rddreg [dreg:$0x3]  }
0x1d9: {  	s0 =	sadd.s32 @!p0 $0x100000, s0  }
0x1da: {  	[sflag:s0] =	ssyncadd.tile.s32 @!p0 $0x1;
	_ =	shalt  }
.Lfunc_end2:
_tile_overlayer_lowered:
.L_overlay_start_2:
0x1db: {  	(tag) =	ssettag $0x2  }
0x1dc: {  	s0 =	rddreg [dreg:$0x0];
	s2 =	stileid.u32  }
0x1dd: {  	s1 =	rddreg [dreg:$0x1];
	p0 =	sne.s32 s2, $0x0  }
0x1de: {  	s3 =	rddreg [dreg:$0x2];
	[bflag:$0x3] =	sbarrier.arrive $0xFFFF;
	s2 =	simm.s32 @!p0 $0x1C0F  }
0x1df: {  	[timem:s3], [sflag:s2] =	dma.local @!p0 [hbm:s0], s1  }
0x1e0: {  	s0 =	simm.s32 @!p0 $0xF  }
0x1e1: {  	_ =	swait.ge @!p0 [sflag:s0], s1  }
0x1e2: {  	s1 =	ssub.s32 @!p0 $0x0, s1;
	[sflag:s0] =	ssyncset.done @!p0 $0x0  }
0x1e3: {  	[sflag:s0] =	ssyncadd.s32 @!p0 s1  }
0x1e4: {  	[bflag:$0x3] =	sbarrier.arrive $0xFFFF  }
0x1e5: {  	_ =	shalt  }

// kernel: kernel.8.cloned.1.call-start
scs
__scs_entry_jumppad:
0x0: {  	(pc) =	sbr.rel $0x88, $3  }
0x1: {  	(tag) =	ssettag $0x0;
	lr =	simm.s32 $0x1  }
0x2: {  	[smem:$0x3F96] =	sst lr;
	_ =	strace $0xD0000000  }
0x3: {  	_ = 	snop  }
0x4: {  	_ = 	snop  }
0x5: {  	_ = 	snop  }
0x6: {  	_ = 	snop  }
0x7: {  	_ = 	snop  }
__scs_overlays_trampoline_lowered:
0x8: {  	[smem:$0x3FA5] =	sst s0  }
0x9: {  	[smem:$0x3FA6] =	sst s1  }
0xa: {  	[smem:$0x3FA7] =	sst s2  }
0xb: {  	[smem:$0x3FA8] =	sst s3  }
0xc: {  	[smem:$0x3FA9] =	sst s4  }
0xd: {  	[smem:$0x3FAA] =	sst s5  }
0xe: {  	[smem:$0x3FAB] =	sst s6  }
0xf: {  	[smem:$0x3FAC] =	sst s7  }
0x10: {  	[smem:$0x3FAD] =	sst s8  }
0x11: {  	[smem:$0x3FAE] =	sst s9;
	s0 =	simm.s32 @!p0 $0x0  }
0x12: {  	s1 =	sld [smem:$0x3F94];
	s0 =	simm.s32 @p0 $0x1  }
0x13: {  	[smem:$0x3FAF] =	sst s0;
	s0 =	simm.s32 @!p1 $0x0  }
0x14: {  	s2 =	sld [smem:$0x3F93];
	s0 =	simm.s32 @p1 $0x1  }
0x15: {  	[smem:$0x3FB0] =	sst s0;
	s0 =	simm.s32 @!p2 $0x0  }
0x16: {  	s3 =	sld [smem:$0x3FDB];
	s0 =	simm.s32 @p2 $0x1  }
0x17: {  	s4 =	simm.s32 $0x1BF5;
	[smem:$0x3FB2] =	sst s0  }
0x18: {  	s0 =	sld [smem:$0x3F95];
	_ =	swait.ge [sflag:s4], $0x0  }
0x19: {  	s7 =	sld [smem:$0x3F96]  }
0x1a: {  	s8 =	sadd.s32 $0xFFFFE003, lr  }
0x1b: {  	s9 =	sadd.s32 $0xFFFFFEF7, lr;
	s5 =	simm.s32 $0xFFFFFFFF;
	p2 =	slt.u32 s8, $0xFFFFF086  }
0x1c: {  	p1 =	slt.u32 s9, $0xF7A;
	s5 =	simm.s32 @!p2 $0x0  }
0x1d: {  	s5 =	simm.s32 @p1 $0x1;
	p0 =	seq.s32 s7, s2  }
0x1e: {  	s7 =	smul.u32 @!p0 $0xF7A, s2;
	p2 =	seq.s32 @!p0 s5, $0x0  }
0x1f: {  	s9 =	smul.u32 $0xF7A, s1;
	s8 =	simm.s32 @!p0 $0x1BF5;
	p2 =	por !p2, p0  }
0x20: {  	[sflag:s8] =	ssyncset.s32 @!p0 $0xFFFFF086;
	s6 =	sadd.s32 @!p0 s3, s7;
	s7 =	simm.s32 @!p0 $0x108  }
0x21: {  	s3 =	sadd.s32 s3, s9;
	s6 =	sadd.s32 @!p0 $0x88, s6;
	s7 =	simm.s32 @p2 $0x1082  }
0x22: {  	[simem:s7], [sflag:s8] =	dma.local @!p0 [hbm:s6], $0xF7A  }
0x23: {  	s9 =	sor.u32 $0xD0000000, s2;
	s6 =	simm.s32 $0x108;
	_ =	swait.ge @!p0 [sflag:s8], $0x0  }
0x24: {  	s3 =	sadd.s32 $0x88, s3;
	s6 =	simm.s32 @!p1 $0x1082;
	[sflag:s4] =	ssyncset.s32 $0xFFFFF086  }
0x25: {  	[simem:s6], [sflag:s4] =	dma.local [hbm:s3], $0xF7A  }
0x26: {  	[smem:$0x3F96] =	sst s1;
	(tag) =	ssettag s2;
	_ =	strace s9  }
0x27: {  	s1 =	sld [smem:$0x3FA6]  }
0x28: {  	s2 =	sld [smem:$0x3FA7]  }
0x29: {  	s4 =	sld [smem:$0x3FA9]  }
0x2a: {  	p0 =	seq.s32 s5, $0x0;
	s5 =	sld [smem:$0x3FAA]  }
0x2b: {  	s6 =	sld [smem:$0x3FAB]  }
0x2c: {  	s7 =	sld [smem:$0x3FAC]  }
0x2d: {  	s3 =	simm.s32 $0x108;
	s8 =	sld [smem:$0x3FAD]  }
0x2e: {  	s3 =	simm.s32 @!p0 $0x1082;
	s9 =	sld [smem:$0x3FAE]  }
0x2f: {  	lr =	sadd.s32 s0, s3;
	s0 =	sld [smem:$0x3FA5]  }
0x30: {  	s3 =	sld [smem:$0x3FA8]  }
0x31: {  	[smem:$0x3FB1] =	sst s10  }
0x32: {  	s10 =	sld [smem:$0x3FAF];
	_ =	sdelay $0x3  }
0x33: {  	p0 =	seq.s32 s10, $0x1;
	s10 =	sld [smem:$0x3FB1];
	_ =	sdelay $0x3  }
0x34: {  	[smem:$0x3FB1] =	sst s10  }
0x35: {  	s10 =	sld [smem:$0x3FB0];
	_ =	sdelay $0x3  }
0x36: {  	p1 =	seq.s32 s10, $0x1;
	s10 =	sld [smem:$0x3FB1];
	_ =	sdelay $0x3  }
0x37: {  	[smem:$0x3FB1] =	sst s10  }
0x38: {  	s10 =	sld [smem:$0x3FB2]  }
0x39: {  	_ = 	snop;
	(pc) =	sbr.ind lr, $3  }
0x3a: {  	_ = 	snop  }
0x3b: {  	_ = 	snop  }
0x3c: {  	p2 =	seq.s32 s10, $0x1;
	s10 =	sld [smem:$0x3FB1]  }
0x3d: {  	_ =	shalt  }
0x3e: {  	_ =	shalt  }
0x3f: {  	_ =	shalt  }
0x40: {  	_ =	shalt  }
0x41: {  	_ =	shalt  }
0x42: {  	_ =	shalt  }
0x43: {  	_ =	shalt  }
0x44: {  	_ =	shalt  }
0x45: {  	_ =	shalt  }
0x46: {  	_ =	shalt  }
0x47: {  	_ =	shalt  }
0x48: {  	_ =	shalt  }
0x49: {  	_ =	shalt  }
0x4a: {  	_ =	shalt  }
0x4b: {  	_ =	shalt  }
0x4c: {  	_ =	shalt  }
0x4d: {  	_ =	shalt  }
0x4e: {  	_ =	shalt  }
0x4f: {  	_ =	shalt  }
0x50: {  	_ =	shalt  }
0x51: {  	_ =	shalt  }
0x52: {  	_ =	shalt  }
0x53: {  	_ =	shalt  }
0x54: {  	_ =	shalt  }
0x55: {  	_ =	shalt  }
0x56: {  	_ =	shalt  }
0x57: {  	_ =	shalt  }
0x58: {  	_ =	shalt  }
0x59: {  	_ =	shalt  }
0x5a: {  	_ =	shalt  }
0x5b: {  	_ =	shalt  }
0x5c: {  	_ =	shalt  }
0x5d: {  	_ =	shalt  }
0x5e: {  	_ =	shalt  }
0x5f: {  	_ =	shalt  }
0x60: {  	_ =	shalt  }
0x61: {  	_ =	shalt  }
0x62: {  	_ =	shalt  }
0x63: {  	_ =	shalt  }
0x64: {  	_ =	shalt  }
0x65: {  	_ =	shalt  }
0x66: {  	_ =	shalt  }
0x67: {  	_ =	shalt  }
0x68: {  	_ =	shalt  }
0x69: {  	_ =	shalt  }
0x6a: {  	_ =	shalt  }
0x6b: {  	_ =	shalt  }
0x6c: {  	_ =	shalt  }
0x6d: {  	_ =	shalt  }
0x6e: {  	_ =	shalt  }
0x6f: {  	_ =	shalt  }
0x70: {  	_ =	shalt  }
0x71: {  	_ =	shalt  }
0x72: {  	_ =	shalt  }
0x73: {  	_ =	shalt  }
0x74: {  	_ =	shalt  }
0x75: {  	_ =	shalt  }
0x76: {  	_ =	shalt  }
0x77: {  	_ =	shalt  }
0x78: {  	_ =	shalt  }
0x79: {  	_ =	shalt  }
0x7a: {  	_ =	shalt  }
0x7b: {  	_ =	shalt  }
0x7c: {  	_ =	shalt  }
0x7d: {  	_ =	shalt  }
0x7e: {  	_ =	shalt  }
0x7f: {  	_ =	shalt  }
0x80: {  	_ =	shalt  }
0x81: {  	_ =	shalt  }
0x82: {  	_ =	shalt  }
0x83: {  	_ =	shalt  }
0x84: {  	_ =	shalt  }
0x85: {  	_ =	shalt  }
0x86: {  	_ =	shalt  }
0x87: {  	_ =	shalt  }
.Lfunc_end0:
.L_simem_size_0:
called_computation_lowered:
.L_overlay_start_0:
0x88: {  	s2 =	sld [smem:$0x3FD9]  }
0x89: {  	s3 =	sld [smem:$0x3FFE];
	_ =	sdelay $0x1  }
0x8a: {  	s1 =	srdreg.scid  }
0x8b: {  	s0 =	sand.u32 $0x1, s1  }
0x8c: {  	s17 =	sshll.u32 s0, $0xA;
	s2 =	sadd.s32 s3, s2  }
0x8d: {  	s2 =	sadd.s32 s2, s17  }
0x8e: {  	[smem:$0x3FBD] =	sst s2  }
0x8f: {  	_ = 	snop  }
0x90: {  	s2 =	sld [smem:$0x3FD0];
	(tm) =	ssettm $0x1  }
0x91: {  	s18 =	sld [smem:$0x3FFB];
	_ =	sdelay $0x3  }
0x92: {  	_ =	strace s18  }
0x93: {  	s3 =	sld [smem:$0x3FFC];
	_ =	sdelay $0x3  }
0x94: {  	_ =	strace s3  }
0x95: {  	s3 =	sld [smem:$0x3FFD];
	_ =	sdelay $0x3  }
0x96: {  	_ =	strace s3  }
0x97: {  	_ =	strace $0x8FFFFFFF  }
0x98: {  	s19 =	sld [smem:$0x3FDB];
	_ =	sdelay $0x1  }
0x99: {  	s4 =	simm.s32 $_scs_section_size  }
0x9a: {  	s5 =	simm.s32 $_size__tile_overlayer_lowered;
	s6 =	simm.s32 $_tile_overlayer_lowered  }
0x9b: {  	s22 =	simm.s32 $0x1BFF;
	s21 =	sshll.u32 s6, $0x1;
	s3 =	sadd.s32 s4, s19  }
0x9c: {  	s7 =	simm.s32 $0x0;
	s20 =	sshll.u32 s5, $0x1;
	s5 =	sadd.s32 s21, s3  }
0x9d: {  	[timem:s7], [sflag:s22] =	dma.local [hbm:s5], s20  }
0x9e: {  	_ =	swait.ge [sflag:s22], s20  }
0x9f: {  	s4 =	ssub.s32 $0x0, s20;
	[sflag:s22] =	ssyncset.done $0x0  }
0xa0: {  	[sflag:s22] =	ssyncadd.s32 s4;
	_ =	sdelay $0x1  }
0xa1: {  	s23 =	simm.s32 $0x1B8B  }
0xa2: {  	_ =	swait.ge [sflag:s23], $0x1  }
0xa3: {  	[sflag:s23] =	ssyncset.done $0x0  }
0xa4: {  	s25 =	simm.s32 $0x1B8E;
	s24 =	sld [smem:$0x3FFE];
	[sflag:s23] =	ssyncadd.s32 $0xFFFFFFFF  }
0xa5: {  	s26 =	simm.s32 $execute0_lowered;
	[smem:$0x3FD2] =	sst s25  }
0xa6: {  	s5 =	sshll.u32 s26, $0x1;
	_ =	strace $0x80000046;
	[dreg:$0x1] =	wrdreg $0xFFFFFFFF  }
0xa7: {  	s28 =	simm.s32 $_size_execute0_lowered;
	s3 =	sadd.s32 s3, s5;
	[dreg:$0x0] =	wrdreg $0x0  }
0xa8: {  	s5 =	sshll.u32 s28, $0x1;
	[dreg:$0x2] =	wrdreg s3  }
0xa9: {  	[dreg:$0x3] =	wrdreg s5  }
0xaa: {  	[dreg:$0x4] =	wrdreg $0xC0  }
0xab: {  	_ =	task [dreg:s7], $0x5FFFF  }
0xac: {  	[dreg:$0x1] =	wrdreg $0xFFFFFFFF  }
0xad: {  	[dreg:$0x0] =	wrdreg $0x60  }
0xae: {  	[dreg:$0x2] =	wrdreg s2  }
0xaf: {  	[dreg:$0x3] =	wrdreg s24  }
0xb0: {  	[dreg:$0x4] =	wrdreg $0x93000  }
0xb1: {  	[dreg:$0x5] =	wrdreg $0x9  }
0xb2: {  	_ =	task.clear_ibuf [dreg:s7], $0x6FFFF;
	_ =	strace $0x90000046  }
0xb3: {  	s29 =	simm.s32 $0x9;
	_ =	strace $0x80000048  }
0xb4: {  	_ =	swait.ge [sflag:s29], $0x1  }
0xb5: {  	[sflag:s29] =	ssyncadd.s32 $0xFFFFFFFF  }
0xb6: {  	_ =	strace $0x90000048  }
0xb7: {  	_ =	sfence  }
0xb8: {  	s30 =	sld [smem:$0x0];
	_ =	sdelay $0x2  }
0xb9: {  	s31 =	sshll.u32 s1, $0xD;
	s1 =	sshrl.u32 s1, $0x2  }
0xba: {  	s3 =	sand.u32 $0x4000, s31;
	s1 =	sadd.s32 s1, s30  }
0xbb: {  	s0 =	sor.u32 s3, s0;
	s1 =	sshll.u32 s1, $0x11  }
0xbc: {  	s0 =	sor.u32 s1, s0  }
0xbd: {  	s0 =	sadd.s32 $0x8F2B, s0  }
0xbe: {  	[sflag:s0] =	ssyncadd.remote.s32 $0x1  }
0xbf: {  	_ =	sfence.sel $0xFFFF  }
0xc0: {  	[dreg:$0x0] =	wrdreg $0xFFFFFFFF;
	(pc) =	sbr.abs _section_cstart, $3  }
0xc1: {  	[dreg:$0x1] =	wrdreg $0xFFFFFFFF  }
0xc2: {  	_ =	task.clear_ibuf [dreg:s7], $0x2FFFF;
	_ =	strace $0x9FFFFFFF  }
0xc3: {  	(tm) =	ssettm $0x7FFFFFFF  }
tec
execute0_lowered:
.L_overlay_start_1:
0x0: {  	(tag) =	ssettag $0x1  }
0x1: {  	s1 =	rddreg [dreg:$0x0]  }
0x2: {  	s0 =	rddreg [dreg:$0x1]  }
0x3: {  	s2 =	rddreg [dreg:$0x2];
	s20 =	simm.s32 $0x0  }
0x4: {  	s3 =	srdreg.scid;
	s30 =	simm.s32 $0x7;
	s31 =	simm.s32 $0x9  }
0x5: {  	s28 =	simm.s32 $0x280;
	s29 =	simm.s32 $0x4;
	s15 =	simm.s32 $0x5  }
0x6: {  	s18 =	simm.s32 $0xD;
	s17 =	simm.s32 $0x6;
	[smem:$0x7FF] =	sst s20  }
0x7: {  	s4 =	sand.u32 $0x1, s3;
	s3 =	stileid.u32;
	s6 =	sadd.s32 $0x585E00, s0  }
0x8: {  	s5 =	sadd.s32 $0x3600, s0;
	s7 =	sadd.s32 $0x2A800, s0;
	s9 =	smul.u32 $0x138800, s4  }
0x9: {  	s8 =	sadd.s32 $0x4A800, s0;
	_ =	strace $0x80000047;
	s10 =	smul.u32 $0x1400, s3  }
0xa: {  	s21 =	ssub.s32 $0x2, s4;
	s11 =	sshll.u32 s3, $0x1;
	s13 =	smul.u32 $0x5000, s3  }
0xb: {  	s22 =	sshrl.u32 s21, $0x1;
	s4 =	sor.u32 s4, s11;
	s9 =	sadd.s32 s10, s9  }
0xc: {  	s10 =	ssub.s32 s21, s22;
	s11 =	sshll.u32 s4, $0xC;
	s25 =	smul.u32 $0x17700, s4  }
0xd: {  	s14 =	smul.u32 $0xFA, s4;
	s26 =	sshrl.u32 s13, $0x2;
	s22 =	simm.s32 $0x200  }
0xe: {  	s9 =	sshrl.u32 s9, $0x3;
	s12 =	sadd.s32 s7, s11;
	s23 =	sor.u32 $0x10, s11  }
0xf: {  	s11 =	sadd.s32 s8, s11;
	s10 =	smax.u32 s10, $0x1;
	[dreg:$0x4] =	wrdreg s12  }
0x10: {  	s0 =	sadd.s32 s9, s0;
	s9 =	sshll.u32 s4, $0xF;
	[dreg:$0x5] =	wrdreg s11  }
0x11: {  	s24 =	sadd.s32 s7, s23;
	s12 =	sadd.s32 s8, s23;
	[dreg:$0x9] =	wrdreg s10  }
0x12: {  	s11 =	sadd.s32 s6, s25;
	s4 =	sadd.s32 s26, s2;
	[dreg:$0x6] =	wrdreg s24  }
0x13: {  	s25 =	simm.s32 $0x28;
	s26 =	simm.s32 $0x2;
	[dreg:$0x7] =	wrdreg s12  }
0x14: {  	s23 =	simm.s32 $0x8;
	s10 =	simm.s32 $0x0;
	[dreg:$0x8] =	wrdreg s11  }
0x15: {  	[dreg:$0xa] =	wrdreg s4;
	s0 =	sadd.s32 $0x6A800, s0;
	s24 =	simm.s32 $0xA  }
0x16: {  	v0 =	vimm.f32 $0.0e+00;
	s11 =	simm.s32 $0xC;
	[dreg:$0xb] =	wrdreg s0;
	s0 =	simm.s32 $0xB  }
.LBB2_1:
0x17: {  	[dreg:$0xc] =	wrdreg s10;
	s4 =	simm.s32 $0x0;
	s10 =	simm.s32 $0x200  }
.LBB2_2:
0x18: {  	p0 =	sne.s32 s10, $0x4E00;
	[tilespmem:s4+$0x6B70] =	vst v0  }
0x19: {  	[tilespmem:s4+$0x6B00] =	vst v0  }
0x1a: {  	[tilespmem:s4+$0x6B10] =	vst v0  }
.Ltmp0:
0x1b: {  	[tilespmem:s4+$0x6B20] =	vst v0;
	(pc) =	sbr.rel @p0 .LBB2_2-.Ltmp0, $4  }
0x1c: {  	[tilespmem:s4+$0x6B30] =	vst v0  }
0x1d: {  	[tilespmem:s4+$0x6B40] =	vst v0  }
0x1e: {  	[tilespmem:s4+$0x6B50] =	vst v0  }
0x1f: {  	[tilespmem:s4+$0x6B60] =	vst v0;
	s4 =	sshra.s32 s10, $0x2;
	s10 =	sadd.s32 $0x200, s10  }
0x20: {  	[tilespmem:s4+$0x6B70] =	vst v0  }
0x21: {  	[tilespmem:s4+$0x6B00] =	vst v0  }
0x22: {  	[tilespmem:s4+$0x6B10] =	vst v0  }
0x23: {  	[tilespmem:s4+$0x6B20] =	vst v0  }
0x24: {  	[tilespmem:s4+$0x6B30] =	vst v0  }
0x25: {  	[tilespmem:s4+$0x6B40] =	vst v0;
	s10 =	sadd.s32 $0x0, s3  }
0x26: {  	[tilespmem:s4+$0x6B50] =	vst v0;
	p0 =	sgt.u32 s10, $0xF9  }
0x27: {  	[tilespmem:s4+$0x6B60] =	vst v0;
	s16 =	rddreg [dreg:$0xa];
	s4 =	simm.s32 @!p0 $0x6B00;
	s13 =	simm.s32 @!p0 $0xF  }
0x28: {  	[spmem:s16] =	stream.linear.scatter @!p0 [tilespmem:s4], [sflag:$0xF], $0x1400, $0x38;
	[tilespmem:$0x1CB80] =	vst v63  }
0x29: {  	s12 =	simm.s32 $0x20;
	_ =	swait.ge @!p0 [sflag:s13], $0x1400  }
0x2a: {  	s10 =	simm.s32 $0x10;
	s4 =	sadd.s32 $0x14000, s16;
	[sflag:s13] =	ssyncset.done @!p0 $0x0  }
.LBB2_4:
0x2b: {  	s16 =	sadd.s32 s10, s3;
	s10 =	smov.u32 s12;
	s12 =	sadd.s32 $0x10, s12  }
0x2c: {  	[sflag:s13] =	ssyncadd.s32 @!p0 $0xFFFFEC00;
	p1 =	sne.s32 s12, $0x100  }
.Ltmp1:
0x2d: {  	p0 =	sgt.u32 s16, $0xF9;
	(pc) =	sbr.rel @p1 .LBB2_4-.Ltmp1, $4  }
0x2e: {  	s16 =	simm.s32 @!p0 $0x6B00;
	s13 =	simm.s32 @!p0 $0xF  }
0x2f: {  	[spmem:s4] =	stream.linear.scatter @!p0 [tilespmem:s16], [sflag:$0xF], $0x1400, $0x38;
	[tilespmem:$0x1CB80] =	vst v63  }
0x30: {  	_ =	swait.ge @!p0 [sflag:s13], $0x1400  }
0x31: {  	s4 =	sadd.s32 $0x14000, s4;
	[sflag:s13] =	ssyncset.done @!p0 $0x0  }
0x32: {  	s10 =	sadd.s32 s10, s3  }
0x33: {  	p1 =	sgt.u32 s10, $0xF9  }
0x34: {  	[sflag:s13] =	ssyncadd.s32 @!p0 $0xFFFFEC00;
	s10 =	simm.s32 @!p1 $0x6B00;
	s12 =	simm.s32 @!p1 $0xF  }
0x35: {  	[spmem:s4] =	stream.linear.scatter @!p1 [tilespmem:s10], [sflag:$0xF], $0x1400, $0x38;
	[tilespmem:$0x1CB80] =	vst v63  }
0x36: {  	_ =	swait.ge @!p1 [sflag:s12], $0x1400  }
0x37: {  	[sflag:s12] =	ssyncset.done @!p1 $0x0  }
0x38: {  	[sflag:s12] =	ssyncadd.s32 @!p1 $0xFFFFEC00  }
0x39: {  	[bflag:$0x0] =	sbarrier.arrive $0xFFFF  }
0x3a: {  	s4 =	simm.s32 $0x0;
	s19 =	rddreg [dreg:$0x4]  }
0x3b: {  	[tilespmem:s4], [sflag:$0x1] =	stream.linear.gather [hbm4b:s19+s4], $0x80, $0x38;
	[tilespmem:$0x1CB80] =	vst v63  }
0x3c: {  	s13 =	simm.s32 $0x100;
	s10 =	rddreg [dreg:$0x5]  }
0x3d: {  	[tilespmem:s13], [sflag:$0x3] =	stream.linear.gather [hbm4b:s10+s4], $0x80, $0x38;
	[tilespmem:$0x1CB80] =	vst v63  }
0x3e: {  	s16 =	simm.s32 $0x80;
	s21 =	rddreg [dreg:$0x6]  }
0x3f: {  	[tilespmem:s16], [sflag:$0x2] =	stream.linear.gather [hbm4b:s21+s4], $0x80, $0x38;
	[tilespmem:$0x1CB80] =	vst v63  }
0x40: {  	s19 =	rddreg [dreg:$0x7];
	s21 =	simm.s32 $0x180  }
0x41: {  	[tilespmem:s21], [sflag:$0x4] =	stream.linear.gather [hbm4b:s19+s4], $0x80, $0x38;
	[tilespmem:$0x1CB80] =	vst v63  }
0x42: {  	s19 =	simm.s32 $0x1  }
0x43: {  	[tilespmem:s22], [sflag:$0x5] =	stream.linear.gather [hbm4b:s10+s4], $0x80, $0x38;
	[tilespmem:$0x1CB80] =	vst v63  }
0x44: {  	_ =	swait.ge [sflag:s19], $0x80  }
0x45: {  	[sflag:s19] =	ssyncset.done $0x0  }
0x46: {  	s21 =	simm.s32 $0x3;
	[sflag:s19] =	ssyncadd.s32 $0xFFFFFF80  }
0x47: {  	_ =	swait.ge [sflag:s21], $0x80  }
0x48: {  	[sflag:s21] =	ssyncset.done $0x0  }
0x49: {  	s12 =	simm.s32 $0x300;
	[sflag:s21] =	ssyncadd.s32 $0xFFFFFF80  }
0x4a: {  	[tilespmem:s12], [sflag:$0x7] =	stream.indirect.gather [hbm4b:s1+s25], $0x80, s4, s25, $0xb8;
	[tilespmem:$0x1CB80] =	vst v63  }
0x4b: {  	s16 =	simm.s32 $0x2B00  }
0x4c: {  	[tilespmem:s16], [sflag:$0x9] =	stream.indirect.gather [hbm4b:s5+s25], $0x80, s13, s25, $0xb8;
	[tilespmem:$0x1CB80] =	vst v63  }
0x4d: {  	s19 =	rddreg [dreg:$0x8];
	s21 =	simm.s32 $0x5300  }
0x4e: {  	[tilespmem:s21], [sflag:$0xB] =	stream.linear.gather [hbm4b:s19+s4], $0xA00, $0x38;
	[tilespmem:$0x1CB80] =	vst v63  }
.LBB2_6:
0x4f: {  	_ =	swait.ge [sflag:s30], $0x1400  }
0x50: {  	[sflag:s30] =	ssyncset.done $0x0  }
0x51: {  	[sflag:s30] =	ssyncadd.s32 $0xFFFFEC00  }
0x52: {  	_ =	swait.ge [sflag:s31], $0x1400  }
0x53: {  	p1 =	seq.s32 s4, $0x0;
	[sflag:s31] =	ssyncset.done $0x0  }
0x54: {  	p0 =	seq.s32 @!p1 s4, $0x7C;
	[sflag:s31] =	ssyncadd.s32 $0xFFFFEC00  }
0x55: {  	p2 =	por p1, !p0;
	_ =	swait.ge [sflag:s0], $0xA00  }
.Ltmp2:
0x56: {  	[sflag:s0] =	ssyncset.done $0x0;
	(pc) =	sbr.rel @!p2 .LBB2_8-.Ltmp2, $4  }
0x57: {  	s10 =	simm.s32 @!p1 $0xE;
	[sflag:s0] =	ssyncadd.s32 $0xFFFFF600  }
0x58: {  	_ =	swait.ge @!p1 [sflag:s10], $0x1400  }
0x59: {  	s12 =	sshll.u32 s4, $0x1;
	[sflag:s10] =	ssyncset.done @!p1 $0x0  }
0x5a: {  	p0 =	por @!p1 $0x1, $0x1;
	[sflag:s10] =	ssyncadd.s32 @!p1 $0xFFFFEC00;
	s10 =	sadd.s32 @!p1 $0x2, s12  }
0x5b: {  	s10 =	simm.s32 @p1 $0x2  }
0x5c: {  	s13 =	sshll.u32 s10, $0x7  }
0x5d: {  	s16 =	sand.u32 $0xFC00, s13  }
0x5e: {  	s13 =	sand.u32 $0x300, s13;
	s16 =	sadd.s32 s9, s16  }
0x5f: {  	s13 =	sor.u32 s13, s16  }
0x60: {  	s13 =	sshrl.u32 s13, $0x3  }
0x61: {  	s19 =	sadd.s32 s7, s13  }
0x62: {  	[tilespmem:s20], [sflag:$0x1] =	stream.linear.gather [hbm4b:s19+s20], $0x80, $0x38;
	[tilespmem:$0x1CB80] =	vst v63  }
0x63: {  	s21 =	simm.s32 $0x100;
	p0 =	por $0x0, $0x0;
	s13 =	sadd.s32 s8, s13  }
0x64: {  	[tilespmem:s21], [sflag:$0x3] =	stream.linear.gather [hbm4b:s13+s20], $0x80, $0x38;
	[tilespmem:$0x1CB80] =	vst v63  }
.LBB2_8:
0x65: {  	s13 =	sor.u32 $0x1, s12  }
0x66: {  	s12 =	sshll.u32 s4, $0x8;
	s16 =	sshll.u32 s13, $0x7  }
0x67: {  	s19 =	sand.u32 $0x7C00, s12;
	s16 =	sand.u32 $0x380, s16  }
0x68: {  	s16 =	sor.u32 s16, s19  }
0x69: {  	s16 =	sor.u32 s9, s16  }
0x6a: {  	s16 =	sshrl.u32 s16, $0x3  }
0x6b: {  	s19 =	simm.s32 $0x0;
	s16 =	sadd.s32 s8, s16  }
0x6c: {  	[tilespmem:s28], [sflag:$0x6] =	stream.linear.gather [hbm4b:s16+s19], $0x80, $0x38;
	[tilespmem:$0x1CB80] =	vst v63  }
0x6d: {  	_ =	swait.ge [sflag:s26], $0x80  }
0x6e: {  	[sflag:s26] =	ssyncset.done $0x0  }
0x6f: {  	[sflag:s26] =	ssyncadd.s32 $0xFFFFFF80  }
0x70: {  	_ =	swait.ge [sflag:s29], $0x80  }
0x71: {  	s21 =	simm.s32 $0x1700;
	[sflag:s29] =	ssyncset.done $0x0  }
0x72: {  	s13 =	sadd.s32 s14, s13;
	s16 =	simm.s32 $0x80;
	[sflag:s29] =	ssyncadd.s32 $0xFFFFFF80  }
0x73: {  	[tilespmem:s21], [sflag:$0x8] =	stream.indirect.gather [hbm4b:s1+s25], $0x80, s16, s25, $0xb8;
	[tilespmem:$0x1CB80] =	vst v63  }
0x74: {  	s13 =	smul.u32 $0x180, s13;
	s16 =	simm.s32 $0x180;
	s21 =	simm.s32 $0x3F00  }
0x75: {  	[tilespmem:s21], [sflag:$0xA] =	stream.indirect.gather [hbm4b:s5+s25], $0x80, s16, s25, $0xb8;
	[tilespmem:$0x1CB80] =	vst v63  }
0x76: {  	s13 =	sadd.s32 s6, s13;
	s21 =	simm.s32 $0x5F00  }
0x77: {  	[tilespmem:s21], [sflag:$0xC] =	stream.linear.gather [hbm4b:s13+s19], $0xA00, $0x38;
	[tilespmem:$0x1CB80] =	vst v63  }
0x78: {  	s13 =	simm.s32 $0x0  }
0x79: {  	v1 =	vld [tilespmem:s13+$0xD70]  }
0x7a: {  	v2 =	vld [tilespmem:s13+$0x3570]  }
0x7b: {  	v3 =	vld [tilespmem:s13+$0x5370]  }
0x7c: {  	v4 =	vld [tilespmem:s13+$0x300]  }
0x7d: {  	v5 =	vld [tilespmem:s13+$0x2B00]  }
0x7e: {  	v6 =	vld [tilespmem:s13+$0xD00]  }
0x7f: {  	v7 =	vld [tilespmem:s13+$0x3500]  }
0x80: {  	v9 =	vld [tilespmem:s13+$0x2B10]  }
0x81: {  	v10 =	vld [tilespmem:s13+$0x3510]  }
0x82: {  	v12 =	vld [tilespmem:s13+$0x320]  }
0x83: {  	v14 =	vld [tilespmem:s13+$0xD20]  }
0x84: {  	v16 =	vld [tilespmem:s13+$0x3520]  }
0x85: {  	v17 =	vld [tilespmem:s13+$0x330]  }
0x86: {  	v18 =	vld [tilespmem:s13+$0x2B30]  }
0x87: {  	v19 =	vld [tilespmem:s13+$0xD30]  }
0x88: {  	v20 =	vld [tilespmem:s13+$0x3530]  }
0x89: {  	v21 =	vld [tilespmem:s13+$0x340]  }
0x8a: {  	v22 =	vld [tilespmem:s13+$0x2B40]  }
0x8b: {  	v23 =	vld [tilespmem:s13+$0xD40]  }
0x8c: {  	v24 =	vld [tilespmem:s13+$0x3540]  }
0x8d: {  	v25 =	vld [tilespmem:s13+$0x350]  }
0x8e: {  	v26 =	vld [tilespmem:s13+$0x2B50]  }
0x8f: {  	v27 =	vld [tilespmem:s13+$0xD50]  }
0x90: {  	v28 =	vld [tilespmem:s13+$0x3550]  }
0x91: {  	v29 =	vld [tilespmem:s13+$0x360];
	v1 =	vadd.f32 v2, v1  }
0x92: {  	v30 =	vld [tilespmem:s13+$0x2B60];
	v8 =	vand.u32 $0xFFFF0000, v3  }
0x93: {  	v31 =	vld [tilespmem:s13+$0xD60];
	v1 =	vadd.f32 v8, v1  }
0x94: {  	v2 =	vld [tilespmem:s13+$0x310]  }
0x95: {  	v32 =	vld [tilespmem:s13+$0x3560];
	v1 =	vmax.f32 v1, $0.0e+00  }
0x96: {  	[tilespmem:s13+$0x7570] =	vst v1;
	v1 =	vld [tilespmem:s13+$0x2B20]  }
0x97: {  	v34 =	vld [tilespmem:s13+$0x370]  }
0x98: {  	v8 =	vld [tilespmem:s13+$0xD10]  }
0x99: {  	v33 =	vadd.f32 v5, v4;
	v11 =	vadd.f32 v9, v2;
	v2 =	vld [tilespmem:s13+$0x2B70]  }
0x9a: {  	v6 =	vadd.f32 v7, v6;
	v9 =	vadd.f32 v22, v21;
	v21 =	vld [tilespmem:s13+$0x5320]  }
0x9b: {  	v13 =	vadd.f32 v1, v12;
	v12 =	vadd.f32 v16, v14;
	v16 =	vld [tilespmem:s13+$0x5300]  }
0x9c: {  	v7 =	vadd.f32 v26, v25;
	v14 =	vadd.f32 v20, v19;
	v20 =	vld [tilespmem:s13+$0x5310]  }
0x9d: {  	v5 =	vadd.f32 v28, v27;
	v4 =	vadd.f32 v32, v31  }
0x9e: {  	v15 =	vadd.f32 v10, v8;
	v10 =	vadd.f32 v18, v17;
	v19 =	vld [tilespmem:s13+$0x5330]  }
0x9f: {  	v8 =	vadd.f32 v24, v23;
	v18 =	vld [tilespmem:s13+$0x5340];
	v1 =	vshll.u32 v3, $0x10;
	v3 =	vadd.f32 v30, v29  }
0xa0: {  	v17 =	vld [tilespmem:s13+$0x5350];
	v2 =	vadd.f32 v2, v34;
	v24 =	vshll.u32 v21, $0x10;
	v21 =	vand.u32 $0xFFFF0000, v21  }
0xa1: {  	s16 =	simm.s32 $0x80;
	v22 =	vshll.u32 v16, $0x10;
	v23 =	vand.u32 $0xFFFF0000, v16;
	v26 =	vshll.u32 v20, $0x10;
	v16 =	vld [tilespmem:s13+$0x5360]  }
0xa2: {  	s19 =	simm.s32 $0x400;
	v25 =	vand.u32 $0xFFFF0000, v20;
	v20 =	vld [tilespmem:s16+$0xD70];
	v22 =	vadd.f32 v22, v33;
	v23 =	vadd.f32 v23, v6  }
.LBB2_9:
0xa3: {  	p1 =	sne.s32 s19, $0x2600;
	v6 =	vld [tilespmem:s16+$0x3570];
	v11 =	vadd.f32 v26, v11;
	v26 =	vshll.u32 v19, $0x10;
	v19 =	vand.u32 $0xFFFF0000, v19  }
0xa4: {  	v15 =	vadd.f32 v25, v15;
	v27 =	vld [tilespmem:s16+$0x5370];
	v25 =	vshll.u32 v18, $0x10;
	v18 =	vand.u32 $0xFFFF0000, v18  }
0xa5: {  	v13 =	vadd.f32 v24, v13;
	v28 =	vld [tilespmem:s16+$0x300];
	v24 =	vshll.u32 v17, $0x10;
	v17 =	vand.u32 $0xFFFF0000, v17  }
0xa6: {  	v12 =	vadd.f32 v21, v12;
	v29 =	vld [tilespmem:s16+$0x2B00];
	v21 =	vshll.u32 v16, $0x10;
	v16 =	vand.u32 $0xFFFF0000, v16  }
0xa7: {  	v22 =	vmax.f32 v22, $0.0e+00;
	v10 =	vadd.f32 v26, v10;
	v14 =	vadd.f32 v19, v14;
	v30 =	vld [tilespmem:s16+$0xD00]  }
0xa8: {  	v9 =	vadd.f32 v25, v9;
	v19 =	vld [tilespmem:s16+$0x3500];
	v6 =	vadd.f32 v6, v20;
	[tilespmem:s13+$0x6B00] =	vst v22;
	v20 =	vmax.f32 v23, $0.0e+00  }
0xa9: {  	v8 =	vadd.f32 v18, v8;
	v22 =	vld [tilespmem:s16+$0x310];
	v23 =	vshll.u32 v27, $0x10;
	v25 =	vand.u32 $0xFFFF0000, v27;
	[tilespmem:s13+$0x7500] =	vst v20  }
0xaa: {  	v11 =	vmax.f32 v11, $0.0e+00;
	v7 =	vadd.f32 v24, v7;
	v18 =	vld [tilespmem:s16+$0x2B10];
	v6 =	vadd.f32 v25, v6  }
0xab: {  	v5 =	vadd.f32 v17, v5;
	v20 =	vadd.f32 v29, v28;
	v24 =	vld [tilespmem:s16+$0xD10];
	[tilespmem:s13+$0x6B10] =	vst v11;
	v11 =	vmax.f32 v15, $0.0e+00  }
0xac: {  	v3 =	vadd.f32 v21, v3;
	v4 =	vadd.f32 v16, v4;
	v15 =	vld [tilespmem:s16+$0x3510];
	v6 =	vmax.f32 v6, $0.0e+00;
	[tilespmem:s13+$0x7510] =	vst v11  }
0xad: {  	v2 =	vadd.f32 v1, v2;
	v1 =	vmovc v23;
	v21 =	vadd.f32 v19, v30;
	v16 =	vld [tilespmem:s16+$0x320];
	[tilespmem:s16+$0x7570] =	vst v6;
	v6 =	vmax.f32 v13, $0.0e+00  }
0xae: {  	v10 =	vmax.f32 v10, $0.0e+00;
	v13 =	vld [tilespmem:s16+$0x2B20];
	[tilespmem:s13+$0x6B20] =	vst v6;
	v6 =	vmax.f32 v12, $0.0e+00;
	v12 =	vmax.f32 v14, $0.0e+00  }
0xaf: {  	v8 =	vmax.f32 v8, $0.0e+00;
	v11 =	vadd.f32 v18, v22;
	v14 =	vld [tilespmem:s16+$0xD20];
	[tilespmem:s13+$0x7520] =	vst v6;
	v6 =	vmax.f32 v9, $0.0e+00  }
0xb0: {  	v7 =	vmax.f32 v7, $0.0e+00;
	v5 =	vmax.f32 v5, $0.0e+00;
	v3 =	vmax.f32 v3, $0.0e+00;
	v9 =	vld [tilespmem:s16+$0x3520];
	[tilespmem:s13+$0x6B30] =	vst v10  }
0xb1: {  	v2 =	vmax.f32 v2, $0.0e+00;
	v4 =	vmax.f32 v4, $0.0e+00;
	v15 =	vadd.f32 v15, v24;
	v10 =	vld [tilespmem:s16+$0x330];
	[tilespmem:s13+$0x7530] =	vst v12  }
0xb2: {  	v17 =	vld [tilespmem:s16+$0x2B30];
	[tilespmem:s13+$0x6B40] =	vst v6  }
0xb3: {  	v13 =	vadd.f32 v13, v16;
	v6 =	vld [tilespmem:s16+$0xD30];
	[tilespmem:s13+$0x7540] =	vst v8  }
0xb4: {  	v8 =	vld [tilespmem:s16+$0x3530];
	[tilespmem:s13+$0x6B50] =	vst v7  }
0xb5: {  	v12 =	vadd.f32 v9, v14;
	v7 =	vld [tilespmem:s16+$0x340];
	[tilespmem:s13+$0x7550] =	vst v5  }
0xb6: {  	v5 =	vld [tilespmem:s16+$0x2B40];
	[tilespmem:s13+$0x6B60] =	vst v3  }
0xb7: {  	v10 =	vadd.f32 v17, v10;
	v3 =	vld [tilespmem:s16+$0xD40];
	[tilespmem:s13+$0x7560] =	vst v4  }
0xb8: {  	v4 =	vld [tilespmem:s16+$0x3540];
	[tilespmem:s13+$0x6B70] =	vst v2;
	s13 =	smov.u32 s16  }
0xb9: {  	v14 =	vadd.f32 v8, v6;
	v2 =	vld [tilespmem:s13+$0x350]  }
0xba: {  	v6 =	vld [tilespmem:s13+$0x2B50]  }
0xbb: {  	v9 =	vadd.f32 v5, v7;
	v5 =	vld [tilespmem:s13+$0xD50]  }
0xbc: {  	v16 =	vld [tilespmem:s13+$0x3550]  }
0xbd: {  	v8 =	vadd.f32 v4, v3;
	v3 =	vld [tilespmem:s13+$0x360]  }
0xbe: {  	v4 =	vld [tilespmem:s13+$0x2B60]  }
0xbf: {  	v7 =	vadd.f32 v6, v2;
	v2 =	vld [tilespmem:s13+$0xD60]  }
0xc0: {  	v6 =	vld [tilespmem:s13+$0x3560]  }
0xc1: {  	v5 =	vadd.f32 v16, v5;
	v16 =	vld [tilespmem:s13+$0x370]  }
0xc2: {  	v17 =	vld [tilespmem:s13+$0x2B70]  }
0xc3: {  	v22 =	vld [tilespmem:s13+$0x5300];
	v3 =	vadd.f32 v4, v3  }
0xc4: {  	v23 =	vld [tilespmem:s13+$0x5310]  }
0xc5: {  	v27 =	vld [tilespmem:s13+$0x5320];
	v4 =	vadd.f32 v6, v2  }
.Ltmp3:
0xc6: {  	v19 =	vld [tilespmem:s13+$0x5330];
	(pc) =	sbr.rel @p1 .LBB2_9-.Ltmp3, $4  }
0xc7: {  	v18 =	vld [tilespmem:s13+$0x5340];
	v2 =	vadd.f32 v17, v16  }
0xc8: {  	v6 =	vshll.u32 v22, $0x10;
	v24 =	vand.u32 $0xFFFF0000, v22;
	v17 =	vld [tilespmem:s13+$0x5350]  }
0xc9: {  	s16 =	sshra.s32 s19, $0x2;
	v22 =	vadd.f32 v6, v20;
	v26 =	vshll.u32 v23, $0x10;
	v25 =	vand.u32 $0xFFFF0000, v23;
	v16 =	vld [tilespmem:s13+$0x5360]  }
0xca: {  	s19 =	sadd.s32 $0x200, s19;
	v23 =	vadd.f32 v24, v21;
	v20 =	vld [tilespmem:s16+$0xD70];
	v24 =	vshll.u32 v27, $0x10;
	v21 =	vand.u32 $0xFFFF0000, v27  }
0xcb: {  	v27 =	vld [tilespmem:s16+$0x3570]  }
0xcc: {  	v6 =	vld [tilespmem:s16+$0x5370]  }
0xcd: {  	v28 =	vld [tilespmem:s16+$0x300]  }
0xce: {  	v29 =	vld [tilespmem:s16+$0x2B00]  }
0xcf: {  	v30 =	vld [tilespmem:s16+$0xD00];
	v22 =	vmax.f32 v22, $0.0e+00  }
0xd0: {  	v31 =	vld [tilespmem:s16+$0x3500];
	v11 =	vadd.f32 v26, v11;
	[tilespmem:s13+$0x6B00] =	vst v22;
	v22 =	vmax.f32 v23, $0.0e+00  }
0xd1: {  	v23 =	vld [tilespmem:s16+$0x310];
	[tilespmem:s13+$0x7500] =	vst v22;
	v20 =	vadd.f32 v27, v20  }
0xd2: {  	v15 =	vadd.f32 v25, v15;
	v11 =	vmax.f32 v11, $0.0e+00;
	v22 =	vld [tilespmem:s16+$0x2B10];
	v26 =	vand.u32 $0xFFFF0000, v6  }
0xd3: {  	v25 =	vld [tilespmem:s16+$0xD10];
	[tilespmem:s13+$0x6B10] =	vst v11;
	v11 =	vadd.f32 v26, v20  }
0xd4: {  	v15 =	vmax.f32 v15, $0.0e+00  }
0xd5: {  	v13 =	vadd.f32 v24, v13;
	v20 =	vld [tilespmem:s16+$0x3510];
	[tilespmem:s13+$0x7510] =	vst v15;
	v11 =	vmax.f32 v11, $0.0e+00  }
0xd6: {  	[tilespmem:s16+$0x7570] =	vst v11;
	v11 =	vadd.f32 v21, v12  }
0xd7: {  	v15 =	vld [tilespmem:s16+$0x320];
	v12 =	vmax.f32 v13, $0.0e+00;
	v21 =	vshll.u32 v19, $0x10  }
0xd8: {  	v13 =	vld [tilespmem:s16+$0x2B20];
	v19 =	vand.u32 $0xFFFF0000, v19;
	[tilespmem:s13+$0x6B20] =	vst v12;
	v10 =	vadd.f32 v21, v10;
	v11 =	vmax.f32 v11, $0.0e+00  }
0xd9: {  	v12 =	vld [tilespmem:s16+$0xD20];
	[tilespmem:s13+$0x7520] =	vst v11;
	v11 =	vadd.f32 v19, v14;
	v19 =	vshll.u32 v18, $0x10  }
0xda: {  	v10 =	vmax.f32 v10, $0.0e+00;
	v18 =	vand.u32 $0xFFFF0000, v18;
	v9 =	vadd.f32 v19, v9  }
0xdb: {  	v14 =	vld [tilespmem:s16+$0x3520];
	[tilespmem:s13+$0x6B30] =	vst v10;
	v8 =	vadd.f32 v18, v8;
	v18 =	vshll.u32 v17, $0x10;
	v10 =	vmax.f32 v11, $0.0e+00  }
0xdc: {  	v17 =	vand.u32 $0xFFFF0000, v17;
	v11 =	vld [tilespmem:s16+$0x330];
	v7 =	vadd.f32 v18, v7;
	[tilespmem:s13+$0x7530] =	vst v10;
	v9 =	vmax.f32 v9, $0.0e+00  }
0xdd: {  	v5 =	vadd.f32 v17, v5;
	v17 =	vshll.u32 v16, $0x10;
	v8 =	vmax.f32 v8, $0.0e+00;
	v10 =	vld [tilespmem:s16+$0x2B30];
	[tilespmem:s13+$0x6B40] =	vst v9  }
0xde: {  	v16 =	vand.u32 $0xFFFF0000, v16;
	v3 =	vadd.f32 v17, v3;
	v7 =	vmax.f32 v7, $0.0e+00;
	v9 =	vld [tilespmem:s16+$0xD30];
	[tilespmem:s13+$0x7540] =	vst v8  }
0xdf: {  	v4 =	vadd.f32 v16, v4;
	v5 =	vmax.f32 v5, $0.0e+00;
	v8 =	vld [tilespmem:s16+$0x3530];
	[tilespmem:s13+$0x6B50] =	vst v7  }
0xe0: {  	v1 =	vadd.f32 v1, v2;
	v3 =	vmax.f32 v3, $0.0e+00;
	v7 =	vld [tilespmem:s16+$0x340];
	[tilespmem:s13+$0x7550] =	vst v5  }
0xe1: {  	v2 =	vmax.f32 v4, $0.0e+00;
	v5 =	vld [tilespmem:s16+$0x2B40];
	[tilespmem:s13+$0x6B60] =	vst v3  }
0xe2: {  	v1 =	vmax.f32 v1, $0.0e+00;
	v3 =	vld [tilespmem:s16+$0xD40];
	[tilespmem:s13+$0x7560] =	vst v2  }
0xe3: {  	v2 =	vld [tilespmem:s16+$0x3540];
	[tilespmem:s13+$0x6B70] =	vst v1  }
0xe4: {  	v1 =	vld [tilespmem:s16+$0x350]  }
0xe5: {  	v4 =	vld [tilespmem:s16+$0x2B50]  }
0xe6: {  	v16 =	vld [tilespmem:s16+$0xD50]  }
0xe7: {  	v17 =	vld [tilespmem:s16+$0x3550]  }
0xe8: {  	v18 =	vld [tilespmem:s16+$0x360]  }
0xe9: {  	v19 =	vld [tilespmem:s16+$0x2B60]  }
0xea: {  	v21 =	vld [tilespmem:s16+$0xD60]  }
0xeb: {  	v59 =	vadd.f32 v31, v30;
	v24 =	vld [tilespmem:s16+$0x3560]  }
0xec: {  	v26 =	vadd.f32 v29, v28;
	v22 =	vadd.f32 v22, v23;
	v23 =	vld [tilespmem:s16+$0x5300]  }
0xed: {  	v20 =	vadd.f32 v20, v25;
	v10 =	vadd.f32 v10, v11;
	v11 =	vld [tilespmem:s16+$0x5310]  }
0xee: {  	v13 =	vadd.f32 v13, v15;
	v12 =	vadd.f32 v14, v12;
	v27 =	vld [tilespmem:s16+$0x370]  }
0xef: {  	v15 =	vld [tilespmem:s16+$0x2B70];
	v8 =	vadd.f32 v8, v9;
	v5 =	vadd.f32 v5, v7  }
0xf0: {  	v2 =	vadd.f32 v2, v3;
	v3 =	vld [tilespmem:s16+$0x5320];
	v1 =	vadd.f32 v4, v1  }
0xf1: {  	v4 =	vadd.f32 v17, v16;
	v14 =	vshll.u32 v23, $0x10;
	v16 =	vadd.f32 v24, v21  }
0xf2: {  	v9 =	vld [tilespmem:s16+$0x5330];
	v21 =	vshll.u32 v11, $0x10;
	v11 =	vand.u32 $0xFFFF0000, v11;
	v14 =	vadd.f32 v14, v26  }
0xf3: {  	v7 =	vadd.f32 v19, v18;
	v18 =	vand.u32 $0xFFFF0000, v23;
	v11 =	vadd.f32 v11, v20  }
0xf4: {  	v17 =	vld [tilespmem:s16+$0x5340];
	v15 =	vadd.f32 v15, v27;
	v18 =	vadd.f32 v18, v59;
	v14 =	vmax.f32 v14, $0.0e+00  }
0xf5: {  	v21 =	vadd.f32 v21, v22;
	v11 =	vmax.f32 v11, $0.0e+00;
	v22 =	vshll.u32 v3, $0x10;
	[tilespmem:s16+$0x6B00] =	vst v14  }
0xf6: {  	v19 =	vld [tilespmem:s16+$0x5350];
	v14 =	vmax.f32 v18, $0.0e+00;
	v3 =	vand.u32 $0xFFFF0000, v3;
	[tilespmem:s16+$0x7510] =	vst v11;
	v13 =	vadd.f32 v22, v13  }
0xf7: {  	v18 =	vshll.u32 v9, $0x10;
	[tilespmem:s16+$0x7500] =	vst v14;
	v14 =	vmax.f32 v21, $0.0e+00;
	v3 =	vadd.f32 v3, v12  }
0xf8: {  	v23 =	vld [tilespmem:s16+$0x5360];
	v9 =	vand.u32 $0xFFFF0000, v9;
	v10 =	vadd.f32 v18, v10;
	[tilespmem:s16+$0x6B10] =	vst v14;
	v11 =	vmax.f32 v13, $0.0e+00  }
0xf9: {  	v8 =	vadd.f32 v9, v8;
	v9 =	vand.u32 $0xFFFF0000, v17;
	v3 =	vmax.f32 v3, $0.0e+00;
	[tilespmem:s16+$0x6B20] =	vst v11  }
0xfa: {  	v12 =	vshll.u32 v17, $0x10;
	v2 =	vadd.f32 v9, v2;
	v10 =	vmax.f32 v10, $0.0e+00;
	[tilespmem:s16+$0x7520] =	vst v3  }
0xfb: {  	v5 =	vadd.f32 v12, v5;
	v9 =	vand.u32 $0xFFFF0000, v19;
	v8 =	vmax.f32 v8, $0.0e+00;
	[tilespmem:s16+$0x6B30] =	vst v10  }
0xfc: {  	v4 =	vadd.f32 v9, v4;
	v3 =	vshll.u32 v19, $0x10;
	[tilespmem:s16+$0x7530] =	vst v8;
	v2 =	vmax.f32 v2, $0.0e+00  }
0xfd: {  	v1 =	vadd.f32 v3, v1;
	v3 =	vmax.f32 v5, $0.0e+00;
	v5 =	vshll.u32 v23, $0x10;
	[tilespmem:s16+$0x7540] =	vst v2  }
0xfe: {  	v4 =	vmax.f32 v4, $0.0e+00;
	[tilespmem:s16+$0x6B40] =	vst v3;
	v3 =	vand.u32 $0xFFFF0000, v23;
	v5 =	vadd.f32 v5, v7  }
0xff: {  	v2 =	vshll.u32 v6, $0x10;
	[tilespmem:s16+$0x7550] =	vst v4;
	v1 =	vmax.f32 v1, $0.0e+00;
	v3 =	vadd.f32 v3, v16  }
0x100: {  	[tilespmem:s16+$0x6B50] =	vst v1;
	v1 =	vadd.f32 v2, v15;
	v2 =	vmax.f32 v5, $0.0e+00  }
0x101: {  	v3 =	vmax.f32 v3, $0.0e+00;
	[tilespmem:s16+$0x6B60] =	vst v2  }
0x102: {  	v1 =	vmax.f32 v1, $0.0e+00;
	[tilespmem:s16+$0x7560] =	vst v3  }
0x103: {  	[tilespmem:s16+$0x6B70] =	vst v1  }
0x104: {  	_ =	swait.ge [sflag:s15], $0x80  }
0x105: {  	[sflag:s15] =	ssyncset.done $0x0  }
0x106: {  	s21 =	simm.s32 $0x6B00;
	[sflag:s15] =	ssyncadd.s32 $0xFFFFFF80  }
0x107: {  	[spmem:s2] =	stream.indirect.scatter.add.f32 [tilespmem:s21], [sflag:$0xD], $0x80, s22, s25, $0xb8;
	[tilespmem:$0x1CB80] =	vst v63  }
0x108: {  	_ =	swait.ge [sflag:s23], $0x1400  }
0x109: {  	[sflag:s23] =	ssyncset.done $0x0  }
0x10a: {  	[sflag:s23] =	ssyncadd.s32 $0xFFFFEC00  }
0x10b: {  	_ =	swait.ge [sflag:s24], $0x1400  }
0x10c: {  	[sflag:s24] =	ssyncset.done $0x0  }
0x10d: {  	[sflag:s24] =	ssyncadd.s32 $0xFFFFEC00  }
0x10e: {  	s12 =	sadd.s32 @!p0 $0x180, s12;
	_ =	swait.ge [sflag:s11], $0xA00  }
0x10f: {  	s13 =	sand.u32 @!p0 $0xFC00, s12;
	[sflag:s11] =	ssyncset.done $0x0  }
0x110: {  	s12 =	sand.u32 @!p0 $0x380, s12;
	s13 =	sadd.s32 @!p0 s9, s13;
	[sflag:s11] =	ssyncadd.s32 $0xFFFFF600  }
0x111: {  	s12 =	sor.u32 @!p0 s12, s13;
	_ =	swait.ge [sflag:s18], $0x1400  }
0x112: {  	s19 =	simm.s32 @!p0 $0x80;
	s12 =	sshrl.u32 @!p0 s12, $0x3;
	[sflag:s18] =	ssyncset.done $0x0  }
0x113: {  	s13 =	sadd.s32 @!p0 s7, s12;
	s16 =	simm.s32 @!p0 $0x0;
	[sflag:s18] =	ssyncadd.s32 $0xFFFFEC00  }
0x114: {  	[tilespmem:s19], [sflag:$0x2] =	stream.linear.gather @!p0 [hbm4b:s13+s16], $0x80, $0x38;
	[tilespmem:$0x1CB80] =	vst v63  }
0x115: {  	s12 =	sadd.s32 @!p0 s8, s12;
	s13 =	simm.s32 @!p0 $0x180  }
0x116: {  	[tilespmem:s13], [sflag:$0x4] =	stream.linear.gather @!p0 [hbm4b:s12+s16], $0x80, $0x38;
	[tilespmem:$0x1CB80] =	vst v63  }
0x117: {  	s12 =	sshll.u32 @!p0 s10, $0x7  }
0x118: {  	s13 =	sand.u32 @!p0 $0xFC00, s12  }
0x119: {  	s12 =	sand.u32 @!p0 $0x300, s12;
	s13 =	sadd.s32 @!p0 s9, s13  }
0x11a: {  	s12 =	sor.u32 @!p0 s12, s13  }
0x11b: {  	s12 =	sshrl.u32 @!p0 s12, $0x3  }
0x11c: {  	s13 =	simm.s32 @!p0 $0x200;
	s12 =	sadd.s32 @!p0 s8, s12  }
0x11d: {  	[tilespmem:s13], [sflag:$0x5] =	stream.linear.gather @!p0 [hbm4b:s12+s16], $0x80, $0x38;
	[tilespmem:$0x1CB80] =	vst v63  }
0x11e: {  	s12 =	simm.s32 @!p0 $0x1  }
0x11f: {  	_ =	swait.ge @!p0 [sflag:s12], $0x80  }
0x120: {  	[sflag:s12] =	ssyncset.done @!p0 $0x0  }
0x121: {  	[sflag:s12] =	ssyncadd.s32 @!p0 $0xFFFFFF80;
	s12 =	simm.s32 @!p0 $0x3  }
0x122: {  	_ =	swait.ge @!p0 [sflag:s12], $0x80  }
0x123: {  	s10 =	sadd.s32 @!p0 s14, s10;
	[sflag:s12] =	ssyncset.done @!p0 $0x0  }
0x124: {  	s13 =	simm.s32 @!p0 $0x300;
	[sflag:s12] =	ssyncadd.s32 @!p0 $0xFFFFFF80;
	s12 =	simm.s32 @!p0 $0x28  }
0x125: {  	[tilespmem:s13], [sflag:$0x7] =	stream.indirect.gather @!p0 [hbm4b:s1+s12], $0x80, s16, s12, $0xb8;
	[tilespmem:$0x1CB80] =	vst v63  }
0x126: {  	s19 =	simm.s32 @!p0 $0x2B00;
	s10 =	smul.u32 @!p0 $0x180, s10;
	s13 =	simm.s32 @!p0 $0x100  }
0x127: {  	[tilespmem:s19], [sflag:$0x9] =	stream.indirect.gather @!p0 [hbm4b:s5+s12], $0x80, s13, s12, $0xb8;
	[tilespmem:$0x1CB80] =	vst v63  }
0x128: {  	s10 =	sadd.s32 @!p0 s6, s10;
	s12 =	simm.s32 @!p0 $0x5300  }
0x129: {  	[tilespmem:s12], [sflag:$0xB] =	stream.linear.gather @!p0 [hbm4b:s10+s16], $0xA00, $0x38;
	[tilespmem:$0x1CB80] =	vst v63  }
0x12a: {  	s10 =	simm.s32 $0x0  }
0x12b: {  	v1 =	vld [tilespmem:s10+$0x2170]  }
0x12c: {  	v2 =	vld [tilespmem:s10+$0x4970]  }
0x12d: {  	v3 =	vld [tilespmem:s10+$0x5F70]  }
0x12e: {  	v4 =	vld [tilespmem:s10+$0x1700]  }
0x12f: {  	v5 =	vld [tilespmem:s10+$0x3F00]  }
0x130: {  	v6 =	vld [tilespmem:s10+$0x2100]  }
0x131: {  	v7 =	vld [tilespmem:s10+$0x4900]  }
0x132: {  	v9 =	vld [tilespmem:s10+$0x3F10]  }
0x133: {  	v10 =	vld [tilespmem:s10+$0x4910]  }
0x134: {  	v12 =	vld [tilespmem:s10+$0x1720]  }
0x135: {  	v14 =	vld [tilespmem:s10+$0x2120]  }
0x136: {  	v16 =	vld [tilespmem:s10+$0x4920]  }
0x137: {  	v17 =	vld [tilespmem:s10+$0x1730]  }
0x138: {  	v18 =	vld [tilespmem:s10+$0x3F30]  }
0x139: {  	v19 =	vld [tilespmem:s10+$0x2130]  }
0x13a: {  	v20 =	vld [tilespmem:s10+$0x4930]  }
0x13b: {  	v21 =	vld [tilespmem:s10+$0x1740]  }
0x13c: {  	v22 =	vld [tilespmem:s10+$0x3F40]  }
0x13d: {  	v23 =	vld [tilespmem:s10+$0x2140]  }
0x13e: {  	v24 =	vld [tilespmem:s10+$0x4940]  }
0x13f: {  	v25 =	vld [tilespmem:s10+$0x1750]  }
0x140: {  	v26 =	vld [tilespmem:s10+$0x3F50]  }
0x141: {  	v27 =	vld [tilespmem:s10+$0x2150]  }
0x142: {  	v60 =	vld [tilespmem:s10+$0x4950]  }
0x143: {  	v61 =	vld [tilespmem:s10+$0x1760];
	v1 =	vadd.f32 v2, v1  }
0x144: {  	v62 =	vld [tilespmem:s10+$0x3F60];
	v8 =	vand.u32 $0xFFFF0000, v3  }
0x145: {  	v63 =	vld [tilespmem:s10+$0x2160];
	v1 =	vadd.f32 v8, v1  }
0x146: {  	v2 =	vld [tilespmem:s10+$0x1710]  }
0x147: {  	v32 =	vld [tilespmem:s10+$0x4960];
	v1 =	vmax.f32 v1, $0.0e+00  }
0x148: {  	[tilespmem:s10+$0x8970] =	vst v1;
	v1 =	vld [tilespmem:s10+$0x3F20]  }
0x149: {  	v34 =	vld [tilespmem:s10+$0x1770]  }
0x14a: {  	v8 =	vld [tilespmem:s10+$0x2110]  }
0x14b: {  	v33 =	vadd.f32 v5, v4;
	v11 =	vadd.f32 v9, v2;
	v2 =	vld [tilespmem:s10+$0x3F70]  }
0x14c: {  	v6 =	vadd.f32 v7, v6;
	v9 =	vadd.f32 v22, v21;
	v21 =	vld [tilespmem:s10+$0x5F20]  }
0x14d: {  	v13 =	vadd.f32 v1, v12;
	v12 =	vadd.f32 v16, v14;
	v16 =	vld [tilespmem:s10+$0x5F00]  }
0x14e: {  	v7 =	vadd.f32 v26, v25;
	v14 =	vadd.f32 v20, v19;
	v20 =	vld [tilespmem:s10+$0x5F10]  }
0x14f: {  	v5 =	vadd.f32 v60, v27;
	v4 =	vadd.f32 v32, v63  }
0x150: {  	v15 =	vadd.f32 v10, v8;
	v10 =	vadd.f32 v18, v17;
	v19 =	vld [tilespmem:s10+$0x5F30]  }
0x151: {  	v8 =	vadd.f32 v24, v23;
	v18 =	vld [tilespmem:s10+$0x5F40];
	v1 =	vshll.u32 v3, $0x10;
	v3 =	vadd.f32 v62, v61  }
0x152: {  	v17 =	vld [tilespmem:s10+$0x5F50];
	v2 =	vadd.f32 v2, v34;
	v24 =	vshll.u32 v21, $0x10;
	v21 =	vand.u32 $0xFFFF0000, v21  }
0x153: {  	s12 =	simm.s32 $0x80;
	v22 =	vshll.u32 v16, $0x10;
	v23 =	vand.u32 $0xFFFF0000, v16;
	v26 =	vshll.u32 v20, $0x10;
	v16 =	vld [tilespmem:s10+$0x5F60]  }
0x154: {  	s13 =	simm.s32 $0x400;
	v25 =	vand.u32 $0xFFFF0000, v20;
	v20 =	vld [tilespmem:s12+$0x2170];
	v22 =	vadd.f32 v22, v33;
	v23 =	vadd.f32 v23, v6  }
.LBB2_11:
0x155: {  	p0 =	sne.s32 s13, $0x2600;
	v6 =	vld [tilespmem:s12+$0x4970];
	v11 =	vadd.f32 v26, v11;
	v26 =	vshll.u32 v19, $0x10;
	v19 =	vand.u32 $0xFFFF0000, v19  }
0x156: {  	v15 =	vadd.f32 v25, v15;
	v27 =	vld [tilespmem:s12+$0x5F70];
	v25 =	vshll.u32 v18, $0x10;
	v18 =	vand.u32 $0xFFFF0000, v18  }
0x157: {  	v13 =	vadd.f32 v24, v13;
	v28 =	vld [tilespmem:s12+$0x1700];
	v24 =	vshll.u32 v17, $0x10;
	v17 =	vand.u32 $0xFFFF0000, v17  }
0x158: {  	v12 =	vadd.f32 v21, v12;
	v29 =	vld [tilespmem:s12+$0x3F00];
	v21 =	vshll.u32 v16, $0x10;
	v16 =	vand.u32 $0xFFFF0000, v16  }
0x159: {  	v22 =	vmax.f32 v22, $0.0e+00;
	v10 =	vadd.f32 v26, v10;
	v14 =	vadd.f32 v19, v14;
	v30 =	vld [tilespmem:s12+$0x2100]  }
0x15a: {  	v9 =	vadd.f32 v25, v9;
	v19 =	vld [tilespmem:s12+$0x4900];
	v6 =	vadd.f32 v6, v20;
	[tilespmem:s10+$0x7F00] =	vst v22;
	v20 =	vmax.f32 v23, $0.0e+00  }
0x15b: {  	v8 =	vadd.f32 v18, v8;
	v22 =	vld [tilespmem:s12+$0x1710];
	v23 =	vshll.u32 v27, $0x10;
	v25 =	vand.u32 $0xFFFF0000, v27;
	[tilespmem:s10+$0x8900] =	vst v20  }
0x15c: {  	v11 =	vmax.f32 v11, $0.0e+00;
	v7 =	vadd.f32 v24, v7;
	v18 =	vld [tilespmem:s12+$0x3F10];
	v6 =	vadd.f32 v25, v6  }
0x15d: {  	v5 =	vadd.f32 v17, v5;
	v20 =	vadd.f32 v29, v28;
	v24 =	vld [tilespmem:s12+$0x2110];
	[tilespmem:s10+$0x7F10] =	vst v11;
	v11 =	vmax.f32 v15, $0.0e+00  }
0x15e: {  	v3 =	vadd.f32 v21, v3;
	v4 =	vadd.f32 v16, v4;
	v15 =	vld [tilespmem:s12+$0x4910];
	v6 =	vmax.f32 v6, $0.0e+00;
	[tilespmem:s10+$0x8910] =	vst v11  }
0x15f: {  	v2 =	vadd.f32 v1, v2;
	v1 =	vmovc v23;
	v21 =	vadd.f32 v19, v30;
	v16 =	vld [tilespmem:s12+$0x1720];
	[tilespmem:s12+$0x8970] =	vst v6;
	v6 =	vmax.f32 v13, $0.0e+00  }
0x160: {  	v10 =	vmax.f32 v10, $0.0e+00;
	v13 =	vld [tilespmem:s12+$0x3F20];
	[tilespmem:s10+$0x7F20] =	vst v6;
	v6 =	vmax.f32 v12, $0.0e+00;
	v12 =	vmax.f32 v14, $0.0e+00  }
0x161: {  	v8 =	vmax.f32 v8, $0.0e+00;
	v11 =	vadd.f32 v18, v22;
	v14 =	vld [tilespmem:s12+$0x2120];
	[tilespmem:s10+$0x8920] =	vst v6;
	v6 =	vmax.f32 v9, $0.0e+00  }
0x162: {  	v7 =	vmax.f32 v7, $0.0e+00;
	v5 =	vmax.f32 v5, $0.0e+00;
	v3 =	vmax.f32 v3, $0.0e+00;
	v9 =	vld [tilespmem:s12+$0x4920];
	[tilespmem:s10+$0x7F30] =	vst v10  }
0x163: {  	v2 =	vmax.f32 v2, $0.0e+00;
	v4 =	vmax.f32 v4, $0.0e+00;
	v15 =	vadd.f32 v15, v24;
	v10 =	vld [tilespmem:s12+$0x1730];
	[tilespmem:s10+$0x8930] =	vst v12  }
0x164: {  	v17 =	vld [tilespmem:s12+$0x3F30];
	[tilespmem:s10+$0x7F40] =	vst v6  }
0x165: {  	v13 =	vadd.f32 v13, v16;
	v6 =	vld [tilespmem:s12+$0x2130];
	[tilespmem:s10+$0x8940] =	vst v8  }
0x166: {  	v8 =	vld [tilespmem:s12+$0x4930];
	[tilespmem:s10+$0x7F50] =	vst v7  }
0x167: {  	v12 =	vadd.f32 v9, v14;
	v7 =	vld [tilespmem:s12+$0x1740];
	[tilespmem:s10+$0x8950] =	vst v5  }
0x168: {  	v5 =	vld [tilespmem:s12+$0x3F40];
	[tilespmem:s10+$0x7F60] =	vst v3  }
0x169: {  	v10 =	vadd.f32 v17, v10;
	v3 =	vld [tilespmem:s12+$0x2140];
	[tilespmem:s10+$0x8960] =	vst v4  }
0x16a: {  	v4 =	vld [tilespmem:s12+$0x4940];
	[tilespmem:s10+$0x7F70] =	vst v2;
	s10 =	smov.u32 s12  }
0x16b: {  	v14 =	vadd.f32 v8, v6;
	v2 =	vld [tilespmem:s10+$0x1750]  }
0x16c: {  	v6 =	vld [tilespmem:s10+$0x3F50]  }
0x16d: {  	v9 =	vadd.f32 v5, v7;
	v5 =	vld [tilespmem:s10+$0x2150]  }
0x16e: {  	v16 =	vld [tilespmem:s10+$0x4950]  }
0x16f: {  	v8 =	vadd.f32 v4, v3;
	v3 =	vld [tilespmem:s10+$0x1760]  }
0x170: {  	v4 =	vld [tilespmem:s10+$0x3F60]  }
0x171: {  	v7 =	vadd.f32 v6, v2;
	v2 =	vld [tilespmem:s10+$0x2160]  }
0x172: {  	v6 =	vld [tilespmem:s10+$0x4960]  }
0x173: {  	v5 =	vadd.f32 v16, v5;
	v16 =	vld [tilespmem:s10+$0x1770]  }
0x174: {  	v17 =	vld [tilespmem:s10+$0x3F70]  }
0x175: {  	v22 =	vld [tilespmem:s10+$0x5F00];
	v3 =	vadd.f32 v4, v3  }
0x176: {  	v23 =	vld [tilespmem:s10+$0x5F10]  }
0x177: {  	v27 =	vld [tilespmem:s10+$0x5F20];
	v4 =	vadd.f32 v6, v2  }
.Ltmp4:
0x178: {  	v19 =	vld [tilespmem:s10+$0x5F30];
	(pc) =	sbr.rel @p0 .LBB2_11-.Ltmp4, $4  }
0x179: {  	v18 =	vld [tilespmem:s10+$0x5F40];
	v2 =	vadd.f32 v17, v16  }
0x17a: {  	v6 =	vshll.u32 v22, $0x10;
	v24 =	vand.u32 $0xFFFF0000, v22;
	v17 =	vld [tilespmem:s10+$0x5F50]  }
0x17b: {  	s12 =	sshra.s32 s13, $0x2;
	v22 =	vadd.f32 v6, v20;
	v26 =	vshll.u32 v23, $0x10;
	v25 =	vand.u32 $0xFFFF0000, v23;
	v16 =	vld [tilespmem:s10+$0x5F60]  }
0x17c: {  	s13 =	sadd.s32 $0x200, s13;
	v23 =	vadd.f32 v24, v21;
	v20 =	vld [tilespmem:s12+$0x2170];
	v24 =	vshll.u32 v27, $0x10;
	v21 =	vand.u32 $0xFFFF0000, v27  }
0x17d: {  	v27 =	vld [tilespmem:s12+$0x4970]  }
0x17e: {  	v6 =	vld [tilespmem:s12+$0x5F70]  }
0x17f: {  	v28 =	vld [tilespmem:s12+$0x1700]  }
0x180: {  	v29 =	vld [tilespmem:s12+$0x3F00]  }
0x181: {  	v30 =	vld [tilespmem:s12+$0x2100];
	v22 =	vmax.f32 v22, $0.0e+00  }
0x182: {  	v31 =	vld [tilespmem:s12+$0x4900];
	v11 =	vadd.f32 v26, v11;
	[tilespmem:s10+$0x7F00] =	vst v22;
	v47 =	vmax.f32 v23, $0.0e+00;
	v20 =	vadd.f32 v27, v20  }
0x183: {  	v15 =	vadd.f32 v25, v15;
	v48 =	vld [tilespmem:s12+$0x1710];
	[tilespmem:s10+$0x8900] =	vst v47;
	v50 =	vand.u32 $0xFFFF0000, v6  }
0x184: {  	v11 =	vmax.f32 v11, $0.0e+00;
	v22 =	vld [tilespmem:s12+$0x3F10];
	v51 =	vadd.f32 v50, v20  }
0x185: {  	v13 =	vadd.f32 v24, v13;
	v15 =	vmax.f32 v15, $0.0e+00;
	v49 =	vld [tilespmem:s12+$0x2110];
	[tilespmem:s10+$0x7F10] =	vst v11  }
0x186: {  	v53 =	vadd.f32 v21, v12;
	v56 =	vshll.u32 v19, $0x10;
	v52 =	vld [tilespmem:s12+$0x4910];
	[tilespmem:s10+$0x8910] =	vst v15;
	v11 =	vmax.f32 v51, $0.0e+00  }
0x187: {  	v57 =	vand.u32 $0xFFFF0000, v19;
	v10 =	vadd.f32 v56, v10;
	v54 =	vmax.f32 v13, $0.0e+00;
	v15 =	vld [tilespmem:s12+$0x1720];
	[tilespmem:s12+$0x8970] =	vst v11  }
0x188: {  	v58 =	vadd.f32 v57, v14;
	v60 =	vshll.u32 v18, $0x10;
	v55 =	vld [tilespmem:s12+$0x3F20];
	v11 =	vmax.f32 v53, $0.0e+00;
	[tilespmem:s10+$0x7F20] =	vst v54  }
0x189: {  	v63 =	vand.u32 $0xFFFF0000, v18;
	v9 =	vadd.f32 v60, v9;
	v10 =	vmax.f32 v10, $0.0e+00;
	v12 =	vld [tilespmem:s12+$0x2120];
	[tilespmem:s10+$0x8920] =	vst v11  }
0x18a: {  	v8 =	vadd.f32 v63, v8;
	v21 =	vshll.u32 v17, $0x10;
	v61 =	vmax.f32 v58, $0.0e+00;
	v59 =	vld [tilespmem:s12+$0x4920];
	[tilespmem:s10+$0x7F30] =	vst v10  }
0x18b: {  	v24 =	vand.u32 $0xFFFF0000, v17;
	v7 =	vadd.f32 v21, v7;
	v9 =	vmax.f32 v9, $0.0e+00;
	v62 =	vld [tilespmem:s12+$0x1730];
	[tilespmem:s10+$0x8930] =	vst v61  }
0x18c: {  	v5 =	vadd.f32 v24, v5;
	v26 =	vshll.u32 v16, $0x10;
	v8 =	vmax.f32 v8, $0.0e+00;
	v10 =	vld [tilespmem:s12+$0x3F30];
	[tilespmem:s10+$0x7F40] =	vst v9  }
0x18d: {  	v3 =	vadd.f32 v26, v3;
	v7 =	vmax.f32 v7, $0.0e+00;
	v27 =	vand.u32 $0xFFFF0000, v16;
	v9 =	vld [tilespmem:s12+$0x2130];
	[tilespmem:s10+$0x8940] =	vst v8  }
0x18e: {  	v5 =	vmax.f32 v5, $0.0e+00;
	v4 =	vadd.f32 v27, v4;
	v8 =	vld [tilespmem:s12+$0x4930];
	[tilespmem:s10+$0x7F50] =	vst v7  }
0x18f: {  	v1 =	vadd.f32 v1, v2;
	v3 =	vmax.f32 v3, $0.0e+00;
	v7 =	vld [tilespmem:s12+$0x1740];
	[tilespmem:s10+$0x8950] =	vst v5  }
0x190: {  	v2 =	vmax.f32 v4, $0.0e+00;
	v5 =	vld [tilespmem:s12+$0x3F40];
	[tilespmem:s10+$0x7F60] =	vst v3  }
0x191: {  	v1 =	vmax.f32 v1, $0.0e+00;
	v3 =	vld [tilespmem:s12+$0x2140];
	[tilespmem:s10+$0x8960] =	vst v2  }
0x192: {  	v2 =	vld [tilespmem:s12+$0x4940];
	[tilespmem:s10+$0x7F70] =	vst v1  }
0x193: {  	v1 =	vld [tilespmem:s12+$0x1750]  }
0x194: {  	v32 =	vld [tilespmem:s12+$0x3F50]  }
0x195: {  	v33 =	vld [tilespmem:s12+$0x2150]  }
0x196: {  	v34 =	vld [tilespmem:s12+$0x4950]  }
0x197: {  	v35 =	vld [tilespmem:s12+$0x1760]  }
0x198: {  	v36 =	vld [tilespmem:s12+$0x3F60]  }
0x199: {  	v39 =	vadd.f32 v29, v28;
	v37 =	vld [tilespmem:s12+$0x2160]  }
0x19a: {  	v41 =	vadd.f32 v31, v30;
	v22 =	vadd.f32 v22, v48;
	v42 =	vld [tilespmem:s12+$0x5F00]  }
0x19b: {  	v20 =	vadd.f32 v52, v49;
	v13 =	vadd.f32 v55, v15;
	v38 =	vld [tilespmem:s12+$0x4960]  }
0x19c: {  	v12 =	vadd.f32 v59, v12;
	v10 =	vadd.f32 v10, v62;
	v44 =	vld [tilespmem:s12+$0x5F10]  }
0x19d: {  	v8 =	vadd.f32 v8, v9;
	v47 =	vld [tilespmem:s12+$0x5F30];
	v5 =	vadd.f32 v5, v7  }
0x19e: {  	v2 =	vadd.f32 v2, v3;
	v1 =	vadd.f32 v32, v1  }
0x19f: {  	v50 =	vld [tilespmem:s12+$0x5F40];
	v45 =	vadd.f32 v34, v33;
	v46 =	vadd.f32 v36, v35;
	v48 =	vshll.u32 v42, $0x10  }
0x1a0: {  	v49 =	vadd.f32 v38, v37;
	v51 =	vand.u32 $0xFFFF0000, v42;
	v14 =	vadd.f32 v48, v39  }
0x1a1: {  	v3 =	vld [tilespmem:s12+$0x5F20];
	v53 =	vshll.u32 v44, $0x10;
	v11 =	vand.u32 $0xFFFF0000, v44;
	v18 =	vadd.f32 v51, v41  }
0x1a2: {  	v52 =	vld [tilespmem:s12+$0x5F50];
	v58 =	vshll.u32 v47, $0x10;
	v21 =	vadd.f32 v53, v22;
	v14 =	vmax.f32 v14, $0.0e+00  }
0x1a3: {  	v40 =	vld [tilespmem:s12+$0x1770];
	v9 =	vand.u32 $0xFFFF0000, v47;
	v11 =	vadd.f32 v11, v20;
	v56 =	vmax.f32 v18, $0.0e+00;
	[tilespmem:s12+$0x7F00] =	vst v14  }
0x1a4: {  	v43 =	vld [tilespmem:s12+$0x3F70];
	v61 =	vand.u32 $0xFFFF0000, v50;
	v10 =	vadd.f32 v58, v10;
	v57 =	vmax.f32 v21, $0.0e+00;
	[tilespmem:s12+$0x8900] =	vst v56  }
0x1a5: {  	v8 =	vadd.f32 v9, v8;
	v2 =	vadd.f32 v61, v2;
	v11 =	vmax.f32 v11, $0.0e+00;
	[tilespmem:s12+$0x7F10] =	vst v57  }
0x1a6: {  	v54 =	vld [tilespmem:s12+$0x5F60];
	v10 =	vmax.f32 v10, $0.0e+00;
	v55 =	vshll.u32 v3, $0x10;
	v3 =	vand.u32 $0xFFFF0000, v3;
	[tilespmem:s12+$0x8910] =	vst v11  }
0x1a7: {  	v62 =	vand.u32 $0xFFFF0000, v52;
	v8 =	vmax.f32 v8, $0.0e+00;
	[tilespmem:s12+$0x7F30] =	vst v10;
	v3 =	vadd.f32 v3, v12  }
0x1a8: {  	v60 =	vshll.u32 v50, $0x10;
	v4 =	vadd.f32 v62, v45;
	v2 =	vmax.f32 v2, $0.0e+00;
	[tilespmem:s12+$0x8930] =	vst v8  }
0x1a9: {  	v15 =	vadd.f32 v43, v40;
	v5 =	vadd.f32 v60, v5;
	[tilespmem:s12+$0x8940] =	vst v2;
	v3 =	vmax.f32 v3, $0.0e+00  }
0x1aa: {  	v4 =	vmax.f32 v4, $0.0e+00;
	v13 =	vadd.f32 v55, v13;
	[tilespmem:s12+$0x8920] =	vst v3;
	v3 =	vshll.u32 v52, $0x10  }
0x1ab: {  	v63 =	vshll.u32 v54, $0x10;
	[tilespmem:s12+$0x8950] =	vst v4;
	v1 =	vadd.f32 v3, v1;
	v3 =	vmax.f32 v5, $0.0e+00  }
0x1ac: {  	v59 =	vmax.f32 v13, $0.0e+00;
	v5 =	vadd.f32 v63, v46;
	[tilespmem:s12+$0x7F40] =	vst v3;
	v3 =	vand.u32 $0xFFFF0000, v54  }
0x1ad: {  	v2 =	vshll.u32 v6, $0x10;
	[tilespmem:s12+$0x7F20] =	vst v59;
	v1 =	vmax.f32 v1, $0.0e+00;
	v3 =	vadd.f32 v3, v49  }
0x1ae: {  	[tilespmem:s12+$0x7F50] =	vst v1;
	v1 =	vadd.f32 v2, v15;
	v2 =	vmax.f32 v5, $0.0e+00  }
0x1af: {  	s4 =	sadd.s32 $0x1, s4;
	v3 =	vmax.f32 v3, $0.0e+00;
	[tilespmem:s12+$0x7F60] =	vst v2  }
0x1b0: {  	p0 =	sne.s32 s4, $0x7D;
	v1 =	vmax.f32 v1, $0.0e+00;
	[tilespmem:s12+$0x8960] =	vst v3  }
.Ltmp5:
0x1b1: {  	[tilespmem:s12+$0x7F70] =	vst v1;
	(pc) =	sbr.rel @p0 .LBB2_6-.Ltmp5, $4  }
0x1b2: {  	_ =	swait.ge [sflag:s17], $0x80  }
0x1b3: {  	[sflag:s17] =	ssyncset.done $0x0  }
0x1b4: {  	s21 =	simm.s32 $0x7F00;
	[sflag:s17] =	ssyncadd.s32 $0xFFFFFF80  }
0x1b5: {  	[spmem:s2] =	stream.indirect.scatter.add.f32 [tilespmem:s21], [sflag:$0xE], $0x80, s28, s25, $0xb8;
	[tilespmem:$0x1CB80] =	vst v63  }
0x1b6: {  	s10 =	simm.s32 $0xE  }
0x1b7: {  	_ =	swait.ge [sflag:s10], $0x1400  }
0x1b8: {  	[sflag:s10] =	ssyncset.done $0x0  }
0x1b9: {  	s4 =	sadd.s32 $0x0, s3;
	[sflag:s10] =	ssyncadd.s32 $0xFFFFEC00  }
0x1ba: {  	p0 =	sgt.u32 s4, $0xF9;
	[bflag:$0x0] =	sbarrier.arrive $0xFFFF  }
0x1bb: {  	s4 =	sshll.u32 @!p0 s3, $0x6;
	s13 =	simm.s32 @!p0 $0xF;
	s16 =	rddreg [dreg:$0xa]  }
0x1bc: {  	s4 =	sor.u32 @!p0 $0x1C0F, s4;
	s19 =	rddreg [dreg:$0xb];
	s10 =	sshrl.u32 @!p0 s16, $0x3  }
0x1bd: {  	[hbm:s19], [sflag:s4] =	dma.local @!p0 [spmem:s10], $0x280  }
0x1be: {  	s12 =	simm.s32 $0x20;
	s4 =	sadd.s32 $0x14000, s16;
	_ =	swait.ge @!p0 [sflag:s13], $0x280  }
0x1bf: {  	s16 =	sadd.s32 $0x10, s3;
	s10 =	sadd.s32 $0x2800, s19;
	[sflag:s13] =	ssyncset.done @!p0 $0x0  }
.LBB2_14:
0x1c0: {  	[sflag:s13] =	ssyncadd.s32 @!p0 $0xFFFFFD80  }
0x1c1: {  	p0 =	sgt.u32 s16, $0xF9;
	s16 =	smov.u32 s12;
	s12 =	sadd.s32 $0x10, s12  }
0x1c2: {  	p1 =	sne.s32 s12, $0x100  }
.Ltmp6:
0x1c3: {  	s13 =	sshll.u32 @!p0 s3, $0x6;
	s19 =	sshrl.u32 @!p0 s4, $0x3;
	(pc) =	sbr.rel @p1 .LBB2_14-.Ltmp6, $4  }
0x1c4: {  	s20 =	sor.u32 @!p0 $0x1C0F, s13;
	s13 =	simm.s32 @!p0 $0xF  }
0x1c5: {  	[hbm:s10], [sflag:s20] =	dma.local @!p0 [spmem:s19], $0x280  }
0x1c6: {  	s4 =	sadd.s32 $0x14000, s4;
	_ =	swait.ge @!p0 [sflag:s13], $0x280  }
0x1c7: {  	s16 =	sadd.s32 s16, s3;
	s10 =	sadd.s32 $0x2800, s10;
	[sflag:s13] =	ssyncset.done @!p0 $0x0  }
0x1c8: {  	p1 =	sgt.u32 s16, $0xF9  }
0x1c9: {  	[sflag:s13] =	ssyncadd.s32 @!p0 $0xFFFFFD80;
	s12 =	sshll.u32 @!p1 s3, $0x6  }
0x1ca: {  	s4 =	sshrl.u32 @!p1 s4, $0x3;
	s13 =	simm.s32 @!p1 $0xF;
	s12 =	sor.u32 @!p1 $0x1C0F, s12  }
0x1cb: {  	[hbm:s10], [sflag:s12] =	dma.local @!p1 [spmem:s4], $0x280  }
0x1cc: {  	_ =	swait.ge @!p1 [sflag:s13], $0x280  }
0x1cd: {  	s20 =	rddreg [dreg:$0xc]  }
0x1ce: {  	s21 =	rddreg [dreg:$0x9];
	s10 =	sadd.s32 $0x1, s20  }
0x1cf: {  	p0 =	sne.s32 s10, s21  }
.Ltmp7:
0x1d0: {  	_ = 	snop;
	(pc) =	sbr.rel @p0 .LBB2_1-.Ltmp7, $3  }
0x1d1: {  	_ =	sdelay $0x1  }
0x1d2: {  	[sflag:s13] =	ssyncset.done @!p1 $0x0  }
0x1d3: {  	[sflag:s13] =	ssyncadd.s32 @!p1 $0xFFFFFD80;
	s20 =	simm.s32 $0x0  }
0x1d4: {  	_ =	sfence.sel $0x180000  }
0x1d5: {  	[bflag:$0x0] =	sbarrier.arrive $0xFFFF  }
0x1d6: {  	_ =	strace $0x90000047  }
0x1d7: {  	[bflag:$0x2] =	sbarrier.arrive $0xFFFF  }
0x1d8: {  	p0 =	sne.s32 s3, $0x0;
	s0 =	rddreg [dreg:$0x3]  }
0x1d9: {  	s0 =	sadd.s32 @!p0 $0x100000, s0  }
0x1da: {  	[sflag:s0] =	ssyncadd.tile.s32 @!p0 $0x1;
	_ =	shalt  }
.Lfunc_end2:
_tile_overlayer_lowered:
.L_overlay_start_2:
0x1db: {  	(tag) =	ssettag $0x2  }
0x1dc: {  	s0 =	rddreg [dreg:$0x0];
	s2 =	stileid.u32  }
0x1dd: {  	s1 =	rddreg [dreg:$0x1];
	p0 =	sne.s32 s2, $0x0  }
0x1de: {  	s3 =	rddreg [dreg:$0x2];
	[bflag:$0x3] =	sbarrier.arrive $0xFFFF;
	s2 =	simm.s32 @!p0 $0x1C0F  }
0x1df: {  	[timem:s3], [sflag:s2] =	dma.local @!p0 [hbm:s0], s1  }
0x1e0: {  	s0 =	simm.s32 @!p0 $0xF  }
0x1e1: {  	_ =	swait.ge @!p0 [sflag:s0], s1  }
0x1e2: {  	s1 =	ssub.s32 @!p0 $0x0, s1;
	[sflag:s0] =	ssyncset.done @!p0 $0x0  }
0x1e3: {  	[sflag:s0] =	ssyncadd.s32 @!p0 s1  }
0x1e4: {  	[bflag:$0x3] =	sbarrier.arrive $0xFFFF  }
0x1e5: {  	_ =	shalt  }

</sc_bundles>
